<compile_context>
chip_gen: v7x
topology: tpu7x:2x2x1
jax: 0.10.2.dev20260603
libtpu: 0.0.44.dev20260713+nightly
codegen_flags: <defaults>
</compile_context>

<pallas_src>
import dataclasses

import jax
import jax.numpy as jnp
from jax import lax
from jax.experimental import pallas as pl
from jax.experimental.pallas import tpu as pltpu
from jax.experimental.pallas import tpu_sc as plsc

N = 10000
E = 320000
EP = 327680
IDX_ROWS = EP // 128
ACC_N = 10112
TRASH = 10016
DHID = 256
DOUT = 128
TCOLS = 144
RB = 2000
GRID = N // RB


def _mesh():
    return plsc.VectorSubcoreMesh(core_axis_name="c", subcore_axis_name="s")


def _sc_params():
    cp = pltpu.CompilerParams()
    if "needs_layout_passes" in pltpu.CompilerParams.__dataclass_fields__:
        cp = dataclasses.replace(cp, needs_layout_passes=False)
    return cp


def _sc_deg_body(dst_hbm, deg_hbm, dstv, onesv, zerov, acc):
    c = lax.axis_index("c")
    s = lax.axis_index("s")

    @pl.loop(0, 128)
    def _(i):
        onesv[i, :] = jnp.ones((16,), jnp.float32)

    @pl.loop(0, 8)
    def _(i):
        zerov[i, :] = jnp.zeros((16,), jnp.float32)

    @pl.loop(0, 79)
    def _(k):
        pltpu.sync_copy(zerov, acc.at[pl.ds(s * 632 + k * 8, 8)])

    plsc.subcore_barrier()

    base = c * 1280 + s * 80
    pltpu.sync_copy(dst_hbm.at[pl.ds(base, 80)], dstv)

    @pl.loop(0, 80)
    def _(j):
        pltpu.sync_copy(onesv, acc.at[dstv.at[j]], add=True)

    plsc.subcore_barrier()
    pltpu.sync_copy(acc.at[pl.ds(s * 632, 632)], deg_hbm.at[c, pl.ds(s * 632, 632)])


def _sc_deg(dst_p):
    kern = pl.kernel(
        _sc_deg_body,
        out_type=jax.ShapeDtypeStruct((2, ACC_N, 16), jnp.float32),
        mesh=_mesh(),
        scratch_types=[
            pltpu.VMEM((80, 128), jnp.int32),
            pltpu.VMEM((128, 16), jnp.float32),
            pltpu.VMEM((8, 16), jnp.float32),
            pltpu.VMEM_SHARED((ACC_N, 16), jnp.float32),
        ],
    )
    return kern(dst_p)


def _sc_gcn_body(g_hbm, src_hbm, dst_hbm, out_hbm,
                 srcv, dstv, r0, r1, acc, g0, g1):
    c = lax.axis_index("c")
    s = lax.axis_index("s")

    @pl.loop(0, 8)
    def _(i):
        for k in range(8):
            r0[i, pl.ds(k * 16, 16)] = jnp.zeros((16,), jnp.float32)

    @pl.loop(0, 79)
    def _(k):
        pltpu.sync_copy(r0.at[pl.ds(0, 8)], acc.at[pl.ds(s * 632 + k * 8, 8)])

    plsc.subcore_barrier()

    off = jnp.full((16,), c * N, jnp.int32)
    base = s * 320

    @pl.loop(0, 40)
    def _(t):
        pltpu.sync_copy(src_hbm.at[pl.ds(base + t * 8, 8)], srcv)
        pltpu.sync_copy(dst_hbm.at[pl.ds(base + t * 8, 8)], dstv)

        @pl.loop(0, 8)
        def _(j):
            for k in range(4):
                sl = pl.ds(k * 16, 16)
                srcv[j, sl] = srcv[j, sl] + off

        for p in range(4):
            cp0 = pltpu.async_copy(g_hbm.at[srcv.at[2 * p]], r0, g0)
            cp1 = pltpu.async_copy(g_hbm.at[srcv.at[2 * p + 1]], r1, g1)
            cp0.wait()
            pltpu.sync_copy(r0, acc.at[dstv.at[2 * p]], add=True)
            cp1.wait()
            pltpu.sync_copy(r1, acc.at[dstv.at[2 * p + 1]], add=True)

    plsc.subcore_barrier()
    pltpu.sync_copy(acc.at[pl.ds(s * 632, 632)], out_hbm.at[c, pl.ds(s * 632, 632)])


def _sc_gcn(g_tab, src_p64, dst_p64):
    kern = pl.kernel(
        _sc_gcn_body,
        out_type=jax.ShapeDtypeStruct((2, ACC_N, 128), jnp.float32),
        mesh=_mesh(),
        scratch_types=[
            pltpu.VMEM((8, 64), jnp.int32),
            pltpu.VMEM((8, 64), jnp.int32),
            pltpu.VMEM((64, 128), jnp.float32),
            pltpu.VMEM((64, 128), jnp.float32),
            pltpu.VMEM_SHARED((ACC_N, 128), jnp.float32),
            pltpu.SemaphoreType.DMA,
            pltpu.SemaphoreType.DMA,
        ],
    )
    return kern(g_tab, src_p64, dst_p64)


def _sc_class_body(src_hbm, dst_hbm, as_hbm, ad_hbm, ca_hbm,
                   gidx_hbm, dstc_hbm, den_hbm,
                   sv, dv, gv, d0v, d1v, asv, adv, cavv, denp0, denp1):
    c = lax.axis_index("c")
    s = lax.axis_index("s")

    for t in range(7):
        adv[pl.ds(N + t * 16, 16)] = jnp.zeros((16,), jnp.float32)
    pltpu.sync_copy(as_hbm, asv)
    pltpu.sync_copy(ad_hbm, adv.at[pl.ds(0, N)])
    pltpu.sync_copy(ca_hbm, cavv)

    @pl.loop(0, 632)
    def _(i):
        denp0[pl.ds(i * 16, 16)] = jnp.zeros((16,), jnp.float32)
        denp1[pl.ds(i * 16, 16)] = jnp.zeros((16,), jnp.float32)

    cavec = cavv[...]
    trash16 = jnp.full((16,), TRASH, jnp.int32)
    n16 = jnp.full((16,), N, jnp.int32)
    base = c * 1280 + s * 80

    @pl.loop(0, 10)
    def _(t):
        pltpu.sync_copy(src_hbm.at[pl.ds(base + t * 8, 8)], sv)
        pltpu.sync_copy(dst_hbm.at[pl.ds(base + t * 8, 8)], dv)

        @pl.loop(0, 8)
        def _(j):
            for k in range(8):
                sl = pl.ds(k * 16, 16)
                s16 = sv[j, sl]
                d16 = dv[j, sl]
                av = plsc.load_gather(asv, [s16])
                advv = plsc.load_gather(adv, [d16])
                z = av + advv
                pos = z > 0.0
                d0 = jnp.where(pos, d16, trash16)
                d1 = jnp.where(pos, trash16, d16)
                w16 = jnp.exp(jnp.where(pos, av, 0.2 * av) - cavec)
                gv[j, sl] = jnp.where(pos, s16, s16 + n16)
                d0v[j, sl] = d0
                d1v[j, sl] = d1
                plsc.addupdate_scatter(denp0, [d0], w16)
                plsc.addupdate_scatter(denp1, [d1], w16)

        pltpu.sync_copy(gv, gidx_hbm.at[pl.ds(base + t * 8, 8)])
        pltpu.sync_copy(d0v, dstc_hbm.at[0, pl.ds(base + t * 8, 8)])
        pltpu.sync_copy(d1v, dstc_hbm.at[1, pl.ds(base + t * 8, 8)])

    wid = c * 16 + s
    pltpu.sync_copy(denp0, den_hbm.at[0, wid])
    pltpu.sync_copy(denp1, den_hbm.at[1, wid])


def _sc_class(src_p, dst_p, a_s, a_d, ca16):
    kern = pl.kernel(
        _sc_class_body,
        out_type=[jax.ShapeDtypeStruct((IDX_ROWS, 128), jnp.int32),
                  jax.ShapeDtypeStruct((2, IDX_ROWS, 128), jnp.int32),
                  jax.ShapeDtypeStruct((2, 32, ACC_N), jnp.float32)],
        mesh=_mesh(),
        compiler_params=_sc_params(),
        scratch_types=[
            pltpu.VMEM((8, 128), jnp.int32),
            pltpu.VMEM((8, 128), jnp.int32),
            pltpu.VMEM((8, 128), jnp.int32),
            pltpu.VMEM((8, 128), jnp.int32),
            pltpu.VMEM((8, 128), jnp.int32),
            pltpu.VMEM((N,), jnp.float32),
            pltpu.VMEM((ACC_N,), jnp.float32),
            pltpu.VMEM((16,), jnp.float32),
            pltpu.VMEM((ACC_N,), jnp.float32),
            pltpu.VMEM((ACC_N,), jnp.float32),
        ],
    )
    return kern(src_p, dst_p, a_s, a_d, ca16)


def _sc_gat_body(t_hbm, gidx_hbm, dstc_hbm, out_hbm,
                 gvv, dvv, rows0, rows1, acc, sem0, sem1):
    c = lax.axis_index("c")
    s = lax.axis_index("s")

    @pl.loop(0, 8)
    def _(i):
        for k in range(8):
            rows0[i, pl.ds(k * 16, 16)] = jnp.zeros((16,), jnp.float32)

    @pl.loop(0, 79)
    def _(k):
        pltpu.sync_copy(rows0.at[pl.ds(0, 8)], acc.at[pl.ds(s * 632 + k * 8, 8)])

    plsc.subcore_barrier()

    base = s * 160

    @pl.loop(0, 20)
    def _(t):
        pltpu.sync_copy(gidx_hbm.at[pl.ds(base + t * 8, 8)], gvv)
        pltpu.sync_copy(dstc_hbm.at[c, pl.ds(base + t * 8, 8)], dvv)

        for p in range(4):
            cp0 = pltpu.make_async_copy(t_hbm.at[gvv.at[2 * p]], rows0, sem0)
            cp1 = pltpu.make_async_copy(t_hbm.at[gvv.at[2 * p + 1]], rows1, sem1)
            cp0.start()
            cp1.start()
            cp0.wait()
            pltpu.sync_copy(rows0, acc.at[dvv.at[2 * p]], add=True)
            cp1.wait()
            pltpu.sync_copy(rows1, acc.at[dvv.at[2 * p + 1]], add=True)

    plsc.subcore_barrier()
    pltpu.sync_copy(acc.at[pl.ds(s * 632, 632)], out_hbm.at[c, pl.ds(s * 632, 632)])


def _sc_gat(t_tab, gidx, dstc):
    kern = pl.kernel(
        _sc_gat_body,
        out_type=jax.ShapeDtypeStruct((2, ACC_N, 128), jnp.float32),
        mesh=_mesh(),
        scratch_types=[
            pltpu.VMEM((8, 128), jnp.int32),
            pltpu.VMEM((8, 128), jnp.int32),
            pltpu.VMEM((128, 128), jnp.float32),
            pltpu.VMEM((128, 128), jnp.float32),
            pltpu.VMEM_SHARED((ACC_N, 128), jnp.float32),
            pltpu.SemaphoreType.DMA,
            pltpu.SemaphoreType.DMA,
        ],
    )
    return kern(t_tab, gidx, dstc)


def _mm_body(x_ref, w_ref, o_ref):
    o_ref[...] = lax.dot_general(
        x_ref[...], w_ref[...], (((1,), (0,)), ((), ())),
        precision=lax.Precision.HIGHEST)


def _tc_h(x, w_gcn):
    return pl.pallas_call(
        _mm_body,
        grid=(GRID,),
        in_specs=[pl.BlockSpec((RB, 128), lambda i: (i, 0)),
                  pl.BlockSpec((128, DHID), lambda i: (0, 0))],
        out_specs=pl.BlockSpec((RB, DHID), lambda i: (i, 0)),
        out_shape=jax.ShapeDtypeStruct((N, DHID), jnp.float32),
    )(x, w_gcn)


def _scale_body(deg_ref, h_ref, g_ref):
    deg = deg_ref[0, :, 0] + deg_ref[1, :, 0] + 1.0
    dinv = lax.rsqrt(deg)
    hb = h_ref[...]
    g_ref[0, :, :] = hb[:, :128] * dinv[:, None]
    g_ref[1, :, :] = hb[:, 128:] * dinv[:, None]


def _tc_scale(deg_raw, h):
    return pl.pallas_call(
        _scale_body,
        grid=(GRID,),
        in_specs=[pl.BlockSpec((2, RB, 16), lambda i: (0, i, 0)),
                  pl.BlockSpec((RB, DHID), lambda i: (i, 0))],
        out_specs=pl.BlockSpec((2, RB, 128), lambda i: (0, i, 0)),
        out_shape=jax.ShapeDtypeStruct((2, N, 128), jnp.float32),
    )(deg_raw, h)


def _gcn_fin_body(agg_ref, g_ref, deg_ref, bgcn_ref, wgat_ref, h2_ref):
    D = deg_ref[...]
    deg = D[0, :, 0] + D[1, :, 0] + 1.0
    dinv = lax.rsqrt(deg)
    A = agg_ref[...]
    G = g_ref[...]
    b = bgcn_ref[...]
    w = wgat_ref[...]
    hg0 = jnp.maximum((A[0] + G[0]) * dinv[:, None] + b[None, :128], 0.0)
    hg1 = jnp.maximum((A[1] + G[1]) * dinv[:, None] + b[None, 128:], 0.0)
    h2_ref[...] = (
        lax.dot_general(hg0, w[:128, :], (((1,), (0,)), ((), ())),
                        precision=lax.Precision.HIGHEST)
        + lax.dot_general(hg1, w[128:, :], (((1,), (0,)), ((), ())),
                          precision=lax.Precision.HIGHEST))


def _tc_gcn_finish(agg, gsplit2, deg_raw, b_gcn, w_gat):
    return pl.pallas_call(
        _gcn_fin_body,
        grid=(GRID,),
        in_specs=[pl.BlockSpec((2, RB, 128), lambda i: (0, i, 0)),
                  pl.BlockSpec((2, RB, 128), lambda i: (0, i, 0)),
                  pl.BlockSpec((2, RB, 16), lambda i: (0, i, 0)),
                  pl.BlockSpec((DHID,), lambda i: (0,)),
                  pl.BlockSpec((DHID, DOUT), lambda i: (0, 0))],
        out_specs=pl.BlockSpec((RB, DOUT), lambda i: (i, 0)),
        out_shape=jax.ShapeDtypeStruct((N, DOUT), jnp.float32),
    )(agg, gsplit2, deg_raw, b_gcn, w_gat)


def _att_body(h2_ref, asrc_ref, adst_ref,
              as_ref, ad_ref, fs_ref, aux_ref, ca16_ref):
    h2 = h2_ref[...]
    a_s = jnp.sum(h2 * asrc_ref[...][None, :], axis=1)
    a_d = jnp.sum(h2 * adst_ref[...][None, :], axis=1)
    ca = jnp.max(a_s)
    cd = jnp.max(a_d)
    f = jnp.exp(a_s - ca)
    f2 = jnp.exp(0.2 * a_s - ca)
    gd = jnp.exp(a_d - cd)
    g2d = jnp.exp(0.2 * a_d - cd)
    zs = a_s + a_d
    ws = jnp.exp(jnp.where(zs > 0.0, zs, 0.2 * zs) - ca - cd)
    zpad = jnp.zeros((N, 14), jnp.float32)
    as_ref[...] = a_s
    ad_ref[...] = a_d
    fs_ref[...] = jnp.concatenate([f[:, None], f2[:, None], zpad], axis=1)
    aux_ref[...] = jnp.concatenate(
        [gd[:, None], g2d[:, None], ws[:, None], zpad[:, :13]], axis=1)
    ca16_ref[...] = jnp.full((16,), ca, jnp.float32)


def _tc_att(h2, att_src, att_dst):
    return pl.pallas_call(
        _att_body,
        out_shape=[jax.ShapeDtypeStruct((N,), jnp.float32),
                   jax.ShapeDtypeStruct((N,), jnp.float32),
                   jax.ShapeDtypeStruct((N, 16), jnp.float32),
                   jax.ShapeDtypeStruct((N, 16), jnp.float32),
                   jax.ShapeDtypeStruct((16,), jnp.float32)],
    )(h2, att_src, att_dst)


def _build_t_body(h2_ref, fs_ref, t_ref):
    h2 = h2_ref[...]
    fs = fs_ref[...]
    t_ref[0, :, :] = fs[:, 0][:, None] * h2
    t_ref[1, :, :] = fs[:, 1][:, None] * h2


def _tc_build_t(h2, fs16):
    return pl.pallas_call(
        _build_t_body,
        grid=(GRID,),
        in_specs=[pl.BlockSpec((RB, DOUT), lambda i: (i, 0)),
                  pl.BlockSpec((RB, 16), lambda i: (i, 0))],
        out_specs=pl.BlockSpec((2, RB, DOUT), lambda i: (0, i, 0)),
        out_shape=jax.ShapeDtypeStruct((2, N, DOUT), jnp.float32),
    )(h2, fs16)


def _final_body(acc_ref, den_ref, aux_ref, h2_ref, bgat_ref, o_ref):
    A = acc_ref[...]
    dn = den_ref[...]
    aux = aux_ref[...]
    h2 = h2_ref[...]
    gd = aux[:, 0]
    g2d = aux[:, 1]
    ws = aux[:, 2]
    num = (A[0, :, :] * gd[:, None] + A[1, :, :] * g2d[:, None]
           + h2 * ws[:, None])
    den = jnp.sum(dn[0], axis=1) * gd + jnp.sum(dn[1], axis=1) * g2d + ws
    o_ref[...] = num / den[:, None] + bgat_ref[...][None, :]


def _tc_final(accg, den_raw, aux, h2, b_gat):
    return pl.pallas_call(
        _final_body,
        grid=(GRID,),
        in_specs=[pl.BlockSpec((2, RB, DOUT), lambda i: (0, i, 0)),
                  pl.BlockSpec((2, RB, 32), lambda i: (0, i, 0)),
                  pl.BlockSpec((RB, 16), lambda i: (i, 0)),
                  pl.BlockSpec((RB, DOUT), lambda i: (i, 0)),
                  pl.BlockSpec((DOUT,), lambda i: (0,))],
        out_specs=pl.BlockSpec((RB, DOUT), lambda i: (i, 0)),
        out_shape=jax.ShapeDtypeStruct((N, DOUT), jnp.float32),
    )(accg, den_raw, aux, h2, b_gat)


def kernel(x, edge_index, W_gcn, b_gcn, W_gat, att_src, att_dst, b_gat):
    src = edge_index[0]
    dst = edge_index[1]
    pad = EP - E
    src_p = jnp.concatenate(
        [src, jnp.zeros((pad,), jnp.int32)]).reshape(IDX_ROWS, 128)
    dst_p = jnp.concatenate(
        [dst, jnp.full((pad,), TRASH, jnp.int32)]).reshape(IDX_ROWS, 128)

    deg_raw = _sc_deg(dst_p)
    h = _tc_h(x, W_gcn)
    gsplit2 = _tc_scale(deg_raw, h)
    agg = _sc_gcn(gsplit2.reshape(2 * N, 128), src_p.reshape(5120, 64),
                  dst_p.reshape(5120, 64))
    h2 = _tc_gcn_finish(agg, gsplit2, deg_raw, b_gcn, W_gat)
    a_s, a_d, fs16, aux, ca16 = _tc_att(h2, att_src, att_dst)
    gidx, dstc, den_part = _sc_class(src_p, dst_p, a_s, a_d, ca16)
    t2 = _tc_build_t(h2, fs16)
    accg = _sc_gat(t2.reshape(2 * N, 128), gidx, dstc)
    den_raw = jnp.swapaxes(den_part, 1, 2)
    return _tc_final(accg, den_raw, aux, h2, b_gat)

# --- scband reference (transcript-rebuilt; emitter-appended) ---
"""Pipeline reference for scband-gnnfeature-transformer-30494267802050 (READ-ONLY COPY).

The authoritative reference and input builder live on the scoring server;
editing this copy changes nothing except your own understanding.
"""

import jax, jax.numpy as jnp
import numpy as np

N = 10000
E = 320000
D_IN = 128
D_HID = 256
D_OUT = 128


def setup_inputs(seed: int = 0) -> dict:
    key = jax.random.key(seed)
    ks = jax.random.split(key, 8)
    x = jax.random.normal(ks[0], (N, D_IN), jnp.float32)
    edge_index = jax.random.randint(ks[1], (2, E), 0, N, jnp.int32)
    W_gcn = jax.random.normal(ks[2], (D_IN, D_HID), jnp.float32) * (1.0 / np.sqrt(D_IN))
    b_gcn = jnp.zeros((D_HID,), jnp.float32)
    W_gat = jax.random.normal(ks[3], (D_HID, D_OUT), jnp.float32) * (1.0 / np.sqrt(D_HID))
    att_src = jax.random.normal(ks[4], (D_OUT,), jnp.float32) * (1.0 / np.sqrt(D_OUT))
    att_dst = jax.random.normal(ks[5], (D_OUT,), jnp.float32) * (1.0 / np.sqrt(D_OUT))
    b_gat = jnp.zeros((D_OUT,), jnp.float32)
    return {"x": x, "edge_index": edge_index, "W_gcn": W_gcn, "b_gcn": b_gcn,
            "W_gat": W_gat, "att_src": att_src, "att_dst": att_dst, "b_gat": b_gat}


def _add_self_loops(src, dst, n):
    loop = jnp.arange(n, dtype=src.dtype)
    return jnp.concatenate([src, loop]), jnp.concatenate([dst, loop])


def _gcn_conv(x, edge_index, W, b):
    n = x.shape[0]
    src, dst = _add_self_loops(edge_index[0], edge_index[1], n)
    h = x @ W
    deg = jax.ops.segment_sum(jnp.ones_like(dst, jnp.float32), dst, num_segments=n)
    dinv = jnp.where(deg > 0, 1.0 / jnp.sqrt(deg), 0.0)
    norm = dinv[src] * dinv[dst]
    msg = h[src] * norm[:, None]
    out = jax.ops.segment_sum(msg, dst, num_segments=n)
    return out + b


def _gat_conv(x, edge_index, W, a_src, a_dst, b):
    n = x.shape[0]
    src, dst = _add_self_loops(edge_index[0], edge_index[1], n)
    h = x @ W
    alpha_s = h @ a_src
    alpha_d = h @ a_dst
    e = jax.nn.leaky_relu(alpha_s[src] + alpha_d[dst], negative_slope=0.2)
    m = jax.ops.segment_max(e, dst, num_segments=n)
    m = jnp.where(jnp.isfinite(m), m, 0.0)
    ex = jnp.exp(e - m[dst])
    s = jax.ops.segment_sum(ex, dst, num_segments=n)
    alpha = ex / (s[dst] + 1e-16)
    out = jax.ops.segment_sum(h[src] * alpha[:, None], dst, num_segments=n)
    return out + b


def reference(x, edge_index, W_gcn, b_gcn, W_gat, att_src, att_dst, b_gat):
    h = jax.nn.relu(_gcn_conv(x, edge_index, W_gcn, b_gcn))
    out = _gat_conv(h, edge_index, W_gat, att_src, att_dst, b_gat)
    return out

if __name__ == "__main__":
    import jax
    _d = setup_inputs()
    print(jax.jit(kernel)(*tuple(_d.values())))

</pallas_src>

<mosaic_0001>
#map = affine_map<(d0, d1) -> (0, 0)>
#map1 = affine_map<(d0, d1) -> (0, 0, 0)>
module attributes {stable_mosaic.version = 14 : i64} {
  func.func @_sc_deg_body(%arg0: i32, %arg1: i32, %arg2: memref<2560x128xi32, #tpu.memory_space<hbm>>, %arg3: memref<2x10112x16xf32, #tpu.memory_space<hbm>>, %arg4: memref<80x128xi32, #tpu.memory_space<vmem>>, %arg5: memref<128x16xf32, #tpu.memory_space<vmem>>, %arg6: memref<8x16xf32, #tpu.memory_space<vmem>>, %arg7: memref<10112x16xf32, #tpu.memory_space<vmem_shared>>) attributes {dimension_semantics = [#tpu.dimension_semantics<core_parallel>, #tpu.dimension_semantics<subcore_parallel>], iteration_bounds = array<i64: 2, 16>, scalar_prefetch = 0 : i64, scratch_operands = 4 : i64, tpu.core_type = #tpu.core_type<sc_vector_subcore>, window_params = [{transform_indices = #map}, {transform_indices = #map1}]} {
    %scan3A = arith.constant 0 : i32
    %scan3A_0 = arith.constant 128 : i32
    %scan3A_1 = arith.addi %scan3A, %scan3A_0 : i32
    %scan3A_2 = arith.constant 1 : i32
    scf.for %scan3A_27 = %scan3A to %scan3A_1 step %scan3A_2  : i32 {
      %mul3A_28 = arith.constant 1 : i32
      %mul3A_29 = arith.muli %scan3A_27, %mul3A_28 : i32
      %add3A_30 = arith.constant 0 : i32
      %add3A_31 = arith.addi %add3A_30, %mul3A_29 : i32
      %broadcast_in_dim3A = arith.constant 1.000000e+00 : f32
      %broadcast_in_dim3A_32 = vector.broadcast %broadcast_in_dim3A : f32 to vector<16xf32>
      %swap3A = arith.index_cast %add3A_31 : i32 to index
      %swap3A_33 = arith.constant 0 : index
      %swap3A_34 = tpu.vector_load %arg5[%swap3A, %swap3A_33] {strides = array<i32>} : memref<128x16xf32, #tpu.memory_space<vmem>>, vector<1x16xf32>,
      %swap3A_35 = vector.shape_cast %swap3A_34 : vector<1x16xf32> to vector<16xf32>
      %swap3A_36 = vector.shape_cast %broadcast_in_dim3A_32 : vector<16xf32> to vector<1x16xf32>
      tpu.vector_store %arg5[%swap3A, %swap3A_33], %swap3A_36 {strides = array<i32>} : memref<128x16xf32, #tpu.memory_space<vmem>>, vector<1x16xf32>,
    }
    %scan3A_3 = arith.constant 128 : i32
    %scan3A_4 = arith.constant 0 : i32
    %scan3A_5 = arith.constant 8 : i32
    %scan3A_6 = arith.addi %scan3A_4, %scan3A_5 : i32
    %scan3A_7 = arith.constant 1 : i32
    scf.for %scan3A_27 = %scan3A_4 to %scan3A_6 step %scan3A_7  : i32 {
      %mul3A_28 = arith.constant 1 : i32
      %mul3A_29 = arith.muli %scan3A_27, %mul3A_28 : i32
      %add3A_30 = arith.constant 0 : i32
      %add3A_31 = arith.addi %add3A_30, %mul3A_29 : i32
      %broadcast_in_dim3A = arith.constant 0.000000e+00 : f32
      %broadcast_in_dim3A_32 = vector.broadcast %broadcast_in_dim3A : f32 to vector<16xf32>
      %swap3A = arith.index_cast %add3A_31 : i32 to index
      %swap3A_33 = arith.constant 0 : index
      %swap3A_34 = tpu.vector_load %arg6[%swap3A, %swap3A_33] {strides = array<i32>} : memref<8x16xf32, #tpu.memory_space<vmem>>, vector<1x16xf32>,
      %swap3A_35 = vector.shape_cast %swap3A_34 : vector<1x16xf32> to vector<16xf32>
      %swap3A_36 = vector.shape_cast %broadcast_in_dim3A_32 : vector<16xf32> to vector<1x16xf32>
      tpu.vector_store %arg6[%swap3A, %swap3A_33], %swap3A_36 {strides = array<i32>} : memref<8x16xf32, #tpu.memory_space<vmem>>, vector<1x16xf32>,
    }
    %scan3A_8 = arith.constant 8 : i32
    %scan3A_9 = arith.constant 0 : i32
    %scan3A_10 = arith.constant 79 : i32
    %scan3A_11 = arith.addi %scan3A_9, %scan3A_10 : i32
    %scan3A_12 = arith.constant 1 : i32
    scf.for %scan3A_27 = %scan3A_9 to %scan3A_11 step %scan3A_12  : i32 {
      %mul3A_28 = arith.constant 1 : i32
      %mul3A_29 = arith.muli %scan3A_27, %mul3A_28 : i32
      %add3A_30 = arith.constant 0 : i32
      %add3A_31 = arith.addi %add3A_30, %mul3A_29 : i32
      %mul3A_32 = arith.constant 632 : i32
      %mul3A_33 = arith.muli %arg1, %mul3A_32 : i32
      %mul3A_34 = arith.constant 8 : i32
      %mul3A_35 = arith.muli %add3A_31, %mul3A_34 : i32
      %add3A_36 = arith.addi %mul3A_33, %mul3A_35 : i32
      "tpu.region"() ({
        %run_scoped3A = tpu.sem_alloc : memref<!tpu.dma_semaphore, #tpu.memory_space<semaphore_mem>>
        %dma_start3A = arith.constant 0 : i32
        %dma_start3A_37 = tpu.memref_slice %arg7[%add3A_36, %dma_start3A] : memref<10112x16xf32, #tpu.memory_space<vmem_shared>> -> memref<8x16xf32, #tpu.memory_space<vmem_shared>>
        %dma_start3A_38 = arith.constant 0 : i32
        %dma_start3A_39 = tpu.memref_slice %arg7[%add3A_36, %dma_start3A_38] : memref<10112x16xf32, #tpu.memory_space<vmem_shared>> -> memref<8x16xf32, #tpu.memory_space<vmem_shared>>
        tpu.enqueue_dma source(%arg6 : memref<8x16xf32, #tpu.memory_space<vmem>>) target(%dma_start3A_39 : memref<8x16xf32, #tpu.memory_space<vmem_shared>>) target_semaphore(%run_scoped3A : memref<!tpu.dma_semaphore, #tpu.memory_space<semaphore_mem>>)
        %dma_wait3A = arith.constant 0 : i32
        %dma_wait3A_40 = tpu.memref_slice %arg7[%add3A_36, %dma_wait3A] : memref<10112x16xf32, #tpu.memory_space<vmem_shared>> -> memref<8x16xf32, #tpu.memory_space<vmem_shared>>
        %dma_wait3A_41 = arith.constant 0 : i32
        %dma_wait3A_42 = tpu.memref_slice %arg7[%add3A_36, %dma_wait3A_41] : memref<10112x16xf32, #tpu.memory_space<vmem_shared>> -> memref<8x16xf32, #tpu.memory_space<vmem_shared>>
        tpu.wait_dma2 semaphore(%run_scoped3A : memref<!tpu.dma_semaphore, #tpu.memory_space<semaphore_mem>>) src(%arg6 : memref<8x16xf32, #tpu.memory_space<vmem>>) dst(%dma_wait3A_42 : memref<8x16xf32, #tpu.memory_space<vmem_shared>>)
        tpu.yield
      }) : () -> ()
    }
    %scan3A_13 = arith.constant 79 : i32
    %barrier3A = arith.constant 0 : index
    tpu.barrier barrier_id(%barrier3A)
    %mul3A = arith.constant 1280 : i32
    %mul3A_14 = arith.muli %arg0, %mul3A : i32
    %mul3A_15 = arith.constant 80 : i32
    %mul3A_16 = arith.muli %arg1, %mul3A_15 : i32
    %add3A = arith.addi %mul3A_14, %mul3A_16 : i32
    "tpu.region"() ({
      %run_scoped3A = tpu.sem_alloc : memref<!tpu.dma_semaphore, #tpu.memory_space<semaphore_mem>>
      %dma_start3A = arith.constant 0 : i32
      %dma_start3A_27 = tpu.memref_slice %arg2[%add3A, %dma_start3A] : memref<2560x128xi32, #tpu.memory_space<hbm>> -> memref<80x128xi32, #tpu.memory_space<hbm>>
      %dma_start3A_28 = arith.constant 0 : i32
      %dma_start3A_29 = tpu.memref_slice %arg2[%add3A, %dma_start3A_28] : memref<2560x128xi32, #tpu.memory_space<hbm>> -> memref<80x128xi32, #tpu.memory_space<hbm>>
      tpu.enqueue_dma source(%dma_start3A_29 : memref<80x128xi32, #tpu.memory_space<hbm>>) target(%arg4 : memref<80x128xi32, #tpu.memory_space<vmem>>) target_semaphore(%run_scoped3A : memref<!tpu.dma_semaphore, #tpu.memory_space<semaphore_mem>>)
      %dma_wait3A = arith.constant 0 : i32
      %dma_wait3A_30 = tpu.memref_slice %arg2[%add3A, %dma_wait3A] : memref<2560x128xi32, #tpu.memory_space<hbm>> -> memref<80x128xi32, #tpu.memory_space<hbm>>
      %dma_wait3A_31 = arith.constant 0 : i32
      %dma_wait3A_32 = tpu.memref_slice %arg2[%add3A, %dma_wait3A_31] : memref<2560x128xi32, #tpu.memory_space<hbm>> -> memref<80x128xi32, #tpu.memory_space<hbm>>
      tpu.wait_dma2 semaphore(%run_scoped3A : memref<!tpu.dma_semaphore, #tpu.memory_space<semaphore_mem>>) src(%dma_wait3A_32 : memref<80x128xi32, #tpu.memory_space<hbm>>) dst(%arg4 : memref<80x128xi32, #tpu.memory_space<vmem>>)
      tpu.yield
    }) : () -> ()
    %scan3A_17 = arith.constant 0 : i32
    %scan3A_18 = arith.constant 80 : i32
    %scan3A_19 = arith.addi %scan3A_17, %scan3A_18 : i32
    %scan3A_20 = arith.constant 1 : i32
    scf.for %scan3A_27 = %scan3A_17 to %scan3A_19 step %scan3A_20  : i32 {
      %mul3A_28 = arith.constant 1 : i32
      %mul3A_29 = arith.muli %scan3A_27, %mul3A_28 : i32
      %add3A_30 = arith.constant 0 : i32
      %add3A_31 = arith.addi %add3A_30, %mul3A_29 : i32
      "tpu.region"() ({
        %run_scoped3A = tpu.sem_alloc : memref<!tpu.dma_semaphore, #tpu.memory_space<semaphore_mem>>
        %dma_start3A = arith.constant 0 : i32
        %dma_start3A_32 = tpu.memref_slice %arg4[%add3A_31, %dma_start3A] : memref<80x128xi32, #tpu.memory_space<vmem>> -> memref<1x128xi32, #tpu.memory_space<vmem>>
        %dma_start3A_33 = tpu.memref_squeeze %dma_start3A_32 : memref<1x128xi32, #tpu.memory_space<vmem>> -> memref<128xi32, #tpu.memory_space<vmem>>
        %dma_start3A_34 = arith.constant 0 : i32
        %dma_start3A_35 = arith.constant 0 : i32
        %dma_start3A_36 = tpu.memref_slice %arg7[%dma_start3A_34, %dma_start3A_35] : memref<10112x16xf32, #tpu.memory_space<vmem_shared>> -> memref<10112x16xf32, #tpu.memory_space<vmem_shared>>
        tpu.enqueue_indirect_dma source(%arg5 : memref<128x16xf32, #tpu.memory_space<vmem>>) target(%dma_start3A_36 : memref<10112x16xf32, #tpu.memory_space<vmem_shared>>) offsets(%dma_start3A_33 : memref<128xi32, #tpu.memory_space<vmem>>) semaphore(%run_scoped3A : memref<!tpu.dma_semaphore, #tpu.memory_space<semaphore_mem>>) {add = true}
        %dma_wait3A = arith.constant 0 : i32
        %dma_wait3A_37 = tpu.memref_slice %arg4[%add3A_31, %dma_wait3A] : memref<80x128xi32, #tpu.memory_space<vmem>> -> memref<1x128xi32, #tpu.memory_space<vmem>>
        %dma_wait3A_38 = tpu.memref_squeeze %dma_wait3A_37 : memref<1x128xi32, #tpu.memory_space<vmem>> -> memref<128xi32, #tpu.memory_space<vmem>>
        %dma_wait3A_39 = arith.constant 0 : i32
        %dma_wait3A_40 = arith.constant 0 : i32
        %dma_wait3A_41 = tpu.memref_slice %arg7[%dma_wait3A_39, %dma_wait3A_40] : memref<10112x16xf32, #tpu.memory_space<vmem_shared>> -> memref<10112x16xf32, #tpu.memory_space<vmem_shared>>
        tpu.wait_indirect_dma semaphore(%run_scoped3A : memref<!tpu.dma_semaphore, #tpu.memory_space<semaphore_mem>>) src(%arg5 : memref<128x16xf32, #tpu.memory_space<vmem>>) dst(%dma_wait3A_41 : memref<10112x16xf32, #tpu.memory_space<vmem_shared>>)
        tpu.yield
      }) : () -> ()
    }
    %scan3A_21 = arith.constant 80 : i32
    %barrier3A_22 = arith.constant 0 : index
    tpu.barrier barrier_id(%barrier3A_22)
    %mul3A_23 = arith.constant 632 : i32
    %mul3A_24 = arith.muli %arg1, %mul3A_23 : i32
    %mul3A_25 = arith.constant 632 : i32
    %mul3A_26 = arith.muli %arg1, %mul3A_25 : i32
    "tpu.region"() ({
      %run_scoped3A = tpu.sem_alloc : memref<!tpu.dma_semaphore, #tpu.memory_space<semaphore_mem>>
      %dma_start3A = arith.constant 0 : i32
      %dma_start3A_27 = tpu.memref_slice %arg3[%arg0, %mul3A_26, %dma_start3A] : memref<2x10112x16xf32, #tpu.memory_space<hbm>> -> memref<1x632x16xf32, #tpu.memory_space<hbm>>
      %dma_start3A_28 = tpu.memref_squeeze %dma_start3A_27 : memref<1x632x16xf32, #tpu.memory_space<hbm>> -> memref<632x16xf32, #tpu.memory_space<hbm>>
      %dma_start3A_29 = arith.constant 0 : i32
      %dma_start3A_30 = tpu.memref_slice %arg7[%mul3A_24, %dma_start3A_29] : memref<10112x16xf32, #tpu.memory_space<vmem_shared>> -> memref<632x16xf32, #tpu.memory_space<vmem_shared>>
      tpu.enqueue_dma source(%dma_start3A_30 : memref<632x16xf32, #tpu.memory_space<vmem_shared>>) target(%dma_start3A_28 : memref<632x16xf32, #tpu.memory_space<hbm>>) target_semaphore(%run_scoped3A : memref<!tpu.dma_semaphore, #tpu.memory_space<semaphore_mem>>)
      %dma_wait3A = arith.constant 0 : i32
      %dma_wait3A_31 = tpu.memref_slice %arg3[%arg0, %mul3A_26, %dma_wait3A] : memref<2x10112x16xf32, #tpu.memory_space<hbm>> -> memref<1x632x16xf32, #tpu.memory_space<hbm>>
      %dma_wait3A_32 = tpu.memref_squeeze %dma_wait3A_31 : memref<1x632x16xf32, #tpu.memory_space<hbm>> -> memref<632x16xf32, #tpu.memory_space<hbm>>
      %dma_wait3A_33 = arith.constant 0 : i32
      %dma_wait3A_34 = tpu.memref_slice %arg7[%mul3A_24, %dma_wait3A_33] : memref<10112x16xf32, #tpu.memory_space<vmem_shared>> -> memref<632x16xf32, #tpu.memory_space<vmem_shared>>
      tpu.wait_dma2 semaphore(%run_scoped3A : memref<!tpu.dma_semaphore, #tpu.memory_space<semaphore_mem>>) src(%dma_wait3A_34 : memref<632x16xf32, #tpu.memory_space<vmem_shared>>) dst(%dma_wait3A_32 : memref<632x16xf32, #tpu.memory_space<hbm>>)
      tpu.yield
    }) : () -> ()
    return
  }
}

#map = affine_map<(d0, d1) -> (0, 0)>
#map1 = affine_map<(d0, d1) -> (0, 0, 0)>
module attributes {stable_mosaic.version = 14 : i64} {
  func.func @_sc_gcn_body(%arg0: i32, %arg1: i32, %arg2: memref<20000x128xf32, #tpu.memory_space<hbm>>, %arg3: memref<5120x64xi32, #tpu.memory_space<hbm>>, %arg4: memref<5120x64xi32, #tpu.memory_space<hbm>>, %arg5: memref<2x10112x128xf32, #tpu.memory_space<hbm>>, %arg6: memref<8x64xi32, #tpu.memory_space<vmem>>, %arg7: memref<8x64xi32, #tpu.memory_space<vmem>>, %arg8: memref<64x128xf32, #tpu.memory_space<vmem>>, %arg9: memref<64x128xf32, #tpu.memory_space<vmem>>, %arg10: memref<10112x128xf32, #tpu.memory_space<vmem_shared>>, %arg11: memref<!tpu.dma_semaphore, #tpu.memory_space<semaphore_mem>>, %arg12: memref<!tpu.dma_semaphore, #tpu.memory_space<semaphore_mem>>) attributes {dimension_semantics = [#tpu.dimension_semantics<core_parallel>, #tpu.dimension_semantics<subcore_parallel>], iteration_bounds = array<i64: 2, 16>, scalar_prefetch = 0 : i64, scratch_operands = 7 : i64, tpu.core_type = #tpu.core_type<sc_vector_subcore>, window_params = [{transform_indices = #map}, {transform_indices = #map}, {transform_indices = #map}, {transform_indices = #map1}]} {
    %scan3A = arith.constant 0 : i32
    %scan3A_0 = arith.constant 8 : i32
    %scan3A_1 = arith.addi %scan3A, %scan3A_0 : i32
    %scan3A_2 = arith.constant 1 : i32
    scf.for %scan3A_22 = %scan3A to %scan3A_1 step %scan3A_2  : i32 {
      %mul3A_23 = arith.constant 1 : i32
      %mul3A_24 = arith.muli %scan3A_22, %mul3A_23 : i32
      %add3A = arith.constant 0 : i32
      %add3A_25 = arith.addi %add3A, %mul3A_24 : i32
      %broadcast_in_dim3A_26 = arith.constant 0.000000e+00 : f32
      %broadcast_in_dim3A_27 = vector.broadcast %broadcast_in_dim3A_26 : f32 to vector<16xf32>
      %swap3A = arith.index_cast %add3A_25 : i32 to index
      %swap3A_28 = arith.constant 0 : index
      %swap3A_29 = tpu.vector_load %arg8[%swap3A, %swap3A_28] {strides = array<i32>} : memref<64x128xf32, #tpu.memory_space<vmem>>, vector<1x16xf32>,
      %swap3A_30 = vector.shape_cast %swap3A_29 : vector<1x16xf32> to vector<16xf32>
      %swap3A_31 = vector.shape_cast %broadcast_in_dim3A_27 : vector<16xf32> to vector<1x16xf32>
      tpu.vector_store %arg8[%swap3A, %swap3A_28], %swap3A_31 {strides = array<i32>} : memref<64x128xf32, #tpu.memory_space<vmem>>, vector<1x16xf32>,
      %broadcast_in_dim3A_32 = arith.constant 0.000000e+00 : f32
      %broadcast_in_dim3A_33 = vector.broadcast %broadcast_in_dim3A_32 : f32 to vector<16xf32>
      %swap3A_34 = arith.index_cast %add3A_25 : i32 to index
      %swap3A_35 = arith.constant 16 : index
      %swap3A_36 = tpu.vector_load %arg8[%swap3A_34, %swap3A_35] {strides = array<i32>} : memref<64x128xf32, #tpu.memory_space<vmem>>, vector<1x16xf32>,
      %swap3A_37 = vector.shape_cast %swap3A_36 : vector<1x16xf32> to vector<16xf32>
      %swap3A_38 = vector.shape_cast %broadcast_in_dim3A_33 : vector<16xf32> to vector<1x16xf32>
      tpu.vector_store %arg8[%swap3A_34, %swap3A_35], %swap3A_38 {strides = array<i32>} : memref<64x128xf32, #tpu.memory_space<vmem>>, vector<1x16xf32>,
      %broadcast_in_dim3A_39 = arith.constant 0.000000e+00 : f32
      %broadcast_in_dim3A_40 = vector.broadcast %broadcast_in_dim3A_39 : f32 to vector<16xf32>
      %swap3A_41 = arith.index_cast %add3A_25 : i32 to index
      %swap3A_42 = arith.constant 32 : index
      %swap3A_43 = tpu.vector_load %arg8[%swap3A_41, %swap3A_42] {strides = array<i32>} : memref<64x128xf32, #tpu.memory_space<vmem>>, vector<1x16xf32>,
      %swap3A_44 = vector.shape_cast %swap3A_43 : vector<1x16xf32> to vector<16xf32>
      %swap3A_45 = vector.shape_cast %broadcast_in_dim3A_40 : vector<16xf32> to vector<1x16xf32>
      tpu.vector_store %arg8[%swap3A_41, %swap3A_42], %swap3A_45 {strides = array<i32>} : memref<64x128xf32, #tpu.memory_space<vmem>>, vector<1x16xf32>,
      %broadcast_in_dim3A_46 = arith.constant 0.000000e+00 : f32
      %broadcast_in_dim3A_47 = vector.broadcast %broadcast_in_dim3A_46 : f32 to vector<16xf32>
      %swap3A_48 = arith.index_cast %add3A_25 : i32 to index
      %swap3A_49 = arith.constant 48 : index
      %swap3A_50 = tpu.vector_load %arg8[%swap3A_48, %swap3A_49] {strides = array<i32>} : memref<64x128xf32, #tpu.memory_space<vmem>>, vector<1x16xf32>,
      %swap3A_51 = vector.shape_cast %swap3A_50 : vector<1x16xf32> to vector<16xf32>
      %swap3A_52 = vector.shape_cast %broadcast_in_dim3A_47 : vector<16xf32> to vector<1x16xf32>
      tpu.vector_store %arg8[%swap3A_48, %swap3A_49], %swap3A_52 {strides = array<i32>} : memref<64x128xf32, #tpu.memory_space<vmem>>, vector<1x16xf32>,
      %broadcast_in_dim3A_53 = arith.constant 0.000000e+00 : f32
      %broadcast_in_dim3A_54 = vector.broadcast %broadcast_in_dim3A_53 : f32 to vector<16xf32>
      %swap3A_55 = arith.index_cast %add3A_25 : i32 to index
      %swap3A_56 = arith.constant 64 : index
      %swap3A_57 = tpu.vector_load %arg8[%swap3A_55, %swap3A_56] {strides = array<i32>} : memref<64x128xf32, #tpu.memory_space<vmem>>, vector<1x16xf32>,
      %swap3A_58 = vector.shape_cast %swap3A_57 : vector<1x16xf32> to vector<16xf32>
      %swap3A_59 = vector.shape_cast %broadcast_in_dim3A_54 : vector<16xf32> to vector<1x16xf32>
      tpu.vector_store %arg8[%swap3A_55, %swap3A_56], %swap3A_59 {strides = array<i32>} : memref<64x128xf32, #tpu.memory_space<vmem>>, vector<1x16xf32>,
      %broadcast_in_dim3A_60 = arith.constant 0.000000e+00 : f32
      %broadcast_in_dim3A_61 = vector.broadcast %broadcast_in_dim3A_60 : f32 to vector<16xf32>
      %swap3A_62 = arith.index_cast %add3A_25 : i32 to index
      %swap3A_63 = arith.constant 80 : index
      %swap3A_64 = tpu.vector_load %arg8[%swap3A_62, %swap3A_63] {strides = array<i32>} : memref<64x128xf32, #tpu.memory_space<vmem>>, vector<1x16xf32>,
      %swap3A_65 = vector.shape_cast %swap3A_64 : vector<1x16xf32> to vector<16xf32>
      %swap3A_66 = vector.shape_cast %broadcast_in_dim3A_61 : vector<16xf32> to vector<1x16xf32>
      tpu.vector_store %arg8[%swap3A_62, %swap3A_63], %swap3A_66 {strides = array<i32>} : memref<64x128xf32, #tpu.memory_space<vmem>>, vector<1x16xf32>,
      %broadcast_in_dim3A_67 = arith.constant 0.000000e+00 : f32
      %broadcast_in_dim3A_68 = vector.broadcast %broadcast_in_dim3A_67 : f32 to vector<16xf32>
      %swap3A_69 = arith.index_cast %add3A_25 : i32 to index
      %swap3A_70 = arith.constant 96 : index
      %swap3A_71 = tpu.vector_load %arg8[%swap3A_69, %swap3A_70] {strides = array<i32>} : memref<64x128xf32, #tpu.memory_space<vmem>>, vector<1x16xf32>,
      %swap3A_72 = vector.shape_cast %swap3A_71 : vector<1x16xf32> to vector<16xf32>
      %swap3A_73 = vector.shape_cast %broadcast_in_dim3A_68 : vector<16xf32> to vector<1x16xf32>
      tpu.vector_store %arg8[%swap3A_69, %swap3A_70], %swap3A_73 {strides = array<i32>} : memref<64x128xf32, #tpu.memory_space<vmem>>, vector<1x16xf32>,
      %broadcast_in_dim3A_74 = arith.constant 0.000000e+00 : f32
      %broadcast_in_dim3A_75 = vector.broadcast %broadcast_in_dim3A_74 : f32 to vector<16xf32>
      %swap3A_76 = arith.index_cast %add3A_25 : i32 to index
      %swap3A_77 = arith.constant 112 : index
      %swap3A_78 = tpu.vector_load %arg8[%swap3A_76, %swap3A_77] {strides = array<i32>} : memref<64x128xf32, #tpu.memory_space<vmem>>, vector<1x16xf32>,
      %swap3A_79 = vector.shape_cast %swap3A_78 : vector<1x16xf32> to vector<16xf32>
      %swap3A_80 = vector.shape_cast %broadcast_in_dim3A_75 : vector<16xf32> to vector<1x16xf32>
      tpu.vector_store %arg8[%swap3A_76, %swap3A_77], %swap3A_80 {strides = array<i32>} : memref<64x128xf32, #tpu.memory_space<vmem>>, vector<1x16xf32>,
    }
    %scan3A_3 = arith.constant 8 : i32
    %scan3A_4 = arith.constant 0 : i32
    %scan3A_5 = arith.constant 79 : i32
    %scan3A_6 = arith.addi %scan3A_4, %scan3A_5 : i32
    %scan3A_7 = arith.constant 1 : i32
    scf.for %scan3A_22 = %scan3A_4 to %scan3A_6 step %scan3A_7  : i32 {
      %mul3A_23 = arith.constant 1 : i32
      %mul3A_24 = arith.muli %scan3A_22, %mul3A_23 : i32
      %add3A = arith.constant 0 : i32
      %add3A_25 = arith.addi %add3A, %mul3A_24 : i32
      %mul3A_26 = arith.constant 632 : i32
      %mul3A_27 = arith.muli %arg1, %mul3A_26 : i32
      %mul3A_28 = arith.constant 8 : i32
      %mul3A_29 = arith.muli %add3A_25, %mul3A_28 : i32
      %add3A_30 = arith.addi %mul3A_27, %mul3A_29 : i32
      "tpu.region"() ({
        %run_scoped3A = tpu.sem_alloc : memref<!tpu.dma_semaphore, #tpu.memory_space<semaphore_mem>>
        %dma_start3A = arith.constant 0 : i32
        %dma_start3A_31 = arith.constant 0 : i32
        %dma_start3A_32 = tpu.memref_slice %arg8[%dma_start3A, %dma_start3A_31] : memref<64x128xf32, #tpu.memory_space<vmem>> -> memref<8x128xf32, #tpu.memory_space<vmem>>
        %dma_start3A_33 = arith.constant 0 : i32
        %dma_start3A_34 = tpu.memref_slice %arg10[%add3A_30, %dma_start3A_33] : memref<10112x128xf32, #tpu.memory_space<vmem_shared>> -> memref<8x128xf32, #tpu.memory_space<vmem_shared>>
        %dma_start3A_35 = arith.constant 0 : i32
        %dma_start3A_36 = tpu.memref_slice %arg10[%add3A_30, %dma_start3A_35] : memref<10112x128xf32, #tpu.memory_space<vmem_shared>> -> memref<8x128xf32, #tpu.memory_space<vmem_shared>>
        %dma_start3A_37 = arith.constant 0 : i32
        %dma_start3A_38 = arith.constant 0 : i32
        %dma_start3A_39 = tpu.memref_slice %arg8[%dma_start3A_37, %dma_start3A_38] : memref<64x128xf32, #tpu.memory_space<vmem>> -> memref<8x128xf32, #tpu.memory_space<vmem>>
        tpu.enqueue_dma source(%dma_start3A_39 : memref<8x128xf32, #tpu.memory_space<vmem>>) target(%dma_start3A_36 : memref<8x128xf32, #tpu.memory_space<vmem_shared>>) target_semaphore(%run_scoped3A : memref<!tpu.dma_semaphore, #tpu.memory_space<semaphore_mem>>)
        %dma_wait3A = arith.constant 0 : i32
        %dma_wait3A_40 = arith.constant 0 : i32
        %dma_wait3A_41 = tpu.memref_slice %arg8[%dma_wait3A, %dma_wait3A_40] : memref<64x128xf32, #tpu.memory_space<vmem>> -> memref<8x128xf32, #tpu.memory_space<vmem>>
        %dma_wait3A_42 = arith.constant 0 : i32
        %dma_wait3A_43 = tpu.memref_slice %arg10[%add3A_30, %dma_wait3A_42] : memref<10112x128xf32, #tpu.memory_space<vmem_shared>> -> memref<8x128xf32, #tpu.memory_space<vmem_shared>>
        %dma_wait3A_44 = arith.constant 0 : i32
        %dma_wait3A_45 = tpu.memref_slice %arg10[%add3A_30, %dma_wait3A_44] : memref<10112x128xf32, #tpu.memory_space<vmem_shared>> -> memref<8x128xf32, #tpu.memory_space<vmem_shared>>
        %dma_wait3A_46 = arith.constant 0 : i32
        %dma_wait3A_47 = arith.constant 0 : i32
        %dma_wait3A_48 = tpu.memref_slice %arg8[%dma_wait3A_46, %dma_wait3A_47] : memref<64x128xf32, #tpu.memory_space<vmem>> -> memref<8x128xf32, #tpu.memory_space<vmem>>
        tpu.wait_dma2 semaphore(%run_scoped3A : memref<!tpu.dma_semaphore, #tpu.memory_space<semaphore_mem>>) src(%dma_wait3A_48 : memref<8x128xf32, #tpu.memory_space<vmem>>) dst(%dma_wait3A_45 : memref<8x128xf32, #tpu.memory_space<vmem_shared>>)
        tpu.yield
      }) : () -> ()
    }
    %scan3A_8 = arith.constant 79 : i32
    %barrier3A = arith.constant 0 : index
    tpu.barrier barrier_id(%barrier3A)
    %mul3A = arith.constant 10000 : i32
    %mul3A_9 = arith.muli %arg0, %mul3A : i32
    %broadcast_in_dim3A = vector.broadcast %mul3A_9 : i32 to vector<16xi32>
    %mul3A_10 = arith.constant 320 : i32
    %mul3A_11 = arith.muli %arg1, %mul3A_10 : i32
    %scan3A_12 = arith.constant 0 : i32
    %scan3A_13 = arith.constant 40 : i32
    %scan3A_14 = arith.addi %scan3A_12, %scan3A_13 : i32
    %scan3A_15 = arith.constant 1 : i32
    scf.for %scan3A_22 = %scan3A_12 to %scan3A_14 step %scan3A_15  : i32 {
      %mul3A_23 = arith.constant 1 : i32
      %mul3A_24 = arith.muli %scan3A_22, %mul3A_23 : i32
      %add3A = arith.constant 0 : i32
      %add3A_25 = arith.addi %add3A, %mul3A_24 : i32
      %mul3A_26 = arith.constant 8 : i32
      %mul3A_27 = arith.muli %add3A_25, %mul3A_26 : i32
      %add3A_28 = arith.addi %mul3A_11, %mul3A_27 : i32
      "tpu.region"() ({
        %run_scoped3A_154 = tpu.sem_alloc : memref<!tpu.dma_semaphore, #tpu.memory_space<semaphore_mem>>
        %dma_start3A_155 = arith.constant 0 : i32
        %dma_start3A_156 = tpu.memref_slice %arg3[%add3A_28, %dma_start3A_155] : memref<5120x64xi32, #tpu.memory_space<hbm>> -> memref<8x64xi32, #tpu.memory_space<hbm>>
        %dma_start3A_157 = arith.constant 0 : i32
        %dma_start3A_158 = tpu.memref_slice %arg3[%add3A_28, %dma_start3A_157] : memref<5120x64xi32, #tpu.memory_space<hbm>> -> memref<8x64xi32, #tpu.memory_space<hbm>>
        tpu.enqueue_dma source(%dma_start3A_158 : memref<8x64xi32, #tpu.memory_space<hbm>>) target(%arg6 : memref<8x64xi32, #tpu.memory_space<vmem>>) target_semaphore(%run_scoped3A_154 : memref<!tpu.dma_semaphore, #tpu.memory_space<semaphore_mem>>)
        %dma_wait3A_159 = arith.constant 0 : i32
        %dma_wait3A_160 = tpu.memref_slice %arg3[%add3A_28, %dma_wait3A_159] : memref<5120x64xi32, #tpu.memory_space<hbm>> -> memref<8x64xi32, #tpu.memory_space<hbm>>
        %dma_wait3A_161 = arith.constant 0 : i32
        %dma_wait3A_162 = tpu.memref_slice %arg3[%add3A_28, %dma_wait3A_161] : memref<5120x64xi32, #tpu.memory_space<hbm>> -> memref<8x64xi32, #tpu.memory_space<hbm>>
        tpu.wait_dma2 semaphore(%run_scoped3A_154 : memref<!tpu.dma_semaphore, #tpu.memory_space<semaphore_mem>>) src(%dma_wait3A_162 : memref<8x64xi32, #tpu.memory_space<hbm>>) dst(%arg6 : memref<8x64xi32, #tpu.memory_space<vmem>>)
        tpu.yield
      }) : () -> ()
      %mul3A_29 = arith.constant 8 : i32
      %mul3A_30 = arith.muli %add3A_25, %mul3A_29 : i32
      %add3A_31 = arith.addi %mul3A_11, %mul3A_30 : i32
      "tpu.region"() ({
        %run_scoped3A_154 = tpu.sem_alloc : memref<!tpu.dma_semaphore, #tpu.memory_space<semaphore_mem>>
        %dma_start3A_155 = arith.constant 0 : i32
        %dma_start3A_156 = tpu.memref_slice %arg4[%add3A_31, %dma_start3A_155] : memref<5120x64xi32, #tpu.memory_space<hbm>> -> memref<8x64xi32, #tpu.memory_space<hbm>>
        %dma_start3A_157 = arith.constant 0 : i32
        %dma_start3A_158 = tpu.memref_slice %arg4[%add3A_31, %dma_start3A_157] : memref<5120x64xi32, #tpu.memory_space<hbm>> -> memref<8x64xi32, #tpu.memory_space<hbm>>
        tpu.enqueue_dma source(%dma_start3A_158 : memref<8x64xi32, #tpu.memory_space<hbm>>) target(%arg7 : memref<8x64xi32, #tpu.memory_space<vmem>>) target_semaphore(%run_scoped3A_154 : memref<!tpu.dma_semaphore, #tpu.memory_space<semaphore_mem>>)
        %dma_wait3A_159 = arith.constant 0 : i32
        %dma_wait3A_160 = tpu.memref_slice %arg4[%add3A_31, %dma_wait3A_159] : memref<5120x64xi32, #tpu.memory_space<hbm>> -> memref<8x64xi32, #tpu.memory_space<hbm>>
        %dma_wait3A_161 = arith.constant 0 : i32
        %dma_wait3A_162 = tpu.memref_slice %arg4[%add3A_31, %dma_wait3A_161] : memref<5120x64xi32, #tpu.memory_space<hbm>> -> memref<8x64xi32, #tpu.memory_space<hbm>>
        tpu.wait_dma2 semaphore(%run_scoped3A_154 : memref<!tpu.dma_semaphore, #tpu.memory_space<semaphore_mem>>) src(%dma_wait3A_162 : memref<8x64xi32, #tpu.memory_space<hbm>>) dst(%arg7 : memref<8x64xi32, #tpu.memory_space<vmem>>)
        tpu.yield
      }) : () -> ()
      %scan3A_32 = arith.constant 0 : i32
      %scan3A_33 = arith.constant 8 : i32
      %scan3A_34 = arith.addi %scan3A_32, %scan3A_33 : i32
      %scan3A_35 = arith.constant 1 : i32
      scf.for %scan3A_154 = %scan3A_32 to %scan3A_34 step %scan3A_35  : i32 {
        %mul3A_155 = arith.constant 1 : i32
        %mul3A_156 = arith.muli %scan3A_154, %mul3A_155 : i32
        %add3A_157 = arith.constant 0 : i32
        %add3A_158 = arith.addi %add3A_157, %mul3A_156 : i32
        %get3A = arith.index_cast %add3A_158 : i32 to index
        %get3A_159 = arith.constant 0 : index
        %get3A_160 = tpu.vector_load %arg6[%get3A, %get3A_159] {strides = array<i32>} : memref<8x64xi32, #tpu.memory_space<vmem>>, vector<1x16xi32>,
        %get3A_161 = vector.shape_cast %get3A_160 : vector<1x16xi32> to vector<16xi32>
        %add3A_162 = arith.addi %get3A_161, %broadcast_in_dim3A : vector<16xi32>
        %swap3A = arith.index_cast %add3A_158 : i32 to index
        %swap3A_163 = arith.constant 0 : index
        %swap3A_164 = tpu.vector_load %arg6[%swap3A, %swap3A_163] {strides = array<i32>} : memref<8x64xi32, #tpu.memory_space<vmem>>, vector<1x16xi32>,
        %swap3A_165 = vector.shape_cast %swap3A_164 : vector<1x16xi32> to vector<16xi32>
        %swap3A_166 = vector.shape_cast %add3A_162 : vector<16xi32> to vector<1x16xi32>
        tpu.vector_store %arg6[%swap3A, %swap3A_163], %swap3A_166 {strides = array<i32>} : memref<8x64xi32, #tpu.memory_space<vmem>>, vector<1x16xi32>,
        %get3A_167 = arith.index_cast %add3A_158 : i32 to index
        %get3A_168 = arith.constant 16 : index
        %get3A_169 = tpu.vector_load %arg6[%get3A_167, %get3A_168] {strides = array<i32>} : memref<8x64xi32, #tpu.memory_space<vmem>>, vector<1x16xi32>,
        %get3A_170 = vector.shape_cast %get3A_169 : vector<1x16xi32> to vector<16xi32>
        %add3A_171 = arith.addi %get3A_170, %broadcast_in_dim3A : vector<16xi32>
        %swap3A_172 = arith.index_cast %add3A_158 : i32 to index
        %swap3A_173 = arith.constant 16 : index
        %swap3A_174 = tpu.vector_load %arg6[%swap3A_172, %swap3A_173] {strides = array<i32>} : memref<8x64xi32, #tpu.memory_space<vmem>>, vector<1x16xi32>,
        %swap3A_175 = vector.shape_cast %swap3A_174 : vector<1x16xi32> to vector<16xi32>
        %swap3A_176 = vector.shape_cast %add3A_171 : vector<16xi32> to vector<1x16xi32>
        tpu.vector_store %arg6[%swap3A_172, %swap3A_173], %swap3A_176 {strides = array<i32>} : memref<8x64xi32, #tpu.memory_space<vmem>>, vector<1x16xi32>,
        %get3A_177 = arith.index_cast %add3A_158 : i32 to index
        %get3A_178 = arith.constant 32 : index
        %get3A_179 = tpu.vector_load %arg6[%get3A_177, %get3A_178] {strides = array<i32>} : memref<8x64xi32, #tpu.memory_space<vmem>>, vector<1x16xi32>,
        %get3A_180 = vector.shape_cast %get3A_179 : vector<1x16xi32> to vector<16xi32>
        %add3A_181 = arith.addi %get3A_180, %broadcast_in_dim3A : vector<16xi32>
        %swap3A_182 = arith.index_cast %add3A_158 : i32 to index
        %swap3A_183 = arith.constant 32 : index
        %swap3A_184 = tpu.vector_load %arg6[%swap3A_182, %swap3A_183] {strides = array<i32>} : memref<8x64xi32, #tpu.memory_space<vmem>>, vector<1x16xi32>,
        %swap3A_185 = vector.shape_cast %swap3A_184 : vector<1x16xi32> to vector<16xi32>
        %swap3A_186 = vector.shape_cast %add3A_181 : vector<16xi32> to vector<1x16xi32>
        tpu.vector_store %arg6[%swap3A_182, %swap3A_183], %swap3A_186 {strides = array<i32>} : memref<8x64xi32, #tpu.memory_space<vmem>>, vector<1x16xi32>,
        %get3A_187 = arith.index_cast %add3A_158 : i32 to index
        %get3A_188 = arith.constant 48 : index
        %get3A_189 = tpu.vector_load %arg6[%get3A_187, %get3A_188] {strides = array<i32>} : memref<8x64xi32, #tpu.memory_space<vmem>>, vector<1x16xi32>,
        %get3A_190 = vector.shape_cast %get3A_189 : vector<1x16xi32> to vector<16xi32>
        %add3A_191 = arith.addi %get3A_190, %broadcast_in_dim3A : vector<16xi32>
        %swap3A_192 = arith.index_cast %add3A_158 : i32 to index
        %swap3A_193 = arith.constant 48 : index
        %swap3A_194 = tpu.vector_load %arg6[%swap3A_192, %swap3A_193] {strides = array<i32>} : memref<8x64xi32, #tpu.memory_space<vmem>>, vector<1x16xi32>,
        %swap3A_195 = vector.shape_cast %swap3A_194 : vector<1x16xi32> to vector<16xi32>
        %swap3A_196 = vector.shape_cast %add3A_191 : vector<16xi32> to vector<1x16xi32>
        tpu.vector_store %arg6[%swap3A_192, %swap3A_193], %swap3A_196 {strides = array<i32>} : memref<8x64xi32, #tpu.memory_space<vmem>>, vector<1x16xi32>,
      }
      %scan3A_36 = arith.constant 8 : i32
      %dma_start3A = arith.constant 0 : i32
      %dma_start3A_37 = arith.constant 0 : i32
      %dma_start3A_38 = tpu.memref_slice %arg6[%dma_start3A, %dma_start3A_37] : memref<8x64xi32, #tpu.memory_space<vmem>> -> memref<1x64xi32, #tpu.memory_space<vmem>>
      %dma_start3A_39 = tpu.memref_squeeze %dma_start3A_38 : memref<1x64xi32, #tpu.memory_space<vmem>> -> memref<64xi32, #tpu.memory_space<vmem>>
      %dma_start3A_40 = arith.constant 0 : i32
      %dma_start3A_41 = arith.constant 0 : i32
      %dma_start3A_42 = tpu.memref_slice %arg2[%dma_start3A_40, %dma_start3A_41] : memref<20000x128xf32, #tpu.memory_space<hbm>> -> memref<20000x128xf32, #tpu.memory_space<hbm>>
      tpu.enqueue_indirect_dma source(%dma_start3A_42 : memref<20000x128xf32, #tpu.memory_space<hbm>>) target(%arg8 : memref<64x128xf32, #tpu.memory_space<vmem>>) offsets(%dma_start3A_39 : memref<64xi32, #tpu.memory_space<vmem>>) semaphore(%arg11 : memref<!tpu.dma_semaphore, #tpu.memory_space<semaphore_mem>>)
      %dma_start3A_43 = arith.constant 1 : i32
      %dma_start3A_44 = arith.constant 0 : i32
      %dma_start3A_45 = tpu.memref_slice %arg6[%dma_start3A_43, %dma_start3A_44] : memref<8x64xi32, #tpu.memory_space<vmem>> -> memref<1x64xi32, #tpu.memory_space<vmem>>
      %dma_start3A_46 = tpu.memref_squeeze %dma_start3A_45 : memref<1x64xi32, #tpu.memory_space<vmem>> -> memref<64xi32, #tpu.memory_space<vmem>>
      %dma_start3A_47 = arith.constant 0 : i32
      %dma_start3A_48 = arith.constant 0 : i32
      %dma_start3A_49 = tpu.memref_slice %arg2[%dma_start3A_47, %dma_start3A_48] : memref<20000x128xf32, #tpu.memory_space<hbm>> -> memref<20000x128xf32, #tpu.memory_space<hbm>>
      tpu.enqueue_indirect_dma source(%dma_start3A_49 : memref<20000x128xf32, #tpu.memory_space<hbm>>) target(%arg9 : memref<64x128xf32, #tpu.memory_space<vmem>>) offsets(%dma_start3A_46 : memref<64xi32, #tpu.memory_space<vmem>>) semaphore(%arg12 : memref<!tpu.dma_semaphore, #tpu.memory_space<semaphore_mem>>)
      %dma_wait3A = arith.constant 0 : i32
      %dma_wait3A_50 = arith.constant 0 : i32
      %dma_wait3A_51 = tpu.memref_slice %arg6[%dma_wait3A, %dma_wait3A_50] : memref<8x64xi32, #tpu.memory_space<vmem>> -> memref<1x64xi32, #tpu.memory_space<vmem>>
      %dma_wait3A_52 = tpu.memref_squeeze %dma_wait3A_51 : memref<1x64xi32, #tpu.memory_space<vmem>> -> memref<64xi32, #tpu.memory_space<vmem>>
      %dma_wait3A_53 = arith.constant 0 : i32
      %dma_wait3A_54 = arith.constant 0 : i32
      %dma_wait3A_55 = tpu.memref_slice %arg2[%dma_wait3A_53, %dma_wait3A_54] : memref<20000x128xf32, #tpu.memory_space<hbm>> -> memref<20000x128xf32, #tpu.memory_space<hbm>>
      tpu.wait_indirect_dma semaphore(%arg11 : memref<!tpu.dma_semaphore, #tpu.memory_space<semaphore_mem>>) src(%dma_wait3A_55 : memref<20000x128xf32, #tpu.memory_space<hbm>>) dst(%arg8 : memref<64x128xf32, #tpu.memory_space<vmem>>)
      %run_scoped3A = arith.constant 0 : i32
      "tpu.region"() ({
        %run_scoped3A_154 = tpu.sem_alloc : memref<!tpu.dma_semaphore, #tpu.memory_space<semaphore_mem>>
        %dma_start3A_155 = arith.constant 0 : i32
        %dma_start3A_156 = tpu.memref_slice %arg7[%run_scoped3A, %dma_start3A_155] : memref<8x64xi32, #tpu.memory_space<vmem>> -> memref<1x64xi32, #tpu.memory_space<vmem>>
        %dma_start3A_157 = tpu.memref_squeeze %dma_start3A_156 : memref<1x64xi32, #tpu.memory_space<vmem>> -> memref<64xi32, #tpu.memory_space<vmem>>
        %dma_start3A_158 = arith.constant 0 : i32
        %dma_start3A_159 = arith.constant 0 : i32
        %dma_start3A_160 = tpu.memref_slice %arg10[%dma_start3A_158, %dma_start3A_159] : memref<10112x128xf32, #tpu.memory_space<vmem_shared>> -> memref<10112x128xf32, #tpu.memory_space<vmem_shared>>
        tpu.enqueue_indirect_dma source(%arg8 : memref<64x128xf32, #tpu.memory_space<vmem>>) target(%dma_start3A_160 : memref<10112x128xf32, #tpu.memory_space<vmem_shared>>) offsets(%dma_start3A_157 : memref<64xi32, #tpu.memory_space<vmem>>) semaphore(%run_scoped3A_154 : memref<!tpu.dma_semaphore, #tpu.memory_space<semaphore_mem>>) {add = true}
        %dma_wait3A_161 = arith.constant 0 : i32
        %dma_wait3A_162 = tpu.memref_slice %arg7[%run_scoped3A, %dma_wait3A_161] : memref<8x64xi32, #tpu.memory_space<vmem>> -> memref<1x64xi32, #tpu.memory_space<vmem>>
        %dma_wait3A_163 = tpu.memref_squeeze %dma_wait3A_162 : memref<1x64xi32, #tpu.memory_space<vmem>> -> memref<64xi32, #tpu.memory_space<vmem>>
        %dma_wait3A_164 = arith.constant 0 : i32
        %dma_wait3A_165 = arith.constant 0 : i32
        %dma_wait3A_166 = tpu.memref_slice %arg10[%dma_wait3A_164, %dma_wait3A_165] : memref<10112x128xf32, #tpu.memory_space<vmem_shared>> -> memref<10112x128xf32, #tpu.memory_space<vmem_shared>>
        tpu.wait_indirect_dma semaphore(%run_scoped3A_154 : memref<!tpu.dma_semaphore, #tpu.memory_space<semaphore_mem>>) src(%arg8 : memref<64x128xf32, #tpu.memory_space<vmem>>) dst(%dma_wait3A_166 : memref<10112x128xf32, #tpu.memory_space<vmem_shared>>)
        tpu.yield
      }) : () -> ()
      %dma_wait3A_56 = arith.constant 1 : i32
      %dma_wait3A_57 = arith.constant 0 : i32
      %dma_wait3A_58 = tpu.memref_slice %arg6[%dma_wait3A_56, %dma_wait3A_57] : memref<8x64xi32, #tpu.memory_space<vmem>> -> memref<1x64xi32, #tpu.memory_space<vmem>>
      %dma_wait3A_59 = tpu.memref_squeeze %dma_wait3A_58 : memref<1x64xi32, #tpu.memory_space<vmem>> -> memref<64xi32, #tpu.memory_space<vmem>>
      %dma_wait3A_60 = arith.constant 0 : i32
      %dma_wait3A_61 = arith.constant 0 : i32
      %dma_wait3A_62 = tpu.memref_slice %arg2[%dma_wait3A_60, %dma_wait3A_61] : memref<20000x128xf32, #tpu.memory_space<hbm>> -> memref<20000x128xf32, #tpu.memory_space<hbm>>
      tpu.wait_indirect_dma semaphore(%arg12 : memref<!tpu.dma_semaphore, #tpu.memory_space<semaphore_mem>>) src(%dma_wait3A_62 : memref<20000x128xf32, #tpu.memory_space<hbm>>) dst(%arg9 : memref<64x128xf32, #tpu.memory_space<vmem>>)
      %run_scoped3A_63 = arith.constant 1 : i32
      "tpu.region"() ({
        %run_scoped3A_154 = tpu.sem_alloc : memref<!tpu.dma_semaphore, #tpu.memory_space<semaphore_mem>>
        %dma_start3A_155 = arith.constant 0 : i32
        %dma_start3A_156 = tpu.memref_slice %arg7[%run_scoped3A_63, %dma_start3A_155] : memref<8x64xi32, #tpu.memory_space<vmem>> -> memref<1x64xi32, #tpu.memory_space<vmem>>
        %dma_start3A_157 = tpu.memref_squeeze %dma_start3A_156 : memref<1x64xi32, #tpu.memory_space<vmem>> -> memref<64xi32, #tpu.memory_space<vmem>>
        %dma_start3A_158 = arith.constant 0 : i32
        %dma_start3A_159 = arith.constant 0 : i32
        %dma_start3A_160 = tpu.memref_slice %arg10[%dma_start3A_158, %dma_start3A_159] : memref<10112x128xf32, #tpu.memory_space<vmem_shared>> -> memref<10112x128xf32, #tpu.memory_space<vmem_shared>>
        tpu.enqueue_indirect_dma source(%arg9 : memref<64x128xf32, #tpu.memory_space<vmem>>) target(%dma_start3A_160 : memref<10112x128xf32, #tpu.memory_space<vmem_shared>>) offsets(%dma_start3A_157 : memref<64xi32, #tpu.memory_space<vmem>>) semaphore(%run_scoped3A_154 : memref<!tpu.dma_semaphore, #tpu.memory_space<semaphore_mem>>) {add = true}
        %dma_wait3A_161 = arith.constant 0 : i32
        %dma_wait3A_162 = tpu.memref_slice %arg7[%run_scoped3A_63, %dma_wait3A_161] : memref<8x64xi32, #tpu.memory_space<vmem>> -> memref<1x64xi32, #tpu.memory_space<vmem>>
        %dma_wait3A_163 = tpu.memref_squeeze %dma_wait3A_162 : memref<1x64xi32, #tpu.memory_space<vmem>> -> memref<64xi32, #tpu.memory_space<vmem>>
        %dma_wait3A_164 = arith.constant 0 : i32
        %dma_wait3A_165 = arith.constant 0 : i32
        %dma_wait3A_166 = tpu.memref_slice %arg10[%dma_wait3A_164, %dma_wait3A_165] : memref<10112x128xf32, #tpu.memory_space<vmem_shared>> -> memref<10112x128xf32, #tpu.memory_space<vmem_shared>>
        tpu.wait_indirect_dma semaphore(%run_scoped3A_154 : memref<!tpu.dma_semaphore, #tpu.memory_space<semaphore_mem>>) src(%arg9 : memref<64x128xf32, #tpu.memory_space<vmem>>) dst(%dma_wait3A_166 : memref<10112x128xf32, #tpu.memory_space<vmem_shared>>)
        tpu.yield
      }) : () -> ()
      %dma_start3A_64 = arith.constant 2 : i32
      %dma_start3A_65 = arith.constant 0 : i32
      %dma_start3A_66 = tpu.memref_slice %arg6[%dma_start3A_64, %dma_start3A_65] : memref<8x64xi32, #tpu.memory_space<vmem>> -> memref<1x64xi32, #tpu.memory_space<vmem>>
      %dma_start3A_67 = tpu.memref_squeeze %dma_start3A_66 : memref<1x64xi32, #tpu.memory_space<vmem>> -> memref<64xi32, #tpu.memory_space<vmem>>
      %dma_start3A_68 = arith.constant 0 : i32
      %dma_start3A_69 = arith.constant 0 : i32
      %dma_start3A_70 = tpu.memref_slice %arg2[%dma_start3A_68, %dma_start3A_69] : memref<20000x128xf32, #tpu.memory_space<hbm>> -> memref<20000x128xf32, #tpu.memory_space<hbm>>
      tpu.enqueue_indirect_dma source(%dma_start3A_70 : memref<20000x128xf32, #tpu.memory_space<hbm>>) target(%arg8 : memref<64x128xf32, #tpu.memory_space<vmem>>) offsets(%dma_start3A_67 : memref<64xi32, #tpu.memory_space<vmem>>) semaphore(%arg11 : memref<!tpu.dma_semaphore, #tpu.memory_space<semaphore_mem>>)
      %dma_start3A_71 = arith.constant 3 : i32
      %dma_start3A_72 = arith.constant 0 : i32
      %dma_start3A_73 = tpu.memref_slice %arg6[%dma_start3A_71, %dma_start3A_72] : memref<8x64xi32, #tpu.memory_space<vmem>> -> memref<1x64xi32, #tpu.memory_space<vmem>>
      %dma_start3A_74 = tpu.memref_squeeze %dma_start3A_73 : memref<1x64xi32, #tpu.memory_space<vmem>> -> memref<64xi32, #tpu.memory_space<vmem>>
      %dma_start3A_75 = arith.constant 0 : i32
      %dma_start3A_76 = arith.constant 0 : i32
      %dma_start3A_77 = tpu.memref_slice %arg2[%dma_start3A_75, %dma_start3A_76] : memref<20000x128xf32, #tpu.memory_space<hbm>> -> memref<20000x128xf32, #tpu.memory_space<hbm>>
      tpu.enqueue_indirect_dma source(%dma_start3A_77 : memref<20000x128xf32, #tpu.memory_space<hbm>>) target(%arg9 : memref<64x128xf32, #tpu.memory_space<vmem>>) offsets(%dma_start3A_74 : memref<64xi32, #tpu.memory_space<vmem>>) semaphore(%arg12 : memref<!tpu.dma_semaphore, #tpu.memory_space<semaphore_mem>>)
      %dma_wait3A_78 = arith.constant 2 : i32
      %dma_wait3A_79 = arith.constant 0 : i32
      %dma_wait3A_80 = tpu.memref_slice %arg6[%dma_wait3A_78, %dma_wait3A_79] : memref<8x64xi32, #tpu.memory_space<vmem>> -> memref<1x64xi32, #tpu.memory_space<vmem>>
      %dma_wait3A_81 = tpu.memref_squeeze %dma_wait3A_80 : memref<1x64xi32, #tpu.memory_space<vmem>> -> memref<64xi32, #tpu.memory_space<vmem>>
      %dma_wait3A_82 = arith.constant 0 : i32
      %dma_wait3A_83 = arith.constant 0 : i32
      %dma_wait3A_84 = tpu.memref_slice %arg2[%dma_wait3A_82, %dma_wait3A_83] : memref<20000x128xf32, #tpu.memory_space<hbm>> -> memref<20000x128xf32, #tpu.memory_space<hbm>>
      tpu.wait_indirect_dma semaphore(%arg11 : memref<!tpu.dma_semaphore, #tpu.memory_space<semaphore_mem>>) src(%dma_wait3A_84 : memref<20000x128xf32, #tpu.memory_space<hbm>>) dst(%arg8 : memref<64x128xf32, #tpu.memory_space<vmem>>)
      %run_scoped3A_85 = arith.constant 2 : i32
      "tpu.region"() ({
        %run_scoped3A_154 = tpu.sem_alloc : memref<!tpu.dma_semaphore, #tpu.memory_space<semaphore_mem>>
        %dma_start3A_155 = arith.constant 0 : i32
        %dma_start3A_156 = tpu.memref_slice %arg7[%run_scoped3A_85, %dma_start3A_155] : memref<8x64xi32, #tpu.memory_space<vmem>> -> memref<1x64xi32, #tpu.memory_space<vmem>>
        %dma_start3A_157 = tpu.memref_squeeze %dma_start3A_156 : memref<1x64xi32, #tpu.memory_space<vmem>> -> memref<64xi32, #tpu.memory_space<vmem>>
        %dma_start3A_158 = arith.constant 0 : i32
        %dma_start3A_159 = arith.constant 0 : i32
        %dma_start3A_160 = tpu.memref_slice %arg10[%dma_start3A_158, %dma_start3A_159] : memref<10112x128xf32, #tpu.memory_space<vmem_shared>> -> memref<10112x128xf32, #tpu.memory_space<vmem_shared>>
        tpu.enqueue_indirect_dma source(%arg8 : memref<64x128xf32, #tpu.memory_space<vmem>>) target(%dma_start3A_160 : memref<10112x128xf32, #tpu.memory_space<vmem_shared>>) offsets(%dma_start3A_157 : memref<64xi32, #tpu.memory_space<vmem>>) semaphore(%run_scoped3A_154 : memref<!tpu.dma_semaphore, #tpu.memory_space<semaphore_mem>>) {add = true}
        %dma_wait3A_161 = arith.constant 0 : i32
        %dma_wait3A_162 = tpu.memref_slice %arg7[%run_scoped3A_85, %dma_wait3A_161] : memref<8x64xi32, #tpu.memory_space<vmem>> -> memref<1x64xi32, #tpu.memory_space<vmem>>
        %dma_wait3A_163 = tpu.memref_squeeze %dma_wait3A_162 : memref<1x64xi32, #tpu.memory_space<vmem>> -> memref<64xi32, #tpu.memory_space<vmem>>
        %dma_wait3A_164 = arith.constant 0 : i32
        %dma_wait3A_165 = arith.constant 0 : i32
        %dma_wait3A_166 = tpu.memref_slice %arg10[%dma_wait3A_164, %dma_wait3A_165] : memref<10112x128xf32, #tpu.memory_space<vmem_shared>> -> memref<10112x128xf32, #tpu.memory_space<vmem_shared>>
        tpu.wait_indirect_dma semaphore(%run_scoped3A_154 : memref<!tpu.dma_semaphore, #tpu.memory_space<semaphore_mem>>) src(%arg8 : memref<64x128xf32, #tpu.memory_space<vmem>>) dst(%dma_wait3A_166 : memref<10112x128xf32, #tpu.memory_space<vmem_shared>>)
        tpu.yield
      }) : () -> ()
      %dma_wait3A_86 = arith.constant 3 : i32
      %dma_wait3A_87 = arith.constant 0 : i32
      %dma_wait3A_88 = tpu.memref_slice %arg6[%dma_wait3A_86, %dma_wait3A_87] : memref<8x64xi32, #tpu.memory_space<vmem>> -> memref<1x64xi32, #tpu.memory_space<vmem>>
      %dma_wait3A_89 = tpu.memref_squeeze %dma_wait3A_88 : memref<1x64xi32, #tpu.memory_space<vmem>> -> memref<64xi32, #tpu.memory_space<vmem>>
      %dma_wait3A_90 = arith.constant 0 : i32
      %dma_wait3A_91 = arith.constant 0 : i32
      %dma_wait3A_92 = tpu.memref_slice %arg2[%dma_wait3A_90, %dma_wait3A_91] : memref<20000x128xf32, #tpu.memory_space<hbm>> -> memref<20000x128xf32, #tpu.memory_space<hbm>>
      tpu.wait_indirect_dma semaphore(%arg12 : memref<!tpu.dma_semaphore, #tpu.memory_space<semaphore_mem>>) src(%dma_wait3A_92 : memref<20000x128xf32, #tpu.memory_space<hbm>>) dst(%arg9 : memref<64x128xf32, #tpu.memory_space<vmem>>)
      %run_scoped3A_93 = arith.constant 3 : i32
      "tpu.region"() ({
        %run_scoped3A_154 = tpu.sem_alloc : memref<!tpu.dma_semaphore, #tpu.memory_space<semaphore_mem>>
        %dma_start3A_155 = arith.constant 0 : i32
        %dma_start3A_156 = tpu.memref_slice %arg7[%run_scoped3A_93, %dma_start3A_155] : memref<8x64xi32, #tpu.memory_space<vmem>> -> memref<1x64xi32, #tpu.memory_space<vmem>>
        %dma_start3A_157 = tpu.memref_squeeze %dma_start3A_156 : memref<1x64xi32, #tpu.memory_space<vmem>> -> memref<64xi32, #tpu.memory_space<vmem>>
        %dma_start3A_158 = arith.constant 0 : i32
        %dma_start3A_159 = arith.constant 0 : i32
        %dma_start3A_160 = tpu.memref_slice %arg10[%dma_start3A_158, %dma_start3A_159] : memref<10112x128xf32, #tpu.memory_space<vmem_shared>> -> memref<10112x128xf32, #tpu.memory_space<vmem_shared>>
        tpu.enqueue_indirect_dma source(%arg9 : memref<64x128xf32, #tpu.memory_space<vmem>>) target(%dma_start3A_160 : memref<10112x128xf32, #tpu.memory_space<vmem_shared>>) offsets(%dma_start3A_157 : memref<64xi32, #tpu.memory_space<vmem>>) semaphore(%run_scoped3A_154 : memref<!tpu.dma_semaphore, #tpu.memory_space<semaphore_mem>>) {add = true}
        %dma_wait3A_161 = arith.constant 0 : i32
        %dma_wait3A_162 = tpu.memref_slice %arg7[%run_scoped3A_93, %dma_wait3A_161] : memref<8x64xi32, #tpu.memory_space<vmem>> -> memref<1x64xi32, #tpu.memory_space<vmem>>
        %dma_wait3A_163 = tpu.memref_squeeze %dma_wait3A_162 : memref<1x64xi32, #tpu.memory_space<vmem>> -> memref<64xi32, #tpu.memory_space<vmem>>
        %dma_wait3A_164 = arith.constant 0 : i32
        %dma_wait3A_165 = arith.constant 0 : i32
        %dma_wait3A_166 = tpu.memref_slice %arg10[%dma_wait3A_164, %dma_wait3A_165] : memref<10112x128xf32, #tpu.memory_space<vmem_shared>> -> memref<10112x128xf32, #tpu.memory_space<vmem_shared>>
        tpu.wait_indirect_dma semaphore(%run_scoped3A_154 : memref<!tpu.dma_semaphore, #tpu.memory_space<semaphore_mem>>) src(%arg9 : memref<64x128xf32, #tpu.memory_space<vmem>>) dst(%dma_wait3A_166 : memref<10112x128xf32, #tpu.memory_space<vmem_shared>>)
        tpu.yield
      }) : () -> ()
      %dma_start3A_94 = arith.constant 4 : i32
      %dma_start3A_95 = arith.constant 0 : i32
      %dma_start3A_96 = tpu.memref_slice %arg6[%dma_start3A_94, %dma_start3A_95] : memref<8x64xi32, #tpu.memory_space<vmem>> -> memref<1x64xi32, #tpu.memory_space<vmem>>
      %dma_start3A_97 = tpu.memref_squeeze %dma_start3A_96 : memref<1x64xi32, #tpu.memory_space<vmem>> -> memref<64xi32, #tpu.memory_space<vmem>>
      %dma_start3A_98 = arith.constant 0 : i32
      %dma_start3A_99 = arith.constant 0 : i32
      %dma_start3A_100 = tpu.memref_slice %arg2[%dma_start3A_98, %dma_start3A_99] : memref<20000x128xf32, #tpu.memory_space<hbm>> -> memref<20000x128xf32, #tpu.memory_space<hbm>>
      tpu.enqueue_indirect_dma source(%dma_start3A_100 : memref<20000x128xf32, #tpu.memory_space<hbm>>) target(%arg8 : memref<64x128xf32, #tpu.memory_space<vmem>>) offsets(%dma_start3A_97 : memref<64xi32, #tpu.memory_space<vmem>>) semaphore(%arg11 : memref<!tpu.dma_semaphore, #tpu.memory_space<semaphore_mem>>)
      %dma_start3A_101 = arith.constant 5 : i32
      %dma_start3A_102 = arith.constant 0 : i32
      %dma_start3A_103 = tpu.memref_slice %arg6[%dma_start3A_101, %dma_start3A_102] : memref<8x64xi32, #tpu.memory_space<vmem>> -> memref<1x64xi32, #tpu.memory_space<vmem>>
      %dma_start3A_104 = tpu.memref_squeeze %dma_start3A_103 : memref<1x64xi32, #tpu.memory_space<vmem>> -> memref<64xi32, #tpu.memory_space<vmem>>
      %dma_start3A_105 = arith.constant 0 : i32
      %dma_start3A_106 = arith.constant 0 : i32
      %dma_start3A_107 = tpu.memref_slice %arg2[%dma_start3A_105, %dma_start3A_106] : memref<20000x128xf32, #tpu.memory_space<hbm>> -> memref<20000x128xf32, #tpu.memory_space<hbm>>
      tpu.enqueue_indirect_dma source(%dma_start3A_107 : memref<20000x128xf32, #tpu.memory_space<hbm>>) target(%arg9 : memref<64x128xf32, #tpu.memory_space<vmem>>) offsets(%dma_start3A_104 : memref<64xi32, #tpu.memory_space<vmem>>) semaphore(%arg12 : memref<!tpu.dma_semaphore, #tpu.memory_space<semaphore_mem>>)
      %dma_wait3A_108 = arith.constant 4 : i32
      %dma_wait3A_109 = arith.constant 0 : i32
      %dma_wait3A_110 = tpu.memref_slice %arg6[%dma_wait3A_108, %dma_wait3A_109] : memref<8x64xi32, #tpu.memory_space<vmem>> -> memref<1x64xi32, #tpu.memory_space<vmem>>
      %dma_wait3A_111 = tpu.memref_squeeze %dma_wait3A_110 : memref<1x64xi32, #tpu.memory_space<vmem>> -> memref<64xi32, #tpu.memory_space<vmem>>
      %dma_wait3A_112 = arith.constant 0 : i32
      %dma_wait3A_113 = arith.constant 0 : i32
      %dma_wait3A_114 = tpu.memref_slice %arg2[%dma_wait3A_112, %dma_wait3A_113] : memref<20000x128xf32, #tpu.memory_space<hbm>> -> memref<20000x128xf32, #tpu.memory_space<hbm>>
      tpu.wait_indirect_dma semaphore(%arg11 : memref<!tpu.dma_semaphore, #tpu.memory_space<semaphore_mem>>) src(%dma_wait3A_114 : memref<20000x128xf32, #tpu.memory_space<hbm>>) dst(%arg8 : memref<64x128xf32, #tpu.memory_space<vmem>>)
      %run_scoped3A_115 = arith.constant 4 : i32
      "tpu.region"() ({
        %run_scoped3A_154 = tpu.sem_alloc : memref<!tpu.dma_semaphore, #tpu.memory_space<semaphore_mem>>
        %dma_start3A_155 = arith.constant 0 : i32
        %dma_start3A_156 = tpu.memref_slice %arg7[%run_scoped3A_115, %dma_start3A_155] : memref<8x64xi32, #tpu.memory_space<vmem>> -> memref<1x64xi32, #tpu.memory_space<vmem>>
        %dma_start3A_157 = tpu.memref_squeeze %dma_start3A_156 : memref<1x64xi32, #tpu.memory_space<vmem>> -> memref<64xi32, #tpu.memory_space<vmem>>
        %dma_start3A_158 = arith.constant 0 : i32
        %dma_start3A_159 = arith.constant 0 : i32
        %dma_start3A_160 = tpu.memref_slice %arg10[%dma_start3A_158, %dma_start3A_159] : memref<10112x128xf32, #tpu.memory_space<vmem_shared>> -> memref<10112x128xf32, #tpu.memory_space<vmem_shared>>
        tpu.enqueue_indirect_dma source(%arg8 : memref<64x128xf32, #tpu.memory_space<vmem>>) target(%dma_start3A_160 : memref<10112x128xf32, #tpu.memory_space<vmem_shared>>) offsets(%dma_start3A_157 : memref<64xi32, #tpu.memory_space<vmem>>) semaphore(%run_scoped3A_154 : memref<!tpu.dma_semaphore, #tpu.memory_space<semaphore_mem>>) {add = true}
        %dma_wait3A_161 = arith.constant 0 : i32
        %dma_wait3A_162 = tpu.memref_slice %arg7[%run_scoped3A_115, %dma_wait3A_161] : memref<8x64xi32, #tpu.memory_space<vmem>> -> memref<1x64xi32, #tpu.memory_space<vmem>>
        %dma_wait3A_163 = tpu.memref_squeeze %dma_wait3A_162 : memref<1x64xi32, #tpu.memory_space<vmem>> -> memref<64xi32, #tpu.memory_space<vmem>>
        %dma_wait3A_164 = arith.constant 0 : i32
        %dma_wait3A_165 = arith.constant 0 : i32
        %dma_wait3A_166 = tpu.memref_slice %arg10[%dma_wait3A_164, %dma_wait3A_165] : memref<10112x128xf32, #tpu.memory_space<vmem_shared>> -> memref<10112x128xf32, #tpu.memory_space<vmem_shared>>
        tpu.wait_indirect_dma semaphore(%run_scoped3A_154 : memref<!tpu.dma_semaphore, #tpu.memory_space<semaphore_mem>>) src(%arg8 : memref<64x128xf32, #tpu.memory_space<vmem>>) dst(%dma_wait3A_166 : memref<10112x128xf32, #tpu.memory_space<vmem_shared>>)
        tpu.yield
      }) : () -> ()
      %dma_wait3A_116 = arith.constant 5 : i32
      %dma_wait3A_117 = arith.constant 0 : i32
      %dma_wait3A_118 = tpu.memref_slice %arg6[%dma_wait3A_116, %dma_wait3A_117] : memref<8x64xi32, #tpu.memory_space<vmem>> -> memref<1x64xi32, #tpu.memory_space<vmem>>
      %dma_wait3A_119 = tpu.memref_squeeze %dma_wait3A_118 : memref<1x64xi32, #tpu.memory_space<vmem>> -> memref<64xi32, #tpu.memory_space<vmem>>
      %dma_wait3A_120 = arith.constant 0 : i32
      %dma_wait3A_121 = arith.constant 0 : i32
      %dma_wait3A_122 = tpu.memref_slice %arg2[%dma_wait3A_120, %dma_wait3A_121] : memref<20000x128xf32, #tpu.memory_space<hbm>> -> memref<20000x128xf32, #tpu.memory_space<hbm>>
      tpu.wait_indirect_dma semaphore(%arg12 : memref<!tpu.dma_semaphore, #tpu.memory_space<semaphore_mem>>) src(%dma_wait3A_122 : memref<20000x128xf32, #tpu.memory_space<hbm>>) dst(%arg9 : memref<64x128xf32, #tpu.memory_space<vmem>>)
      %run_scoped3A_123 = arith.constant 5 : i32
      "tpu.region"() ({
        %run_scoped3A_154 = tpu.sem_alloc : memref<!tpu.dma_semaphore, #tpu.memory_space<semaphore_mem>>
        %dma_start3A_155 = arith.constant 0 : i32
        %dma_start3A_156 = tpu.memref_slice %arg7[%run_scoped3A_123, %dma_start3A_155] : memref<8x64xi32, #tpu.memory_space<vmem>> -> memref<1x64xi32, #tpu.memory_space<vmem>>
        %dma_start3A_157 = tpu.memref_squeeze %dma_start3A_156 : memref<1x64xi32, #tpu.memory_space<vmem>> -> memref<64xi32, #tpu.memory_space<vmem>>
        %dma_start3A_158 = arith.constant 0 : i32
        %dma_start3A_159 = arith.constant 0 : i32
        %dma_start3A_160 = tpu.memref_slice %arg10[%dma_start3A_158, %dma_start3A_159] : memref<10112x128xf32, #tpu.memory_space<vmem_shared>> -> memref<10112x128xf32, #tpu.memory_space<vmem_shared>>
        tpu.enqueue_indirect_dma source(%arg9 : memref<64x128xf32, #tpu.memory_space<vmem>>) target(%dma_start3A_160 : memref<10112x128xf32, #tpu.memory_space<vmem_shared>>) offsets(%dma_start3A_157 : memref<64xi32, #tpu.memory_space<vmem>>) semaphore(%run_scoped3A_154 : memref<!tpu.dma_semaphore, #tpu.memory_space<semaphore_mem>>) {add = true}
        %dma_wait3A_161 = arith.constant 0 : i32
        %dma_wait3A_162 = tpu.memref_slice %arg7[%run_scoped3A_123, %dma_wait3A_161] : memref<8x64xi32, #tpu.memory_space<vmem>> -> memref<1x64xi32, #tpu.memory_space<vmem>>
        %dma_wait3A_163 = tpu.memref_squeeze %dma_wait3A_162 : memref<1x64xi32, #tpu.memory_space<vmem>> -> memref<64xi32, #tpu.memory_space<vmem>>
        %dma_wait3A_164 = arith.constant 0 : i32
        %dma_wait3A_165 = arith.constant 0 : i32
        %dma_wait3A_166 = tpu.memref_slice %arg10[%dma_wait3A_164, %dma_wait3A_165] : memref<10112x128xf32, #tpu.memory_space<vmem_shared>> -> memref<10112x128xf32, #tpu.memory_space<vmem_shared>>
        tpu.wait_indirect_dma semaphore(%run_scoped3A_154 : memref<!tpu.dma_semaphore, #tpu.memory_space<semaphore_mem>>) src(%arg9 : memref<64x128xf32, #tpu.memory_space<vmem>>) dst(%dma_wait3A_166 : memref<10112x128xf32, #tpu.memory_space<vmem_shared>>)
        tpu.yield
      }) : () -> ()
      %dma_start3A_124 = arith.constant 6 : i32
      %dma_start3A_125 = arith.constant 0 : i32
      %dma_start3A_126 = tpu.memref_slice %arg6[%dma_start3A_124, %dma_start3A_125] : memref<8x64xi32, #tpu.memory_space<vmem>> -> memref<1x64xi32, #tpu.memory_space<vmem>>
      %dma_start3A_127 = tpu.memref_squeeze %dma_start3A_126 : memref<1x64xi32, #tpu.memory_space<vmem>> -> memref<64xi32, #tpu.memory_space<vmem>>
      %dma_start3A_128 = arith.constant 0 : i32
      %dma_start3A_129 = arith.constant 0 : i32
      %dma_start3A_130 = tpu.memref_slice %arg2[%dma_start3A_128, %dma_start3A_129] : memref<20000x128xf32, #tpu.memory_space<hbm>> -> memref<20000x128xf32, #tpu.memory_space<hbm>>
      tpu.enqueue_indirect_dma source(%dma_start3A_130 : memref<20000x128xf32, #tpu.memory_space<hbm>>) target(%arg8 : memref<64x128xf32, #tpu.memory_space<vmem>>) offsets(%dma_start3A_127 : memref<64xi32, #tpu.memory_space<vmem>>) semaphore(%arg11 : memref<!tpu.dma_semaphore, #tpu.memory_space<semaphore_mem>>)
      %dma_start3A_131 = arith.constant 7 : i32
      %dma_start3A_132 = arith.constant 0 : i32
      %dma_start3A_133 = tpu.memref_slice %arg6[%dma_start3A_131, %dma_start3A_132] : memref<8x64xi32, #tpu.memory_space<vmem>> -> memref<1x64xi32, #tpu.memory_space<vmem>>
      %dma_start3A_134 = tpu.memref_squeeze %dma_start3A_133 : memref<1x64xi32, #tpu.memory_space<vmem>> -> memref<64xi32, #tpu.memory_space<vmem>>
      %dma_start3A_135 = arith.constant 0 : i32
      %dma_start3A_136 = arith.constant 0 : i32
      %dma_start3A_137 = tpu.memref_slice %arg2[%dma_start3A_135, %dma_start3A_136] : memref<20000x128xf32, #tpu.memory_space<hbm>> -> memref<20000x128xf32, #tpu.memory_space<hbm>>
      tpu.enqueue_indirect_dma source(%dma_start3A_137 : memref<20000x128xf32, #tpu.memory_space<hbm>>) target(%arg9 : memref<64x128xf32, #tpu.memory_space<vmem>>) offsets(%dma_start3A_134 : memref<64xi32, #tpu.memory_space<vmem>>) semaphore(%arg12 : memref<!tpu.dma_semaphore, #tpu.memory_space<semaphore_mem>>)
      %dma_wait3A_138 = arith.constant 6 : i32
      %dma_wait3A_139 = arith.constant 0 : i32
      %dma_wait3A_140 = tpu.memref_slice %arg6[%dma_wait3A_138, %dma_wait3A_139] : memref<8x64xi32, #tpu.memory_space<vmem>> -> memref<1x64xi32, #tpu.memory_space<vmem>>
      %dma_wait3A_141 = tpu.memref_squeeze %dma_wait3A_140 : memref<1x64xi32, #tpu.memory_space<vmem>> -> memref<64xi32, #tpu.memory_space<vmem>>
      %dma_wait3A_142 = arith.constant 0 : i32
      %dma_wait3A_143 = arith.constant 0 : i32
      %dma_wait3A_144 = tpu.memref_slice %arg2[%dma_wait3A_142, %dma_wait3A_143] : memref<20000x128xf32, #tpu.memory_space<hbm>> -> memref<20000x128xf32, #tpu.memory_space<hbm>>
      tpu.wait_indirect_dma semaphore(%arg11 : memref<!tpu.dma_semaphore, #tpu.memory_space<semaphore_mem>>) src(%dma_wait3A_144 : memref<20000x128xf32, #tpu.memory_space<hbm>>) dst(%arg8 : memref<64x128xf32, #tpu.memory_space<vmem>>)
      %run_scoped3A_145 = arith.constant 6 : i32
      "tpu.region"() ({
        %run_scoped3A_154 = tpu.sem_alloc : memref<!tpu.dma_semaphore, #tpu.memory_space<semaphore_mem>>
        %dma_start3A_155 = arith.constant 0 : i32
        %dma_start3A_156 = tpu.memref_slice %arg7[%run_scoped3A_145, %dma_start3A_155] : memref<8x64xi32, #tpu.memory_space<vmem>> -> memref<1x64xi32, #tpu.memory_space<vmem>>
        %dma_start3A_157 = tpu.memref_squeeze %dma_start3A_156 : memref<1x64xi32, #tpu.memory_space<vmem>> -> memref<64xi32, #tpu.memory_space<vmem>>
        %dma_start3A_158 = arith.constant 0 : i32
        %dma_start3A_159 = arith.constant 0 : i32
        %dma_start3A_160 = tpu.memref_slice %arg10[%dma_start3A_158, %dma_start3A_159] : memref<10112x128xf32, #tpu.memory_space<vmem_shared>> -> memref<10112x128xf32, #tpu.memory_space<vmem_shared>>
        tpu.enqueue_indirect_dma source(%arg8 : memref<64x128xf32, #tpu.memory_space<vmem>>) target(%dma_start3A_160 : memref<10112x128xf32, #tpu.memory_space<vmem_shared>>) offsets(%dma_start3A_157 : memref<64xi32, #tpu.memory_space<vmem>>) semaphore(%run_scoped3A_154 : memref<!tpu.dma_semaphore, #tpu.memory_space<semaphore_mem>>) {add = true}
        %dma_wait3A_161 = arith.constant 0 : i32
        %dma_wait3A_162 = tpu.memref_slice %arg7[%run_scoped3A_145, %dma_wait3A_161] : memref<8x64xi32, #tpu.memory_space<vmem>> -> memref<1x64xi32, #tpu.memory_space<vmem>>
        %dma_wait3A_163 = tpu.memref_squeeze %dma_wait3A_162 : memref<1x64xi32, #tpu.memory_space<vmem>> -> memref<64xi32, #tpu.memory_space<vmem>>
        %dma_wait3A_164 = arith.constant 0 : i32
        %dma_wait3A_165 = arith.constant 0 : i32
        %dma_wait3A_166 = tpu.memref_slice %arg10[%dma_wait3A_164, %dma_wait3A_165] : memref<10112x128xf32, #tpu.memory_space<vmem_shared>> -> memref<10112x128xf32, #tpu.memory_space<vmem_shared>>
        tpu.wait_indirect_dma semaphore(%run_scoped3A_154 : memref<!tpu.dma_semaphore, #tpu.memory_space<semaphore_mem>>) src(%arg8 : memref<64x128xf32, #tpu.memory_space<vmem>>) dst(%dma_wait3A_166 : memref<10112x128xf32, #tpu.memory_space<vmem_shared>>)
        tpu.yield
      }) : () -> ()
      %dma_wait3A_146 = arith.constant 7 : i32
      %dma_wait3A_147 = arith.constant 0 : i32
      %dma_wait3A_148 = tpu.memref_slice %arg6[%dma_wait3A_146, %dma_wait3A_147] : memref<8x64xi32, #tpu.memory_space<vmem>> -> memref<1x64xi32, #tpu.memory_space<vmem>>
      %dma_wait3A_149 = tpu.memref_squeeze %dma_wait3A_148 : memref<1x64xi32, #tpu.memory_space<vmem>> -> memref<64xi32, #tpu.memory_space<vmem>>
      %dma_wait3A_150 = arith.constant 0 : i32
      %dma_wait3A_151 = arith.constant 0 : i32
      %dma_wait3A_152 = tpu.memref_slice %arg2[%dma_wait3A_150, %dma_wait3A_151] : memref<20000x128xf32, #tpu.memory_space<hbm>> -> memref<20000x128xf32, #tpu.memory_space<hbm>>
      tpu.wait_indirect_dma semaphore(%arg12 : memref<!tpu.dma_semaphore, #tpu.memory_space<semaphore_mem>>) src(%dma_wait3A_152 : memref<20000x128xf32, #tpu.memory_space<hbm>>) dst(%arg9 : memref<64x128xf32, #tpu.memory_space<vmem>>)
      %run_scoped3A_153 = arith.constant 7 : i32
      "tpu.region"() ({
        %run_scoped3A_154 = tpu.sem_alloc : memref<!tpu.dma_semaphore, #tpu.memory_space<semaphore_mem>>
        %dma_start3A_155 = arith.constant 0 : i32
        %dma_start3A_156 = tpu.memref_slice %arg7[%run_scoped3A_153, %dma_start3A_155] : memref<8x64xi32, #tpu.memory_space<vmem>> -> memref<1x64xi32, #tpu.memory_space<vmem>>
        %dma_start3A_157 = tpu.memref_squeeze %dma_start3A_156 : memref<1x64xi32, #tpu.memory_space<vmem>> -> memref<64xi32, #tpu.memory_space<vmem>>
        %dma_start3A_158 = arith.constant 0 : i32
        %dma_start3A_159 = arith.constant 0 : i32
        %dma_start3A_160 = tpu.memref_slice %arg10[%dma_start3A_158, %dma_start3A_159] : memref<10112x128xf32, #tpu.memory_space<vmem_shared>> -> memref<10112x128xf32, #tpu.memory_space<vmem_shared>>
        tpu.enqueue_indirect_dma source(%arg9 : memref<64x128xf32, #tpu.memory_space<vmem>>) target(%dma_start3A_160 : memref<10112x128xf32, #tpu.memory_space<vmem_shared>>) offsets(%dma_start3A_157 : memref<64xi32, #tpu.memory_space<vmem>>) semaphore(%run_scoped3A_154 : memref<!tpu.dma_semaphore, #tpu.memory_space<semaphore_mem>>) {add = true}
        %dma_wait3A_161 = arith.constant 0 : i32
        %dma_wait3A_162 = tpu.memref_slice %arg7[%run_scoped3A_153, %dma_wait3A_161] : memref<8x64xi32, #tpu.memory_space<vmem>> -> memref<1x64xi32, #tpu.memory_space<vmem>>
        %dma_wait3A_163 = tpu.memref_squeeze %dma_wait3A_162 : memref<1x64xi32, #tpu.memory_space<vmem>> -> memref<64xi32, #tpu.memory_space<vmem>>
        %dma_wait3A_164 = arith.constant 0 : i32
        %dma_wait3A_165 = arith.constant 0 : i32
        %dma_wait3A_166 = tpu.memref_slice %arg10[%dma_wait3A_164, %dma_wait3A_165] : memref<10112x128xf32, #tpu.memory_space<vmem_shared>> -> memref<10112x128xf32, #tpu.memory_space<vmem_shared>>
        tpu.wait_indirect_dma semaphore(%run_scoped3A_154 : memref<!tpu.dma_semaphore, #tpu.memory_space<semaphore_mem>>) src(%arg9 : memref<64x128xf32, #tpu.memory_space<vmem>>) dst(%dma_wait3A_166 : memref<10112x128xf32, #tpu.memory_space<vmem_shared>>)
        tpu.yield
      }) : () -> ()
    }
    %scan3A_16 = arith.constant 40 : i32
    %barrier3A_17 = arith.constant 0 : index
    tpu.barrier barrier_id(%barrier3A_17)
    %mul3A_18 = arith.constant 632 : i32
    %mul3A_19 = arith.muli %arg1, %mul3A_18 : i32
    %mul3A_20 = arith.constant 632 : i32
    %mul3A_21 = arith.muli %arg1, %mul3A_20 : i32
    "tpu.region"() ({
      %run_scoped3A = tpu.sem_alloc : memref<!tpu.dma_semaphore, #tpu.memory_space<semaphore_mem>>
      %dma_start3A = arith.constant 0 : i32
      %dma_start3A_22 = tpu.memref_slice %arg5[%arg0, %mul3A_21, %dma_start3A] : memref<2x10112x128xf32, #tpu.memory_space<hbm>> -> memref<1x632x128xf32, #tpu.memory_space<hbm>>
      %dma_start3A_23 = tpu.memref_squeeze %dma_start3A_22 : memref<1x632x128xf32, #tpu.memory_space<hbm>> -> memref<632x128xf32, #tpu.memory_space<hbm>>
      %dma_start3A_24 = arith.constant 0 : i32
      %dma_start3A_25 = tpu.memref_slice %arg10[%mul3A_19, %dma_start3A_24] : memref<10112x128xf32, #tpu.memory_space<vmem_shared>> -> memref<632x128xf32, #tpu.memory_space<vmem_shared>>
      tpu.enqueue_dma source(%dma_start3A_25 : memref<632x128xf32, #tpu.memory_space<vmem_shared>>) target(%dma_start3A_23 : memref<632x128xf32, #tpu.memory_space<hbm>>) target_semaphore(%run_scoped3A : memref<!tpu.dma_semaphore, #tpu.memory_space<semaphore_mem>>)
      %dma_wait3A = arith.constant 0 : i32
      %dma_wait3A_26 = tpu.memref_slice %arg5[%arg0, %mul3A_21, %dma_wait3A] : memref<2x10112x128xf32, #tpu.memory_space<hbm>> -> memref<1x632x128xf32, #tpu.memory_space<hbm>>
      %dma_wait3A_27 = tpu.memref_squeeze %dma_wait3A_26 : memref<1x632x128xf32, #tpu.memory_space<hbm>> -> memref<632x128xf32, #tpu.memory_space<hbm>>
      %dma_wait3A_28 = arith.constant 0 : i32
      %dma_wait3A_29 = tpu.memref_slice %arg10[%mul3A_19, %dma_wait3A_28] : memref<10112x128xf32, #tpu.memory_space<vmem_shared>> -> memref<632x128xf32, #tpu.memory_space<vmem_shared>>
      tpu.wait_dma2 semaphore(%run_scoped3A : memref<!tpu.dma_semaphore, #tpu.memory_space<semaphore_mem>>) src(%dma_wait3A_29 : memref<632x128xf32, #tpu.memory_space<vmem_shared>>) dst(%dma_wait3A_27 : memref<632x128xf32, #tpu.memory_space<hbm>>)
      tpu.yield
    }) : () -> ()
    return
  }
}

#map = affine_map<(d0, d1) -> (0, 0)>
#map1 = affine_map<(d0, d1) -> (0, 0, 0)>
module attributes {stable_mosaic.version = 14 : i64} {
  func.func @_sc_gat_body(%arg0: i32, %arg1: i32, %arg2: memref<20000x128xf32, #tpu.memory_space<hbm>>, %arg3: memref<2560x128xi32, #tpu.memory_space<hbm>>, %arg4: memref<2x2560x128xi32, #tpu.memory_space<hbm>>, %arg5: memref<2x10112x128xf32, #tpu.memory_space<hbm>>, %arg6: memref<8x128xi32, #tpu.memory_space<vmem>>, %arg7: memref<8x128xi32, #tpu.memory_space<vmem>>, %arg8: memref<128x128xf32, #tpu.memory_space<vmem>>, %arg9: memref<128x128xf32, #tpu.memory_space<vmem>>, %arg10: memref<10112x128xf32, #tpu.memory_space<vmem_shared>>, %arg11: memref<!tpu.dma_semaphore, #tpu.memory_space<semaphore_mem>>, %arg12: memref<!tpu.dma_semaphore, #tpu.memory_space<semaphore_mem>>) attributes {dimension_semantics = [#tpu.dimension_semantics<core_parallel>, #tpu.dimension_semantics<subcore_parallel>], iteration_bounds = array<i64: 2, 16>, scalar_prefetch = 0 : i64, scratch_operands = 7 : i64, tpu.core_type = #tpu.core_type<sc_vector_subcore>, window_params = [{transform_indices = #map}, {transform_indices = #map}, {transform_indices = #map1}, {transform_indices = #map1}]} {
    %scan3A = arith.constant 0 : i32
    %scan3A_0 = arith.constant 8 : i32
    %scan3A_1 = arith.addi %scan3A, %scan3A_0 : i32
    %scan3A_2 = arith.constant 1 : i32
    scf.for %scan3A_20 = %scan3A to %scan3A_1 step %scan3A_2  : i32 {
      %mul3A_21 = arith.constant 1 : i32
      %mul3A_22 = arith.muli %scan3A_20, %mul3A_21 : i32
      %add3A = arith.constant 0 : i32
      %add3A_23 = arith.addi %add3A, %mul3A_22 : i32
      %broadcast_in_dim3A = arith.constant 0.000000e+00 : f32
      %broadcast_in_dim3A_24 = vector.broadcast %broadcast_in_dim3A : f32 to vector<16xf32>
      %swap3A = arith.index_cast %add3A_23 : i32 to index
      %swap3A_25 = arith.constant 0 : index
      %swap3A_26 = tpu.vector_load %arg8[%swap3A, %swap3A_25] {strides = array<i32>} : memref<128x128xf32, #tpu.memory_space<vmem>>, vector<1x16xf32>,
      %swap3A_27 = vector.shape_cast %swap3A_26 : vector<1x16xf32> to vector<16xf32>
      %swap3A_28 = vector.shape_cast %broadcast_in_dim3A_24 : vector<16xf32> to vector<1x16xf32>
      tpu.vector_store %arg8[%swap3A, %swap3A_25], %swap3A_28 {strides = array<i32>} : memref<128x128xf32, #tpu.memory_space<vmem>>, vector<1x16xf32>,
      %broadcast_in_dim3A_29 = arith.constant 0.000000e+00 : f32
      %broadcast_in_dim3A_30 = vector.broadcast %broadcast_in_dim3A_29 : f32 to vector<16xf32>
      %swap3A_31 = arith.index_cast %add3A_23 : i32 to index
      %swap3A_32 = arith.constant 16 : index
      %swap3A_33 = tpu.vector_load %arg8[%swap3A_31, %swap3A_32] {strides = array<i32>} : memref<128x128xf32, #tpu.memory_space<vmem>>, vector<1x16xf32>,
      %swap3A_34 = vector.shape_cast %swap3A_33 : vector<1x16xf32> to vector<16xf32>
      %swap3A_35 = vector.shape_cast %broadcast_in_dim3A_30 : vector<16xf32> to vector<1x16xf32>
      tpu.vector_store %arg8[%swap3A_31, %swap3A_32], %swap3A_35 {strides = array<i32>} : memref<128x128xf32, #tpu.memory_space<vmem>>, vector<1x16xf32>,
      %broadcast_in_dim3A_36 = arith.constant 0.000000e+00 : f32
      %broadcast_in_dim3A_37 = vector.broadcast %broadcast_in_dim3A_36 : f32 to vector<16xf32>
      %swap3A_38 = arith.index_cast %add3A_23 : i32 to index
      %swap3A_39 = arith.constant 32 : index
      %swap3A_40 = tpu.vector_load %arg8[%swap3A_38, %swap3A_39] {strides = array<i32>} : memref<128x128xf32, #tpu.memory_space<vmem>>, vector<1x16xf32>,
      %swap3A_41 = vector.shape_cast %swap3A_40 : vector<1x16xf32> to vector<16xf32>
      %swap3A_42 = vector.shape_cast %broadcast_in_dim3A_37 : vector<16xf32> to vector<1x16xf32>
      tpu.vector_store %arg8[%swap3A_38, %swap3A_39], %swap3A_42 {strides = array<i32>} : memref<128x128xf32, #tpu.memory_space<vmem>>, vector<1x16xf32>,
      %broadcast_in_dim3A_43 = arith.constant 0.000000e+00 : f32
      %broadcast_in_dim3A_44 = vector.broadcast %broadcast_in_dim3A_43 : f32 to vector<16xf32>
      %swap3A_45 = arith.index_cast %add3A_23 : i32 to index
      %swap3A_46 = arith.constant 48 : index
      %swap3A_47 = tpu.vector_load %arg8[%swap3A_45, %swap3A_46] {strides = array<i32>} : memref<128x128xf32, #tpu.memory_space<vmem>>, vector<1x16xf32>,
      %swap3A_48 = vector.shape_cast %swap3A_47 : vector<1x16xf32> to vector<16xf32>
      %swap3A_49 = vector.shape_cast %broadcast_in_dim3A_44 : vector<16xf32> to vector<1x16xf32>
      tpu.vector_store %arg8[%swap3A_45, %swap3A_46], %swap3A_49 {strides = array<i32>} : memref<128x128xf32, #tpu.memory_space<vmem>>, vector<1x16xf32>,
      %broadcast_in_dim3A_50 = arith.constant 0.000000e+00 : f32
      %broadcast_in_dim3A_51 = vector.broadcast %broadcast_in_dim3A_50 : f32 to vector<16xf32>
      %swap3A_52 = arith.index_cast %add3A_23 : i32 to index
      %swap3A_53 = arith.constant 64 : index
      %swap3A_54 = tpu.vector_load %arg8[%swap3A_52, %swap3A_53] {strides = array<i32>} : memref<128x128xf32, #tpu.memory_space<vmem>>, vector<1x16xf32>,
      %swap3A_55 = vector.shape_cast %swap3A_54 : vector<1x16xf32> to vector<16xf32>
      %swap3A_56 = vector.shape_cast %broadcast_in_dim3A_51 : vector<16xf32> to vector<1x16xf32>
      tpu.vector_store %arg8[%swap3A_52, %swap3A_53], %swap3A_56 {strides = array<i32>} : memref<128x128xf32, #tpu.memory_space<vmem>>, vector<1x16xf32>,
      %broadcast_in_dim3A_57 = arith.constant 0.000000e+00 : f32
      %broadcast_in_dim3A_58 = vector.broadcast %broadcast_in_dim3A_57 : f32 to vector<16xf32>
      %swap3A_59 = arith.index_cast %add3A_23 : i32 to index
      %swap3A_60 = arith.constant 80 : index
      %swap3A_61 = tpu.vector_load %arg8[%swap3A_59, %swap3A_60] {strides = array<i32>} : memref<128x128xf32, #tpu.memory_space<vmem>>, vector<1x16xf32>,
      %swap3A_62 = vector.shape_cast %swap3A_61 : vector<1x16xf32> to vector<16xf32>
      %swap3A_63 = vector.shape_cast %broadcast_in_dim3A_58 : vector<16xf32> to vector<1x16xf32>
      tpu.vector_store %arg8[%swap3A_59, %swap3A_60], %swap3A_63 {strides = array<i32>} : memref<128x128xf32, #tpu.memory_space<vmem>>, vector<1x16xf32>,
      %broadcast_in_dim3A_64 = arith.constant 0.000000e+00 : f32
      %broadcast_in_dim3A_65 = vector.broadcast %broadcast_in_dim3A_64 : f32 to vector<16xf32>
      %swap3A_66 = arith.index_cast %add3A_23 : i32 to index
      %swap3A_67 = arith.constant 96 : index
      %swap3A_68 = tpu.vector_load %arg8[%swap3A_66, %swap3A_67] {strides = array<i32>} : memref<128x128xf32, #tpu.memory_space<vmem>>, vector<1x16xf32>,
      %swap3A_69 = vector.shape_cast %swap3A_68 : vector<1x16xf32> to vector<16xf32>
      %swap3A_70 = vector.shape_cast %broadcast_in_dim3A_65 : vector<16xf32> to vector<1x16xf32>
      tpu.vector_store %arg8[%swap3A_66, %swap3A_67], %swap3A_70 {strides = array<i32>} : memref<128x128xf32, #tpu.memory_space<vmem>>, vector<1x16xf32>,
      %broadcast_in_dim3A_71 = arith.constant 0.000000e+00 : f32
      %broadcast_in_dim3A_72 = vector.broadcast %broadcast_in_dim3A_71 : f32 to vector<16xf32>
      %swap3A_73 = arith.index_cast %add3A_23 : i32 to index
      %swap3A_74 = arith.constant 112 : index
      %swap3A_75 = tpu.vector_load %arg8[%swap3A_73, %swap3A_74] {strides = array<i32>} : memref<128x128xf32, #tpu.memory_space<vmem>>, vector<1x16xf32>,
      %swap3A_76 = vector.shape_cast %swap3A_75 : vector<1x16xf32> to vector<16xf32>
      %swap3A_77 = vector.shape_cast %broadcast_in_dim3A_72 : vector<16xf32> to vector<1x16xf32>
      tpu.vector_store %arg8[%swap3A_73, %swap3A_74], %swap3A_77 {strides = array<i32>} : memref<128x128xf32, #tpu.memory_space<vmem>>, vector<1x16xf32>,
    }
    %scan3A_3 = arith.constant 8 : i32
    %scan3A_4 = arith.constant 0 : i32
    %scan3A_5 = arith.constant 79 : i32
    %scan3A_6 = arith.addi %scan3A_4, %scan3A_5 : i32
    %scan3A_7 = arith.constant 1 : i32
    scf.for %scan3A_20 = %scan3A_4 to %scan3A_6 step %scan3A_7  : i32 {
      %mul3A_21 = arith.constant 1 : i32
      %mul3A_22 = arith.muli %scan3A_20, %mul3A_21 : i32
      %add3A = arith.constant 0 : i32
      %add3A_23 = arith.addi %add3A, %mul3A_22 : i32
      %mul3A_24 = arith.constant 632 : i32
      %mul3A_25 = arith.muli %arg1, %mul3A_24 : i32
      %mul3A_26 = arith.constant 8 : i32
      %mul3A_27 = arith.muli %add3A_23, %mul3A_26 : i32
      %add3A_28 = arith.addi %mul3A_25, %mul3A_27 : i32
      "tpu.region"() ({
        %run_scoped3A = tpu.sem_alloc : memref<!tpu.dma_semaphore, #tpu.memory_space<semaphore_mem>>
        %dma_start3A = arith.constant 0 : i32
        %dma_start3A_29 = arith.constant 0 : i32
        %dma_start3A_30 = tpu.memref_slice %arg8[%dma_start3A, %dma_start3A_29] : memref<128x128xf32, #tpu.memory_space<vmem>> -> memref<8x128xf32, #tpu.memory_space<vmem>>
        %dma_start3A_31 = arith.constant 0 : i32
        %dma_start3A_32 = tpu.memref_slice %arg10[%add3A_28, %dma_start3A_31] : memref<10112x128xf32, #tpu.memory_space<vmem_shared>> -> memref<8x128xf32, #tpu.memory_space<vmem_shared>>
        %dma_start3A_33 = arith.constant 0 : i32
        %dma_start3A_34 = tpu.memref_slice %arg10[%add3A_28, %dma_start3A_33] : memref<10112x128xf32, #tpu.memory_space<vmem_shared>> -> memref<8x128xf32, #tpu.memory_space<vmem_shared>>
        %dma_start3A_35 = arith.constant 0 : i32
        %dma_start3A_36 = arith.constant 0 : i32
        %dma_start3A_37 = tpu.memref_slice %arg8[%dma_start3A_35, %dma_start3A_36] : memref<128x128xf32, #tpu.memory_space<vmem>> -> memref<8x128xf32, #tpu.memory_space<vmem>>
        tpu.enqueue_dma source(%dma_start3A_37 : memref<8x128xf32, #tpu.memory_space<vmem>>) target(%dma_start3A_34 : memref<8x128xf32, #tpu.memory_space<vmem_shared>>) target_semaphore(%run_scoped3A : memref<!tpu.dma_semaphore, #tpu.memory_space<semaphore_mem>>)
        %dma_wait3A = arith.constant 0 : i32
        %dma_wait3A_38 = arith.constant 0 : i32
        %dma_wait3A_39 = tpu.memref_slice %arg8[%dma_wait3A, %dma_wait3A_38] : memref<128x128xf32, #tpu.memory_space<vmem>> -> memref<8x128xf32, #tpu.memory_space<vmem>>
        %dma_wait3A_40 = arith.constant 0 : i32
        %dma_wait3A_41 = tpu.memref_slice %arg10[%add3A_28, %dma_wait3A_40] : memref<10112x128xf32, #tpu.memory_space<vmem_shared>> -> memref<8x128xf32, #tpu.memory_space<vmem_shared>>
        %dma_wait3A_42 = arith.constant 0 : i32
        %dma_wait3A_43 = tpu.memref_slice %arg10[%add3A_28, %dma_wait3A_42] : memref<10112x128xf32, #tpu.memory_space<vmem_shared>> -> memref<8x128xf32, #tpu.memory_space<vmem_shared>>
        %dma_wait3A_44 = arith.constant 0 : i32
        %dma_wait3A_45 = arith.constant 0 : i32
        %dma_wait3A_46 = tpu.memref_slice %arg8[%dma_wait3A_44, %dma_wait3A_45] : memref<128x128xf32, #tpu.memory_space<vmem>> -> memref<8x128xf32, #tpu.memory_space<vmem>>
        tpu.wait_dma2 semaphore(%run_scoped3A : memref<!tpu.dma_semaphore, #tpu.memory_space<semaphore_mem>>) src(%dma_wait3A_46 : memref<8x128xf32, #tpu.memory_space<vmem>>) dst(%dma_wait3A_43 : memref<8x128xf32, #tpu.memory_space<vmem_shared>>)
        tpu.yield
      }) : () -> ()
    }
    %scan3A_8 = arith.constant 79 : i32
    %barrier3A = arith.constant 0 : index
    tpu.barrier barrier_id(%barrier3A)
    %mul3A = arith.constant 160 : i32
    %mul3A_9 = arith.muli %arg1, %mul3A : i32
    %scan3A_10 = arith.constant 0 : i32
    %scan3A_11 = arith.constant 20 : i32
    %scan3A_12 = arith.addi %scan3A_10, %scan3A_11 : i32
    %scan3A_13 = arith.constant 1 : i32
    scf.for %scan3A_20 = %scan3A_10 to %scan3A_12 step %scan3A_13  : i32 {
      %mul3A_21 = arith.constant 1 : i32
      %mul3A_22 = arith.muli %scan3A_20, %mul3A_21 : i32
      %add3A = arith.constant 0 : i32
      %add3A_23 = arith.addi %add3A, %mul3A_22 : i32
      %mul3A_24 = arith.constant 8 : i32
      %mul3A_25 = arith.muli %add3A_23, %mul3A_24 : i32
      %add3A_26 = arith.addi %mul3A_9, %mul3A_25 : i32
      "tpu.region"() ({
        %run_scoped3A_147 = tpu.sem_alloc : memref<!tpu.dma_semaphore, #tpu.memory_space<semaphore_mem>>
        %dma_start3A_148 = arith.constant 0 : i32
        %dma_start3A_149 = tpu.memref_slice %arg3[%add3A_26, %dma_start3A_148] : memref<2560x128xi32, #tpu.memory_space<hbm>> -> memref<8x128xi32, #tpu.memory_space<hbm>>
        %dma_start3A_150 = arith.constant 0 : i32
        %dma_start3A_151 = tpu.memref_slice %arg3[%add3A_26, %dma_start3A_150] : memref<2560x128xi32, #tpu.memory_space<hbm>> -> memref<8x128xi32, #tpu.memory_space<hbm>>
        tpu.enqueue_dma source(%dma_start3A_151 : memref<8x128xi32, #tpu.memory_space<hbm>>) target(%arg6 : memref<8x128xi32, #tpu.memory_space<vmem>>) target_semaphore(%run_scoped3A_147 : memref<!tpu.dma_semaphore, #tpu.memory_space<semaphore_mem>>)
        %dma_wait3A_152 = arith.constant 0 : i32
        %dma_wait3A_153 = tpu.memref_slice %arg3[%add3A_26, %dma_wait3A_152] : memref<2560x128xi32, #tpu.memory_space<hbm>> -> memref<8x128xi32, #tpu.memory_space<hbm>>
        %dma_wait3A_154 = arith.constant 0 : i32
        %dma_wait3A_155 = tpu.memref_slice %arg3[%add3A_26, %dma_wait3A_154] : memref<2560x128xi32, #tpu.memory_space<hbm>> -> memref<8x128xi32, #tpu.memory_space<hbm>>
        tpu.wait_dma2 semaphore(%run_scoped3A_147 : memref<!tpu.dma_semaphore, #tpu.memory_space<semaphore_mem>>) src(%dma_wait3A_155 : memref<8x128xi32, #tpu.memory_space<hbm>>) dst(%arg6 : memref<8x128xi32, #tpu.memory_space<vmem>>)
        tpu.yield
      }) : () -> ()
      %mul3A_27 = arith.constant 8 : i32
      %mul3A_28 = arith.muli %add3A_23, %mul3A_27 : i32
      %add3A_29 = arith.addi %mul3A_9, %mul3A_28 : i32
      "tpu.region"() ({
        %run_scoped3A_147 = tpu.sem_alloc : memref<!tpu.dma_semaphore, #tpu.memory_space<semaphore_mem>>
        %dma_start3A_148 = arith.constant 0 : i32
        %dma_start3A_149 = tpu.memref_slice %arg4[%arg0, %add3A_29, %dma_start3A_148] : memref<2x2560x128xi32, #tpu.memory_space<hbm>> -> memref<1x8x128xi32, #tpu.memory_space<hbm>>
        %dma_start3A_150 = tpu.memref_squeeze %dma_start3A_149 : memref<1x8x128xi32, #tpu.memory_space<hbm>> -> memref<8x128xi32, #tpu.memory_space<hbm>>
        %dma_start3A_151 = arith.constant 0 : i32
        %dma_start3A_152 = tpu.memref_slice %arg4[%arg0, %add3A_29, %dma_start3A_151] : memref<2x2560x128xi32, #tpu.memory_space<hbm>> -> memref<1x8x128xi32, #tpu.memory_space<hbm>>
        %dma_start3A_153 = tpu.memref_squeeze %dma_start3A_152 : memref<1x8x128xi32, #tpu.memory_space<hbm>> -> memref<8x128xi32, #tpu.memory_space<hbm>>
        tpu.enqueue_dma source(%dma_start3A_153 : memref<8x128xi32, #tpu.memory_space<hbm>>) target(%arg7 : memref<8x128xi32, #tpu.memory_space<vmem>>) target_semaphore(%run_scoped3A_147 : memref<!tpu.dma_semaphore, #tpu.memory_space<semaphore_mem>>)
        %dma_wait3A_154 = arith.constant 0 : i32
        %dma_wait3A_155 = tpu.memref_slice %arg4[%arg0, %add3A_29, %dma_wait3A_154] : memref<2x2560x128xi32, #tpu.memory_space<hbm>> -> memref<1x8x128xi32, #tpu.memory_space<hbm>>
        %dma_wait3A_156 = tpu.memref_squeeze %dma_wait3A_155 : memref<1x8x128xi32, #tpu.memory_space<hbm>> -> memref<8x128xi32, #tpu.memory_space<hbm>>
        %dma_wait3A_157 = arith.constant 0 : i32
        %dma_wait3A_158 = tpu.memref_slice %arg4[%arg0, %add3A_29, %dma_wait3A_157] : memref<2x2560x128xi32, #tpu.memory_space<hbm>> -> memref<1x8x128xi32, #tpu.memory_space<hbm>>
        %dma_wait3A_159 = tpu.memref_squeeze %dma_wait3A_158 : memref<1x8x128xi32, #tpu.memory_space<hbm>> -> memref<8x128xi32, #tpu.memory_space<hbm>>
        tpu.wait_dma2 semaphore(%run_scoped3A_147 : memref<!tpu.dma_semaphore, #tpu.memory_space<semaphore_mem>>) src(%dma_wait3A_159 : memref<8x128xi32, #tpu.memory_space<hbm>>) dst(%arg7 : memref<8x128xi32, #tpu.memory_space<vmem>>)
        tpu.yield
      }) : () -> ()
      %dma_start3A = arith.constant 0 : i32
      %dma_start3A_30 = arith.constant 0 : i32
      %dma_start3A_31 = tpu.memref_slice %arg6[%dma_start3A, %dma_start3A_30] : memref<8x128xi32, #tpu.memory_space<vmem>> -> memref<1x128xi32, #tpu.memory_space<vmem>>
      %dma_start3A_32 = tpu.memref_squeeze %dma_start3A_31 : memref<1x128xi32, #tpu.memory_space<vmem>> -> memref<128xi32, #tpu.memory_space<vmem>>
      %dma_start3A_33 = arith.constant 0 : i32
      %dma_start3A_34 = arith.constant 0 : i32
      %dma_start3A_35 = tpu.memref_slice %arg2[%dma_start3A_33, %dma_start3A_34] : memref<20000x128xf32, #tpu.memory_space<hbm>> -> memref<20000x128xf32, #tpu.memory_space<hbm>>
      tpu.enqueue_indirect_dma source(%dma_start3A_35 : memref<20000x128xf32, #tpu.memory_space<hbm>>) target(%arg8 : memref<128x128xf32, #tpu.memory_space<vmem>>) offsets(%dma_start3A_32 : memref<128xi32, #tpu.memory_space<vmem>>) semaphore(%arg11 : memref<!tpu.dma_semaphore, #tpu.memory_space<semaphore_mem>>)
      %dma_start3A_36 = arith.constant 1 : i32
      %dma_start3A_37 = arith.constant 0 : i32
      %dma_start3A_38 = tpu.memref_slice %arg6[%dma_start3A_36, %dma_start3A_37] : memref<8x128xi32, #tpu.memory_space<vmem>> -> memref<1x128xi32, #tpu.memory_space<vmem>>
      %dma_start3A_39 = tpu.memref_squeeze %dma_start3A_38 : memref<1x128xi32, #tpu.memory_space<vmem>> -> memref<128xi32, #tpu.memory_space<vmem>>
      %dma_start3A_40 = arith.constant 0 : i32
      %dma_start3A_41 = arith.constant 0 : i32
      %dma_start3A_42 = tpu.memref_slice %arg2[%dma_start3A_40, %dma_start3A_41] : memref<20000x128xf32, #tpu.memory_space<hbm>> -> memref<20000x128xf32, #tpu.memory_space<hbm>>
      tpu.enqueue_indirect_dma source(%dma_start3A_42 : memref<20000x128xf32, #tpu.memory_space<hbm>>) target(%arg9 : memref<128x128xf32, #tpu.memory_space<vmem>>) offsets(%dma_start3A_39 : memref<128xi32, #tpu.memory_space<vmem>>) semaphore(%arg12 : memref<!tpu.dma_semaphore, #tpu.memory_space<semaphore_mem>>)
      %dma_wait3A = arith.constant 0 : i32
      %dma_wait3A_43 = arith.constant 0 : i32
      %dma_wait3A_44 = tpu.memref_slice %arg6[%dma_wait3A, %dma_wait3A_43] : memref<8x128xi32, #tpu.memory_space<vmem>> -> memref<1x128xi32, #tpu.memory_space<vmem>>
      %dma_wait3A_45 = tpu.memref_squeeze %dma_wait3A_44 : memref<1x128xi32, #tpu.memory_space<vmem>> -> memref<128xi32, #tpu.memory_space<vmem>>
      %dma_wait3A_46 = arith.constant 0 : i32
      %dma_wait3A_47 = arith.constant 0 : i32
      %dma_wait3A_48 = tpu.memref_slice %arg2[%dma_wait3A_46, %dma_wait3A_47] : memref<20000x128xf32, #tpu.memory_space<hbm>> -> memref<20000x128xf32, #tpu.memory_space<hbm>>
      tpu.wait_indirect_dma semaphore(%arg11 : memref<!tpu.dma_semaphore, #tpu.memory_space<semaphore_mem>>) src(%dma_wait3A_48 : memref<20000x128xf32, #tpu.memory_space<hbm>>) dst(%arg8 : memref<128x128xf32, #tpu.memory_space<vmem>>)
      %run_scoped3A = arith.constant 0 : i32
      "tpu.region"() ({
        %run_scoped3A_147 = tpu.sem_alloc : memref<!tpu.dma_semaphore, #tpu.memory_space<semaphore_mem>>
        %dma_start3A_148 = arith.constant 0 : i32
        %dma_start3A_149 = tpu.memref_slice %arg7[%run_scoped3A, %dma_start3A_148] : memref<8x128xi32, #tpu.memory_space<vmem>> -> memref<1x128xi32, #tpu.memory_space<vmem>>
        %dma_start3A_150 = tpu.memref_squeeze %dma_start3A_149 : memref<1x128xi32, #tpu.memory_space<vmem>> -> memref<128xi32, #tpu.memory_space<vmem>>
        %dma_start3A_151 = arith.constant 0 : i32
        %dma_start3A_152 = arith.constant 0 : i32
        %dma_start3A_153 = tpu.memref_slice %arg10[%dma_start3A_151, %dma_start3A_152] : memref<10112x128xf32, #tpu.memory_space<vmem_shared>> -> memref<10112x128xf32, #tpu.memory_space<vmem_shared>>
        tpu.enqueue_indirect_dma source(%arg8 : memref<128x128xf32, #tpu.memory_space<vmem>>) target(%dma_start3A_153 : memref<10112x128xf32, #tpu.memory_space<vmem_shared>>) offsets(%dma_start3A_150 : memref<128xi32, #tpu.memory_space<vmem>>) semaphore(%run_scoped3A_147 : memref<!tpu.dma_semaphore, #tpu.memory_space<semaphore_mem>>) {add = true}
        %dma_wait3A_154 = arith.constant 0 : i32
        %dma_wait3A_155 = tpu.memref_slice %arg7[%run_scoped3A, %dma_wait3A_154] : memref<8x128xi32, #tpu.memory_space<vmem>> -> memref<1x128xi32, #tpu.memory_space<vmem>>
        %dma_wait3A_156 = tpu.memref_squeeze %dma_wait3A_155 : memref<1x128xi32, #tpu.memory_space<vmem>> -> memref<128xi32, #tpu.memory_space<vmem>>
        %dma_wait3A_157 = arith.constant 0 : i32
        %dma_wait3A_158 = arith.constant 0 : i32
        %dma_wait3A_159 = tpu.memref_slice %arg10[%dma_wait3A_157, %dma_wait3A_158] : memref<10112x128xf32, #tpu.memory_space<vmem_shared>> -> memref<10112x128xf32, #tpu.memory_space<vmem_shared>>
        tpu.wait_indirect_dma semaphore(%run_scoped3A_147 : memref<!tpu.dma_semaphore, #tpu.memory_space<semaphore_mem>>) src(%arg8 : memref<128x128xf32, #tpu.memory_space<vmem>>) dst(%dma_wait3A_159 : memref<10112x128xf32, #tpu.memory_space<vmem_shared>>)
        tpu.yield
      }) : () -> ()
      %dma_wait3A_49 = arith.constant 1 : i32
      %dma_wait3A_50 = arith.constant 0 : i32
      %dma_wait3A_51 = tpu.memref_slice %arg6[%dma_wait3A_49, %dma_wait3A_50] : memref<8x128xi32, #tpu.memory_space<vmem>> -> memref<1x128xi32, #tpu.memory_space<vmem>>
      %dma_wait3A_52 = tpu.memref_squeeze %dma_wait3A_51 : memref<1x128xi32, #tpu.memory_space<vmem>> -> memref<128xi32, #tpu.memory_space<vmem>>
      %dma_wait3A_53 = arith.constant 0 : i32
      %dma_wait3A_54 = arith.constant 0 : i32
      %dma_wait3A_55 = tpu.memref_slice %arg2[%dma_wait3A_53, %dma_wait3A_54] : memref<20000x128xf32, #tpu.memory_space<hbm>> -> memref<20000x128xf32, #tpu.memory_space<hbm>>
      tpu.wait_indirect_dma semaphore(%arg12 : memref<!tpu.dma_semaphore, #tpu.memory_space<semaphore_mem>>) src(%dma_wait3A_55 : memref<20000x128xf32, #tpu.memory_space<hbm>>) dst(%arg9 : memref<128x128xf32, #tpu.memory_space<vmem>>)
      %run_scoped3A_56 = arith.constant 1 : i32
      "tpu.region"() ({
        %run_scoped3A_147 = tpu.sem_alloc : memref<!tpu.dma_semaphore, #tpu.memory_space<semaphore_mem>>
        %dma_start3A_148 = arith.constant 0 : i32
        %dma_start3A_149 = tpu.memref_slice %arg7[%run_scoped3A_56, %dma_start3A_148] : memref<8x128xi32, #tpu.memory_space<vmem>> -> memref<1x128xi32, #tpu.memory_space<vmem>>
        %dma_start3A_150 = tpu.memref_squeeze %dma_start3A_149 : memref<1x128xi32, #tpu.memory_space<vmem>> -> memref<128xi32, #tpu.memory_space<vmem>>
        %dma_start3A_151 = arith.constant 0 : i32
        %dma_start3A_152 = arith.constant 0 : i32
        %dma_start3A_153 = tpu.memref_slice %arg10[%dma_start3A_151, %dma_start3A_152] : memref<10112x128xf32, #tpu.memory_space<vmem_shared>> -> memref<10112x128xf32, #tpu.memory_space<vmem_shared>>
        tpu.enqueue_indirect_dma source(%arg9 : memref<128x128xf32, #tpu.memory_space<vmem>>) target(%dma_start3A_153 : memref<10112x128xf32, #tpu.memory_space<vmem_shared>>) offsets(%dma_start3A_150 : memref<128xi32, #tpu.memory_space<vmem>>) semaphore(%run_scoped3A_147 : memref<!tpu.dma_semaphore, #tpu.memory_space<semaphore_mem>>) {add = true}
        %dma_wait3A_154 = arith.constant 0 : i32
        %dma_wait3A_155 = tpu.memref_slice %arg7[%run_scoped3A_56, %dma_wait3A_154] : memref<8x128xi32, #tpu.memory_space<vmem>> -> memref<1x128xi32, #tpu.memory_space<vmem>>
        %dma_wait3A_156 = tpu.memref_squeeze %dma_wait3A_155 : memref<1x128xi32, #tpu.memory_space<vmem>> -> memref<128xi32, #tpu.memory_space<vmem>>
        %dma_wait3A_157 = arith.constant 0 : i32
        %dma_wait3A_158 = arith.constant 0 : i32
        %dma_wait3A_159 = tpu.memref_slice %arg10[%dma_wait3A_157, %dma_wait3A_158] : memref<10112x128xf32, #tpu.memory_space<vmem_shared>> -> memref<10112x128xf32, #tpu.memory_space<vmem_shared>>
        tpu.wait_indirect_dma semaphore(%run_scoped3A_147 : memref<!tpu.dma_semaphore, #tpu.memory_space<semaphore_mem>>) src(%arg9 : memref<128x128xf32, #tpu.memory_space<vmem>>) dst(%dma_wait3A_159 : memref<10112x128xf32, #tpu.memory_space<vmem_shared>>)
        tpu.yield
      }) : () -> ()
      %dma_start3A_57 = arith.constant 2 : i32
      %dma_start3A_58 = arith.constant 0 : i32
      %dma_start3A_59 = tpu.memref_slice %arg6[%dma_start3A_57, %dma_start3A_58] : memref<8x128xi32, #tpu.memory_space<vmem>> -> memref<1x128xi32, #tpu.memory_space<vmem>>
      %dma_start3A_60 = tpu.memref_squeeze %dma_start3A_59 : memref<1x128xi32, #tpu.memory_space<vmem>> -> memref<128xi32, #tpu.memory_space<vmem>>
      %dma_start3A_61 = arith.constant 0 : i32
      %dma_start3A_62 = arith.constant 0 : i32
      %dma_start3A_63 = tpu.memref_slice %arg2[%dma_start3A_61, %dma_start3A_62] : memref<20000x128xf32, #tpu.memory_space<hbm>> -> memref<20000x128xf32, #tpu.memory_space<hbm>>
      tpu.enqueue_indirect_dma source(%dma_start3A_63 : memref<20000x128xf32, #tpu.memory_space<hbm>>) target(%arg8 : memref<128x128xf32, #tpu.memory_space<vmem>>) offsets(%dma_start3A_60 : memref<128xi32, #tpu.memory_space<vmem>>) semaphore(%arg11 : memref<!tpu.dma_semaphore, #tpu.memory_space<semaphore_mem>>)
      %dma_start3A_64 = arith.constant 3 : i32
      %dma_start3A_65 = arith.constant 0 : i32
      %dma_start3A_66 = tpu.memref_slice %arg6[%dma_start3A_64, %dma_start3A_65] : memref<8x128xi32, #tpu.memory_space<vmem>> -> memref<1x128xi32, #tpu.memory_space<vmem>>
      %dma_start3A_67 = tpu.memref_squeeze %dma_start3A_66 : memref<1x128xi32, #tpu.memory_space<vmem>> -> memref<128xi32, #tpu.memory_space<vmem>>
      %dma_start3A_68 = arith.constant 0 : i32
      %dma_start3A_69 = arith.constant 0 : i32
      %dma_start3A_70 = tpu.memref_slice %arg2[%dma_start3A_68, %dma_start3A_69] : memref<20000x128xf32, #tpu.memory_space<hbm>> -> memref<20000x128xf32, #tpu.memory_space<hbm>>
      tpu.enqueue_indirect_dma source(%dma_start3A_70 : memref<20000x128xf32, #tpu.memory_space<hbm>>) target(%arg9 : memref<128x128xf32, #tpu.memory_space<vmem>>) offsets(%dma_start3A_67 : memref<128xi32, #tpu.memory_space<vmem>>) semaphore(%arg12 : memref<!tpu.dma_semaphore, #tpu.memory_space<semaphore_mem>>)
      %dma_wait3A_71 = arith.constant 2 : i32
      %dma_wait3A_72 = arith.constant 0 : i32
      %dma_wait3A_73 = tpu.memref_slice %arg6[%dma_wait3A_71, %dma_wait3A_72] : memref<8x128xi32, #tpu.memory_space<vmem>> -> memref<1x128xi32, #tpu.memory_space<vmem>>
      %dma_wait3A_74 = tpu.memref_squeeze %dma_wait3A_73 : memref<1x128xi32, #tpu.memory_space<vmem>> -> memref<128xi32, #tpu.memory_space<vmem>>
      %dma_wait3A_75 = arith.constant 0 : i32
      %dma_wait3A_76 = arith.constant 0 : i32
      %dma_wait3A_77 = tpu.memref_slice %arg2[%dma_wait3A_75, %dma_wait3A_76] : memref<20000x128xf32, #tpu.memory_space<hbm>> -> memref<20000x128xf32, #tpu.memory_space<hbm>>
      tpu.wait_indirect_dma semaphore(%arg11 : memref<!tpu.dma_semaphore, #tpu.memory_space<semaphore_mem>>) src(%dma_wait3A_77 : memref<20000x128xf32, #tpu.memory_space<hbm>>) dst(%arg8 : memref<128x128xf32, #tpu.memory_space<vmem>>)
      %run_scoped3A_78 = arith.constant 2 : i32
      "tpu.region"() ({
        %run_scoped3A_147 = tpu.sem_alloc : memref<!tpu.dma_semaphore, #tpu.memory_space<semaphore_mem>>
        %dma_start3A_148 = arith.constant 0 : i32
        %dma_start3A_149 = tpu.memref_slice %arg7[%run_scoped3A_78, %dma_start3A_148] : memref<8x128xi32, #tpu.memory_space<vmem>> -> memref<1x128xi32, #tpu.memory_space<vmem>>
        %dma_start3A_150 = tpu.memref_squeeze %dma_start3A_149 : memref<1x128xi32, #tpu.memory_space<vmem>> -> memref<128xi32, #tpu.memory_space<vmem>>
        %dma_start3A_151 = arith.constant 0 : i32
        %dma_start3A_152 = arith.constant 0 : i32
        %dma_start3A_153 = tpu.memref_slice %arg10[%dma_start3A_151, %dma_start3A_152] : memref<10112x128xf32, #tpu.memory_space<vmem_shared>> -> memref<10112x128xf32, #tpu.memory_space<vmem_shared>>
        tpu.enqueue_indirect_dma source(%arg8 : memref<128x128xf32, #tpu.memory_space<vmem>>) target(%dma_start3A_153 : memref<10112x128xf32, #tpu.memory_space<vmem_shared>>) offsets(%dma_start3A_150 : memref<128xi32, #tpu.memory_space<vmem>>) semaphore(%run_scoped3A_147 : memref<!tpu.dma_semaphore, #tpu.memory_space<semaphore_mem>>) {add = true}
        %dma_wait3A_154 = arith.constant 0 : i32
        %dma_wait3A_155 = tpu.memref_slice %arg7[%run_scoped3A_78, %dma_wait3A_154] : memref<8x128xi32, #tpu.memory_space<vmem>> -> memref<1x128xi32, #tpu.memory_space<vmem>>
        %dma_wait3A_156 = tpu.memref_squeeze %dma_wait3A_155 : memref<1x128xi32, #tpu.memory_space<vmem>> -> memref<128xi32, #tpu.memory_space<vmem>>
        %dma_wait3A_157 = arith.constant 0 : i32
        %dma_wait3A_158 = arith.constant 0 : i32
        %dma_wait3A_159 = tpu.memref_slice %arg10[%dma_wait3A_157, %dma_wait3A_158] : memref<10112x128xf32, #tpu.memory_space<vmem_shared>> -> memref<10112x128xf32, #tpu.memory_space<vmem_shared>>
        tpu.wait_indirect_dma semaphore(%run_scoped3A_147 : memref<!tpu.dma_semaphore, #tpu.memory_space<semaphore_mem>>) src(%arg8 : memref<128x128xf32, #tpu.memory_space<vmem>>) dst(%dma_wait3A_159 : memref<10112x128xf32, #tpu.memory_space<vmem_shared>>)
        tpu.yield
      }) : () -> ()
      %dma_wait3A_79 = arith.constant 3 : i32
      %dma_wait3A_80 = arith.constant 0 : i32
      %dma_wait3A_81 = tpu.memref_slice %arg6[%dma_wait3A_79, %dma_wait3A_80] : memref<8x128xi32, #tpu.memory_space<vmem>> -> memref<1x128xi32, #tpu.memory_space<vmem>>
      %dma_wait3A_82 = tpu.memref_squeeze %dma_wait3A_81 : memref<1x128xi32, #tpu.memory_space<vmem>> -> memref<128xi32, #tpu.memory_space<vmem>>
      %dma_wait3A_83 = arith.constant 0 : i32
      %dma_wait3A_84 = arith.constant 0 : i32
      %dma_wait3A_85 = tpu.memref_slice %arg2[%dma_wait3A_83, %dma_wait3A_84] : memref<20000x128xf32, #tpu.memory_space<hbm>> -> memref<20000x128xf32, #tpu.memory_space<hbm>>
      tpu.wait_indirect_dma semaphore(%arg12 : memref<!tpu.dma_semaphore, #tpu.memory_space<semaphore_mem>>) src(%dma_wait3A_85 : memref<20000x128xf32, #tpu.memory_space<hbm>>) dst(%arg9 : memref<128x128xf32, #tpu.memory_space<vmem>>)
      %run_scoped3A_86 = arith.constant 3 : i32
      "tpu.region"() ({
        %run_scoped3A_147 = tpu.sem_alloc : memref<!tpu.dma_semaphore, #tpu.memory_space<semaphore_mem>>
        %dma_start3A_148 = arith.constant 0 : i32
        %dma_start3A_149 = tpu.memref_slice %arg7[%run_scoped3A_86, %dma_start3A_148] : memref<8x128xi32, #tpu.memory_space<vmem>> -> memref<1x128xi32, #tpu.memory_space<vmem>>
        %dma_start3A_150 = tpu.memref_squeeze %dma_start3A_149 : memref<1x128xi32, #tpu.memory_space<vmem>> -> memref<128xi32, #tpu.memory_space<vmem>>
        %dma_start3A_151 = arith.constant 0 : i32
        %dma_start3A_152 = arith.constant 0 : i32
        %dma_start3A_153 = tpu.memref_slice %arg10[%dma_start3A_151, %dma_start3A_152] : memref<10112x128xf32, #tpu.memory_space<vmem_shared>> -> memref<10112x128xf32, #tpu.memory_space<vmem_shared>>
        tpu.enqueue_indirect_dma source(%arg9 : memref<128x128xf32, #tpu.memory_space<vmem>>) target(%dma_start3A_153 : memref<10112x128xf32, #tpu.memory_space<vmem_shared>>) offsets(%dma_start3A_150 : memref<128xi32, #tpu.memory_space<vmem>>) semaphore(%run_scoped3A_147 : memref<!tpu.dma_semaphore, #tpu.memory_space<semaphore_mem>>) {add = true}
        %dma_wait3A_154 = arith.constant 0 : i32
        %dma_wait3A_155 = tpu.memref_slice %arg7[%run_scoped3A_86, %dma_wait3A_154] : memref<8x128xi32, #tpu.memory_space<vmem>> -> memref<1x128xi32, #tpu.memory_space<vmem>>
        %dma_wait3A_156 = tpu.memref_squeeze %dma_wait3A_155 : memref<1x128xi32, #tpu.memory_space<vmem>> -> memref<128xi32, #tpu.memory_space<vmem>>
        %dma_wait3A_157 = arith.constant 0 : i32
        %dma_wait3A_158 = arith.constant 0 : i32
        %dma_wait3A_159 = tpu.memref_slice %arg10[%dma_wait3A_157, %dma_wait3A_158] : memref<10112x128xf32, #tpu.memory_space<vmem_shared>> -> memref<10112x128xf32, #tpu.memory_space<vmem_shared>>
        tpu.wait_indirect_dma semaphore(%run_scoped3A_147 : memref<!tpu.dma_semaphore, #tpu.memory_space<semaphore_mem>>) src(%arg9 : memref<128x128xf32, #tpu.memory_space<vmem>>) dst(%dma_wait3A_159 : memref<10112x128xf32, #tpu.memory_space<vmem_shared>>)
        tpu.yield
      }) : () -> ()
      %dma_start3A_87 = arith.constant 4 : i32
      %dma_start3A_88 = arith.constant 0 : i32
      %dma_start3A_89 = tpu.memref_slice %arg6[%dma_start3A_87, %dma_start3A_88] : memref<8x128xi32, #tpu.memory_space<vmem>> -> memref<1x128xi32, #tpu.memory_space<vmem>>
      %dma_start3A_90 = tpu.memref_squeeze %dma_start3A_89 : memref<1x128xi32, #tpu.memory_space<vmem>> -> memref<128xi32, #tpu.memory_space<vmem>>
      %dma_start3A_91 = arith.constant 0 : i32
      %dma_start3A_92 = arith.constant 0 : i32
      %dma_start3A_93 = tpu.memref_slice %arg2[%dma_start3A_91, %dma_start3A_92] : memref<20000x128xf32, #tpu.memory_space<hbm>> -> memref<20000x128xf32, #tpu.memory_space<hbm>>
      tpu.enqueue_indirect_dma source(%dma_start3A_93 : memref<20000x128xf32, #tpu.memory_space<hbm>>) target(%arg8 : memref<128x128xf32, #tpu.memory_space<vmem>>) offsets(%dma_start3A_90 : memref<128xi32, #tpu.memory_space<vmem>>) semaphore(%arg11 : memref<!tpu.dma_semaphore, #tpu.memory_space<semaphore_mem>>)
      %dma_start3A_94 = arith.constant 5 : i32
      %dma_start3A_95 = arith.constant 0 : i32
      %dma_start3A_96 = tpu.memref_slice %arg6[%dma_start3A_94, %dma_start3A_95] : memref<8x128xi32, #tpu.memory_space<vmem>> -> memref<1x128xi32, #tpu.memory_space<vmem>>
      %dma_start3A_97 = tpu.memref_squeeze %dma_start3A_96 : memref<1x128xi32, #tpu.memory_space<vmem>> -> memref<128xi32, #tpu.memory_space<vmem>>
      %dma_start3A_98 = arith.constant 0 : i32
      %dma_start3A_99 = arith.constant 0 : i32
      %dma_start3A_100 = tpu.memref_slice %arg2[%dma_start3A_98, %dma_start3A_99] : memref<20000x128xf32, #tpu.memory_space<hbm>> -> memref<20000x128xf32, #tpu.memory_space<hbm>>
      tpu.enqueue_indirect_dma source(%dma_start3A_100 : memref<20000x128xf32, #tpu.memory_space<hbm>>) target(%arg9 : memref<128x128xf32, #tpu.memory_space<vmem>>) offsets(%dma_start3A_97 : memref<128xi32, #tpu.memory_space<vmem>>) semaphore(%arg12 : memref<!tpu.dma_semaphore, #tpu.memory_space<semaphore_mem>>)
      %dma_wait3A_101 = arith.constant 4 : i32
      %dma_wait3A_102 = arith.constant 0 : i32
      %dma_wait3A_103 = tpu.memref_slice %arg6[%dma_wait3A_101, %dma_wait3A_102] : memref<8x128xi32, #tpu.memory_space<vmem>> -> memref<1x128xi32, #tpu.memory_space<vmem>>
      %dma_wait3A_104 = tpu.memref_squeeze %dma_wait3A_103 : memref<1x128xi32, #tpu.memory_space<vmem>> -> memref<128xi32, #tpu.memory_space<vmem>>
      %dma_wait3A_105 = arith.constant 0 : i32
      %dma_wait3A_106 = arith.constant 0 : i32
      %dma_wait3A_107 = tpu.memref_slice %arg2[%dma_wait3A_105, %dma_wait3A_106] : memref<20000x128xf32, #tpu.memory_space<hbm>> -> memref<20000x128xf32, #tpu.memory_space<hbm>>
      tpu.wait_indirect_dma semaphore(%arg11 : memref<!tpu.dma_semaphore, #tpu.memory_space<semaphore_mem>>) src(%dma_wait3A_107 : memref<20000x128xf32, #tpu.memory_space<hbm>>) dst(%arg8 : memref<128x128xf32, #tpu.memory_space<vmem>>)
      %run_scoped3A_108 = arith.constant 4 : i32
      "tpu.region"() ({
        %run_scoped3A_147 = tpu.sem_alloc : memref<!tpu.dma_semaphore, #tpu.memory_space<semaphore_mem>>
        %dma_start3A_148 = arith.constant 0 : i32
        %dma_start3A_149 = tpu.memref_slice %arg7[%run_scoped3A_108, %dma_start3A_148] : memref<8x128xi32, #tpu.memory_space<vmem>> -> memref<1x128xi32, #tpu.memory_space<vmem>>
        %dma_start3A_150 = tpu.memref_squeeze %dma_start3A_149 : memref<1x128xi32, #tpu.memory_space<vmem>> -> memref<128xi32, #tpu.memory_space<vmem>>
        %dma_start3A_151 = arith.constant 0 : i32
        %dma_start3A_152 = arith.constant 0 : i32
        %dma_start3A_153 = tpu.memref_slice %arg10[%dma_start3A_151, %dma_start3A_152] : memref<10112x128xf32, #tpu.memory_space<vmem_shared>> -> memref<10112x128xf32, #tpu.memory_space<vmem_shared>>
        tpu.enqueue_indirect_dma source(%arg8 : memref<128x128xf32, #tpu.memory_space<vmem>>) target(%dma_start3A_153 : memref<10112x128xf32, #tpu.memory_space<vmem_shared>>) offsets(%dma_start3A_150 : memref<128xi32, #tpu.memory_space<vmem>>) semaphore(%run_scoped3A_147 : memref<!tpu.dma_semaphore, #tpu.memory_space<semaphore_mem>>) {add = true}
        %dma_wait3A_154 = arith.constant 0 : i32
        %dma_wait3A_155 = tpu.memref_slice %arg7[%run_scoped3A_108, %dma_wait3A_154] : memref<8x128xi32, #tpu.memory_space<vmem>> -> memref<1x128xi32, #tpu.memory_space<vmem>>
        %dma_wait3A_156 = tpu.memref_squeeze %dma_wait3A_155 : memref<1x128xi32, #tpu.memory_space<vmem>> -> memref<128xi32, #tpu.memory_space<vmem>>
        %dma_wait3A_157 = arith.constant 0 : i32
        %dma_wait3A_158 = arith.constant 0 : i32
        %dma_wait3A_159 = tpu.memref_slice %arg10[%dma_wait3A_157, %dma_wait3A_158] : memref<10112x128xf32, #tpu.memory_space<vmem_shared>> -> memref<10112x128xf32, #tpu.memory_space<vmem_shared>>
        tpu.wait_indirect_dma semaphore(%run_scoped3A_147 : memref<!tpu.dma_semaphore, #tpu.memory_space<semaphore_mem>>) src(%arg8 : memref<128x128xf32, #tpu.memory_space<vmem>>) dst(%dma_wait3A_159 : memref<10112x128xf32, #tpu.memory_space<vmem_shared>>)
        tpu.yield
      }) : () -> ()
      %dma_wait3A_109 = arith.constant 5 : i32
      %dma_wait3A_110 = arith.constant 0 : i32
      %dma_wait3A_111 = tpu.memref_slice %arg6[%dma_wait3A_109, %dma_wait3A_110] : memref<8x128xi32, #tpu.memory_space<vmem>> -> memref<1x128xi32, #tpu.memory_space<vmem>>
      %dma_wait3A_112 = tpu.memref_squeeze %dma_wait3A_111 : memref<1x128xi32, #tpu.memory_space<vmem>> -> memref<128xi32, #tpu.memory_space<vmem>>
      %dma_wait3A_113 = arith.constant 0 : i32
      %dma_wait3A_114 = arith.constant 0 : i32
      %dma_wait3A_115 = tpu.memref_slice %arg2[%dma_wait3A_113, %dma_wait3A_114] : memref<20000x128xf32, #tpu.memory_space<hbm>> -> memref<20000x128xf32, #tpu.memory_space<hbm>>
      tpu.wait_indirect_dma semaphore(%arg12 : memref<!tpu.dma_semaphore, #tpu.memory_space<semaphore_mem>>) src(%dma_wait3A_115 : memref<20000x128xf32, #tpu.memory_space<hbm>>) dst(%arg9 : memref<128x128xf32, #tpu.memory_space<vmem>>)
      %run_scoped3A_116 = arith.constant 5 : i32
      "tpu.region"() ({
        %run_scoped3A_147 = tpu.sem_alloc : memref<!tpu.dma_semaphore, #tpu.memory_space<semaphore_mem>>
        %dma_start3A_148 = arith.constant 0 : i32
        %dma_start3A_149 = tpu.memref_slice %arg7[%run_scoped3A_116, %dma_start3A_148] : memref<8x128xi32, #tpu.memory_space<vmem>> -> memref<1x128xi32, #tpu.memory_space<vmem>>
        %dma_start3A_150 = tpu.memref_squeeze %dma_start3A_149 : memref<1x128xi32, #tpu.memory_space<vmem>> -> memref<128xi32, #tpu.memory_space<vmem>>
        %dma_start3A_151 = arith.constant 0 : i32
        %dma_start3A_152 = arith.constant 0 : i32
        %dma_start3A_153 = tpu.memref_slice %arg10[%dma_start3A_151, %dma_start3A_152] : memref<10112x128xf32, #tpu.memory_space<vmem_shared>> -> memref<10112x128xf32, #tpu.memory_space<vmem_shared>>
        tpu.enqueue_indirect_dma source(%arg9 : memref<128x128xf32, #tpu.memory_space<vmem>>) target(%dma_start3A_153 : memref<10112x128xf32, #tpu.memory_space<vmem_shared>>) offsets(%dma_start3A_150 : memref<128xi32, #tpu.memory_space<vmem>>) semaphore(%run_scoped3A_147 : memref<!tpu.dma_semaphore, #tpu.memory_space<semaphore_mem>>) {add = true}
        %dma_wait3A_154 = arith.constant 0 : i32
        %dma_wait3A_155 = tpu.memref_slice %arg7[%run_scoped3A_116, %dma_wait3A_154] : memref<8x128xi32, #tpu.memory_space<vmem>> -> memref<1x128xi32, #tpu.memory_space<vmem>>
        %dma_wait3A_156 = tpu.memref_squeeze %dma_wait3A_155 : memref<1x128xi32, #tpu.memory_space<vmem>> -> memref<128xi32, #tpu.memory_space<vmem>>
        %dma_wait3A_157 = arith.constant 0 : i32
        %dma_wait3A_158 = arith.constant 0 : i32
        %dma_wait3A_159 = tpu.memref_slice %arg10[%dma_wait3A_157, %dma_wait3A_158] : memref<10112x128xf32, #tpu.memory_space<vmem_shared>> -> memref<10112x128xf32, #tpu.memory_space<vmem_shared>>
        tpu.wait_indirect_dma semaphore(%run_scoped3A_147 : memref<!tpu.dma_semaphore, #tpu.memory_space<semaphore_mem>>) src(%arg9 : memref<128x128xf32, #tpu.memory_space<vmem>>) dst(%dma_wait3A_159 : memref<10112x128xf32, #tpu.memory_space<vmem_shared>>)
        tpu.yield
      }) : () -> ()
      %dma_start3A_117 = arith.constant 6 : i32
      %dma_start3A_118 = arith.constant 0 : i32
      %dma_start3A_119 = tpu.memref_slice %arg6[%dma_start3A_117, %dma_start3A_118] : memref<8x128xi32, #tpu.memory_space<vmem>> -> memref<1x128xi32, #tpu.memory_space<vmem>>
      %dma_start3A_120 = tpu.memref_squeeze %dma_start3A_119 : memref<1x128xi32, #tpu.memory_space<vmem>> -> memref<128xi32, #tpu.memory_space<vmem>>
      %dma_start3A_121 = arith.constant 0 : i32
      %dma_start3A_122 = arith.constant 0 : i32
      %dma_start3A_123 = tpu.memref_slice %arg2[%dma_start3A_121, %dma_start3A_122] : memref<20000x128xf32, #tpu.memory_space<hbm>> -> memref<20000x128xf32, #tpu.memory_space<hbm>>
      tpu.enqueue_indirect_dma source(%dma_start3A_123 : memref<20000x128xf32, #tpu.memory_space<hbm>>) target(%arg8 : memref<128x128xf32, #tpu.memory_space<vmem>>) offsets(%dma_start3A_120 : memref<128xi32, #tpu.memory_space<vmem>>) semaphore(%arg11 : memref<!tpu.dma_semaphore, #tpu.memory_space<semaphore_mem>>)
      %dma_start3A_124 = arith.constant 7 : i32
      %dma_start3A_125 = arith.constant 0 : i32
      %dma_start3A_126 = tpu.memref_slice %arg6[%dma_start3A_124, %dma_start3A_125] : memref<8x128xi32, #tpu.memory_space<vmem>> -> memref<1x128xi32, #tpu.memory_space<vmem>>
      %dma_start3A_127 = tpu.memref_squeeze %dma_start3A_126 : memref<1x128xi32, #tpu.memory_space<vmem>> -> memref<128xi32, #tpu.memory_space<vmem>>
      %dma_start3A_128 = arith.constant 0 : i32
      %dma_start3A_129 = arith.constant 0 : i32
      %dma_start3A_130 = tpu.memref_slice %arg2[%dma_start3A_128, %dma_start3A_129] : memref<20000x128xf32, #tpu.memory_space<hbm>> -> memref<20000x128xf32, #tpu.memory_space<hbm>>
      tpu.enqueue_indirect_dma source(%dma_start3A_130 : memref<20000x128xf32, #tpu.memory_space<hbm>>) target(%arg9 : memref<128x128xf32, #tpu.memory_space<vmem>>) offsets(%dma_start3A_127 : memref<128xi32, #tpu.memory_space<vmem>>) semaphore(%arg12 : memref<!tpu.dma_semaphore, #tpu.memory_space<semaphore_mem>>)
      %dma_wait3A_131 = arith.constant 6 : i32
      %dma_wait3A_132 = arith.constant 0 : i32
      %dma_wait3A_133 = tpu.memref_slice %arg6[%dma_wait3A_131, %dma_wait3A_132] : memref<8x128xi32, #tpu.memory_space<vmem>> -> memref<1x128xi32, #tpu.memory_space<vmem>>
      %dma_wait3A_134 = tpu.memref_squeeze %dma_wait3A_133 : memref<1x128xi32, #tpu.memory_space<vmem>> -> memref<128xi32, #tpu.memory_space<vmem>>
      %dma_wait3A_135 = arith.constant 0 : i32
      %dma_wait3A_136 = arith.constant 0 : i32
      %dma_wait3A_137 = tpu.memref_slice %arg2[%dma_wait3A_135, %dma_wait3A_136] : memref<20000x128xf32, #tpu.memory_space<hbm>> -> memref<20000x128xf32, #tpu.memory_space<hbm>>
      tpu.wait_indirect_dma semaphore(%arg11 : memref<!tpu.dma_semaphore, #tpu.memory_space<semaphore_mem>>) src(%dma_wait3A_137 : memref<20000x128xf32, #tpu.memory_space<hbm>>) dst(%arg8 : memref<128x128xf32, #tpu.memory_space<vmem>>)
      %run_scoped3A_138 = arith.constant 6 : i32
      "tpu.region"() ({
        %run_scoped3A_147 = tpu.sem_alloc : memref<!tpu.dma_semaphore, #tpu.memory_space<semaphore_mem>>
        %dma_start3A_148 = arith.constant 0 : i32
        %dma_start3A_149 = tpu.memref_slice %arg7[%run_scoped3A_138, %dma_start3A_148] : memref<8x128xi32, #tpu.memory_space<vmem>> -> memref<1x128xi32, #tpu.memory_space<vmem>>
        %dma_start3A_150 = tpu.memref_squeeze %dma_start3A_149 : memref<1x128xi32, #tpu.memory_space<vmem>> -> memref<128xi32, #tpu.memory_space<vmem>>
        %dma_start3A_151 = arith.constant 0 : i32
        %dma_start3A_152 = arith.constant 0 : i32
        %dma_start3A_153 = tpu.memref_slice %arg10[%dma_start3A_151, %dma_start3A_152] : memref<10112x128xf32, #tpu.memory_space<vmem_shared>> -> memref<10112x128xf32, #tpu.memory_space<vmem_shared>>
        tpu.enqueue_indirect_dma source(%arg8 : memref<128x128xf32, #tpu.memory_space<vmem>>) target(%dma_start3A_153 : memref<10112x128xf32, #tpu.memory_space<vmem_shared>>) offsets(%dma_start3A_150 : memref<128xi32, #tpu.memory_space<vmem>>) semaphore(%run_scoped3A_147 : memref<!tpu.dma_semaphore, #tpu.memory_space<semaphore_mem>>) {add = true}
        %dma_wait3A_154 = arith.constant 0 : i32
        %dma_wait3A_155 = tpu.memref_slice %arg7[%run_scoped3A_138, %dma_wait3A_154] : memref<8x128xi32, #tpu.memory_space<vmem>> -> memref<1x128xi32, #tpu.memory_space<vmem>>
        %dma_wait3A_156 = tpu.memref_squeeze %dma_wait3A_155 : memref<1x128xi32, #tpu.memory_space<vmem>> -> memref<128xi32, #tpu.memory_space<vmem>>
        %dma_wait3A_157 = arith.constant 0 : i32
        %dma_wait3A_158 = arith.constant 0 : i32
        %dma_wait3A_159 = tpu.memref_slice %arg10[%dma_wait3A_157, %dma_wait3A_158] : memref<10112x128xf32, #tpu.memory_space<vmem_shared>> -> memref<10112x128xf32, #tpu.memory_space<vmem_shared>>
        tpu.wait_indirect_dma semaphore(%run_scoped3A_147 : memref<!tpu.dma_semaphore, #tpu.memory_space<semaphore_mem>>) src(%arg8 : memref<128x128xf32, #tpu.memory_space<vmem>>) dst(%dma_wait3A_159 : memref<10112x128xf32, #tpu.memory_space<vmem_shared>>)
        tpu.yield
      }) : () -> ()
      %dma_wait3A_139 = arith.constant 7 : i32
      %dma_wait3A_140 = arith.constant 0 : i32
      %dma_wait3A_141 = tpu.memref_slice %arg6[%dma_wait3A_139, %dma_wait3A_140] : memref<8x128xi32, #tpu.memory_space<vmem>> -> memref<1x128xi32, #tpu.memory_space<vmem>>
      %dma_wait3A_142 = tpu.memref_squeeze %dma_wait3A_141 : memref<1x128xi32, #tpu.memory_space<vmem>> -> memref<128xi32, #tpu.memory_space<vmem>>
      %dma_wait3A_143 = arith.constant 0 : i32
      %dma_wait3A_144 = arith.constant 0 : i32
      %dma_wait3A_145 = tpu.memref_slice %arg2[%dma_wait3A_143, %dma_wait3A_144] : memref<20000x128xf32, #tpu.memory_space<hbm>> -> memref<20000x128xf32, #tpu.memory_space<hbm>>
      tpu.wait_indirect_dma semaphore(%arg12 : memref<!tpu.dma_semaphore, #tpu.memory_space<semaphore_mem>>) src(%dma_wait3A_145 : memref<20000x128xf32, #tpu.memory_space<hbm>>) dst(%arg9 : memref<128x128xf32, #tpu.memory_space<vmem>>)
      %run_scoped3A_146 = arith.constant 7 : i32
      "tpu.region"() ({
        %run_scoped3A_147 = tpu.sem_alloc : memref<!tpu.dma_semaphore, #tpu.memory_space<semaphore_mem>>
        %dma_start3A_148 = arith.constant 0 : i32
        %dma_start3A_149 = tpu.memref_slice %arg7[%run_scoped3A_146, %dma_start3A_148] : memref<8x128xi32, #tpu.memory_space<vmem>> -> memref<1x128xi32, #tpu.memory_space<vmem>>
        %dma_start3A_150 = tpu.memref_squeeze %dma_start3A_149 : memref<1x128xi32, #tpu.memory_space<vmem>> -> memref<128xi32, #tpu.memory_space<vmem>>
        %dma_start3A_151 = arith.constant 0 : i32
        %dma_start3A_152 = arith.constant 0 : i32
        %dma_start3A_153 = tpu.memref_slice %arg10[%dma_start3A_151, %dma_start3A_152] : memref<10112x128xf32, #tpu.memory_space<vmem_shared>> -> memref<10112x128xf32, #tpu.memory_space<vmem_shared>>
        tpu.enqueue_indirect_dma source(%arg9 : memref<128x128xf32, #tpu.memory_space<vmem>>) target(%dma_start3A_153 : memref<10112x128xf32, #tpu.memory_space<vmem_shared>>) offsets(%dma_start3A_150 : memref<128xi32, #tpu.memory_space<vmem>>) semaphore(%run_scoped3A_147 : memref<!tpu.dma_semaphore, #tpu.memory_space<semaphore_mem>>) {add = true}
        %dma_wait3A_154 = arith.constant 0 : i32
        %dma_wait3A_155 = tpu.memref_slice %arg7[%run_scoped3A_146, %dma_wait3A_154] : memref<8x128xi32, #tpu.memory_space<vmem>> -> memref<1x128xi32, #tpu.memory_space<vmem>>
        %dma_wait3A_156 = tpu.memref_squeeze %dma_wait3A_155 : memref<1x128xi32, #tpu.memory_space<vmem>> -> memref<128xi32, #tpu.memory_space<vmem>>
        %dma_wait3A_157 = arith.constant 0 : i32
        %dma_wait3A_158 = arith.constant 0 : i32
        %dma_wait3A_159 = tpu.memref_slice %arg10[%dma_wait3A_157, %dma_wait3A_158] : memref<10112x128xf32, #tpu.memory_space<vmem_shared>> -> memref<10112x128xf32, #tpu.memory_space<vmem_shared>>
        tpu.wait_indirect_dma semaphore(%run_scoped3A_147 : memref<!tpu.dma_semaphore, #tpu.memory_space<semaphore_mem>>) src(%arg9 : memref<128x128xf32, #tpu.memory_space<vmem>>) dst(%dma_wait3A_159 : memref<10112x128xf32, #tpu.memory_space<vmem_shared>>)
        tpu.yield
      }) : () -> ()
    }
    %scan3A_14 = arith.constant 20 : i32
    %barrier3A_15 = arith.constant 0 : index
    tpu.barrier barrier_id(%barrier3A_15)
    %mul3A_16 = arith.constant 632 : i32
    %mul3A_17 = arith.muli %arg1, %mul3A_16 : i32
    %mul3A_18 = arith.constant 632 : i32
    %mul3A_19 = arith.muli %arg1, %mul3A_18 : i32
    "tpu.region"() ({
      %run_scoped3A = tpu.sem_alloc : memref<!tpu.dma_semaphore, #tpu.memory_space<semaphore_mem>>
      %dma_start3A = arith.constant 0 : i32
      %dma_start3A_20 = tpu.memref_slice %arg5[%arg0, %mul3A_19, %dma_start3A] : memref<2x10112x128xf32, #tpu.memory_space<hbm>> -> memref<1x632x128xf32, #tpu.memory_space<hbm>>
      %dma_start3A_21 = tpu.memref_squeeze %dma_start3A_20 : memref<1x632x128xf32, #tpu.memory_space<hbm>> -> memref<632x128xf32, #tpu.memory_space<hbm>>
      %dma_start3A_22 = arith.constant 0 : i32
      %dma_start3A_23 = tpu.memref_slice %arg10[%mul3A_17, %dma_start3A_22] : memref<10112x128xf32, #tpu.memory_space<vmem_shared>> -> memref<632x128xf32, #tpu.memory_space<vmem_shared>>
      tpu.enqueue_dma source(%dma_start3A_23 : memref<632x128xf32, #tpu.memory_space<vmem_shared>>) target(%dma_start3A_21 : memref<632x128xf32, #tpu.memory_space<hbm>>) target_semaphore(%run_scoped3A : memref<!tpu.dma_semaphore, #tpu.memory_space<semaphore_mem>>)
      %dma_wait3A = arith.constant 0 : i32
      %dma_wait3A_24 = tpu.memref_slice %arg5[%arg0, %mul3A_19, %dma_wait3A] : memref<2x10112x128xf32, #tpu.memory_space<hbm>> -> memref<1x632x128xf32, #tpu.memory_space<hbm>>
      %dma_wait3A_25 = tpu.memref_squeeze %dma_wait3A_24 : memref<1x632x128xf32, #tpu.memory_space<hbm>> -> memref<632x128xf32, #tpu.memory_space<hbm>>
      %dma_wait3A_26 = arith.constant 0 : i32
      %dma_wait3A_27 = tpu.memref_slice %arg10[%mul3A_17, %dma_wait3A_26] : memref<10112x128xf32, #tpu.memory_space<vmem_shared>> -> memref<632x128xf32, #tpu.memory_space<vmem_shared>>
      tpu.wait_dma2 semaphore(%run_scoped3A : memref<!tpu.dma_semaphore, #tpu.memory_space<semaphore_mem>>) src(%dma_wait3A_27 : memref<632x128xf32, #tpu.memory_space<vmem_shared>>) dst(%dma_wait3A_25 : memref<632x128xf32, #tpu.memory_space<hbm>>)
      tpu.yield
    }) : () -> ()
    return
  }
}

#map = affine_map<(d0, d1) -> (0, 0)>
#map1 = affine_map<(d0, d1) -> (0)>
#map2 = affine_map<(d0, d1) -> (0, 0, 0)>
module attributes {stable_mosaic.version = 14 : i64} {
  func.func @_sc_class_body(%arg0: i32, %arg1: i32, %arg2: memref<2560x128xi32, #tpu.memory_space<hbm>>, %arg3: memref<2560x128xi32, #tpu.memory_space<hbm>>, %arg4: memref<10000xf32, #tpu.memory_space<hbm>>, %arg5: memref<10000xf32, #tpu.memory_space<hbm>>, %arg6: memref<16xf32, #tpu.memory_space<hbm>>, %arg7: memref<2560x128xi32, #tpu.memory_space<hbm>>, %arg8: memref<2x2560x128xi32, #tpu.memory_space<hbm>>, %arg9: memref<2x32x10112xf32, #tpu.memory_space<hbm>>, %arg10: memref<8x128xi32, #tpu.memory_space<vmem>>, %arg11: memref<8x128xi32, #tpu.memory_space<vmem>>, %arg12: memref<8x128xi32, #tpu.memory_space<vmem>>, %arg13: memref<8x128xi32, #tpu.memory_space<vmem>>, %arg14: memref<8x128xi32, #tpu.memory_space<vmem>>, %arg15: memref<10000xf32, #tpu.memory_space<vmem>>, %arg16: memref<10112xf32, #tpu.memory_space<vmem>>, %arg17: memref<16xf32, #tpu.memory_space<vmem>>, %arg18: memref<10112xf32, #tpu.memory_space<vmem>>, %arg19: memref<10112xf32, #tpu.memory_space<vmem>>) attributes {dimension_semantics = [#tpu.dimension_semantics<core_parallel>, #tpu.dimension_semantics<subcore_parallel>], iteration_bounds = array<i64: 2, 16>, scalar_prefetch = 0 : i64, scratch_operands = 10 : i64, tpu.core_type = #tpu.core_type<sc_vector_subcore>, window_params = [{transform_indices = #map}, {transform_indices = #map}, {transform_indices = #map1}, {transform_indices = #map1}, {transform_indices = #map1}, {transform_indices = #map}, {transform_indices = #map2}, {transform_indices = #map2}]} {
    %broadcast_in_dim3A = arith.constant 0.000000e+00 : f32
    %broadcast_in_dim3A_0 = vector.broadcast %broadcast_in_dim3A : f32 to vector<16xf32>
    %swap3A = arith.constant 10000 : index
    %swap3A_1 = tpu.vector_load %arg16[%swap3A] {strides = array<i32>} : memref<10112xf32, #tpu.memory_space<vmem>>, vector<16xf32>,
    tpu.vector_store %arg16[%swap3A], %broadcast_in_dim3A_0 {strides = array<i32>} : memref<10112xf32, #tpu.memory_space<vmem>>, vector<16xf32>,
    %broadcast_in_dim3A_2 = arith.constant 0.000000e+00 : f32
    %broadcast_in_dim3A_3 = vector.broadcast %broadcast_in_dim3A_2 : f32 to vector<16xf32>
    %swap3A_4 = arith.constant 10016 : index
    %swap3A_5 = tpu.vector_load %arg16[%swap3A_4] {strides = array<i32>} : memref<10112xf32, #tpu.memory_space<vmem>>, vector<16xf32>,
    tpu.vector_store %arg16[%swap3A_4], %broadcast_in_dim3A_3 {strides = array<i32>} : memref<10112xf32, #tpu.memory_space<vmem>>, vector<16xf32>,
    %broadcast_in_dim3A_6 = arith.constant 0.000000e+00 : f32
    %broadcast_in_dim3A_7 = vector.broadcast %broadcast_in_dim3A_6 : f32 to vector<16xf32>
    %swap3A_8 = arith.constant 10032 : index
    %swap3A_9 = tpu.vector_load %arg16[%swap3A_8] {strides = array<i32>} : memref<10112xf32, #tpu.memory_space<vmem>>, vector<16xf32>,
    tpu.vector_store %arg16[%swap3A_8], %broadcast_in_dim3A_7 {strides = array<i32>} : memref<10112xf32, #tpu.memory_space<vmem>>, vector<16xf32>,
    %broadcast_in_dim3A_10 = arith.constant 0.000000e+00 : f32
    %broadcast_in_dim3A_11 = vector.broadcast %broadcast_in_dim3A_10 : f32 to vector<16xf32>
    %swap3A_12 = arith.constant 10048 : index
    %swap3A_13 = tpu.vector_load %arg16[%swap3A_12] {strides = array<i32>} : memref<10112xf32, #tpu.memory_space<vmem>>, vector<16xf32>,
    tpu.vector_store %arg16[%swap3A_12], %broadcast_in_dim3A_11 {strides = array<i32>} : memref<10112xf32, #tpu.memory_space<vmem>>, vector<16xf32>,
    %broadcast_in_dim3A_14 = arith.constant 0.000000e+00 : f32
    %broadcast_in_dim3A_15 = vector.broadcast %broadcast_in_dim3A_14 : f32 to vector<16xf32>
    %swap3A_16 = arith.constant 10064 : index
    %swap3A_17 = tpu.vector_load %arg16[%swap3A_16] {strides = array<i32>} : memref<10112xf32, #tpu.memory_space<vmem>>, vector<16xf32>,
    tpu.vector_store %arg16[%swap3A_16], %broadcast_in_dim3A_15 {strides = array<i32>} : memref<10112xf32, #tpu.memory_space<vmem>>, vector<16xf32>,
    %broadcast_in_dim3A_18 = arith.constant 0.000000e+00 : f32
    %broadcast_in_dim3A_19 = vector.broadcast %broadcast_in_dim3A_18 : f32 to vector<16xf32>
    %swap3A_20 = arith.constant 10080 : index
    %swap3A_21 = tpu.vector_load %arg16[%swap3A_20] {strides = array<i32>} : memref<10112xf32, #tpu.memory_space<vmem>>, vector<16xf32>,
    tpu.vector_store %arg16[%swap3A_20], %broadcast_in_dim3A_19 {strides = array<i32>} : memref<10112xf32, #tpu.memory_space<vmem>>, vector<16xf32>,
    %broadcast_in_dim3A_22 = arith.constant 0.000000e+00 : f32
    %broadcast_in_dim3A_23 = vector.broadcast %broadcast_in_dim3A_22 : f32 to vector<16xf32>
    %swap3A_24 = arith.constant 10096 : index
    %swap3A_25 = tpu.vector_load %arg16[%swap3A_24] {strides = array<i32>} : memref<10112xf32, #tpu.memory_space<vmem>>, vector<16xf32>,
    tpu.vector_store %arg16[%swap3A_24], %broadcast_in_dim3A_23 {strides = array<i32>} : memref<10112xf32, #tpu.memory_space<vmem>>, vector<16xf32>,
    "tpu.region"() ({
      %run_scoped3A_47 = tpu.sem_alloc : memref<!tpu.dma_semaphore, #tpu.memory_space<semaphore_mem>>
      tpu.enqueue_dma source(%arg4 : memref<10000xf32, #tpu.memory_space<hbm>>) target(%arg15 : memref<10000xf32, #tpu.memory_space<vmem>>) target_semaphore(%run_scoped3A_47 : memref<!tpu.dma_semaphore, #tpu.memory_space<semaphore_mem>>)
      tpu.wait_dma2 semaphore(%run_scoped3A_47 : memref<!tpu.dma_semaphore, #tpu.memory_space<semaphore_mem>>) src(%arg4 : memref<10000xf32, #tpu.memory_space<hbm>>) dst(%arg15 : memref<10000xf32, #tpu.memory_space<vmem>>)
      tpu.yield
    }) : () -> ()
    "tpu.region"() ({
      %run_scoped3A_47 = tpu.sem_alloc : memref<!tpu.dma_semaphore, #tpu.memory_space<semaphore_mem>>
      %dma_start3A = arith.constant 0 : i32
      %dma_start3A_48 = tpu.memref_slice %arg16[%dma_start3A] : memref<10112xf32, #tpu.memory_space<vmem>> -> memref<10000xf32, #tpu.memory_space<vmem>>
      %dma_start3A_49 = arith.constant 0 : i32
      %dma_start3A_50 = tpu.memref_slice %arg16[%dma_start3A_49] : memref<10112xf32, #tpu.memory_space<vmem>> -> memref<10000xf32, #tpu.memory_space<vmem>>
      tpu.enqueue_dma source(%arg5 : memref<10000xf32, #tpu.memory_space<hbm>>) target(%dma_start3A_50 : memref<10000xf32, #tpu.memory_space<vmem>>) target_semaphore(%run_scoped3A_47 : memref<!tpu.dma_semaphore, #tpu.memory_space<semaphore_mem>>)
      %dma_wait3A = arith.constant 0 : i32
      %dma_wait3A_51 = tpu.memref_slice %arg16[%dma_wait3A] : memref<10112xf32, #tpu.memory_space<vmem>> -> memref<10000xf32, #tpu.memory_space<vmem>>
      %dma_wait3A_52 = arith.constant 0 : i32
      %dma_wait3A_53 = tpu.memref_slice %arg16[%dma_wait3A_52] : memref<10112xf32, #tpu.memory_space<vmem>> -> memref<10000xf32, #tpu.memory_space<vmem>>
      tpu.wait_dma2 semaphore(%run_scoped3A_47 : memref<!tpu.dma_semaphore, #tpu.memory_space<semaphore_mem>>) src(%arg5 : memref<10000xf32, #tpu.memory_space<hbm>>) dst(%dma_wait3A_53 : memref<10000xf32, #tpu.memory_space<vmem>>)
      tpu.yield
    }) : () -> ()
    "tpu.region"() ({
      %run_scoped3A_47 = tpu.sem_alloc : memref<!tpu.dma_semaphore, #tpu.memory_space<semaphore_mem>>
      tpu.enqueue_dma source(%arg6 : memref<16xf32, #tpu.memory_space<hbm>>) target(%arg17 : memref<16xf32, #tpu.memory_space<vmem>>) target_semaphore(%run_scoped3A_47 : memref<!tpu.dma_semaphore, #tpu.memory_space<semaphore_mem>>)
      tpu.wait_dma2 semaphore(%run_scoped3A_47 : memref<!tpu.dma_semaphore, #tpu.memory_space<semaphore_mem>>) src(%arg6 : memref<16xf32, #tpu.memory_space<hbm>>) dst(%arg17 : memref<16xf32, #tpu.memory_space<vmem>>)
      tpu.yield
    }) : () -> ()
    %scan3A = arith.constant 0 : i32
    %scan3A_26 = arith.constant 632 : i32
    %scan3A_27 = arith.addi %scan3A, %scan3A_26 : i32
    %scan3A_28 = arith.constant 1 : i32
    scf.for %scan3A_47 = %scan3A to %scan3A_27 step %scan3A_28  : i32 {
      %mul3A_48 = arith.constant 1 : i32
      %mul3A_49 = arith.muli %scan3A_47, %mul3A_48 : i32
      %add3A_50 = arith.constant 0 : i32
      %add3A_51 = arith.addi %add3A_50, %mul3A_49 : i32
      %broadcast_in_dim3A_52 = arith.constant 0.000000e+00 : f32
      %broadcast_in_dim3A_53 = vector.broadcast %broadcast_in_dim3A_52 : f32 to vector<16xf32>
      %mul3A_54 = arith.constant 16 : i32
      %mul3A_55 = arith.muli %add3A_51, %mul3A_54 : i32
      %swap3A_56 = arith.index_cast %mul3A_55 : i32 to index
      %swap3A_57 = tpu.vector_load %arg18[%swap3A_56] {strides = array<i32>} : memref<10112xf32, #tpu.memory_space<vmem>>, vector<16xf32>,
      tpu.vector_store %arg18[%swap3A_56], %broadcast_in_dim3A_53 {strides = array<i32>} : memref<10112xf32, #tpu.memory_space<vmem>>, vector<16xf32>,
      %broadcast_in_dim3A_58 = arith.constant 0.000000e+00 : f32
      %broadcast_in_dim3A_59 = vector.broadcast %broadcast_in_dim3A_58 : f32 to vector<16xf32>
      %mul3A_60 = arith.constant 16 : i32
      %mul3A_61 = arith.muli %add3A_51, %mul3A_60 : i32
      %swap3A_62 = arith.index_cast %mul3A_61 : i32 to index
      %swap3A_63 = tpu.vector_load %arg19[%swap3A_62] {strides = array<i32>} : memref<10112xf32, #tpu.memory_space<vmem>>, vector<16xf32>,
      tpu.vector_store %arg19[%swap3A_62], %broadcast_in_dim3A_59 {strides = array<i32>} : memref<10112xf32, #tpu.memory_space<vmem>>, vector<16xf32>,
    }
    %scan3A_29 = arith.constant 632 : i32
    %get3A = arith.constant 0 : index
    %get3A_30 = tpu.vector_load %arg17[%get3A] {strides = array<i32>} : memref<16xf32, #tpu.memory_space<vmem>>, vector<16xf32>,
    %broadcast_in_dim3A_31 = arith.constant 10016 : i32
    %broadcast_in_dim3A_32 = vector.broadcast %broadcast_in_dim3A_31 : i32 to vector<16xi32>
    %broadcast_in_dim3A_33 = arith.constant 10000 : i32
    %broadcast_in_dim3A_34 = vector.broadcast %broadcast_in_dim3A_33 : i32 to vector<16xi32>
    %mul3A = arith.constant 1280 : i32
    %mul3A_35 = arith.muli %arg0, %mul3A : i32
    %mul3A_36 = arith.constant 80 : i32
    %mul3A_37 = arith.muli %arg1, %mul3A_36 : i32
    %add3A = arith.addi %mul3A_35, %mul3A_37 : i32
    %scan3A_38 = arith.constant 0 : i32
    %scan3A_39 = arith.constant 10 : i32
    %scan3A_40 = arith.addi %scan3A_38, %scan3A_39 : i32
    %scan3A_41 = arith.constant 1 : i32
    scf.for %scan3A_47 = %scan3A_38 to %scan3A_40 step %scan3A_41  : i32 {
      %mul3A_48 = arith.constant 1 : i32
      %mul3A_49 = arith.muli %scan3A_47, %mul3A_48 : i32
      %add3A_50 = arith.constant 0 : i32
      %add3A_51 = arith.addi %add3A_50, %mul3A_49 : i32
      %mul3A_52 = arith.constant 8 : i32
      %mul3A_53 = arith.muli %add3A_51, %mul3A_52 : i32
      %add3A_54 = arith.addi %add3A, %mul3A_53 : i32
      "tpu.region"() ({
        %run_scoped3A_74 = tpu.sem_alloc : memref<!tpu.dma_semaphore, #tpu.memory_space<semaphore_mem>>
        %dma_start3A = arith.constant 0 : i32
        %dma_start3A_75 = tpu.memref_slice %arg2[%add3A_54, %dma_start3A] : memref<2560x128xi32, #tpu.memory_space<hbm>> -> memref<8x128xi32, #tpu.memory_space<hbm>>
        %dma_start3A_76 = arith.constant 0 : i32
        %dma_start3A_77 = tpu.memref_slice %arg2[%add3A_54, %dma_start3A_76] : memref<2560x128xi32, #tpu.memory_space<hbm>> -> memref<8x128xi32, #tpu.memory_space<hbm>>
        tpu.enqueue_dma source(%dma_start3A_77 : memref<8x128xi32, #tpu.memory_space<hbm>>) target(%arg10 : memref<8x128xi32, #tpu.memory_space<vmem>>) target_semaphore(%run_scoped3A_74 : memref<!tpu.dma_semaphore, #tpu.memory_space<semaphore_mem>>)
        %dma_wait3A = arith.constant 0 : i32
        %dma_wait3A_78 = tpu.memref_slice %arg2[%add3A_54, %dma_wait3A] : memref<2560x128xi32, #tpu.memory_space<hbm>> -> memref<8x128xi32, #tpu.memory_space<hbm>>
        %dma_wait3A_79 = arith.constant 0 : i32
        %dma_wait3A_80 = tpu.memref_slice %arg2[%add3A_54, %dma_wait3A_79] : memref<2560x128xi32, #tpu.memory_space<hbm>> -> memref<8x128xi32, #tpu.memory_space<hbm>>
        tpu.wait_dma2 semaphore(%run_scoped3A_74 : memref<!tpu.dma_semaphore, #tpu.memory_space<semaphore_mem>>) src(%dma_wait3A_80 : memref<8x128xi32, #tpu.memory_space<hbm>>) dst(%arg10 : memref<8x128xi32, #tpu.memory_space<vmem>>)
        tpu.yield
      }) : () -> ()
      %mul3A_55 = arith.constant 8 : i32
      %mul3A_56 = arith.muli %add3A_51, %mul3A_55 : i32
      %add3A_57 = arith.addi %add3A, %mul3A_56 : i32
      "tpu.region"() ({
        %run_scoped3A_74 = tpu.sem_alloc : memref<!tpu.dma_semaphore, #tpu.memory_space<semaphore_mem>>
        %dma_start3A = arith.constant 0 : i32
        %dma_start3A_75 = tpu.memref_slice %arg3[%add3A_57, %dma_start3A] : memref<2560x128xi32, #tpu.memory_space<hbm>> -> memref<8x128xi32, #tpu.memory_space<hbm>>
        %dma_start3A_76 = arith.constant 0 : i32
        %dma_start3A_77 = tpu.memref_slice %arg3[%add3A_57, %dma_start3A_76] : memref<2560x128xi32, #tpu.memory_space<hbm>> -> memref<8x128xi32, #tpu.memory_space<hbm>>
        tpu.enqueue_dma source(%dma_start3A_77 : memref<8x128xi32, #tpu.memory_space<hbm>>) target(%arg11 : memref<8x128xi32, #tpu.memory_space<vmem>>) target_semaphore(%run_scoped3A_74 : memref<!tpu.dma_semaphore, #tpu.memory_space<semaphore_mem>>)
        %dma_wait3A = arith.constant 0 : i32
        %dma_wait3A_78 = tpu.memref_slice %arg3[%add3A_57, %dma_wait3A] : memref<2560x128xi32, #tpu.memory_space<hbm>> -> memref<8x128xi32, #tpu.memory_space<hbm>>
        %dma_wait3A_79 = arith.constant 0 : i32
        %dma_wait3A_80 = tpu.memref_slice %arg3[%add3A_57, %dma_wait3A_79] : memref<2560x128xi32, #tpu.memory_space<hbm>> -> memref<8x128xi32, #tpu.memory_space<hbm>>
        tpu.wait_dma2 semaphore(%run_scoped3A_74 : memref<!tpu.dma_semaphore, #tpu.memory_space<semaphore_mem>>) src(%dma_wait3A_80 : memref<8x128xi32, #tpu.memory_space<hbm>>) dst(%arg11 : memref<8x128xi32, #tpu.memory_space<vmem>>)
        tpu.yield
      }) : () -> ()
      %scan3A_58 = arith.constant 0 : i32
      %scan3A_59 = arith.constant 8 : i32
      %scan3A_60 = arith.addi %scan3A_58, %scan3A_59 : i32
      %scan3A_61 = arith.constant 1 : i32
      scf.for %scan3A_74 = %scan3A_58 to %scan3A_60 step %scan3A_61  : i32 {
        %mul3A_75 = arith.constant 1 : i32
        %mul3A_76 = arith.muli %scan3A_74, %mul3A_75 : i32
        %add3A_77 = arith.constant 0 : i32
        %add3A_78 = arith.addi %add3A_77, %mul3A_76 : i32
        %get3A_79 = arith.index_cast %add3A_78 : i32 to index
        %get3A_80 = arith.constant 0 : index
        %get3A_81 = tpu.vector_load %arg10[%get3A_79, %get3A_80] {strides = array<i32>} : memref<8x128xi32, #tpu.memory_space<vmem>>, vector<16xi32>,
        %get3A_82 = arith.index_cast %add3A_78 : i32 to index
        %get3A_83 = arith.constant 0 : index
        %get3A_84 = tpu.vector_load %arg11[%get3A_82, %get3A_83] {strides = array<i32>} : memref<8x128xi32, #tpu.memory_space<vmem>>, vector<16xi32>,
        %gather3A = tpu.vector_load_idx %arg15[%get3A_81] : memref<10000xf32, #tpu.memory_space<vmem>>[vector<16xi32>], vector<16xf32>,
        %gather3A_85 = tpu.vector_load_idx %arg16[%get3A_84] : memref<10112xf32, #tpu.memory_space<vmem>>[vector<16xi32>], vector<16xf32>,
        %add3A_86 = arith.addf %gather3A, %gather3A_85 : vector<16xf32>
        %gt3A = arith.constant 0.000000e+00 : f32
        %gt3A_87 = vector.broadcast %gt3A : f32 to vector<16xf32>
        %gt3A_88 = arith.cmpf ogt, %add3A_86, %gt3A_87 : vector<16xf32>
        %select_n3A = arith.select %gt3A_88, %get3A_84, %broadcast_in_dim3A_32 : vector<16xi1>, vector<16xi32>
        %select_n3A_89 = arith.select %gt3A_88, %broadcast_in_dim3A_32, %get3A_84 : vector<16xi1>, vector<16xi32>
        %mul3A_90 = arith.constant 2.000000e-01 : f32
        %mul3A_91 = vector.broadcast %mul3A_90 : f32 to vector<16xf32>
        %mul3A_92 = arith.mulf %mul3A_91, %gather3A : vector<16xf32>
        %select_n3A_93 = arith.select %gt3A_88, %gather3A, %mul3A_92 : vector<16xi1>, vector<16xf32>
        %sub3A = arith.subf %select_n3A_93, %get3A_30 : vector<16xf32>
        %exp3A = math.exp %sub3A : vector<16xf32>
        %add3A_94 = arith.addi %get3A_81, %broadcast_in_dim3A_34 : vector<16xi32>
        %select_n3A_95 = arith.select %gt3A_88, %get3A_81, %add3A_94 : vector<16xi1>, vector<16xi32>
        %swap3A_96 = arith.index_cast %add3A_78 : i32 to index
        %swap3A_97 = arith.constant 0 : index
        %swap3A_98 = tpu.vector_load %arg12[%swap3A_96, %swap3A_97] {strides = array<i32>} : memref<8x128xi32, #tpu.memory_space<vmem>>, vector<16xi32>,
        tpu.vector_store %arg12[%swap3A_96, %swap3A_97], %select_n3A_95 {strides = array<i32>} : memref<8x128xi32, #tpu.memory_space<vmem>>, vector<16xi32>,
        %swap3A_99 = arith.index_cast %add3A_78 : i32 to index
        %swap3A_100 = arith.constant 0 : index
        %swap3A_101 = tpu.vector_load %arg13[%swap3A_99, %swap3A_100] {strides = array<i32>} : memref<8x128xi32, #tpu.memory_space<vmem>>, vector<16xi32>,
        tpu.vector_store %arg13[%swap3A_99, %swap3A_100], %select_n3A {strides = array<i32>} : memref<8x128xi32, #tpu.memory_space<vmem>>, vector<16xi32>,
        %swap3A_102 = arith.index_cast %add3A_78 : i32 to index
        %swap3A_103 = arith.constant 0 : index
        %swap3A_104 = tpu.vector_load %arg14[%swap3A_102, %swap3A_103] {strides = array<i32>} : memref<8x128xi32, #tpu.memory_space<vmem>>, vector<16xi32>,
        tpu.vector_store %arg14[%swap3A_102, %swap3A_103], %select_n3A_89 {strides = array<i32>} : memref<8x128xi32, #tpu.memory_space<vmem>>, vector<16xi32>,
        tpu.vector_store_idx %arg18[%select_n3A], %exp3A {add = true} : memref<10112xf32, #tpu.memory_space<vmem>>[vector<16xi32>], vector<16xf32>,
        tpu.vector_store_idx %arg19[%select_n3A_89], %exp3A {add = true} : memref<10112xf32, #tpu.memory_space<vmem>>[vector<16xi32>], vector<16xf32>,
        %get3A_105 = arith.index_cast %add3A_78 : i32 to index
        %get3A_106 = arith.constant 16 : index
        %get3A_107 = tpu.vector_load %arg10[%get3A_105, %get3A_106] {strides = array<i32>} : memref<8x128xi32, #tpu.memory_space<vmem>>, vector<16xi32>,
        %get3A_108 = arith.index_cast %add3A_78 : i32 to index
        %get3A_109 = arith.constant 16 : index
        %get3A_110 = tpu.vector_load %arg11[%get3A_108, %get3A_109] {strides = array<i32>} : memref<8x128xi32, #tpu.memory_space<vmem>>, vector<16xi32>,
        %gather3A_111 = tpu.vector_load_idx %arg15[%get3A_107] : memref<10000xf32, #tpu.memory_space<vmem>>[vector<16xi32>], vector<16xf32>,
        %gather3A_112 = tpu.vector_load_idx %arg16[%get3A_110] : memref<10112xf32, #tpu.memory_space<vmem>>[vector<16xi32>], vector<16xf32>,
        %add3A_113 = arith.addf %gather3A_111, %gather3A_112 : vector<16xf32>
        %gt3A_114 = arith.constant 0.000000e+00 : f32
        %gt3A_115 = vector.broadcast %gt3A_114 : f32 to vector<16xf32>
        %gt3A_116 = arith.cmpf ogt, %add3A_113, %gt3A_115 : vector<16xf32>
        %select_n3A_117 = arith.select %gt3A_116, %get3A_110, %broadcast_in_dim3A_32 : vector<16xi1>, vector<16xi32>
        %select_n3A_118 = arith.select %gt3A_116, %broadcast_in_dim3A_32, %get3A_110 : vector<16xi1>, vector<16xi32>
        %mul3A_119 = arith.constant 2.000000e-01 : f32
        %mul3A_120 = vector.broadcast %mul3A_119 : f32 to vector<16xf32>
        %mul3A_121 = arith.mulf %mul3A_120, %gather3A_111 : vector<16xf32>
        %select_n3A_122 = arith.select %gt3A_116, %gather3A_111, %mul3A_121 : vector<16xi1>, vector<16xf32>
        %sub3A_123 = arith.subf %select_n3A_122, %get3A_30 : vector<16xf32>
        %exp3A_124 = math.exp %sub3A_123 : vector<16xf32>
        %add3A_125 = arith.addi %get3A_107, %broadcast_in_dim3A_34 : vector<16xi32>
        %select_n3A_126 = arith.select %gt3A_116, %get3A_107, %add3A_125 : vector<16xi1>, vector<16xi32>
        %swap3A_127 = arith.index_cast %add3A_78 : i32 to index
        %swap3A_128 = arith.constant 16 : index
        %swap3A_129 = tpu.vector_load %arg12[%swap3A_127, %swap3A_128] {strides = array<i32>} : memref<8x128xi32, #tpu.memory_space<vmem>>, vector<16xi32>,
        tpu.vector_store %arg12[%swap3A_127, %swap3A_128], %select_n3A_126 {strides = array<i32>} : memref<8x128xi32, #tpu.memory_space<vmem>>, vector<16xi32>,
        %swap3A_130 = arith.index_cast %add3A_78 : i32 to index
        %swap3A_131 = arith.constant 16 : index
        %swap3A_132 = tpu.vector_load %arg13[%swap3A_130, %swap3A_131] {strides = array<i32>} : memref<8x128xi32, #tpu.memory_space<vmem>>, vector<16xi32>,
        tpu.vector_store %arg13[%swap3A_130, %swap3A_131], %select_n3A_117 {strides = array<i32>} : memref<8x128xi32, #tpu.memory_space<vmem>>, vector<16xi32>,
        %swap3A_133 = arith.index_cast %add3A_78 : i32 to index
        %swap3A_134 = arith.constant 16 : index
        %swap3A_135 = tpu.vector_load %arg14[%swap3A_133, %swap3A_134] {strides = array<i32>} : memref<8x128xi32, #tpu.memory_space<vmem>>, vector<16xi32>,
        tpu.vector_store %arg14[%swap3A_133, %swap3A_134], %select_n3A_118 {strides = array<i32>} : memref<8x128xi32, #tpu.memory_space<vmem>>, vector<16xi32>,
        tpu.vector_store_idx %arg18[%select_n3A_117], %exp3A_124 {add = true} : memref<10112xf32, #tpu.memory_space<vmem>>[vector<16xi32>], vector<16xf32>,
        tpu.vector_store_idx %arg19[%select_n3A_118], %exp3A_124 {add = true} : memref<10112xf32, #tpu.memory_space<vmem>>[vector<16xi32>], vector<16xf32>,
        %get3A_136 = arith.index_cast %add3A_78 : i32 to index
        %get3A_137 = arith.constant 32 : index
        %get3A_138 = tpu.vector_load %arg10[%get3A_136, %get3A_137] {strides = array<i32>} : memref<8x128xi32, #tpu.memory_space<vmem>>, vector<16xi32>,
        %get3A_139 = arith.index_cast %add3A_78 : i32 to index
        %get3A_140 = arith.constant 32 : index
        %get3A_141 = tpu.vector_load %arg11[%get3A_139, %get3A_140] {strides = array<i32>} : memref<8x128xi32, #tpu.memory_space<vmem>>, vector<16xi32>,
        %gather3A_142 = tpu.vector_load_idx %arg15[%get3A_138] : memref<10000xf32, #tpu.memory_space<vmem>>[vector<16xi32>], vector<16xf32>,
        %gather3A_143 = tpu.vector_load_idx %arg16[%get3A_141] : memref<10112xf32, #tpu.memory_space<vmem>>[vector<16xi32>], vector<16xf32>,
        %add3A_144 = arith.addf %gather3A_142, %gather3A_143 : vector<16xf32>
        %gt3A_145 = arith.constant 0.000000e+00 : f32
        %gt3A_146 = vector.broadcast %gt3A_145 : f32 to vector<16xf32>
        %gt3A_147 = arith.cmpf ogt, %add3A_144, %gt3A_146 : vector<16xf32>
        %select_n3A_148 = arith.select %gt3A_147, %get3A_141, %broadcast_in_dim3A_32 : vector<16xi1>, vector<16xi32>
        %select_n3A_149 = arith.select %gt3A_147, %broadcast_in_dim3A_32, %get3A_141 : vector<16xi1>, vector<16xi32>
        %mul3A_150 = arith.constant 2.000000e-01 : f32
        %mul3A_151 = vector.broadcast %mul3A_150 : f32 to vector<16xf32>
        %mul3A_152 = arith.mulf %mul3A_151, %gather3A_142 : vector<16xf32>
        %select_n3A_153 = arith.select %gt3A_147, %gather3A_142, %mul3A_152 : vector<16xi1>, vector<16xf32>
        %sub3A_154 = arith.subf %select_n3A_153, %get3A_30 : vector<16xf32>
        %exp3A_155 = math.exp %sub3A_154 : vector<16xf32>
        %add3A_156 = arith.addi %get3A_138, %broadcast_in_dim3A_34 : vector<16xi32>
        %select_n3A_157 = arith.select %gt3A_147, %get3A_138, %add3A_156 : vector<16xi1>, vector<16xi32>
        %swap3A_158 = arith.index_cast %add3A_78 : i32 to index
        %swap3A_159 = arith.constant 32 : index
        %swap3A_160 = tpu.vector_load %arg12[%swap3A_158, %swap3A_159] {strides = array<i32>} : memref<8x128xi32, #tpu.memory_space<vmem>>, vector<16xi32>,
        tpu.vector_store %arg12[%swap3A_158, %swap3A_159], %select_n3A_157 {strides = array<i32>} : memref<8x128xi32, #tpu.memory_space<vmem>>, vector<16xi32>,
        %swap3A_161 = arith.index_cast %add3A_78 : i32 to index
        %swap3A_162 = arith.constant 32 : index
        %swap3A_163 = tpu.vector_load %arg13[%swap3A_161, %swap3A_162] {strides = array<i32>} : memref<8x128xi32, #tpu.memory_space<vmem>>, vector<16xi32>,
        tpu.vector_store %arg13[%swap3A_161, %swap3A_162], %select_n3A_148 {strides = array<i32>} : memref<8x128xi32, #tpu.memory_space<vmem>>, vector<16xi32>,
        %swap3A_164 = arith.index_cast %add3A_78 : i32 to index
        %swap3A_165 = arith.constant 32 : index
        %swap3A_166 = tpu.vector_load %arg14[%swap3A_164, %swap3A_165] {strides = array<i32>} : memref<8x128xi32, #tpu.memory_space<vmem>>, vector<16xi32>,
        tpu.vector_store %arg14[%swap3A_164, %swap3A_165], %select_n3A_149 {strides = array<i32>} : memref<8x128xi32, #tpu.memory_space<vmem>>, vector<16xi32>,
        tpu.vector_store_idx %arg18[%select_n3A_148], %exp3A_155 {add = true} : memref<10112xf32, #tpu.memory_space<vmem>>[vector<16xi32>], vector<16xf32>,
        tpu.vector_store_idx %arg19[%select_n3A_149], %exp3A_155 {add = true} : memref<10112xf32, #tpu.memory_space<vmem>>[vector<16xi32>], vector<16xf32>,
        %get3A_167 = arith.index_cast %add3A_78 : i32 to index
        %get3A_168 = arith.constant 48 : index
        %get3A_169 = tpu.vector_load %arg10[%get3A_167, %get3A_168] {strides = array<i32>} : memref<8x128xi32, #tpu.memory_space<vmem>>, vector<16xi32>,
        %get3A_170 = arith.index_cast %add3A_78 : i32 to index
        %get3A_171 = arith.constant 48 : index
        %get3A_172 = tpu.vector_load %arg11[%get3A_170, %get3A_171] {strides = array<i32>} : memref<8x128xi32, #tpu.memory_space<vmem>>, vector<16xi32>,
        %gather3A_173 = tpu.vector_load_idx %arg15[%get3A_169] : memref<10000xf32, #tpu.memory_space<vmem>>[vector<16xi32>], vector<16xf32>,
        %gather3A_174 = tpu.vector_load_idx %arg16[%get3A_172] : memref<10112xf32, #tpu.memory_space<vmem>>[vector<16xi32>], vector<16xf32>,
        %add3A_175 = arith.addf %gather3A_173, %gather3A_174 : vector<16xf32>
        %gt3A_176 = arith.constant 0.000000e+00 : f32
        %gt3A_177 = vector.broadcast %gt3A_176 : f32 to vector<16xf32>
        %gt3A_178 = arith.cmpf ogt, %add3A_175, %gt3A_177 : vector<16xf32>
        %select_n3A_179 = arith.select %gt3A_178, %get3A_172, %broadcast_in_dim3A_32 : vector<16xi1>, vector<16xi32>
        %select_n3A_180 = arith.select %gt3A_178, %broadcast_in_dim3A_32, %get3A_172 : vector<16xi1>, vector<16xi32>
        %mul3A_181 = arith.constant 2.000000e-01 : f32
        %mul3A_182 = vector.broadcast %mul3A_181 : f32 to vector<16xf32>
        %mul3A_183 = arith.mulf %mul3A_182, %gather3A_173 : vector<16xf32>
        %select_n3A_184 = arith.select %gt3A_178, %gather3A_173, %mul3A_183 : vector<16xi1>, vector<16xf32>
        %sub3A_185 = arith.subf %select_n3A_184, %get3A_30 : vector<16xf32>
        %exp3A_186 = math.exp %sub3A_185 : vector<16xf32>
        %add3A_187 = arith.addi %get3A_169, %broadcast_in_dim3A_34 : vector<16xi32>
        %select_n3A_188 = arith.select %gt3A_178, %get3A_169, %add3A_187 : vector<16xi1>, vector<16xi32>
        %swap3A_189 = arith.index_cast %add3A_78 : i32 to index
        %swap3A_190 = arith.constant 48 : index
        %swap3A_191 = tpu.vector_load %arg12[%swap3A_189, %swap3A_190] {strides = array<i32>} : memref<8x128xi32, #tpu.memory_space<vmem>>, vector<16xi32>,
        tpu.vector_store %arg12[%swap3A_189, %swap3A_190], %select_n3A_188 {strides = array<i32>} : memref<8x128xi32, #tpu.memory_space<vmem>>, vector<16xi32>,
        %swap3A_192 = arith.index_cast %add3A_78 : i32 to index
        %swap3A_193 = arith.constant 48 : index
        %swap3A_194 = tpu.vector_load %arg13[%swap3A_192, %swap3A_193] {strides = array<i32>} : memref<8x128xi32, #tpu.memory_space<vmem>>, vector<16xi32>,
        tpu.vector_store %arg13[%swap3A_192, %swap3A_193], %select_n3A_179 {strides = array<i32>} : memref<8x128xi32, #tpu.memory_space<vmem>>, vector<16xi32>,
        %swap3A_195 = arith.index_cast %add3A_78 : i32 to index
        %swap3A_196 = arith.constant 48 : index
        %swap3A_197 = tpu.vector_load %arg14[%swap3A_195, %swap3A_196] {strides = array<i32>} : memref<8x128xi32, #tpu.memory_space<vmem>>, vector<16xi32>,
        tpu.vector_store %arg14[%swap3A_195, %swap3A_196], %select_n3A_180 {strides = array<i32>} : memref<8x128xi32, #tpu.memory_space<vmem>>, vector<16xi32>,
        tpu.vector_store_idx %arg18[%select_n3A_179], %exp3A_186 {add = true} : memref<10112xf32, #tpu.memory_space<vmem>>[vector<16xi32>], vector<16xf32>,
        tpu.vector_store_idx %arg19[%select_n3A_180], %exp3A_186 {add = true} : memref<10112xf32, #tpu.memory_space<vmem>>[vector<16xi32>], vector<16xf32>,
        %get3A_198 = arith.index_cast %add3A_78 : i32 to index
        %get3A_199 = arith.constant 64 : index
        %get3A_200 = tpu.vector_load %arg10[%get3A_198, %get3A_199] {strides = array<i32>} : memref<8x128xi32, #tpu.memory_space<vmem>>, vector<16xi32>,
        %get3A_201 = arith.index_cast %add3A_78 : i32 to index
        %get3A_202 = arith.constant 64 : index
        %get3A_203 = tpu.vector_load %arg11[%get3A_201, %get3A_202] {strides = array<i32>} : memref<8x128xi32, #tpu.memory_space<vmem>>, vector<16xi32>,
        %gather3A_204 = tpu.vector_load_idx %arg15[%get3A_200] : memref<10000xf32, #tpu.memory_space<vmem>>[vector<16xi32>], vector<16xf32>,
        %gather3A_205 = tpu.vector_load_idx %arg16[%get3A_203] : memref<10112xf32, #tpu.memory_space<vmem>>[vector<16xi32>], vector<16xf32>,
        %add3A_206 = arith.addf %gather3A_204, %gather3A_205 : vector<16xf32>
        %gt3A_207 = arith.constant 0.000000e+00 : f32
        %gt3A_208 = vector.broadcast %gt3A_207 : f32 to vector<16xf32>
        %gt3A_209 = arith.cmpf ogt, %add3A_206, %gt3A_208 : vector<16xf32>
        %select_n3A_210 = arith.select %gt3A_209, %get3A_203, %broadcast_in_dim3A_32 : vector<16xi1>, vector<16xi32>
        %select_n3A_211 = arith.select %gt3A_209, %broadcast_in_dim3A_32, %get3A_203 : vector<16xi1>, vector<16xi32>
        %mul3A_212 = arith.constant 2.000000e-01 : f32
        %mul3A_213 = vector.broadcast %mul3A_212 : f32 to vector<16xf32>
        %mul3A_214 = arith.mulf %mul3A_213, %gather3A_204 : vector<16xf32>
        %select_n3A_215 = arith.select %gt3A_209, %gather3A_204, %mul3A_214 : vector<16xi1>, vector<16xf32>
        %sub3A_216 = arith.subf %select_n3A_215, %get3A_30 : vector<16xf32>
        %exp3A_217 = math.exp %sub3A_216 : vector<16xf32>
        %add3A_218 = arith.addi %get3A_200, %broadcast_in_dim3A_34 : vector<16xi32>
        %select_n3A_219 = arith.select %gt3A_209, %get3A_200, %add3A_218 : vector<16xi1>, vector<16xi32>
        %swap3A_220 = arith.index_cast %add3A_78 : i32 to index
        %swap3A_221 = arith.constant 64 : index
        %swap3A_222 = tpu.vector_load %arg12[%swap3A_220, %swap3A_221] {strides = array<i32>} : memref<8x128xi32, #tpu.memory_space<vmem>>, vector<16xi32>,
        tpu.vector_store %arg12[%swap3A_220, %swap3A_221], %select_n3A_219 {strides = array<i32>} : memref<8x128xi32, #tpu.memory_space<vmem>>, vector<16xi32>,
        %swap3A_223 = arith.index_cast %add3A_78 : i32 to index
        %swap3A_224 = arith.constant 64 : index
        %swap3A_225 = tpu.vector_load %arg13[%swap3A_223, %swap3A_224] {strides = array<i32>} : memref<8x128xi32, #tpu.memory_space<vmem>>, vector<16xi32>,
        tpu.vector_store %arg13[%swap3A_223, %swap3A_224], %select_n3A_210 {strides = array<i32>} : memref<8x128xi32, #tpu.memory_space<vmem>>, vector<16xi32>,
        %swap3A_226 = arith.index_cast %add3A_78 : i32 to index
        %swap3A_227 = arith.constant 64 : index
        %swap3A_228 = tpu.vector_load %arg14[%swap3A_226, %swap3A_227] {strides = array<i32>} : memref<8x128xi32, #tpu.memory_space<vmem>>, vector<16xi32>,
        tpu.vector_store %arg14[%swap3A_226, %swap3A_227], %select_n3A_211 {strides = array<i32>} : memref<8x128xi32, #tpu.memory_space<vmem>>, vector<16xi32>,
        tpu.vector_store_idx %arg18[%select_n3A_210], %exp3A_217 {add = true} : memref<10112xf32, #tpu.memory_space<vmem>>[vector<16xi32>], vector<16xf32>,
        tpu.vector_store_idx %arg19[%select_n3A_211], %exp3A_217 {add = true} : memref<10112xf32, #tpu.memory_space<vmem>>[vector<16xi32>], vector<16xf32>,
        %get3A_229 = arith.index_cast %add3A_78 : i32 to index
        %get3A_230 = arith.constant 80 : index
        %get3A_231 = tpu.vector_load %arg10[%get3A_229, %get3A_230] {strides = array<i32>} : memref<8x128xi32, #tpu.memory_space<vmem>>, vector<16xi32>,
        %get3A_232 = arith.index_cast %add3A_78 : i32 to index
        %get3A_233 = arith.constant 80 : index
        %get3A_234 = tpu.vector_load %arg11[%get3A_232, %get3A_233] {strides = array<i32>} : memref<8x128xi32, #tpu.memory_space<vmem>>, vector<16xi32>,
        %gather3A_235 = tpu.vector_load_idx %arg15[%get3A_231] : memref<10000xf32, #tpu.memory_space<vmem>>[vector<16xi32>], vector<16xf32>,
        %gather3A_236 = tpu.vector_load_idx %arg16[%get3A_234] : memref<10112xf32, #tpu.memory_space<vmem>>[vector<16xi32>], vector<16xf32>,
        %add3A_237 = arith.addf %gather3A_235, %gather3A_236 : vector<16xf32>
        %gt3A_238 = arith.constant 0.000000e+00 : f32
        %gt3A_239 = vector.broadcast %gt3A_238 : f32 to vector<16xf32>
        %gt3A_240 = arith.cmpf ogt, %add3A_237, %gt3A_239 : vector<16xf32>
        %select_n3A_241 = arith.select %gt3A_240, %get3A_234, %broadcast_in_dim3A_32 : vector<16xi1>, vector<16xi32>
        %select_n3A_242 = arith.select %gt3A_240, %broadcast_in_dim3A_32, %get3A_234 : vector<16xi1>, vector<16xi32>
        %mul3A_243 = arith.constant 2.000000e-01 : f32
        %mul3A_244 = vector.broadcast %mul3A_243 : f32 to vector<16xf32>
        %mul3A_245 = arith.mulf %mul3A_244, %gather3A_235 : vector<16xf32>
        %select_n3A_246 = arith.select %gt3A_240, %gather3A_235, %mul3A_245 : vector<16xi1>, vector<16xf32>
        %sub3A_247 = arith.subf %select_n3A_246, %get3A_30 : vector<16xf32>
        %exp3A_248 = math.exp %sub3A_247 : vector<16xf32>
        %add3A_249 = arith.addi %get3A_231, %broadcast_in_dim3A_34 : vector<16xi32>
        %select_n3A_250 = arith.select %gt3A_240, %get3A_231, %add3A_249 : vector<16xi1>, vector<16xi32>
        %swap3A_251 = arith.index_cast %add3A_78 : i32 to index
        %swap3A_252 = arith.constant 80 : index
        %swap3A_253 = tpu.vector_load %arg12[%swap3A_251, %swap3A_252] {strides = array<i32>} : memref<8x128xi32, #tpu.memory_space<vmem>>, vector<16xi32>,
        tpu.vector_store %arg12[%swap3A_251, %swap3A_252], %select_n3A_250 {strides = array<i32>} : memref<8x128xi32, #tpu.memory_space<vmem>>, vector<16xi32>,
        %swap3A_254 = arith.index_cast %add3A_78 : i32 to index
        %swap3A_255 = arith.constant 80 : index
        %swap3A_256 = tpu.vector_load %arg13[%swap3A_254, %swap3A_255] {strides = array<i32>} : memref<8x128xi32, #tpu.memory_space<vmem>>, vector<16xi32>,
        tpu.vector_store %arg13[%swap3A_254, %swap3A_255], %select_n3A_241 {strides = array<i32>} : memref<8x128xi32, #tpu.memory_space<vmem>>, vector<16xi32>,
        %swap3A_257 = arith.index_cast %add3A_78 : i32 to index
        %swap3A_258 = arith.constant 80 : index
        %swap3A_259 = tpu.vector_load %arg14[%swap3A_257, %swap3A_258] {strides = array<i32>} : memref<8x128xi32, #tpu.memory_space<vmem>>, vector<16xi32>,
        tpu.vector_store %arg14[%swap3A_257, %swap3A_258], %select_n3A_242 {strides = array<i32>} : memref<8x128xi32, #tpu.memory_space<vmem>>, vector<16xi32>,
        tpu.vector_store_idx %arg18[%select_n3A_241], %exp3A_248 {add = true} : memref<10112xf32, #tpu.memory_space<vmem>>[vector<16xi32>], vector<16xf32>,
        tpu.vector_store_idx %arg19[%select_n3A_242], %exp3A_248 {add = true} : memref<10112xf32, #tpu.memory_space<vmem>>[vector<16xi32>], vector<16xf32>,
        %get3A_260 = arith.index_cast %add3A_78 : i32 to index
        %get3A_261 = arith.constant 96 : index
        %get3A_262 = tpu.vector_load %arg10[%get3A_260, %get3A_261] {strides = array<i32>} : memref<8x128xi32, #tpu.memory_space<vmem>>, vector<16xi32>,
        %get3A_263 = arith.index_cast %add3A_78 : i32 to index
        %get3A_264 = arith.constant 96 : index
        %get3A_265 = tpu.vector_load %arg11[%get3A_263, %get3A_264] {strides = array<i32>} : memref<8x128xi32, #tpu.memory_space<vmem>>, vector<16xi32>,
        %gather3A_266 = tpu.vector_load_idx %arg15[%get3A_262] : memref<10000xf32, #tpu.memory_space<vmem>>[vector<16xi32>], vector<16xf32>,
        %gather3A_267 = tpu.vector_load_idx %arg16[%get3A_265] : memref<10112xf32, #tpu.memory_space<vmem>>[vector<16xi32>], vector<16xf32>,
        %add3A_268 = arith.addf %gather3A_266, %gather3A_267 : vector<16xf32>
        %gt3A_269 = arith.constant 0.000000e+00 : f32
        %gt3A_270 = vector.broadcast %gt3A_269 : f32 to vector<16xf32>
        %gt3A_271 = arith.cmpf ogt, %add3A_268, %gt3A_270 : vector<16xf32>
        %select_n3A_272 = arith.select %gt3A_271, %get3A_265, %broadcast_in_dim3A_32 : vector<16xi1>, vector<16xi32>
        %select_n3A_273 = arith.select %gt3A_271, %broadcast_in_dim3A_32, %get3A_265 : vector<16xi1>, vector<16xi32>
        %mul3A_274 = arith.constant 2.000000e-01 : f32
        %mul3A_275 = vector.broadcast %mul3A_274 : f32 to vector<16xf32>
        %mul3A_276 = arith.mulf %mul3A_275, %gather3A_266 : vector<16xf32>
        %select_n3A_277 = arith.select %gt3A_271, %gather3A_266, %mul3A_276 : vector<16xi1>, vector<16xf32>
        %sub3A_278 = arith.subf %select_n3A_277, %get3A_30 : vector<16xf32>
        %exp3A_279 = math.exp %sub3A_278 : vector<16xf32>
        %add3A_280 = arith.addi %get3A_262, %broadcast_in_dim3A_34 : vector<16xi32>
        %select_n3A_281 = arith.select %gt3A_271, %get3A_262, %add3A_280 : vector<16xi1>, vector<16xi32>
        %swap3A_282 = arith.index_cast %add3A_78 : i32 to index
        %swap3A_283 = arith.constant 96 : index
        %swap3A_284 = tpu.vector_load %arg12[%swap3A_282, %swap3A_283] {strides = array<i32>} : memref<8x128xi32, #tpu.memory_space<vmem>>, vector<16xi32>,
        tpu.vector_store %arg12[%swap3A_282, %swap3A_283], %select_n3A_281 {strides = array<i32>} : memref<8x128xi32, #tpu.memory_space<vmem>>, vector<16xi32>,
        %swap3A_285 = arith.index_cast %add3A_78 : i32 to index
        %swap3A_286 = arith.constant 96 : index
        %swap3A_287 = tpu.vector_load %arg13[%swap3A_285, %swap3A_286] {strides = array<i32>} : memref<8x128xi32, #tpu.memory_space<vmem>>, vector<16xi32>,
        tpu.vector_store %arg13[%swap3A_285, %swap3A_286], %select_n3A_272 {strides = array<i32>} : memref<8x128xi32, #tpu.memory_space<vmem>>, vector<16xi32>,
        %swap3A_288 = arith.index_cast %add3A_78 : i32 to index
        %swap3A_289 = arith.constant 96 : index
        %swap3A_290 = tpu.vector_load %arg14[%swap3A_288, %swap3A_289] {strides = array<i32>} : memref<8x128xi32, #tpu.memory_space<vmem>>, vector<16xi32>,
        tpu.vector_store %arg14[%swap3A_288, %swap3A_289], %select_n3A_273 {strides = array<i32>} : memref<8x128xi32, #tpu.memory_space<vmem>>, vector<16xi32>,
        tpu.vector_store_idx %arg18[%select_n3A_272], %exp3A_279 {add = true} : memref<10112xf32, #tpu.memory_space<vmem>>[vector<16xi32>], vector<16xf32>,
        tpu.vector_store_idx %arg19[%select_n3A_273], %exp3A_279 {add = true} : memref<10112xf32, #tpu.memory_space<vmem>>[vector<16xi32>], vector<16xf32>,
        %get3A_291 = arith.index_cast %add3A_78 : i32 to index
        %get3A_292 = arith.constant 112 : index
        %get3A_293 = tpu.vector_load %arg10[%get3A_291, %get3A_292] {strides = array<i32>} : memref<8x128xi32, #tpu.memory_space<vmem>>, vector<16xi32>,
        %get3A_294 = arith.index_cast %add3A_78 : i32 to index
        %get3A_295 = arith.constant 112 : index
        %get3A_296 = tpu.vector_load %arg11[%get3A_294, %get3A_295] {strides = array<i32>} : memref<8x128xi32, #tpu.memory_space<vmem>>, vector<16xi32>,
        %gather3A_297 = tpu.vector_load_idx %arg15[%get3A_293] : memref<10000xf32, #tpu.memory_space<vmem>>[vector<16xi32>], vector<16xf32>,
        %gather3A_298 = tpu.vector_load_idx %arg16[%get3A_296] : memref<10112xf32, #tpu.memory_space<vmem>>[vector<16xi32>], vector<16xf32>,
        %add3A_299 = arith.addf %gather3A_297, %gather3A_298 : vector<16xf32>
        %gt3A_300 = arith.constant 0.000000e+00 : f32
        %gt3A_301 = vector.broadcast %gt3A_300 : f32 to vector<16xf32>
        %gt3A_302 = arith.cmpf ogt, %add3A_299, %gt3A_301 : vector<16xf32>
        %select_n3A_303 = arith.select %gt3A_302, %get3A_296, %broadcast_in_dim3A_32 : vector<16xi1>, vector<16xi32>
        %select_n3A_304 = arith.select %gt3A_302, %broadcast_in_dim3A_32, %get3A_296 : vector<16xi1>, vector<16xi32>
        %mul3A_305 = arith.constant 2.000000e-01 : f32
        %mul3A_306 = vector.broadcast %mul3A_305 : f32 to vector<16xf32>
        %mul3A_307 = arith.mulf %mul3A_306, %gather3A_297 : vector<16xf32>
        %select_n3A_308 = arith.select %gt3A_302, %gather3A_297, %mul3A_307 : vector<16xi1>, vector<16xf32>
        %sub3A_309 = arith.subf %select_n3A_308, %get3A_30 : vector<16xf32>
        %exp3A_310 = math.exp %sub3A_309 : vector<16xf32>
        %add3A_311 = arith.addi %get3A_293, %broadcast_in_dim3A_34 : vector<16xi32>
        %select_n3A_312 = arith.select %gt3A_302, %get3A_293, %add3A_311 : vector<16xi1>, vector<16xi32>
        %swap3A_313 = arith.index_cast %add3A_78 : i32 to index
        %swap3A_314 = arith.constant 112 : index
        %swap3A_315 = tpu.vector_load %arg12[%swap3A_313, %swap3A_314] {strides = array<i32>} : memref<8x128xi32, #tpu.memory_space<vmem>>, vector<16xi32>,
        tpu.vector_store %arg12[%swap3A_313, %swap3A_314], %select_n3A_312 {strides = array<i32>} : memref<8x128xi32, #tpu.memory_space<vmem>>, vector<16xi32>,
        %swap3A_316 = arith.index_cast %add3A_78 : i32 to index
        %swap3A_317 = arith.constant 112 : index
        %swap3A_318 = tpu.vector_load %arg13[%swap3A_316, %swap3A_317] {strides = array<i32>} : memref<8x128xi32, #tpu.memory_space<vmem>>, vector<16xi32>,
        tpu.vector_store %arg13[%swap3A_316, %swap3A_317], %select_n3A_303 {strides = array<i32>} : memref<8x128xi32, #tpu.memory_space<vmem>>, vector<16xi32>,
        %swap3A_319 = arith.index_cast %add3A_78 : i32 to index
        %swap3A_320 = arith.constant 112 : index
        %swap3A_321 = tpu.vector_load %arg14[%swap3A_319, %swap3A_320] {strides = array<i32>} : memref<8x128xi32, #tpu.memory_space<vmem>>, vector<16xi32>,
        tpu.vector_store %arg14[%swap3A_319, %swap3A_320], %select_n3A_304 {strides = array<i32>} : memref<8x128xi32, #tpu.memory_space<vmem>>, vector<16xi32>,
        tpu.vector_store_idx %arg18[%select_n3A_303], %exp3A_310 {add = true} : memref<10112xf32, #tpu.memory_space<vmem>>[vector<16xi32>], vector<16xf32>,
        tpu.vector_store_idx %arg19[%select_n3A_304], %exp3A_310 {add = true} : memref<10112xf32, #tpu.memory_space<vmem>>[vector<16xi32>], vector<16xf32>,
      }
      %scan3A_62 = arith.constant 8 : i32
      %mul3A_63 = arith.constant 8 : i32
      %mul3A_64 = arith.muli %add3A_51, %mul3A_63 : i32
      %add3A_65 = arith.addi %add3A, %mul3A_64 : i32
      "tpu.region"() ({
        %run_scoped3A_74 = tpu.sem_alloc : memref<!tpu.dma_semaphore, #tpu.memory_space<semaphore_mem>>
        %dma_start3A = arith.constant 0 : i32
        %dma_start3A_75 = tpu.memref_slice %arg7[%add3A_65, %dma_start3A] : memref<2560x128xi32, #tpu.memory_space<hbm>> -> memref<8x128xi32, #tpu.memory_space<hbm>>
        %dma_start3A_76 = arith.constant 0 : i32
        %dma_start3A_77 = tpu.memref_slice %arg7[%add3A_65, %dma_start3A_76] : memref<2560x128xi32, #tpu.memory_space<hbm>> -> memref<8x128xi32, #tpu.memory_space<hbm>>
        tpu.enqueue_dma source(%arg12 : memref<8x128xi32, #tpu.memory_space<vmem>>) target(%dma_start3A_77 : memref<8x128xi32, #tpu.memory_space<hbm>>) target_semaphore(%run_scoped3A_74 : memref<!tpu.dma_semaphore, #tpu.memory_space<semaphore_mem>>)
        %dma_wait3A = arith.constant 0 : i32
        %dma_wait3A_78 = tpu.memref_slice %arg7[%add3A_65, %dma_wait3A] : memref<2560x128xi32, #tpu.memory_space<hbm>> -> memref<8x128xi32, #tpu.memory_space<hbm>>
        %dma_wait3A_79 = arith.constant 0 : i32
        %dma_wait3A_80 = tpu.memref_slice %arg7[%add3A_65, %dma_wait3A_79] : memref<2560x128xi32, #tpu.memory_space<hbm>> -> memref<8x128xi32, #tpu.memory_space<hbm>>
        tpu.wait_dma2 semaphore(%run_scoped3A_74 : memref<!tpu.dma_semaphore, #tpu.memory_space<semaphore_mem>>) src(%arg12 : memref<8x128xi32, #tpu.memory_space<vmem>>) dst(%dma_wait3A_80 : memref<8x128xi32, #tpu.memory_space<hbm>>)
        tpu.yield
      }) : () -> ()
      %mul3A_66 = arith.constant 8 : i32
      %mul3A_67 = arith.muli %add3A_51, %mul3A_66 : i32
      %add3A_68 = arith.addi %add3A, %mul3A_67 : i32
      %run_scoped3A_69 = arith.constant 0 : i32
      "tpu.region"() ({
        %run_scoped3A_74 = tpu.sem_alloc : memref<!tpu.dma_semaphore, #tpu.memory_space<semaphore_mem>>
        %dma_start3A = arith.constant 0 : i32
        %dma_start3A_75 = tpu.memref_slice %arg8[%run_scoped3A_69, %add3A_68, %dma_start3A] : memref<2x2560x128xi32, #tpu.memory_space<hbm>> -> memref<1x8x128xi32, #tpu.memory_space<hbm>>
        %dma_start3A_76 = tpu.memref_squeeze %dma_start3A_75 : memref<1x8x128xi32, #tpu.memory_space<hbm>> -> memref<8x128xi32, #tpu.memory_space<hbm>>
        %dma_start3A_77 = arith.constant 0 : i32
        %dma_start3A_78 = tpu.memref_slice %arg8[%run_scoped3A_69, %add3A_68, %dma_start3A_77] : memref<2x2560x128xi32, #tpu.memory_space<hbm>> -> memref<1x8x128xi32, #tpu.memory_space<hbm>>
        %dma_start3A_79 = tpu.memref_squeeze %dma_start3A_78 : memref<1x8x128xi32, #tpu.memory_space<hbm>> -> memref<8x128xi32, #tpu.memory_space<hbm>>
        tpu.enqueue_dma source(%arg13 : memref<8x128xi32, #tpu.memory_space<vmem>>) target(%dma_start3A_79 : memref<8x128xi32, #tpu.memory_space<hbm>>) target_semaphore(%run_scoped3A_74 : memref<!tpu.dma_semaphore, #tpu.memory_space<semaphore_mem>>)
        %dma_wait3A = arith.constant 0 : i32
        %dma_wait3A_80 = tpu.memref_slice %arg8[%run_scoped3A_69, %add3A_68, %dma_wait3A] : memref<2x2560x128xi32, #tpu.memory_space<hbm>> -> memref<1x8x128xi32, #tpu.memory_space<hbm>>
        %dma_wait3A_81 = tpu.memref_squeeze %dma_wait3A_80 : memref<1x8x128xi32, #tpu.memory_space<hbm>> -> memref<8x128xi32, #tpu.memory_space<hbm>>
        %dma_wait3A_82 = arith.constant 0 : i32
        %dma_wait3A_83 = tpu.memref_slice %arg8[%run_scoped3A_69, %add3A_68, %dma_wait3A_82] : memref<2x2560x128xi32, #tpu.memory_space<hbm>> -> memref<1x8x128xi32, #tpu.memory_space<hbm>>
        %dma_wait3A_84 = tpu.memref_squeeze %dma_wait3A_83 : memref<1x8x128xi32, #tpu.memory_space<hbm>> -> memref<8x128xi32, #tpu.memory_space<hbm>>
        tpu.wait_dma2 semaphore(%run_scoped3A_74 : memref<!tpu.dma_semaphore, #tpu.memory_space<semaphore_mem>>) src(%arg13 : memref<8x128xi32, #tpu.memory_space<vmem>>) dst(%dma_wait3A_84 : memref<8x128xi32, #tpu.memory_space<hbm>>)
        tpu.yield
      }) : () -> ()
      %mul3A_70 = arith.constant 8 : i32
      %mul3A_71 = arith.muli %add3A_51, %mul3A_70 : i32
      %add3A_72 = arith.addi %add3A, %mul3A_71 : i32
      %run_scoped3A_73 = arith.constant 1 : i32
      "tpu.region"() ({
        %run_scoped3A_74 = tpu.sem_alloc : memref<!tpu.dma_semaphore, #tpu.memory_space<semaphore_mem>>
        %dma_start3A = arith.constant 0 : i32
        %dma_start3A_75 = tpu.memref_slice %arg8[%run_scoped3A_73, %add3A_72, %dma_start3A] : memref<2x2560x128xi32, #tpu.memory_space<hbm>> -> memref<1x8x128xi32, #tpu.memory_space<hbm>>
        %dma_start3A_76 = tpu.memref_squeeze %dma_start3A_75 : memref<1x8x128xi32, #tpu.memory_space<hbm>> -> memref<8x128xi32, #tpu.memory_space<hbm>>
        %dma_start3A_77 = arith.constant 0 : i32
        %dma_start3A_78 = tpu.memref_slice %arg8[%run_scoped3A_73, %add3A_72, %dma_start3A_77] : memref<2x2560x128xi32, #tpu.memory_space<hbm>> -> memref<1x8x128xi32, #tpu.memory_space<hbm>>
        %dma_start3A_79 = tpu.memref_squeeze %dma_start3A_78 : memref<1x8x128xi32, #tpu.memory_space<hbm>> -> memref<8x128xi32, #tpu.memory_space<hbm>>
        tpu.enqueue_dma source(%arg14 : memref<8x128xi32, #tpu.memory_space<vmem>>) target(%dma_start3A_79 : memref<8x128xi32, #tpu.memory_space<hbm>>) target_semaphore(%run_scoped3A_74 : memref<!tpu.dma_semaphore, #tpu.memory_space<semaphore_mem>>)
        %dma_wait3A = arith.constant 0 : i32
        %dma_wait3A_80 = tpu.memref_slice %arg8[%run_scoped3A_73, %add3A_72, %dma_wait3A] : memref<2x2560x128xi32, #tpu.memory_space<hbm>> -> memref<1x8x128xi32, #tpu.memory_space<hbm>>
        %dma_wait3A_81 = tpu.memref_squeeze %dma_wait3A_80 : memref<1x8x128xi32, #tpu.memory_space<hbm>> -> memref<8x128xi32, #tpu.memory_space<hbm>>
        %dma_wait3A_82 = arith.constant 0 : i32
        %dma_wait3A_83 = tpu.memref_slice %arg8[%run_scoped3A_73, %add3A_72, %dma_wait3A_82] : memref<2x2560x128xi32, #tpu.memory_space<hbm>> -> memref<1x8x128xi32, #tpu.memory_space<hbm>>
        %dma_wait3A_84 = tpu.memref_squeeze %dma_wait3A_83 : memref<1x8x128xi32, #tpu.memory_space<hbm>> -> memref<8x128xi32, #tpu.memory_space<hbm>>
        tpu.wait_dma2 semaphore(%run_scoped3A_74 : memref<!tpu.dma_semaphore, #tpu.memory_space<semaphore_mem>>) src(%arg14 : memref<8x128xi32, #tpu.memory_space<vmem>>) dst(%dma_wait3A_84 : memref<8x128xi32, #tpu.memory_space<hbm>>)
        tpu.yield
      }) : () -> ()
    }
    %scan3A_42 = arith.constant 10 : i32
    %mul3A_43 = arith.constant 16 : i32
    %mul3A_44 = arith.muli %arg0, %mul3A_43 : i32
    %add3A_45 = arith.addi %mul3A_44, %arg1 : i32
    %run_scoped3A = arith.constant 0 : i32
    "tpu.region"() ({
      %run_scoped3A_47 = tpu.sem_alloc : memref<!tpu.dma_semaphore, #tpu.memory_space<semaphore_mem>>
      %dma_start3A = arith.constant 0 : i32
      %dma_start3A_48 = tpu.memref_slice %arg9[%run_scoped3A, %add3A_45, %dma_start3A] : memref<2x32x10112xf32, #tpu.memory_space<hbm>> -> memref<1x1x10112xf32, #tpu.memory_space<hbm>>
      %dma_start3A_49 = tpu.memref_squeeze %dma_start3A_48 : memref<1x1x10112xf32, #tpu.memory_space<hbm>> -> memref<10112xf32, #tpu.memory_space<hbm>>
      %dma_start3A_50 = arith.constant 0 : i32
      %dma_start3A_51 = tpu.memref_slice %arg9[%run_scoped3A, %add3A_45, %dma_start3A_50] : memref<2x32x10112xf32, #tpu.memory_space<hbm>> -> memref<1x1x10112xf32, #tpu.memory_space<hbm>>
      %dma_start3A_52 = tpu.memref_squeeze %dma_start3A_51 : memref<1x1x10112xf32, #tpu.memory_space<hbm>> -> memref<10112xf32, #tpu.memory_space<hbm>>
      tpu.enqueue_dma source(%arg18 : memref<10112xf32, #tpu.memory_space<vmem>>) target(%dma_start3A_52 : memref<10112xf32, #tpu.memory_space<hbm>>) target_semaphore(%run_scoped3A_47 : memref<!tpu.dma_semaphore, #tpu.memory_space<semaphore_mem>>)
      %dma_wait3A = arith.constant 0 : i32
      %dma_wait3A_53 = tpu.memref_slice %arg9[%run_scoped3A, %add3A_45, %dma_wait3A] : memref<2x32x10112xf32, #tpu.memory_space<hbm>> -> memref<1x1x10112xf32, #tpu.memory_space<hbm>>
      %dma_wait3A_54 = tpu.memref_squeeze %dma_wait3A_53 : memref<1x1x10112xf32, #tpu.memory_space<hbm>> -> memref<10112xf32, #tpu.memory_space<hbm>>
      %dma_wait3A_55 = arith.constant 0 : i32
      %dma_wait3A_56 = tpu.memref_slice %arg9[%run_scoped3A, %add3A_45, %dma_wait3A_55] : memref<2x32x10112xf32, #tpu.memory_space<hbm>> -> memref<1x1x10112xf32, #tpu.memory_space<hbm>>
      %dma_wait3A_57 = tpu.memref_squeeze %dma_wait3A_56 : memref<1x1x10112xf32, #tpu.memory_space<hbm>> -> memref<10112xf32, #tpu.memory_space<hbm>>
      tpu.wait_dma2 semaphore(%run_scoped3A_47 : memref<!tpu.dma_semaphore, #tpu.memory_space<semaphore_mem>>) src(%arg18 : memref<10112xf32, #tpu.memory_space<vmem>>) dst(%dma_wait3A_57 : memref<10112xf32, #tpu.memory_space<hbm>>)
      tpu.yield
    }) : () -> ()
    %run_scoped3A_46 = arith.constant 1 : i32
    "tpu.region"() ({
      %run_scoped3A_47 = tpu.sem_alloc : memref<!tpu.dma_semaphore, #tpu.memory_space<semaphore_mem>>
      %dma_start3A = arith.constant 0 : i32
      %dma_start3A_48 = tpu.memref_slice %arg9[%run_scoped3A_46, %add3A_45, %dma_start3A] : memref<2x32x10112xf32, #tpu.memory_space<hbm>> -> memref<1x1x10112xf32, #tpu.memory_space<hbm>>
      %dma_start3A_49 = tpu.memref_squeeze %dma_start3A_48 : memref<1x1x10112xf32, #tpu.memory_space<hbm>> -> memref<10112xf32, #tpu.memory_space<hbm>>
      %dma_start3A_50 = arith.constant 0 : i32
      %dma_start3A_51 = tpu.memref_slice %arg9[%run_scoped3A_46, %add3A_45, %dma_start3A_50] : memref<2x32x10112xf32, #tpu.memory_space<hbm>> -> memref<1x1x10112xf32, #tpu.memory_space<hbm>>
      %dma_start3A_52 = tpu.memref_squeeze %dma_start3A_51 : memref<1x1x10112xf32, #tpu.memory_space<hbm>> -> memref<10112xf32, #tpu.memory_space<hbm>>
      tpu.enqueue_dma source(%arg19 : memref<10112xf32, #tpu.memory_space<vmem>>) target(%dma_start3A_52 : memref<10112xf32, #tpu.memory_space<hbm>>) target_semaphore(%run_scoped3A_47 : memref<!tpu.dma_semaphore, #tpu.memory_space<semaphore_mem>>)
      %dma_wait3A = arith.constant 0 : i32
      %dma_wait3A_53 = tpu.memref_slice %arg9[%run_scoped3A_46, %add3A_45, %dma_wait3A] : memref<2x32x10112xf32, #tpu.memory_space<hbm>> -> memref<1x1x10112xf32, #tpu.memory_space<hbm>>
      %dma_wait3A_54 = tpu.memref_squeeze %dma_wait3A_53 : memref<1x1x10112xf32, #tpu.memory_space<hbm>> -> memref<10112xf32, #tpu.memory_space<hbm>>
      %dma_wait3A_55 = arith.constant 0 : i32
      %dma_wait3A_56 = tpu.memref_slice %arg9[%run_scoped3A_46, %add3A_45, %dma_wait3A_55] : memref<2x32x10112xf32, #tpu.memory_space<hbm>> -> memref<1x1x10112xf32, #tpu.memory_space<hbm>>
      %dma_wait3A_57 = tpu.memref_squeeze %dma_wait3A_56 : memref<1x1x10112xf32, #tpu.memory_space<hbm>> -> memref<10112xf32, #tpu.memory_space<hbm>>
      tpu.wait_dma2 semaphore(%run_scoped3A_47 : memref<!tpu.dma_semaphore, #tpu.memory_space<semaphore_mem>>) src(%arg19 : memref<10112xf32, #tpu.memory_space<vmem>>) dst(%dma_wait3A_57 : memref<10112xf32, #tpu.memory_space<hbm>>)
      tpu.yield
    }) : () -> ()
    return
  }
}

module attributes {stable_mosaic.version = 14 : i64} {
  func.func @_mm_body(%arg0: i32, %arg1: memref<2000x128xf32, #tpu.memory_space<vmem>>, %arg2: memref<128x256xf32, #tpu.memory_space<vmem>>, %arg3: memref<2000x256xf32, #tpu.memory_space<vmem>>) attributes {dimension_semantics = [#tpu.dimension_semantics<arbitrary>], iteration_bounds = array<i64: 5>, scalar_prefetch = 0 : i64, scratch_operands = 0 : i64, tpu.core_type = #tpu.core_type<tc>, window_params = [{transform_indices = @transform_0, window_bounds = array<i64: 2000, 128>}, {pipeline_mode = #tpu.pipeline_mode<synchronous>, transform_indices = @transform_1, window_bounds = array<i64: 128, 256>}, {transform_indices = @transform_2, window_bounds = array<i64: 2000, 256>}]} {
    %get3A = arith.constant 0 : index
    %get3A_0 = arith.constant 0 : index
    %get3A_1 = vector.load %arg1[%get3A, %get3A_0] : memref<2000x128xf32, #tpu.memory_space<vmem>>, vector<2000x128xf32>
    %get3A_2 = arith.constant 0 : index
    %get3A_3 = arith.constant 0 : index
    %get3A_4 = vector.load %arg2[%get3A_2, %get3A_3] : memref<128x256xf32, #tpu.memory_space<vmem>>, vector<128x256xf32>
    %dot_general3A = arith.constant dense<0.000000e+00> : vector<2000x256xf32>
    %dot_general3A_5 = tpu.matmul %get3A_1, %get3A_4, %dot_general3A {dimension_numbers = #tpu.dot_dimension_numbers<[1], [0], [0], [1], [0, 0, 1, 1], [], []>, precision = #tpu.contract_precision<fp32>, transpose_lhs_hint = false} : vector<2000x128xf32>, vector<128x256xf32>, vector<2000x256xf32> -> vector<2000x256xf32>
    %swap3A = arith.constant 0 : index
    %swap3A_6 = arith.constant 0 : index
    %swap3A_7 = vector.load %arg3[%swap3A, %swap3A_6] : memref<2000x256xf32, #tpu.memory_space<vmem>>, vector<2000x256xf32>
    tpu.vector_store %arg3[%swap3A, %swap3A_6], %dot_general3A_5 {strides = array<i32>} : memref<2000x256xf32, #tpu.memory_space<vmem>>, vector<2000x256xf32>,
    return
  }
  func.func @transform_0(%arg0: i32) -> (i32, i32) {
    %c0_i32 = arith.constant 0 : i32
    %c0_i32_0 = arith.constant 0 : i32
    return %arg0, %c0_i32 : i32, i32
  }
  func.func @transform_1(%arg0: i32) -> (i32, i32) {
    %c0_i32 = arith.constant 0 : i32
    %c0_i32_0 = arith.constant 0 : i32
    %c0_i32_1 = arith.constant 0 : i32
    return %c0_i32, %c0_i32_0 : i32, i32
  }
  func.func @transform_2(%arg0: i32) -> (i32, i32) {
    %c0_i32 = arith.constant 0 : i32
    %c0_i32_0 = arith.constant 0 : i32
    return %arg0, %c0_i32 : i32, i32
  }
}

module attributes {stable_mosaic.version = 14 : i64} {
  func.func @_scale_body(%arg0: i32, %arg1: memref<2x2000x16xf32, #tpu.memory_space<vmem>>, %arg2: memref<2000x256xf32, #tpu.memory_space<vmem>>, %arg3: memref<2x2000x128xf32, #tpu.memory_space<vmem>>) attributes {dimension_semantics = [#tpu.dimension_semantics<arbitrary>], iteration_bounds = array<i64: 5>, scalar_prefetch = 0 : i64, scratch_operands = 0 : i64, tpu.core_type = #tpu.core_type<tc>, window_params = [{transform_indices = @transform_0, window_bounds = array<i64: 2, 2000, 16>}, {transform_indices = @transform_1, window_bounds = array<i64: 2000, 256>}, {transform_indices = @transform_2, window_bounds = array<i64: 2, 2000, 128>}]} {
    %get3A = arith.constant 0 : index
    %get3A_0 = arith.constant 0 : index
    %get3A_1 = arith.constant 0 : index
    %get3A_2 = vector.load %arg1[%get3A, %get3A_0, %get3A_1] : memref<2x2000x16xf32, #tpu.memory_space<vmem>>, vector<1x2000x1xf32>
    %get3A_3 = vector.shape_cast %get3A_2 : vector<1x2000x1xf32> to vector<2000xf32>
    %get3A_4 = arith.constant 1 : index
    %get3A_5 = arith.constant 0 : index
    %get3A_6 = arith.constant 0 : index
    %get3A_7 = vector.load %arg1[%get3A_4, %get3A_5, %get3A_6] : memref<2x2000x16xf32, #tpu.memory_space<vmem>>, vector<1x2000x1xf32>
    %get3A_8 = vector.shape_cast %get3A_7 : vector<1x2000x1xf32> to vector<2000xf32>
    %add3A = arith.addf %get3A_3, %get3A_8 : vector<2000xf32>
    %add3A_9 = arith.constant 1.000000e+00 : f32
    %add3A_10 = vector.broadcast %add3A_9 : f32 to vector<2000xf32>
    %add3A_11 = arith.addf %add3A, %add3A_10 : vector<2000xf32>
    %rsqrt3A = math.rsqrt %add3A_11 : vector<2000xf32>
    %get3A_12 = arith.constant 0 : index
    %get3A_13 = arith.constant 0 : index
    %get3A_14 = vector.load %arg2[%get3A_12, %get3A_13] : memref<2000x256xf32, #tpu.memory_space<vmem>>, vector<2000x256xf32>
    %slice3A = vector.extract_strided_slice %get3A_14 {offsets = [0, 0], sizes = [2000, 128], strides = [1, 1]} : vector<2000x256xf32> to vector<2000x128xf32>
    %broadcast_in_dim3A = vector.shape_cast %rsqrt3A : vector<2000xf32> to vector<2000x1xf32>
    %mul3A = vector.broadcast %broadcast_in_dim3A : vector<2000x1xf32> to vector<2000x128xf32>
    %mul3A_15 = arith.mulf %slice3A, %mul3A : vector<2000x128xf32>
    %swap3A = arith.constant 0 : index
    %swap3A_16 = arith.constant 0 : index
    %swap3A_17 = arith.constant 0 : index
    %swap3A_18 = vector.load %arg3[%swap3A, %swap3A_16, %swap3A_17] : memref<2x2000x128xf32, #tpu.memory_space<vmem>>, vector<1x2000x128xf32>
    %swap3A_19 = vector.shape_cast %swap3A_18 : vector<1x2000x128xf32> to vector<2000x128xf32>
    %swap3A_20 = vector.shape_cast %mul3A_15 : vector<2000x128xf32> to vector<1x2000x128xf32>
    tpu.vector_store %arg3[%swap3A, %swap3A_16, %swap3A_17], %swap3A_20 {strides = array<i32>} : memref<2x2000x128xf32, #tpu.memory_space<vmem>>, vector<1x2000x128xf32>,
    %slice3A_21 = vector.extract_strided_slice %get3A_14 {offsets = [0, 128], sizes = [2000, 128], strides = [1, 1]} : vector<2000x256xf32> to vector<2000x128xf32>
    %broadcast_in_dim3A_22 = vector.shape_cast %rsqrt3A : vector<2000xf32> to vector<2000x1xf32>
    %mul3A_23 = vector.broadcast %broadcast_in_dim3A_22 : vector<2000x1xf32> to vector<2000x128xf32>
    %mul3A_24 = arith.mulf %slice3A_21, %mul3A_23 : vector<2000x128xf32>
    %swap3A_25 = arith.constant 1 : index
    %swap3A_26 = arith.constant 0 : index
    %swap3A_27 = arith.constant 0 : index
    %swap3A_28 = vector.load %arg3[%swap3A_25, %swap3A_26, %swap3A_27] : memref<2x2000x128xf32, #tpu.memory_space<vmem>>, vector<1x2000x128xf32>
    %swap3A_29 = vector.shape_cast %swap3A_28 : vector<1x2000x128xf32> to vector<2000x128xf32>
    %swap3A_30 = vector.shape_cast %mul3A_24 : vector<2000x128xf32> to vector<1x2000x128xf32>
    tpu.vector_store %arg3[%swap3A_25, %swap3A_26, %swap3A_27], %swap3A_30 {strides = array<i32>} : memref<2x2000x128xf32, #tpu.memory_space<vmem>>, vector<1x2000x128xf32>,
    return
  }
  func.func @transform_0(%arg0: i32) -> (i32, i32, i32) {
    %c0_i32 = arith.constant 0 : i32
    %c0_i32_0 = arith.constant 0 : i32
    %c0_i32_1 = arith.constant 0 : i32
    return %c0_i32, %arg0, %c0_i32_0 : i32, i32, i32
  }
  func.func @transform_1(%arg0: i32) -> (i32, i32) {
    %c0_i32 = arith.constant 0 : i32
    %c0_i32_0 = arith.constant 0 : i32
    return %arg0, %c0_i32 : i32, i32
  }
  func.func @transform_2(%arg0: i32) -> (i32, i32, i32) {
    %c0_i32 = arith.constant 0 : i32
    %c0_i32_0 = arith.constant 0 : i32
    %c0_i32_1 = arith.constant 0 : i32
    return %c0_i32, %arg0, %c0_i32_0 : i32, i32, i32
  }
}

module attributes {stable_mosaic.version = 14 : i64} {
  func.func @_gcn_fin_body(%arg0: i32, %arg1: memref<2x2000x128xf32, #tpu.memory_space<vmem>>, %arg2: memref<2x2000x128xf32, #tpu.memory_space<vmem>>, %arg3: memref<2x2000x16xf32, #tpu.memory_space<vmem>>, %arg4: memref<256xf32, #tpu.memory_space<vmem>>, %arg5: memref<256x128xf32, #tpu.memory_space<vmem>>, %arg6: memref<2000x128xf32, #tpu.memory_space<vmem>>) attributes {dimension_semantics = [#tpu.dimension_semantics<arbitrary>], iteration_bounds = array<i64: 5>, scalar_prefetch = 0 : i64, scratch_operands = 0 : i64, tpu.core_type = #tpu.core_type<tc>, window_params = [{transform_indices = @transform_0, window_bounds = array<i64: 2, 2000, 128>}, {transform_indices = @transform_1, window_bounds = array<i64: 2, 2000, 128>}, {transform_indices = @transform_2, window_bounds = array<i64: 2, 2000, 16>}, {pipeline_mode = #tpu.pipeline_mode<synchronous>, transform_indices = @transform_3, window_bounds = array<i64: 256>}, {pipeline_mode = #tpu.pipeline_mode<synchronous>, transform_indices = @transform_4, window_bounds = array<i64: 256, 128>}, {transform_indices = @transform_5, window_bounds = array<i64: 2000, 128>}]} {
    %get3A = arith.constant 0 : index
    %get3A_0 = arith.constant 0 : index
    %get3A_1 = arith.constant 0 : index
    %get3A_2 = vector.load %arg3[%get3A, %get3A_0, %get3A_1] : memref<2x2000x16xf32, #tpu.memory_space<vmem>>, vector<2x2000x16xf32>
    %slice3A = vector.extract_strided_slice %get3A_2 {offsets = [0, 0, 0], sizes = [1, 2000, 1], strides = [1, 1, 1]} : vector<2x2000x16xf32> to vector<1x2000x1xf32>
    %squeeze3A = vector.shape_cast %slice3A : vector<1x2000x1xf32> to vector<2000xf32>
    %slice3A_3 = vector.extract_strided_slice %get3A_2 {offsets = [1, 0, 0], sizes = [1, 2000, 1], strides = [1, 1, 1]} : vector<2x2000x16xf32> to vector<1x2000x1xf32>
    %squeeze3A_4 = vector.shape_cast %slice3A_3 : vector<1x2000x1xf32> to vector<2000xf32>
    %add3A = arith.addf %squeeze3A, %squeeze3A_4 : vector<2000xf32>
    %add3A_5 = arith.constant 1.000000e+00 : f32
    %add3A_6 = vector.broadcast %add3A_5 : f32 to vector<2000xf32>
    %add3A_7 = arith.addf %add3A, %add3A_6 : vector<2000xf32>
    %rsqrt3A = math.rsqrt %add3A_7 : vector<2000xf32>
    %get3A_8 = arith.constant 0 : index
    %get3A_9 = arith.constant 0 : index
    %get3A_10 = arith.constant 0 : index
    %get3A_11 = vector.load %arg1[%get3A_8, %get3A_9, %get3A_10] : memref<2x2000x128xf32, #tpu.memory_space<vmem>>, vector<2x2000x128xf32>
    %get3A_12 = arith.constant 0 : index
    %get3A_13 = arith.constant 0 : index
    %get3A_14 = arith.constant 0 : index
    %get3A_15 = vector.load %arg2[%get3A_12, %get3A_13, %get3A_14] : memref<2x2000x128xf32, #tpu.memory_space<vmem>>, vector<2x2000x128xf32>
    %get3A_16 = arith.constant 0 : index
    %get3A_17 = vector.load %arg4[%get3A_16] : memref<256xf32, #tpu.memory_space<vmem>>, vector<256xf32>
    %get3A_18 = arith.constant 0 : index
    %get3A_19 = arith.constant 0 : index
    %get3A_20 = vector.load %arg5[%get3A_18, %get3A_19] : memref<256x128xf32, #tpu.memory_space<vmem>>, vector<256x128xf32>
    %slice3A_21 = vector.extract_strided_slice %get3A_11 {offsets = [0, 0, 0], sizes = [1, 2000, 128], strides = [1, 1, 1]} : vector<2x2000x128xf32> to vector<1x2000x128xf32>
    %squeeze3A_22 = vector.shape_cast %slice3A_21 : vector<1x2000x128xf32> to vector<2000x128xf32>
    %slice3A_23 = vector.extract_strided_slice %get3A_15 {offsets = [0, 0, 0], sizes = [1, 2000, 128], strides = [1, 1, 1]} : vector<2x2000x128xf32> to vector<1x2000x128xf32>
    %squeeze3A_24 = vector.shape_cast %slice3A_23 : vector<1x2000x128xf32> to vector<2000x128xf32>
    %add3A_25 = arith.addf %squeeze3A_22, %squeeze3A_24 : vector<2000x128xf32>
    %broadcast_in_dim3A = vector.shape_cast %rsqrt3A : vector<2000xf32> to vector<2000x1xf32>
    %mul3A = vector.broadcast %broadcast_in_dim3A : vector<2000x1xf32> to vector<2000x128xf32>
    %mul3A_26 = arith.mulf %add3A_25, %mul3A : vector<2000x128xf32>
    %slice3A_27 = vector.extract_strided_slice %get3A_17 {offsets = [0], sizes = [128], strides = [1]} : vector<256xf32> to vector<128xf32>
    %broadcast_in_dim3A_28 = vector.shape_cast %slice3A_27 : vector<128xf32> to vector<1x128xf32>
    %add3A_29 = vector.broadcast %broadcast_in_dim3A_28 : vector<1x128xf32> to vector<2000x128xf32>
    %add3A_30 = arith.addf %mul3A_26, %add3A_29 : vector<2000x128xf32>
    %max3A = arith.constant 0.000000e+00 : f32
    %max3A_31 = vector.broadcast %max3A : f32 to vector<2000x128xf32>
    %max3A_32 = arith.maximumf %add3A_30, %max3A_31 : vector<2000x128xf32>
    %slice3A_33 = vector.extract_strided_slice %get3A_11 {offsets = [1, 0, 0], sizes = [1, 2000, 128], strides = [1, 1, 1]} : vector<2x2000x128xf32> to vector<1x2000x128xf32>
    %squeeze3A_34 = vector.shape_cast %slice3A_33 : vector<1x2000x128xf32> to vector<2000x128xf32>
    %slice3A_35 = vector.extract_strided_slice %get3A_15 {offsets = [1, 0, 0], sizes = [1, 2000, 128], strides = [1, 1, 1]} : vector<2x2000x128xf32> to vector<1x2000x128xf32>
    %squeeze3A_36 = vector.shape_cast %slice3A_35 : vector<1x2000x128xf32> to vector<2000x128xf32>
    %add3A_37 = arith.addf %squeeze3A_34, %squeeze3A_36 : vector<2000x128xf32>
    %broadcast_in_dim3A_38 = vector.shape_cast %rsqrt3A : vector<2000xf32> to vector<2000x1xf32>
    %mul3A_39 = vector.broadcast %broadcast_in_dim3A_38 : vector<2000x1xf32> to vector<2000x128xf32>
    %mul3A_40 = arith.mulf %add3A_37, %mul3A_39 : vector<2000x128xf32>
    %slice3A_41 = vector.extract_strided_slice %get3A_17 {offsets = [128], sizes = [128], strides = [1]} : vector<256xf32> to vector<128xf32>
    %broadcast_in_dim3A_42 = vector.shape_cast %slice3A_41 : vector<128xf32> to vector<1x128xf32>
    %add3A_43 = vector.broadcast %broadcast_in_dim3A_42 : vector<1x128xf32> to vector<2000x128xf32>
    %add3A_44 = arith.addf %mul3A_40, %add3A_43 : vector<2000x128xf32>
    %max3A_45 = arith.constant 0.000000e+00 : f32
    %max3A_46 = vector.broadcast %max3A_45 : f32 to vector<2000x128xf32>
    %max3A_47 = arith.maximumf %add3A_44, %max3A_46 : vector<2000x128xf32>
    %slice3A_48 = vector.extract_strided_slice %get3A_20 {offsets = [0, 0], sizes = [128, 128], strides = [1, 1]} : vector<256x128xf32> to vector<128x128xf32>
    %dot_general3A = arith.constant dense<0.000000e+00> : vector<2000x128xf32>
    %dot_general3A_49 = tpu.matmul %max3A_32, %slice3A_48, %dot_general3A {dimension_numbers = #tpu.dot_dimension_numbers<[1], [0], [0], [1], [0, 0, 1, 1], [], []>, precision = #tpu.contract_precision<fp32>, transpose_lhs_hint = false} : vector<2000x128xf32>, vector<128x128xf32>, vector<2000x128xf32> -> vector<2000x128xf32>
    %slice3A_50 = vector.extract_strided_slice %get3A_20 {offsets = [128, 0], sizes = [128, 128], strides = [1, 1]} : vector<256x128xf32> to vector<128x128xf32>
    %dot_general3A_51 = arith.constant dense<0.000000e+00> : vector<2000x128xf32>
    %dot_general3A_52 = tpu.matmul %max3A_47, %slice3A_50, %dot_general3A_51 {dimension_numbers = #tpu.dot_dimension_numbers<[1], [0], [0], [1], [0, 0, 1, 1], [], []>, precision = #tpu.contract_precision<fp32>, transpose_lhs_hint = false} : vector<2000x128xf32>, vector<128x128xf32>, vector<2000x128xf32> -> vector<2000x128xf32>
    %add3A_53 = arith.addf %dot_general3A_49, %dot_general3A_52 : vector<2000x128xf32>
    %swap3A = arith.constant 0 : index
    %swap3A_54 = arith.constant 0 : index
    %swap3A_55 = vector.load %arg6[%swap3A, %swap3A_54] : memref<2000x128xf32, #tpu.memory_space<vmem>>, vector<2000x128xf32>
    tpu.vector_store %arg6[%swap3A, %swap3A_54], %add3A_53 {strides = array<i32>} : memref<2000x128xf32, #tpu.memory_space<vmem>>, vector<2000x128xf32>,
    return
  }
  func.func @transform_0(%arg0: i32) -> (i32, i32, i32) {
    %c0_i32 = arith.constant 0 : i32
    %c0_i32_0 = arith.constant 0 : i32
    %c0_i32_1 = arith.constant 0 : i32
    return %c0_i32, %arg0, %c0_i32_0 : i32, i32, i32
  }
  func.func @transform_1(%arg0: i32) -> (i32, i32, i32) {
    %c0_i32 = arith.constant 0 : i32
    %c0_i32_0 = arith.constant 0 : i32
    %c0_i32_1 = arith.constant 0 : i32
    return %c0_i32, %arg0, %c0_i32_0 : i32, i32, i32
  }
  func.func @transform_2(%arg0: i32) -> (i32, i32, i32) {
    %c0_i32 = arith.constant 0 : i32
    %c0_i32_0 = arith.constant 0 : i32
    %c0_i32_1 = arith.constant 0 : i32
    return %c0_i32, %arg0, %c0_i32_0 : i32, i32, i32
  }
  func.func @transform_3(%arg0: i32) -> i32 {
    %c0_i32 = arith.constant 0 : i32
    %c0_i32_0 = arith.constant 0 : i32
    return %c0_i32 : i32
  }
  func.func @transform_4(%arg0: i32) -> (i32, i32) {
    %c0_i32 = arith.constant 0 : i32
    %c0_i32_0 = arith.constant 0 : i32
    %c0_i32_1 = arith.constant 0 : i32
    return %c0_i32, %c0_i32_0 : i32, i32
  }
  func.func @transform_5(%arg0: i32) -> (i32, i32) {
    %c0_i32 = arith.constant 0 : i32
    %c0_i32_0 = arith.constant 0 : i32
    return %arg0, %c0_i32 : i32, i32
  }
}

module attributes {stable_mosaic.version = 14 : i64} {
  func.func @_att_body(%arg0: memref<10000x128xf32, #tpu.memory_space<vmem>>, %arg1: memref<128xf32, #tpu.memory_space<vmem>>, %arg2: memref<128xf32, #tpu.memory_space<vmem>>, %arg3: memref<10000xf32, #tpu.memory_space<vmem>>, %arg4: memref<10000xf32, #tpu.memory_space<vmem>>, %arg5: memref<10000x16xf32, #tpu.memory_space<vmem>>, %arg6: memref<10000x16xf32, #tpu.memory_space<vmem>>, %arg7: memref<16xf32, #tpu.memory_space<vmem>>) attributes {dimension_semantics = [], scalar_prefetch = 0 : i64, scratch_operands = 0 : i64, tpu.core_type = #tpu.core_type<tc>} {
    %get3A = arith.constant 0 : index
    %get3A_0 = arith.constant 0 : index
    %get3A_1 = vector.load %arg0[%get3A, %get3A_0] : memref<10000x128xf32, #tpu.memory_space<vmem>>, vector<10000x128xf32>
    %get3A_2 = arith.constant 0 : index
    %get3A_3 = vector.load %arg1[%get3A_2] : memref<128xf32, #tpu.memory_space<vmem>>, vector<128xf32>
    %broadcast_in_dim3A = vector.shape_cast %get3A_3 : vector<128xf32> to vector<1x128xf32>
    %mul3A = vector.broadcast %broadcast_in_dim3A : vector<1x128xf32> to vector<10000x128xf32>
    %mul3A_4 = arith.mulf %get3A_1, %mul3A : vector<10000x128xf32>
    %reduce_sum3A = arith.constant dense<0.000000e+00> : vector<10000xf32>
    %reduce_sum3A_5 = vector.multi_reduction <add>, %mul3A_4, %reduce_sum3A [1] : vector<10000x128xf32> to vector<10000xf32>
    %get3A_6 = arith.constant 0 : index
    %get3A_7 = vector.load %arg2[%get3A_6] : memref<128xf32, #tpu.memory_space<vmem>>, vector<128xf32>
    %broadcast_in_dim3A_8 = vector.shape_cast %get3A_7 : vector<128xf32> to vector<1x128xf32>
    %mul3A_9 = vector.broadcast %broadcast_in_dim3A_8 : vector<1x128xf32> to vector<10000x128xf32>
    %mul3A_10 = arith.mulf %get3A_1, %mul3A_9 : vector<10000x128xf32>
    %reduce_sum3A_11 = arith.constant dense<0.000000e+00> : vector<10000xf32>
    %reduce_sum3A_12 = vector.multi_reduction <add>, %mul3A_10, %reduce_sum3A_11 [1] : vector<10000x128xf32> to vector<10000xf32>
    %reduce_max3A = vector.shape_cast %reduce_sum3A_5 : vector<10000xf32> to vector<1x10000xf32>
    %reduce_max3A_13 = arith.constant dense<0xFF800000> : vector<1xf32>
    %reduce_max3A_14 = vector.multi_reduction <maximumf>, %reduce_max3A, %reduce_max3A_13 [1] : vector<1x10000xf32> to vector<1xf32>
    %reduce_max3A_15 = vector.shape_cast %reduce_max3A_14 : vector<1xf32> to vector<1x1xf32>
    %reduce_max3A_16 = vector.extract %reduce_max3A_15[0, 0] : f32 from vector<1x1xf32>
    %reduce_max3A_17 = vector.shape_cast %reduce_sum3A_12 : vector<10000xf32> to vector<1x10000xf32>
    %reduce_max3A_18 = arith.constant dense<0xFF800000> : vector<1xf32>
    %reduce_max3A_19 = vector.multi_reduction <maximumf>, %reduce_max3A_17, %reduce_max3A_18 [1] : vector<1x10000xf32> to vector<1xf32>
    %reduce_max3A_20 = vector.shape_cast %reduce_max3A_19 : vector<1xf32> to vector<1x1xf32>
    %reduce_max3A_21 = vector.extract %reduce_max3A_20[0, 0] : f32 from vector<1x1xf32>
    %sub3A = vector.broadcast %reduce_max3A_16 : f32 to vector<10000xf32>
    %sub3A_22 = arith.subf %reduce_sum3A_5, %sub3A : vector<10000xf32>
    %exp3A = math.exp %sub3A_22 : vector<10000xf32>
    %mul3A_23 = arith.constant 2.000000e-01 : f32
    %mul3A_24 = vector.broadcast %mul3A_23 : f32 to vector<10000xf32>
    %mul3A_25 = arith.mulf %mul3A_24, %reduce_sum3A_5 : vector<10000xf32>
    %sub3A_26 = vector.broadcast %reduce_max3A_16 : f32 to vector<10000xf32>
    %sub3A_27 = arith.subf %mul3A_25, %sub3A_26 : vector<10000xf32>
    %exp3A_28 = math.exp %sub3A_27 : vector<10000xf32>
    %sub3A_29 = vector.broadcast %reduce_max3A_21 : f32 to vector<10000xf32>
    %sub3A_30 = arith.subf %reduce_sum3A_12, %sub3A_29 : vector<10000xf32>
    %exp3A_31 = math.exp %sub3A_30 : vector<10000xf32>
    %mul3A_32 = arith.constant 2.000000e-01 : f32
    %mul3A_33 = vector.broadcast %mul3A_32 : f32 to vector<10000xf32>
    %mul3A_34 = arith.mulf %mul3A_33, %reduce_sum3A_12 : vector<10000xf32>
    %sub3A_35 = vector.broadcast %reduce_max3A_21 : f32 to vector<10000xf32>
    %sub3A_36 = arith.subf %mul3A_34, %sub3A_35 : vector<10000xf32>
    %exp3A_37 = math.exp %sub3A_36 : vector<10000xf32>
    %add3A = arith.addf %reduce_sum3A_5, %reduce_sum3A_12 : vector<10000xf32>
    %gt3A = arith.constant 0.000000e+00 : f32
    %gt3A_38 = vector.broadcast %gt3A : f32 to vector<10000xf32>
    %gt3A_39 = arith.cmpf ogt, %add3A, %gt3A_38 : vector<10000xf32>
    %mul3A_40 = arith.constant 2.000000e-01 : f32
    %mul3A_41 = vector.broadcast %mul3A_40 : f32 to vector<10000xf32>
    %mul3A_42 = arith.mulf %mul3A_41, %add3A : vector<10000xf32>
    %select_n3A = arith.select %gt3A_39, %add3A, %mul3A_42 : vector<10000xi1>, vector<10000xf32>
    %sub3A_43 = vector.broadcast %reduce_max3A_16 : f32 to vector<10000xf32>
    %sub3A_44 = arith.subf %select_n3A, %sub3A_43 : vector<10000xf32>
    %sub3A_45 = vector.broadcast %reduce_max3A_21 : f32 to vector<10000xf32>
    %sub3A_46 = arith.subf %sub3A_44, %sub3A_45 : vector<10000xf32>
    %exp3A_47 = math.exp %sub3A_46 : vector<10000xf32>
    %broadcast_in_dim3A_48 = arith.constant 0.000000e+00 : f32
    %broadcast_in_dim3A_49 = vector.broadcast %broadcast_in_dim3A_48 : f32 to vector<10000x14xf32>
    %swap3A = arith.constant 0 : index
    %swap3A_50 = vector.load %arg3[%swap3A] : memref<10000xf32, #tpu.memory_space<vmem>>, vector<10000xf32>
    tpu.vector_store %arg3[%swap3A], %reduce_sum3A_5 {strides = array<i32>} : memref<10000xf32, #tpu.memory_space<vmem>>, vector<10000xf32>,
    %swap3A_51 = arith.constant 0 : index
    %swap3A_52 = vector.load %arg4[%swap3A_51] : memref<10000xf32, #tpu.memory_space<vmem>>, vector<10000xf32>
    tpu.vector_store %arg4[%swap3A_51], %reduce_sum3A_12 {strides = array<i32>} : memref<10000xf32, #tpu.memory_space<vmem>>, vector<10000xf32>,
    %broadcast_in_dim3A_53 = vector.shape_cast %exp3A : vector<10000xf32> to vector<10000x1xf32>
    %broadcast_in_dim3A_54 = vector.shape_cast %exp3A_28 : vector<10000xf32> to vector<10000x1xf32>
    %concatenate3A = tpu.concatenate %broadcast_in_dim3A_53, %broadcast_in_dim3A_54, %broadcast_in_dim3A_49 in 1 : vector<10000x1xf32>, vector<10000x1xf32>, vector<10000x14xf32> -> vector<10000x16xf32>
    %swap3A_55 = arith.constant 0 : index
    %swap3A_56 = arith.constant 0 : index
    %swap3A_57 = vector.load %arg5[%swap3A_55, %swap3A_56] : memref<10000x16xf32, #tpu.memory_space<vmem>>, vector<10000x16xf32>
    tpu.vector_store %arg5[%swap3A_55, %swap3A_56], %concatenate3A {strides = array<i32>} : memref<10000x16xf32, #tpu.memory_space<vmem>>, vector<10000x16xf32>,
    %broadcast_in_dim3A_58 = vector.shape_cast %exp3A_31 : vector<10000xf32> to vector<10000x1xf32>
    %broadcast_in_dim3A_59 = vector.shape_cast %exp3A_37 : vector<10000xf32> to vector<10000x1xf32>
    %broadcast_in_dim3A_60 = vector.shape_cast %exp3A_47 : vector<10000xf32> to vector<10000x1xf32>
    %slice3A = vector.extract_strided_slice %broadcast_in_dim3A_49 {offsets = [0, 0], sizes = [10000, 13], strides = [1, 1]} : vector<10000x14xf32> to vector<10000x13xf32>
    %concatenate3A_61 = tpu.concatenate %broadcast_in_dim3A_58, %broadcast_in_dim3A_59, %broadcast_in_dim3A_60, %slice3A in 1 : vector<10000x1xf32>, vector<10000x1xf32>, vector<10000x1xf32>, vector<10000x13xf32> -> vector<10000x16xf32>
    %swap3A_62 = arith.constant 0 : index
    %swap3A_63 = arith.constant 0 : index
    %swap3A_64 = vector.load %arg6[%swap3A_62, %swap3A_63] : memref<10000x16xf32, #tpu.memory_space<vmem>>, vector<10000x16xf32>
    tpu.vector_store %arg6[%swap3A_62, %swap3A_63], %concatenate3A_61 {strides = array<i32>} : memref<10000x16xf32, #tpu.memory_space<vmem>>, vector<10000x16xf32>,
    %broadcast_in_dim3A_65 = vector.broadcast %reduce_max3A_16 : f32 to vector<16xf32>
    %swap3A_66 = arith.constant 0 : index
    %swap3A_67 = vector.load %arg7[%swap3A_66] : memref<16xf32, #tpu.memory_space<vmem>>, vector<16xf32>
    tpu.vector_store %arg7[%swap3A_66], %broadcast_in_dim3A_65 {strides = array<i32>} : memref<16xf32, #tpu.memory_space<vmem>>, vector<16xf32>,
    return
  }
}

module attributes {stable_mosaic.version = 14 : i64} {
  func.func @_build_t_body(%arg0: i32, %arg1: memref<2000x128xf32, #tpu.memory_space<vmem>>, %arg2: memref<2000x16xf32, #tpu.memory_space<vmem>>, %arg3: memref<2x2000x128xf32, #tpu.memory_space<vmem>>) attributes {dimension_semantics = [#tpu.dimension_semantics<arbitrary>], iteration_bounds = array<i64: 5>, scalar_prefetch = 0 : i64, scratch_operands = 0 : i64, tpu.core_type = #tpu.core_type<tc>, window_params = [{transform_indices = @transform_0, window_bounds = array<i64: 2000, 128>}, {transform_indices = @transform_1, window_bounds = array<i64: 2000, 16>}, {transform_indices = @transform_2, window_bounds = array<i64: 2, 2000, 128>}]} {
    %get3A = arith.constant 0 : index
    %get3A_0 = arith.constant 0 : index
    %get3A_1 = vector.load %arg1[%get3A, %get3A_0] : memref<2000x128xf32, #tpu.memory_space<vmem>>, vector<2000x128xf32>
    %get3A_2 = arith.constant 0 : index
    %get3A_3 = arith.constant 0 : index
    %get3A_4 = vector.load %arg2[%get3A_2, %get3A_3] : memref<2000x16xf32, #tpu.memory_space<vmem>>, vector<2000x16xf32>
    %slice3A = vector.extract_strided_slice %get3A_4 {offsets = [0, 0], sizes = [2000, 1], strides = [1, 1]} : vector<2000x16xf32> to vector<2000x1xf32>
    %squeeze3A = vector.shape_cast %slice3A : vector<2000x1xf32> to vector<2000xf32>
    %broadcast_in_dim3A = vector.shape_cast %squeeze3A : vector<2000xf32> to vector<2000x1xf32>
    %mul3A = vector.broadcast %broadcast_in_dim3A : vector<2000x1xf32> to vector<2000x128xf32>
    %mul3A_5 = arith.mulf %mul3A, %get3A_1 : vector<2000x128xf32>
    %swap3A = arith.constant 0 : index
    %swap3A_6 = arith.constant 0 : index
    %swap3A_7 = arith.constant 0 : index
    %swap3A_8 = vector.load %arg3[%swap3A, %swap3A_6, %swap3A_7] : memref<2x2000x128xf32, #tpu.memory_space<vmem>>, vector<1x2000x128xf32>
    %swap3A_9 = vector.shape_cast %swap3A_8 : vector<1x2000x128xf32> to vector<2000x128xf32>
    %swap3A_10 = vector.shape_cast %mul3A_5 : vector<2000x128xf32> to vector<1x2000x128xf32>
    tpu.vector_store %arg3[%swap3A, %swap3A_6, %swap3A_7], %swap3A_10 {strides = array<i32>} : memref<2x2000x128xf32, #tpu.memory_space<vmem>>, vector<1x2000x128xf32>,
    %slice3A_11 = vector.extract_strided_slice %get3A_4 {offsets = [0, 1], sizes = [2000, 1], strides = [1, 1]} : vector<2000x16xf32> to vector<2000x1xf32>
    %squeeze3A_12 = vector.shape_cast %slice3A_11 : vector<2000x1xf32> to vector<2000xf32>
    %broadcast_in_dim3A_13 = vector.shape_cast %squeeze3A_12 : vector<2000xf32> to vector<2000x1xf32>
    %mul3A_14 = vector.broadcast %broadcast_in_dim3A_13 : vector<2000x1xf32> to vector<2000x128xf32>
    %mul3A_15 = arith.mulf %mul3A_14, %get3A_1 : vector<2000x128xf32>
    %swap3A_16 = arith.constant 1 : index
    %swap3A_17 = arith.constant 0 : index
    %swap3A_18 = arith.constant 0 : index
    %swap3A_19 = vector.load %arg3[%swap3A_16, %swap3A_17, %swap3A_18] : memref<2x2000x128xf32, #tpu.memory_space<vmem>>, vector<1x2000x128xf32>
    %swap3A_20 = vector.shape_cast %swap3A_19 : vector<1x2000x128xf32> to vector<2000x128xf32>
    %swap3A_21 = vector.shape_cast %mul3A_15 : vector<2000x128xf32> to vector<1x2000x128xf32>
    tpu.vector_store %arg3[%swap3A_16, %swap3A_17, %swap3A_18], %swap3A_21 {strides = array<i32>} : memref<2x2000x128xf32, #tpu.memory_space<vmem>>, vector<1x2000x128xf32>,
    return
  }
  func.func @transform_0(%arg0: i32) -> (i32, i32) {
    %c0_i32 = arith.constant 0 : i32
    %c0_i32_0 = arith.constant 0 : i32
    return %arg0, %c0_i32 : i32, i32
  }
  func.func @transform_1(%arg0: i32) -> (i32, i32) {
    %c0_i32 = arith.constant 0 : i32
    %c0_i32_0 = arith.constant 0 : i32
    return %arg0, %c0_i32 : i32, i32
  }
  func.func @transform_2(%arg0: i32) -> (i32, i32, i32) {
    %c0_i32 = arith.constant 0 : i32
    %c0_i32_0 = arith.constant 0 : i32
    %c0_i32_1 = arith.constant 0 : i32
    return %c0_i32, %arg0, %c0_i32_0 : i32, i32, i32
  }
}

module attributes {stable_mosaic.version = 14 : i64} {
  func.func @_final_body(%arg0: i32, %arg1: memref<2x2000x128xf32, #tpu.memory_space<vmem>>, %arg2: memref<2x2000x32xf32, #tpu.memory_space<vmem>>, %arg3: memref<2000x16xf32, #tpu.memory_space<vmem>>, %arg4: memref<2000x128xf32, #tpu.memory_space<vmem>>, %arg5: memref<128xf32, #tpu.memory_space<vmem>>, %arg6: memref<2000x128xf32, #tpu.memory_space<vmem>>) attributes {dimension_semantics = [#tpu.dimension_semantics<arbitrary>], iteration_bounds = array<i64: 5>, scalar_prefetch = 0 : i64, scratch_operands = 0 : i64, tpu.core_type = #tpu.core_type<tc>, window_params = [{transform_indices = @transform_0, window_bounds = array<i64: 2, 2000, 128>}, {transform_indices = @transform_1, window_bounds = array<i64: 2, 2000, 32>}, {transform_indices = @transform_2, window_bounds = array<i64: 2000, 16>}, {transform_indices = @transform_3, window_bounds = array<i64: 2000, 128>}, {pipeline_mode = #tpu.pipeline_mode<synchronous>, transform_indices = @transform_4, window_bounds = array<i64: 128>}, {transform_indices = @transform_5, window_bounds = array<i64: 2000, 128>}]} {
    %get3A = arith.constant 0 : index
    %get3A_0 = arith.constant 0 : index
    %get3A_1 = arith.constant 0 : index
    %get3A_2 = vector.load %arg1[%get3A, %get3A_0, %get3A_1] : memref<2x2000x128xf32, #tpu.memory_space<vmem>>, vector<2x2000x128xf32>
    %get3A_3 = arith.constant 0 : index
    %get3A_4 = arith.constant 0 : index
    %get3A_5 = arith.constant 0 : index
    %get3A_6 = vector.load %arg2[%get3A_3, %get3A_4, %get3A_5] : memref<2x2000x32xf32, #tpu.memory_space<vmem>>, vector<2x2000x32xf32>
    %get3A_7 = arith.constant 0 : index
    %get3A_8 = arith.constant 0 : index
    %get3A_9 = vector.load %arg3[%get3A_7, %get3A_8] : memref<2000x16xf32, #tpu.memory_space<vmem>>, vector<2000x16xf32>
    %get3A_10 = arith.constant 0 : index
    %get3A_11 = arith.constant 0 : index
    %get3A_12 = vector.load %arg4[%get3A_10, %get3A_11] : memref<2000x128xf32, #tpu.memory_space<vmem>>, vector<2000x128xf32>
    %slice3A = vector.extract_strided_slice %get3A_9 {offsets = [0, 0], sizes = [2000, 1], strides = [1, 1]} : vector<2000x16xf32> to vector<2000x1xf32>
    %squeeze3A = vector.shape_cast %slice3A : vector<2000x1xf32> to vector<2000xf32>
    %slice3A_13 = vector.extract_strided_slice %get3A_9 {offsets = [0, 1], sizes = [2000, 1], strides = [1, 1]} : vector<2000x16xf32> to vector<2000x1xf32>
    %squeeze3A_14 = vector.shape_cast %slice3A_13 : vector<2000x1xf32> to vector<2000xf32>
    %slice3A_15 = vector.extract_strided_slice %get3A_9 {offsets = [0, 2], sizes = [2000, 1], strides = [1, 1]} : vector<2000x16xf32> to vector<2000x1xf32>
    %squeeze3A_16 = vector.shape_cast %slice3A_15 : vector<2000x1xf32> to vector<2000xf32>
    %slice3A_17 = vector.extract_strided_slice %get3A_2 {offsets = [0, 0, 0], sizes = [1, 2000, 128], strides = [1, 1, 1]} : vector<2x2000x128xf32> to vector<1x2000x128xf32>
    %squeeze3A_18 = vector.shape_cast %slice3A_17 : vector<1x2000x128xf32> to vector<2000x128xf32>
    %broadcast_in_dim3A = vector.shape_cast %squeeze3A : vector<2000xf32> to vector<2000x1xf32>
    %mul3A = vector.broadcast %broadcast_in_dim3A : vector<2000x1xf32> to vector<2000x128xf32>
    %mul3A_19 = arith.mulf %squeeze3A_18, %mul3A : vector<2000x128xf32>
    %slice3A_20 = vector.extract_strided_slice %get3A_2 {offsets = [1, 0, 0], sizes = [1, 2000, 128], strides = [1, 1, 1]} : vector<2x2000x128xf32> to vector<1x2000x128xf32>
    %squeeze3A_21 = vector.shape_cast %slice3A_20 : vector<1x2000x128xf32> to vector<2000x128xf32>
    %broadcast_in_dim3A_22 = vector.shape_cast %squeeze3A_14 : vector<2000xf32> to vector<2000x1xf32>
    %mul3A_23 = vector.broadcast %broadcast_in_dim3A_22 : vector<2000x1xf32> to vector<2000x128xf32>
    %mul3A_24 = arith.mulf %squeeze3A_21, %mul3A_23 : vector<2000x128xf32>
    %add3A = arith.addf %mul3A_19, %mul3A_24 : vector<2000x128xf32>
    %broadcast_in_dim3A_25 = vector.shape_cast %squeeze3A_16 : vector<2000xf32> to vector<2000x1xf32>
    %mul3A_26 = vector.broadcast %broadcast_in_dim3A_25 : vector<2000x1xf32> to vector<2000x128xf32>
    %mul3A_27 = arith.mulf %get3A_12, %mul3A_26 : vector<2000x128xf32>
    %add3A_28 = arith.addf %add3A, %mul3A_27 : vector<2000x128xf32>
    %slice3A_29 = vector.extract_strided_slice %get3A_6 {offsets = [0, 0, 0], sizes = [1, 2000, 32], strides = [1, 1, 1]} : vector<2x2000x32xf32> to vector<1x2000x32xf32>
    %squeeze3A_30 = vector.shape_cast %slice3A_29 : vector<1x2000x32xf32> to vector<2000x32xf32>
    %reduce_sum3A = arith.constant dense<0.000000e+00> : vector<2000xf32>
    %reduce_sum3A_31 = vector.multi_reduction <add>, %squeeze3A_30, %reduce_sum3A [1] : vector<2000x32xf32> to vector<2000xf32>
    %mul3A_32 = arith.mulf %reduce_sum3A_31, %squeeze3A : vector<2000xf32>
    %slice3A_33 = vector.extract_strided_slice %get3A_6 {offsets = [1, 0, 0], sizes = [1, 2000, 32], strides = [1, 1, 1]} : vector<2x2000x32xf32> to vector<1x2000x32xf32>
    %squeeze3A_34 = vector.shape_cast %slice3A_33 : vector<1x2000x32xf32> to vector<2000x32xf32>
    %reduce_sum3A_35 = arith.constant dense<0.000000e+00> : vector<2000xf32>
    %reduce_sum3A_36 = vector.multi_reduction <add>, %squeeze3A_34, %reduce_sum3A_35 [1] : vector<2000x32xf32> to vector<2000xf32>
    %mul3A_37 = arith.mulf %reduce_sum3A_36, %squeeze3A_14 : vector<2000xf32>
    %add3A_38 = arith.addf %mul3A_32, %mul3A_37 : vector<2000xf32>
    %add3A_39 = arith.addf %add3A_38, %squeeze3A_16 : vector<2000xf32>
    %broadcast_in_dim3A_40 = vector.shape_cast %add3A_39 : vector<2000xf32> to vector<2000x1xf32>
    %div3A = vector.broadcast %broadcast_in_dim3A_40 : vector<2000x1xf32> to vector<2000x128xf32>
    %div3A_41 = arith.divf %add3A_28, %div3A : vector<2000x128xf32>
    %get3A_42 = arith.constant 0 : index
    %get3A_43 = vector.load %arg5[%get3A_42] : memref<128xf32, #tpu.memory_space<vmem>>, vector<128xf32>
    %broadcast_in_dim3A_44 = vector.shape_cast %get3A_43 : vector<128xf32> to vector<1x128xf32>
    %add3A_45 = vector.broadcast %broadcast_in_dim3A_44 : vector<1x128xf32> to vector<2000x128xf32>
    %add3A_46 = arith.addf %div3A_41, %add3A_45 : vector<2000x128xf32>
    %swap3A = arith.constant 0 : index
    %swap3A_47 = arith.constant 0 : index
    %swap3A_48 = vector.load %arg6[%swap3A, %swap3A_47] : memref<2000x128xf32, #tpu.memory_space<vmem>>, vector<2000x128xf32>
    tpu.vector_store %arg6[%swap3A, %swap3A_47], %add3A_46 {strides = array<i32>} : memref<2000x128xf32, #tpu.memory_space<vmem>>, vector<2000x128xf32>,
    return
  }
  func.func @transform_0(%arg0: i32) -> (i32, i32, i32) {
    %c0_i32 = arith.constant 0 : i32
    %c0_i32_0 = arith.constant 0 : i32
    %c0_i32_1 = arith.constant 0 : i32
    return %c0_i32, %arg0, %c0_i32_0 : i32, i32, i32
  }
  func.func @transform_1(%arg0: i32) -> (i32, i32, i32) {
    %c0_i32 = arith.constant 0 : i32
    %c0_i32_0 = arith.constant 0 : i32
    %c0_i32_1 = arith.constant 0 : i32
    return %c0_i32, %arg0, %c0_i32_0 : i32, i32, i32
  }
  func.func @transform_2(%arg0: i32) -> (i32, i32) {
    %c0_i32 = arith.constant 0 : i32
    %c0_i32_0 = arith.constant 0 : i32
    return %arg0, %c0_i32 : i32, i32
  }
  func.func @transform_3(%arg0: i32) -> (i32, i32) {
    %c0_i32 = arith.constant 0 : i32
    %c0_i32_0 = arith.constant 0 : i32
    return %arg0, %c0_i32 : i32, i32
  }
  func.func @transform_4(%arg0: i32) -> i32 {
    %c0_i32 = arith.constant 0 : i32
    %c0_i32_0 = arith.constant 0 : i32
    return %c0_i32 : i32
  }
  func.func @transform_5(%arg0: i32) -> (i32, i32) {
    %c0_i32 = arith.constant 0 : i32
    %c0_i32_0 = arith.constant 0 : i32
    return %arg0, %c0_i32 : i32, i32
  }
}

</mosaic_0001>

<sc_bundles>
// kernel: kernel.12.cloned.1.call-start
scs
__scs_entry_jumppad:
0x0: {  	(pc) =	sbr.rel $0x88, $3  }
0x1: {  	(tag) =	ssettag $0x0;
	lr =	simm.s32 $0x1  }
0x2: {  	[smem:$0x3F99] =	sst lr;
	_ =	strace $0xD0000000  }
0x3: {  	_ = 	snop  }
0x4: {  	_ = 	snop  }
0x5: {  	_ = 	snop  }
0x6: {  	_ = 	snop  }
0x7: {  	_ = 	snop  }
__scs_overlays_trampoline_lowered:
0x8: {  	[smem:$0x3FA8] =	sst s0  }
0x9: {  	[smem:$0x3FA9] =	sst s1  }
0xa: {  	[smem:$0x3FAA] =	sst s2  }
0xb: {  	[smem:$0x3FAB] =	sst s3  }
0xc: {  	[smem:$0x3FAC] =	sst s4  }
0xd: {  	[smem:$0x3FAD] =	sst s5  }
0xe: {  	[smem:$0x3FAE] =	sst s6  }
0xf: {  	[smem:$0x3FAF] =	sst s7  }
0x10: {  	[smem:$0x3FB0] =	sst s8  }
0x11: {  	[smem:$0x3FB1] =	sst s9;
	s0 =	simm.s32 @!p0 $0x0  }
0x12: {  	s1 =	sld [smem:$0x3F97];
	s0 =	simm.s32 @p0 $0x1  }
0x13: {  	[smem:$0x3FB2] =	sst s0;
	s0 =	simm.s32 @!p1 $0x0  }
0x14: {  	s2 =	sld [smem:$0x3F96];
	s0 =	simm.s32 @p1 $0x1  }
0x15: {  	[smem:$0x3FB3] =	sst s0;
	s0 =	simm.s32 @!p2 $0x0  }
0x16: {  	s3 =	sld [smem:$0x3FDB];
	s0 =	simm.s32 @p2 $0x1  }
0x17: {  	s4 =	simm.s32 $0x1BF5;
	[smem:$0x3FB5] =	sst s0  }
0x18: {  	s0 =	sld [smem:$0x3F98];
	_ =	swait.ge [sflag:s4], $0x0  }
0x19: {  	s7 =	sld [smem:$0x3F99]  }
0x1a: {  	s8 =	sadd.s32 $0xFFFFE003, lr  }
0x1b: {  	s9 =	sadd.s32 $0xFFFFFEF7, lr;
	s5 =	simm.s32 $0xFFFFFFFF;
	p2 =	slt.u32 s8, $0xFFFFF086  }
0x1c: {  	p1 =	slt.u32 s9, $0xF7A;
	s5 =	simm.s32 @!p2 $0x0  }
0x1d: {  	s5 =	simm.s32 @p1 $0x1;
	p0 =	seq.s32 s7, s2  }
0x1e: {  	s7 =	smul.u32 @!p0 $0xF7A, s2;
	p2 =	seq.s32 @!p0 s5, $0x0  }
0x1f: {  	s9 =	smul.u32 $0xF7A, s1;
	s8 =	simm.s32 @!p0 $0x1BF5;
	p2 =	por !p2, p0  }
0x20: {  	[sflag:s8] =	ssyncset.s32 @!p0 $0xFFFFF086;
	s6 =	sadd.s32 @!p0 s3, s7;
	s7 =	simm.s32 @!p0 $0x108  }
0x21: {  	s3 =	sadd.s32 s3, s9;
	s6 =	sadd.s32 @!p0 $0x88, s6;
	s7 =	simm.s32 @p2 $0x1082  }
0x22: {  	[simem:s7], [sflag:s8] =	dma.local @!p0 [hbm:s6], $0xF7A  }
0x23: {  	s9 =	sor.u32 $0xD0000000, s2;
	s6 =	simm.s32 $0x108;
	_ =	swait.ge @!p0 [sflag:s8], $0x0  }
0x24: {  	s3 =	sadd.s32 $0x88, s3;
	s6 =	simm.s32 @!p1 $0x1082;
	[sflag:s4] =	ssyncset.s32 $0xFFFFF086  }
0x25: {  	[simem:s6], [sflag:s4] =	dma.local [hbm:s3], $0xF7A  }
0x26: {  	[smem:$0x3F99] =	sst s1;
	(tag) =	ssettag s2;
	_ =	strace s9  }
0x27: {  	s1 =	sld [smem:$0x3FA9]  }
0x28: {  	s2 =	sld [smem:$0x3FAA]  }
0x29: {  	s4 =	sld [smem:$0x3FAC]  }
0x2a: {  	p0 =	seq.s32 s5, $0x0;
	s5 =	sld [smem:$0x3FAD]  }
0x2b: {  	s6 =	sld [smem:$0x3FAE]  }
0x2c: {  	s7 =	sld [smem:$0x3FAF]  }
0x2d: {  	s3 =	simm.s32 $0x108;
	s8 =	sld [smem:$0x3FB0]  }
0x2e: {  	s3 =	simm.s32 @!p0 $0x1082;
	s9 =	sld [smem:$0x3FB1]  }
0x2f: {  	lr =	sadd.s32 s0, s3;
	s0 =	sld [smem:$0x3FA8]  }
0x30: {  	s3 =	sld [smem:$0x3FAB]  }
0x31: {  	[smem:$0x3FB4] =	sst s10  }
0x32: {  	s10 =	sld [smem:$0x3FB2];
	_ =	sdelay $0x3  }
0x33: {  	p0 =	seq.s32 s10, $0x1;
	s10 =	sld [smem:$0x3FB4];
	_ =	sdelay $0x3  }
0x34: {  	[smem:$0x3FB4] =	sst s10  }
0x35: {  	s10 =	sld [smem:$0x3FB3];
	_ =	sdelay $0x3  }
0x36: {  	p1 =	seq.s32 s10, $0x1;
	s10 =	sld [smem:$0x3FB4];
	_ =	sdelay $0x3  }
0x37: {  	[smem:$0x3FB4] =	sst s10  }
0x38: {  	s10 =	sld [smem:$0x3FB5]  }
0x39: {  	_ = 	snop;
	(pc) =	sbr.ind lr, $3  }
0x3a: {  	_ = 	snop  }
0x3b: {  	_ = 	snop  }
0x3c: {  	p2 =	seq.s32 s10, $0x1;
	s10 =	sld [smem:$0x3FB4]  }
0x3d: {  	_ =	shalt  }
0x3e: {  	_ =	shalt  }
0x3f: {  	_ =	shalt  }
0x40: {  	_ =	shalt  }
0x41: {  	_ =	shalt  }
0x42: {  	_ =	shalt  }
0x43: {  	_ =	shalt  }
0x44: {  	_ =	shalt  }
0x45: {  	_ =	shalt  }
0x46: {  	_ =	shalt  }
0x47: {  	_ =	shalt  }
0x48: {  	_ =	shalt  }
0x49: {  	_ =	shalt  }
0x4a: {  	_ =	shalt  }
0x4b: {  	_ =	shalt  }
0x4c: {  	_ =	shalt  }
0x4d: {  	_ =	shalt  }
0x4e: {  	_ =	shalt  }
0x4f: {  	_ =	shalt  }
0x50: {  	_ =	shalt  }
0x51: {  	_ =	shalt  }
0x52: {  	_ =	shalt  }
0x53: {  	_ =	shalt  }
0x54: {  	_ =	shalt  }
0x55: {  	_ =	shalt  }
0x56: {  	_ =	shalt  }
0x57: {  	_ =	shalt  }
0x58: {  	_ =	shalt  }
0x59: {  	_ =	shalt  }
0x5a: {  	_ =	shalt  }
0x5b: {  	_ =	shalt  }
0x5c: {  	_ =	shalt  }
0x5d: {  	_ =	shalt  }
0x5e: {  	_ =	shalt  }
0x5f: {  	_ =	shalt  }
0x60: {  	_ =	shalt  }
0x61: {  	_ =	shalt  }
0x62: {  	_ =	shalt  }
0x63: {  	_ =	shalt  }
0x64: {  	_ =	shalt  }
0x65: {  	_ =	shalt  }
0x66: {  	_ =	shalt  }
0x67: {  	_ =	shalt  }
0x68: {  	_ =	shalt  }
0x69: {  	_ =	shalt  }
0x6a: {  	_ =	shalt  }
0x6b: {  	_ =	shalt  }
0x6c: {  	_ =	shalt  }
0x6d: {  	_ =	shalt  }
0x6e: {  	_ =	shalt  }
0x6f: {  	_ =	shalt  }
0x70: {  	_ =	shalt  }
0x71: {  	_ =	shalt  }
0x72: {  	_ =	shalt  }
0x73: {  	_ =	shalt  }
0x74: {  	_ =	shalt  }
0x75: {  	_ =	shalt  }
0x76: {  	_ =	shalt  }
0x77: {  	_ =	shalt  }
0x78: {  	_ =	shalt  }
0x79: {  	_ =	shalt  }
0x7a: {  	_ =	shalt  }
0x7b: {  	_ =	shalt  }
0x7c: {  	_ =	shalt  }
0x7d: {  	_ =	shalt  }
0x7e: {  	_ =	shalt  }
0x7f: {  	_ =	shalt  }
0x80: {  	_ =	shalt  }
0x81: {  	_ =	shalt  }
0x82: {  	_ =	shalt  }
0x83: {  	_ =	shalt  }
0x84: {  	_ =	shalt  }
0x85: {  	_ =	shalt  }
0x86: {  	_ =	shalt  }
0x87: {  	_ =	shalt  }
.Lfunc_end0:
.L_simem_size_0:
called_computation_lowered:
.L_overlay_start_0:
0x88: {  	s2 =	sld [smem:$0x3FD9]  }
0x89: {  	s3 =	sld [smem:$0x3FFE];
	_ =	sdelay $0x1  }
0x8a: {  	s1 =	srdreg.scid  }
0x8b: {  	s0 =	sand.u32 $0x1, s1  }
0x8c: {  	s16 =	sshll.u32 s0, $0xA;
	s2 =	sadd.s32 s3, s2  }
0x8d: {  	s2 =	sadd.s32 s2, s16  }
0x8e: {  	[smem:$0x3FC0] =	sst s2  }
0x8f: {  	_ = 	snop  }
0x90: {  	(tm) =	ssettm $0x1  }
0x91: {  	s17 =	sld [smem:$0x3FFB];
	_ =	sdelay $0x3  }
0x92: {  	_ =	strace s17  }
0x93: {  	s2 =	sld [smem:$0x3FFC];
	_ =	sdelay $0x3  }
0x94: {  	_ =	strace s2  }
0x95: {  	s2 =	sld [smem:$0x3FFD];
	_ =	sdelay $0x3  }
0x96: {  	_ =	strace s2  }
0x97: {  	_ =	strace $0x8FFFFFFF  }
0x98: {  	s18 =	sld [smem:$0x3FDB];
	_ =	sdelay $0x1  }
0x99: {  	s19 =	simm.s32 $_scs_section_size  }
0x9a: {  	s4 =	simm.s32 $_size__tile_overlayer_lowered;
	s5 =	simm.s32 $_tile_overlayer_lowered  }
0x9b: {  	s22 =	simm.s32 $0x1BFF;
	s21 =	sshll.u32 s5, $0x1;
	s2 =	sadd.s32 s19, s18  }
0x9c: {  	s6 =	simm.s32 $0x0;
	s20 =	sshll.u32 s4, $0x1;
	s4 =	sadd.s32 s21, s2  }
0x9d: {  	[timem:s6], [sflag:s22] =	dma.local [hbm:s4], s20  }
0x9e: {  	_ =	swait.ge [sflag:s22], s20  }
0x9f: {  	s3 =	ssub.s32 $0x0, s20;
	[sflag:s22] =	ssyncset.done $0x0  }
0xa0: {  	[sflag:s22] =	ssyncadd.s32 s3;
	_ =	sdelay $0x1  }
0xa1: {  	s23 =	simm.s32 $0x1B8B  }
0xa2: {  	_ =	swait.ge [sflag:s23], $0x1  }
0xa3: {  	[sflag:s23] =	ssyncset.done $0x0  }
0xa4: {  	s25 =	simm.s32 $0x1B8E;
	s24 =	sld [smem:$0x3FFE];
	[sflag:s23] =	ssyncadd.s32 $0xFFFFFFFF  }
0xa5: {  	s26 =	simm.s32 $execute0_lowered;
	[smem:$0x3FD2] =	sst s25  }
0xa6: {  	s4 =	sshll.u32 s26, $0x1;
	_ =	strace $0x80000046;
	[dreg:$0x1] =	wrdreg $0xFFFFFFFF  }
0xa7: {  	s28 =	simm.s32 $_size_execute0_lowered;
	s2 =	sadd.s32 s2, s4;
	[dreg:$0x0] =	wrdreg $0x0  }
0xa8: {  	s4 =	sshll.u32 s28, $0x1;
	[dreg:$0x2] =	wrdreg s2  }
0xa9: {  	[dreg:$0x3] =	wrdreg s4  }
0xaa: {  	[dreg:$0x4] =	wrdreg $0xC0  }
0xab: {  	_ =	task [dreg:s6], $0x5FFFF  }
0xac: {  	[dreg:$0x1] =	wrdreg $0xFFFFFFFF  }
0xad: {  	[dreg:$0x0] =	wrdreg $0x60  }
0xae: {  	[dreg:$0x2] =	wrdreg s24  }
0xaf: {  	[dreg:$0x3] =	wrdreg $0x6C000  }
0xb0: {  	[dreg:$0x4] =	wrdreg $0x9  }
0xb1: {  	_ =	task.clear_ibuf [dreg:s6], $0x5FFFF;
	_ =	strace $0x90000046  }
0xb2: {  	s29 =	simm.s32 $0x9;
	_ =	strace $0x80000048  }
0xb3: {  	_ =	swait.ge [sflag:s29], $0x1  }
0xb4: {  	[sflag:s29] =	ssyncadd.s32 $0xFFFFFFFF  }
0xb5: {  	_ =	strace $0x90000048  }
0xb6: {  	_ =	sfence  }
0xb7: {  	s30 =	sld [smem:$0x0];
	_ =	sdelay $0x2  }
0xb8: {  	s31 =	sshll.u32 s1, $0xD;
	s1 =	sshrl.u32 s1, $0x2  }
0xb9: {  	s3 =	sand.u32 $0x4000, s31;
	s1 =	sadd.s32 s1, s30  }
0xba: {  	s0 =	sor.u32 s3, s0;
	s1 =	sshll.u32 s1, $0x11  }
0xbb: {  	s0 =	sor.u32 s1, s0  }
0xbc: {  	s0 =	sadd.s32 $0x8F2B, s0  }
0xbd: {  	[sflag:s0] =	ssyncadd.remote.s32 $0x1  }
0xbe: {  	_ =	sfence.sel $0xFFFF  }
0xbf: {  	[dreg:$0x0] =	wrdreg $0xFFFFFFFF;
	(pc) =	sbr.abs _section_cstart, $3  }
0xc0: {  	[dreg:$0x1] =	wrdreg $0xFFFFFFFF  }
0xc1: {  	_ =	task.clear_ibuf [dreg:s6], $0x2FFFF;
	_ =	strace $0x9FFFFFFF  }
0xc2: {  	(tm) =	ssettm $0x7FFFFFFF  }
0xc3: {  	_ =	shalt  }
tec
execute0_lowered:
.L_overlay_start_1:
0x0: {  	(tag) =	ssettag $0x1  }
0x1: {  	s4 =	rddreg [dreg:$0x0]  }
0x2: {  	s0 =	srdreg.scid;
	s2 =	rddreg [dreg:$0x1]  }
0x3: {  	s1 =	rddreg [dreg:$0x2];
	s5 =	sand.u32 $0x1, s0  }
0x4: {  	s0 =	stileid.u32;
	s6 =	smul.u32 $0x5000, s5  }
0x5: {  	s3 =	simm.s32 $0x0;
	s10 =	simm.s32 $0x80;
	s7 =	smul.u32 $0x500, s0  }
0x6: {  	s11 =	simm.s32 $0x2800;
	[smem:$0x7FF] =	sst s3;
	s8 =	smul.u32 $0x13C000, s5  }
0x7: {  	s9 =	smul.u32 $0x13C00, s0;
	_ =	strace $0x80000047;
	s5 =	ssub.s32 $0x2, s5  }
0x8: {  	s29 =	smul.u32 $0x4F000, s0;
	s12 =	sshll.u32 s0, $0x6;
	s30 =	sshrl.u32 s5, $0x1  }
0x9: {  	s12 =	sor.u32 $0x1C01, s12;
	s6 =	sadd.s32 s7, s6;
	s28 =	sadd.s32 s9, s8  }
0xa: {  	s8 =	sshrl.u32 s29, $0x2;
	s31 =	ssub.s32 s5, s30;
	s7 =	sshrl.u32 s28, $0x3  }
0xb: {  	s9 =	simm.s32 $0x1;
	s6 =	sadd.s32 s6, s4;
	s7 =	sadd.s32 s7, s4  }
0xc: {  	s4 =	sadd.s32 s8, s2;
	s5 =	sadd.s32 $0xDE00, s6;
	s8 =	simm.s32 $0x6800  }
0xd: {  	v0 =	vimm.f32 $1.000000000e+00;
	v1 =	vimm.f32 $0.0e+00;
	s6 =	sadd.s32 $0x17E00, s7;
	s7 =	smax.u32 s31, $0x1;
	s13 =	sshrl.u32 s4, $0x3  }
.LBB2_1:
0xe: {  	s14 =	simm.s32 $0x200;
	s15 =	simm.s32 $0x0  }
.LBB2_2:
0xf: {  	p0 =	sne.s32 s14, $0xFE00;
	[tilespmem:s15+$0x2800] =	vst v0;
	s15 =	smov.u32 s14;
	s14 =	sadd.s32 $0x200, s14  }
.Ltmp0:
0x10: {  	(pc) =	sbr.rel @p0 .LBB2_2-.Ltmp0, $2  }
0x11: {  	_ =	sdelay $0x2  }
0x12: {  	s15 =	sshra.s32 s15, $0x2  }
0x13: {  	[tilespmem:s15+$0x2800] =	vst v0  }
0x14: {  	[tilespmem:$0x6800] =	vst v1  }
0x15: {  	[tilespmem:$0x6880] =	vst v1  }
0x16: {  	[tilespmem:$0x6900] =	vst v1  }
0x17: {  	[tilespmem:$0x6980] =	vst v1  }
0x18: {  	[tilespmem:$0x6A00] =	vst v1  }
0x19: {  	[tilespmem:$0x6A80] =	vst v1  }
0x1a: {  	[tilespmem:$0x6B00] =	vst v1  }
0x1b: {  	s14 =	sadd.s32 $0x0, s4;
	[tilespmem:$0x6B80] =	vst v1  }
0x1c: {  	[spmem:s14] =	stream.linear.scatter [tilespmem:s8], [sflag:$0x1], $0x400, $0x38;
	[tilespmem:$0x9380] =	vst v63  }
0x1d: {  	s14 =	simm.s32 $0x1000;
	_ =	swait.ge [sflag:s9], $0x400  }
.LBB2_4:
0x1e: {  	s15 =	sshra.s32 s14, $0x2;
	[sflag:s9] =	ssyncset.done $0x0;
	p0 =	sne.s32 s14, $0x4E000  }
.Ltmp1:
0x1f: {  	s15 =	sadd.s32 s15, s4;
	[sflag:s9] =	ssyncadd.s32 $0xFFFFFC00;
	(pc) =	sbr.rel @p0 .LBB2_4-.Ltmp1, $3  }
0x20: {  	[spmem:s15] =	stream.linear.scatter [tilespmem:s8], [sflag:$0x1], $0x400, $0x38;
	[tilespmem:$0x9380] =	vst v63  }
0x21: {  	s14 =	sadd.s32 $0x1000, s14;
	_ =	sdelay $0x1  }
0x22: {  	_ =	swait.ge [sflag:s9], $0x400  }
0x23: {  	[sflag:s9] =	ssyncset.done $0x0  }
0x24: {  	[sflag:s9] =	ssyncadd.s32 $0xFFFFFC00  }
0x25: {  	s14 =	simm.s32 $0x0;
	[bflag:$0x0] =	sbarrier.arrive $0xFFFF  }
0x26: {  	[tilespmem:s14], [sflag:$0x1] =	stream.linear.gather [hbm4b:s5+s14], $0x2800, $0x38;
	[tilespmem:$0x9380] =	vst v63  }
0x27: {  	_ =	swait.ge [sflag:s9], $0x2800  }
0x28: {  	[sflag:s9] =	ssyncset.done $0x0  }
0x29: {  	s31 =	simm.s32 $0x0;
	[sflag:s9] =	ssyncadd.s32 $0xFFFFD800  }
0x2a: {  	[spmem:s2] =	stream.indirect.scatter.add.f32 [tilespmem:s11], [sflag:$0x1], $0x10, s31, s10, $0xb8;
	[tilespmem:$0x9380] =	vst v63  }
0x2b: {  	_ =	swait.ge [sflag:s9], $0x800  }
0x2c: {  	s14 =	simm.s32 $0x200;
	[sflag:s9] =	ssyncset.done $0x0  }
.LBB2_6:
0x2d: {  	s15 =	sshra.s32 s14, $0x2;
	[sflag:s9] =	ssyncadd.s32 $0xFFFFF800;
	p0 =	sne.s32 s14, $0x9E00  }
0x2e: {  	[spmem:s2] =	stream.indirect.scatter.add.f32 [tilespmem:s11], [sflag:$0x1], $0x10, s15, s10, $0xb8;
	[tilespmem:$0x9380] =	vst v63  }
.Ltmp2:
0x2f: {  	_ = 	snop;
	(pc) =	sbr.rel @p0 .LBB2_6-.Ltmp2, $4  }
0x30: {  	_ = 	snop  }
0x31: {  	s14 =	sadd.s32 $0x200, s14  }
0x32: {  	_ =	swait.ge [sflag:s9], $0x800  }
0x33: {  	[sflag:s9] =	ssyncset.done $0x0  }
0x34: {  	s3 =	sadd.s32 $0x1, s3  }
0x35: {  	[sflag:s9] =	ssyncadd.s32 $0xFFFFF800;
	p0 =	sne.s32 s3, s7  }
.Ltmp3:
0x36: {  	[bflag:$0x0] =	sbarrier.arrive $0xFFFF;
	(pc) =	sbr.rel @p0 .LBB2_1-.Ltmp3, $4  }
0x37: {  	[hbm:s6], [sflag:s12] =	dma.local [spmem:s13], $0x2780  }
0x38: {  	_ =	swait.ge [sflag:s9], $0x2780  }
0x39: {  	[sflag:s9] =	ssyncset.done $0x0  }
0x3a: {  	[sflag:s9] =	ssyncadd.s32 $0xFFFFD880  }
0x3b: {  	_ =	sfence.sel $0x180000  }
0x3c: {  	[bflag:$0x0] =	sbarrier.arrive $0xFFFF  }
0x3d: {  	p0 =	sne.s32 s0, $0x0;
	_ =	strace $0x90000047  }
0x3e: {  	s0 =	sadd.s32 @!p0 $0x100000, s1;
	[bflag:$0x2] =	sbarrier.arrive $0xFFFF  }
0x3f: {  	[sflag:s0] =	ssyncadd.tile.s32 @!p0 $0x1;
	_ =	shalt  }
.Lfunc_end2:
_tile_overlayer_lowered:
.L_overlay_start_2:
0x40: {  	(tag) =	ssettag $0x2  }
0x41: {  	s0 =	rddreg [dreg:$0x0];
	s2 =	stileid.u32  }
0x42: {  	s1 =	rddreg [dreg:$0x1];
	p0 =	sne.s32 s2, $0x0  }
0x43: {  	s3 =	rddreg [dreg:$0x2];
	[bflag:$0x3] =	sbarrier.arrive $0xFFFF;
	s2 =	simm.s32 @!p0 $0x1C01  }
0x44: {  	[timem:s3], [sflag:s2] =	dma.local @!p0 [hbm:s0], s1  }
0x45: {  	s0 =	simm.s32 @!p0 $0x1  }
0x46: {  	_ =	swait.ge @!p0 [sflag:s0], s1  }
0x47: {  	s1 =	ssub.s32 @!p0 $0x0, s1;
	[sflag:s0] =	ssyncset.done @!p0 $0x0  }
0x48: {  	[sflag:s0] =	ssyncadd.s32 @!p0 s1  }
0x49: {  	[bflag:$0x3] =	sbarrier.arrive $0xFFFF  }
0x4a: {  	_ =	shalt  }

// kernel: kernel.15.cloned.1.call-start
scs
__scs_entry_jumppad:
0x0: {  	(pc) =	sbr.rel $0x88, $3  }
0x1: {  	(tag) =	ssettag $0x0;
	lr =	simm.s32 $0x1  }
0x2: {  	[smem:$0x3F99] =	sst lr;
	_ =	strace $0xD0000000  }
0x3: {  	_ = 	snop  }
0x4: {  	_ = 	snop  }
0x5: {  	_ = 	snop  }
0x6: {  	_ = 	snop  }
0x7: {  	_ = 	snop  }
__scs_overlays_trampoline_lowered:
0x8: {  	[smem:$0x3FA8] =	sst s0  }
0x9: {  	[smem:$0x3FA9] =	sst s1  }
0xa: {  	[smem:$0x3FAA] =	sst s2  }
0xb: {  	[smem:$0x3FAB] =	sst s3  }
0xc: {  	[smem:$0x3FAC] =	sst s4  }
0xd: {  	[smem:$0x3FAD] =	sst s5  }
0xe: {  	[smem:$0x3FAE] =	sst s6  }
0xf: {  	[smem:$0x3FAF] =	sst s7  }
0x10: {  	[smem:$0x3FB0] =	sst s8  }
0x11: {  	[smem:$0x3FB1] =	sst s9;
	s0 =	simm.s32 @!p0 $0x0  }
0x12: {  	s1 =	sld [smem:$0x3F97];
	s0 =	simm.s32 @p0 $0x1  }
0x13: {  	[smem:$0x3FB2] =	sst s0;
	s0 =	simm.s32 @!p1 $0x0  }
0x14: {  	s2 =	sld [smem:$0x3F96];
	s0 =	simm.s32 @p1 $0x1  }
0x15: {  	[smem:$0x3FB3] =	sst s0;
	s0 =	simm.s32 @!p2 $0x0  }
0x16: {  	s3 =	sld [smem:$0x3FDB];
	s0 =	simm.s32 @p2 $0x1  }
0x17: {  	s4 =	simm.s32 $0x1BF5;
	[smem:$0x3FB5] =	sst s0  }
0x18: {  	s0 =	sld [smem:$0x3F98];
	_ =	swait.ge [sflag:s4], $0x0  }
0x19: {  	s7 =	sld [smem:$0x3F99]  }
0x1a: {  	s8 =	sadd.s32 $0xFFFFE003, lr  }
0x1b: {  	s9 =	sadd.s32 $0xFFFFFEF7, lr;
	s5 =	simm.s32 $0xFFFFFFFF;
	p2 =	slt.u32 s8, $0xFFFFF086  }
0x1c: {  	p1 =	slt.u32 s9, $0xF7A;
	s5 =	simm.s32 @!p2 $0x0  }
0x1d: {  	s5 =	simm.s32 @p1 $0x1;
	p0 =	seq.s32 s7, s2  }
0x1e: {  	s7 =	smul.u32 @!p0 $0xF7A, s2;
	p2 =	seq.s32 @!p0 s5, $0x0  }
0x1f: {  	s9 =	smul.u32 $0xF7A, s1;
	s8 =	simm.s32 @!p0 $0x1BF5;
	p2 =	por !p2, p0  }
0x20: {  	[sflag:s8] =	ssyncset.s32 @!p0 $0xFFFFF086;
	s6 =	sadd.s32 @!p0 s3, s7;
	s7 =	simm.s32 @!p0 $0x108  }
0x21: {  	s3 =	sadd.s32 s3, s9;
	s6 =	sadd.s32 @!p0 $0x88, s6;
	s7 =	simm.s32 @p2 $0x1082  }
0x22: {  	[simem:s7], [sflag:s8] =	dma.local @!p0 [hbm:s6], $0xF7A  }
0x23: {  	s9 =	sor.u32 $0xD0000000, s2;
	s6 =	simm.s32 $0x108;
	_ =	swait.ge @!p0 [sflag:s8], $0x0  }
0x24: {  	s3 =	sadd.s32 $0x88, s3;
	s6 =	simm.s32 @!p1 $0x1082;
	[sflag:s4] =	ssyncset.s32 $0xFFFFF086  }
0x25: {  	[simem:s6], [sflag:s4] =	dma.local [hbm:s3], $0xF7A  }
0x26: {  	[smem:$0x3F99] =	sst s1;
	(tag) =	ssettag s2;
	_ =	strace s9  }
0x27: {  	s1 =	sld [smem:$0x3FA9]  }
0x28: {  	s2 =	sld [smem:$0x3FAA]  }
0x29: {  	s4 =	sld [smem:$0x3FAC]  }
0x2a: {  	p0 =	seq.s32 s5, $0x0;
	s5 =	sld [smem:$0x3FAD]  }
0x2b: {  	s6 =	sld [smem:$0x3FAE]  }
0x2c: {  	s7 =	sld [smem:$0x3FAF]  }
0x2d: {  	s3 =	simm.s32 $0x108;
	s8 =	sld [smem:$0x3FB0]  }
0x2e: {  	s3 =	simm.s32 @!p0 $0x1082;
	s9 =	sld [smem:$0x3FB1]  }
0x2f: {  	lr =	sadd.s32 s0, s3;
	s0 =	sld [smem:$0x3FA8]  }
0x30: {  	s3 =	sld [smem:$0x3FAB]  }
0x31: {  	[smem:$0x3FB4] =	sst s10  }
0x32: {  	s10 =	sld [smem:$0x3FB2];
	_ =	sdelay $0x3  }
0x33: {  	p0 =	seq.s32 s10, $0x1;
	s10 =	sld [smem:$0x3FB4];
	_ =	sdelay $0x3  }
0x34: {  	[smem:$0x3FB4] =	sst s10  }
0x35: {  	s10 =	sld [smem:$0x3FB3];
	_ =	sdelay $0x3  }
0x36: {  	p1 =	seq.s32 s10, $0x1;
	s10 =	sld [smem:$0x3FB4];
	_ =	sdelay $0x3  }
0x37: {  	[smem:$0x3FB4] =	sst s10  }
0x38: {  	s10 =	sld [smem:$0x3FB5]  }
0x39: {  	_ = 	snop;
	(pc) =	sbr.ind lr, $3  }
0x3a: {  	_ = 	snop  }
0x3b: {  	_ = 	snop  }
0x3c: {  	p2 =	seq.s32 s10, $0x1;
	s10 =	sld [smem:$0x3FB4]  }
0x3d: {  	_ =	shalt  }
0x3e: {  	_ =	shalt  }
0x3f: {  	_ =	shalt  }
0x40: {  	_ =	shalt  }
0x41: {  	_ =	shalt  }
0x42: {  	_ =	shalt  }
0x43: {  	_ =	shalt  }
0x44: {  	_ =	shalt  }
0x45: {  	_ =	shalt  }
0x46: {  	_ =	shalt  }
0x47: {  	_ =	shalt  }
0x48: {  	_ =	shalt  }
0x49: {  	_ =	shalt  }
0x4a: {  	_ =	shalt  }
0x4b: {  	_ =	shalt  }
0x4c: {  	_ =	shalt  }
0x4d: {  	_ =	shalt  }
0x4e: {  	_ =	shalt  }
0x4f: {  	_ =	shalt  }
0x50: {  	_ =	shalt  }
0x51: {  	_ =	shalt  }
0x52: {  	_ =	shalt  }
0x53: {  	_ =	shalt  }
0x54: {  	_ =	shalt  }
0x55: {  	_ =	shalt  }
0x56: {  	_ =	shalt  }
0x57: {  	_ =	shalt  }
0x58: {  	_ =	shalt  }
0x59: {  	_ =	shalt  }
0x5a: {  	_ =	shalt  }
0x5b: {  	_ =	shalt  }
0x5c: {  	_ =	shalt  }
0x5d: {  	_ =	shalt  }
0x5e: {  	_ =	shalt  }
0x5f: {  	_ =	shalt  }
0x60: {  	_ =	shalt  }
0x61: {  	_ =	shalt  }
0x62: {  	_ =	shalt  }
0x63: {  	_ =	shalt  }
0x64: {  	_ =	shalt  }
0x65: {  	_ =	shalt  }
0x66: {  	_ =	shalt  }
0x67: {  	_ =	shalt  }
0x68: {  	_ =	shalt  }
0x69: {  	_ =	shalt  }
0x6a: {  	_ =	shalt  }
0x6b: {  	_ =	shalt  }
0x6c: {  	_ =	shalt  }
0x6d: {  	_ =	shalt  }
0x6e: {  	_ =	shalt  }
0x6f: {  	_ =	shalt  }
0x70: {  	_ =	shalt  }
0x71: {  	_ =	shalt  }
0x72: {  	_ =	shalt  }
0x73: {  	_ =	shalt  }
0x74: {  	_ =	shalt  }
0x75: {  	_ =	shalt  }
0x76: {  	_ =	shalt  }
0x77: {  	_ =	shalt  }
0x78: {  	_ =	shalt  }
0x79: {  	_ =	shalt  }
0x7a: {  	_ =	shalt  }
0x7b: {  	_ =	shalt  }
0x7c: {  	_ =	shalt  }
0x7d: {  	_ =	shalt  }
0x7e: {  	_ =	shalt  }
0x7f: {  	_ =	shalt  }
0x80: {  	_ =	shalt  }
0x81: {  	_ =	shalt  }
0x82: {  	_ =	shalt  }
0x83: {  	_ =	shalt  }
0x84: {  	_ =	shalt  }
0x85: {  	_ =	shalt  }
0x86: {  	_ =	shalt  }
0x87: {  	_ =	shalt  }
.Lfunc_end0:
.L_simem_size_0:
called_computation.1_lowered:
.L_overlay_start_0:
0x88: {  	s2 =	sld [smem:$0x3FD9]  }
0x89: {  	s3 =	sld [smem:$0x3FFE];
	_ =	sdelay $0x1  }
0x8a: {  	s1 =	srdreg.scid  }
0x8b: {  	s0 =	sand.u32 $0x1, s1  }
0x8c: {  	s17 =	sshll.u32 s0, $0xA;
	s2 =	sadd.s32 s3, s2  }
0x8d: {  	s2 =	sadd.s32 s2, s17  }
0x8e: {  	[smem:$0x3FC0] =	sst s2  }
0x8f: {  	_ = 	snop  }
0x90: {  	s2 =	sld [smem:$0x3FD0];
	(tm) =	ssettm $0x1  }
0x91: {  	s18 =	sld [smem:$0x3FFB];
	_ =	sdelay $0x3  }
0x92: {  	_ =	strace s18  }
0x93: {  	s3 =	sld [smem:$0x3FFC];
	_ =	sdelay $0x3  }
0x94: {  	_ =	strace s3  }
0x95: {  	s3 =	sld [smem:$0x3FFD];
	_ =	sdelay $0x3  }
0x96: {  	_ =	strace s3  }
0x97: {  	_ =	strace $0x8FFFFFFF  }
0x98: {  	s19 =	sld [smem:$0x3FDB];
	_ =	sdelay $0x1  }
0x99: {  	s4 =	simm.s32 $_scs_section_size  }
0x9a: {  	s5 =	simm.s32 $_size__tile_overlayer_lowered;
	s6 =	simm.s32 $_tile_overlayer_lowered  }
0x9b: {  	s22 =	simm.s32 $0x1BFF;
	s21 =	sshll.u32 s6, $0x1;
	s3 =	sadd.s32 s4, s19  }
0x9c: {  	s7 =	simm.s32 $0x0;
	s20 =	sshll.u32 s5, $0x1;
	s5 =	sadd.s32 s21, s3  }
0x9d: {  	[timem:s7], [sflag:s22] =	dma.local [hbm:s5], s20  }
0x9e: {  	_ =	swait.ge [sflag:s22], s20  }
0x9f: {  	s4 =	ssub.s32 $0x0, s20;
	[sflag:s22] =	ssyncset.done $0x0  }
0xa0: {  	[sflag:s22] =	ssyncadd.s32 s4;
	_ =	sdelay $0x1  }
0xa1: {  	s23 =	simm.s32 $0x1B8B  }
0xa2: {  	_ =	swait.ge [sflag:s23], $0x1  }
0xa3: {  	[sflag:s23] =	ssyncset.done $0x0  }
0xa4: {  	s25 =	simm.s32 $0x1B8E;
	s24 =	sld [smem:$0x3FFE];
	[sflag:s23] =	ssyncadd.s32 $0xFFFFFFFF  }
0xa5: {  	s26 =	simm.s32 $execute0_lowered;
	[smem:$0x3FD2] =	sst s25  }
0xa6: {  	s5 =	sshll.u32 s26, $0x1;
	_ =	strace $0x80000049;
	[dreg:$0x1] =	wrdreg $0xFFFFFFFF  }
0xa7: {  	s28 =	simm.s32 $_size_execute0_lowered;
	s3 =	sadd.s32 s3, s5;
	[dreg:$0x0] =	wrdreg $0x0  }
0xa8: {  	s5 =	sshll.u32 s28, $0x1;
	[dreg:$0x2] =	wrdreg s3  }
0xa9: {  	[dreg:$0x3] =	wrdreg s5  }
0xaa: {  	[dreg:$0x4] =	wrdreg $0xC0  }
0xab: {  	_ =	task [dreg:s7], $0x5FFFF  }
0xac: {  	[dreg:$0x1] =	wrdreg $0xFFFFFFFF  }
0xad: {  	[dreg:$0x0] =	wrdreg $0x60  }
0xae: {  	[dreg:$0x2] =	wrdreg s24  }
0xaf: {  	[dreg:$0x3] =	wrdreg s2  }
0xb0: {  	[dreg:$0x4] =	wrdreg $0x48000  }
0xb1: {  	[dreg:$0x5] =	wrdreg $0x9  }
0xb2: {  	_ =	task.clear_ibuf [dreg:s7], $0x6FFFF;
	_ =	strace $0x90000049  }
0xb3: {  	s29 =	simm.s32 $0x9;
	_ =	strace $0x8000004B  }
0xb4: {  	_ =	swait.ge [sflag:s29], $0x1  }
0xb5: {  	[sflag:s29] =	ssyncadd.s32 $0xFFFFFFFF  }
0xb6: {  	_ =	strace $0x9000004B  }
0xb7: {  	_ =	sfence  }
0xb8: {  	s30 =	sld [smem:$0x0];
	_ =	sdelay $0x2  }
0xb9: {  	s31 =	sshll.u32 s1, $0xD;
	s1 =	sshrl.u32 s1, $0x2  }
0xba: {  	s3 =	sand.u32 $0x4000, s31;
	s1 =	sadd.s32 s1, s30  }
0xbb: {  	s0 =	sor.u32 s3, s0;
	s1 =	sshll.u32 s1, $0x11  }
0xbc: {  	s0 =	sor.u32 s1, s0  }
0xbd: {  	s0 =	sadd.s32 $0x8F2B, s0  }
0xbe: {  	[sflag:s0] =	ssyncadd.remote.s32 $0x1  }
0xbf: {  	_ =	sfence.sel $0xFFFF  }
0xc0: {  	[dreg:$0x0] =	wrdreg $0xFFFFFFFF;
	(pc) =	sbr.abs _section_cstart, $3  }
0xc1: {  	[dreg:$0x1] =	wrdreg $0xFFFFFFFF  }
0xc2: {  	_ =	task.clear_ibuf [dreg:s7], $0x2FFFF;
	_ =	strace $0x9FFFFFFF  }
0xc3: {  	(tm) =	ssettm $0x7FFFFFFF  }
tec
execute0_lowered:
.L_overlay_start_1:
0x0: {  	(tag) =	ssettag $0x1  }
0x1: {  	s0 =	rddreg [dreg:$0x0]  }
0x2: {  	s1 =	rddreg [dreg:$0x1]  }
0x3: {  	s9 =	stileid.u32;
	s3 =	srdreg.scid  }
0x4: {  	s2 =	rddreg [dreg:$0x2];
	s12 =	simm.s32 $0x400;
	s13 =	simm.s32 $0x40  }
0x5: {  	s14 =	simm.s32 $0x80;
	s15 =	simm.s32 $0x2800;
	s16 =	simm.s32 $0x1  }
0x6: {  	s17 =	simm.s32 $0x2;
	s18 =	simm.s32 $0x480;
	s19 =	simm.s32 $0x100  }
0x7: {  	s20 =	simm.s32 $0x180;
	s21 =	simm.s32 $0x500;
	s22 =	simm.s32 $0x580  }
0x8: {  	s23 =	simm.s32 $0x200;
	s24 =	simm.s32 $0x280;
	s6 =	smul.u32 $0x1400, s9  }
0x9: {  	s28 =	simm.s32 $0x300;
	s29 =	simm.s32 $0x380;
	s8 =	smul.u32 $0x13C00, s9  }
0xa: {  	s31 =	simm.s32 $0x780;
	s7 =	sand.u32 $0x1, s3;
	s9 =	smul.u32 $0x4F000, s9  }
0xb: {  	s3 =	simm.s32 $0x0;
	s4 =	sadd.s32 $0x7AE00, s0;
	s5 =	smul.u32 $0x13C000, s7  }
0xc: {  	[smem:$0x7FF] =	sst s3;
	s25 =	ssub.s32 $0x2, s7;
	s30 =	smul.u32 $0x2710, s7  }
0xd: {  	_ =	strace $0x8000004A;
	s10 =	sadd.s32 s6, s0;
	s11 =	sshrl.u32 s25, $0x1  }
0xe: {  	s9 =	sshrl.u32 s9, $0x2;
	s5 =	sadd.s32 s8, s5;
	s8 =	ssub.s32 s25, s11  }
0xf: {  	s11 =	simm.s32 $0x3;
	s25 =	simm.s32 $0x600;
	v0 =	vmov s30;
	s30 =	simm.s32 $0x700  }
0x10: {  	s5 =	sshrl.u32 s5, $0x3;
	s26 =	smax.u32 s8, $0x1;
	s8 =	sadd.s32 $0x66E00, s10  }
0x11: {  	s10 =	simm.s32 $0x800;
	s0 =	sadd.s32 s5, s0;
	s5 =	sadd.s32 s9, s2  }
0x12: {  	[dreg:$0x5] =	wrdreg s26;
	s9 =	sadd.s32 s6, s1;
	s0 =	sadd.s32 $0xC9000, s0  }
0x13: {  	v1 =	vimm.f32 $0.0e+00;
	s26 =	simm.s32 $0x680;
	s1 =	simm.s32 $0x0;
	[dreg:$0x4] =	wrdreg s0  }
.LBB2_1:
0x14: {  	[tilespmem:$0x800] =	vst v1  }
0x15: {  	[tilespmem:$0x810] =	vst v1  }
0x16: {  	[tilespmem:$0x820] =	vst v1  }
0x17: {  	[tilespmem:$0x830] =	vst v1  }
0x18: {  	[tilespmem:$0x840] =	vst v1  }
0x19: {  	[tilespmem:$0x850] =	vst v1  }
0x1a: {  	[tilespmem:$0x860] =	vst v1  }
0x1b: {  	[tilespmem:$0x870] =	vst v1  }
0x1c: {  	[tilespmem:$0x880] =	vst v1  }
0x1d: {  	[tilespmem:$0x890] =	vst v1  }
0x1e: {  	[tilespmem:$0x8A0] =	vst v1  }
0x1f: {  	[tilespmem:$0x8B0] =	vst v1  }
0x20: {  	[tilespmem:$0x8C0] =	vst v1  }
0x21: {  	[tilespmem:$0x8D0] =	vst v1  }
0x22: {  	[tilespmem:$0x8E0] =	vst v1  }
0x23: {  	[tilespmem:$0x8F0] =	vst v1  }
0x24: {  	[tilespmem:$0x900] =	vst v1  }
0x25: {  	[tilespmem:$0x910] =	vst v1  }
0x26: {  	[tilespmem:$0x920] =	vst v1  }
0x27: {  	[tilespmem:$0x930] =	vst v1  }
0x28: {  	[tilespmem:$0x940] =	vst v1  }
0x29: {  	[tilespmem:$0x950] =	vst v1  }
0x2a: {  	[tilespmem:$0x960] =	vst v1  }
0x2b: {  	[tilespmem:$0x970] =	vst v1  }
0x2c: {  	[tilespmem:$0x980] =	vst v1  }
0x2d: {  	[tilespmem:$0x990] =	vst v1  }
0x2e: {  	[tilespmem:$0x9A0] =	vst v1  }
0x2f: {  	[tilespmem:$0x9B0] =	vst v1  }
0x30: {  	[tilespmem:$0x9C0] =	vst v1  }
0x31: {  	[tilespmem:$0x9D0] =	vst v1  }
0x32: {  	[tilespmem:$0x9E0] =	vst v1  }
0x33: {  	[tilespmem:$0x9F0] =	vst v1  }
0x34: {  	[tilespmem:$0xA00] =	vst v1  }
0x35: {  	[tilespmem:$0xA10] =	vst v1  }
0x36: {  	[tilespmem:$0xA20] =	vst v1  }
0x37: {  	[tilespmem:$0xA30] =	vst v1  }
0x38: {  	[tilespmem:$0xA40] =	vst v1  }
0x39: {  	[tilespmem:$0xA50] =	vst v1  }
0x3a: {  	[tilespmem:$0xA60] =	vst v1  }
0x3b: {  	[tilespmem:$0xA70] =	vst v1  }
0x3c: {  	[tilespmem:$0xA80] =	vst v1  }
0x3d: {  	[tilespmem:$0xA90] =	vst v1  }
0x3e: {  	[tilespmem:$0xAA0] =	vst v1  }
0x3f: {  	[tilespmem:$0xAB0] =	vst v1  }
0x40: {  	[tilespmem:$0xAC0] =	vst v1  }
0x41: {  	[tilespmem:$0xAD0] =	vst v1  }
0x42: {  	[tilespmem:$0xAE0] =	vst v1  }
0x43: {  	[tilespmem:$0xAF0] =	vst v1  }
0x44: {  	[tilespmem:$0xB00] =	vst v1  }
0x45: {  	[tilespmem:$0xB10] =	vst v1  }
0x46: {  	[tilespmem:$0xB20] =	vst v1  }
0x47: {  	[tilespmem:$0xB30] =	vst v1  }
0x48: {  	[tilespmem:$0xB40] =	vst v1  }
0x49: {  	[tilespmem:$0xB50] =	vst v1  }
0x4a: {  	[tilespmem:$0xB60] =	vst v1  }
0x4b: {  	[tilespmem:$0xB70] =	vst v1  }
0x4c: {  	[tilespmem:$0xB80] =	vst v1  }
0x4d: {  	[tilespmem:$0xB90] =	vst v1  }
0x4e: {  	[tilespmem:$0xBA0] =	vst v1  }
0x4f: {  	[tilespmem:$0xBB0] =	vst v1  }
0x50: {  	[tilespmem:$0xBC0] =	vst v1  }
0x51: {  	[tilespmem:$0xBD0] =	vst v1  }
0x52: {  	[tilespmem:$0xBE0] =	vst v1  }
0x53: {  	[tilespmem:$0xBF0] =	vst v1;
	s0 =	sadd.s32 $0x0, s5  }
0x54: {  	[spmem:s0] =	stream.linear.scatter [tilespmem:s10], [sflag:$0x3], $0x400, $0x38;
	[tilespmem:$0x18400] =	vst v63  }
0x55: {  	s0 =	simm.s32 $0x1000;
	_ =	swait.ge [sflag:s11], $0x400  }
.LBB2_2:
0x56: {  	s6 =	sshra.s32 s0, $0x2;
	[sflag:s11] =	ssyncset.done $0x0;
	p0 =	sne.s32 s0, $0x4E000  }
.Ltmp0:
0x57: {  	s6 =	sadd.s32 s6, s5;
	[sflag:s11] =	ssyncadd.s32 $0xFFFFFC00;
	(pc) =	sbr.rel @p0 .LBB2_2-.Ltmp0, $3  }
0x58: {  	[spmem:s6] =	stream.linear.scatter [tilespmem:s10], [sflag:$0x3], $0x400, $0x38;
	[tilespmem:$0x18400] =	vst v63  }
0x59: {  	s0 =	sadd.s32 $0x1000, s0;
	_ =	sdelay $0x1  }
0x5a: {  	_ =	swait.ge [sflag:s11], $0x400  }
0x5b: {  	[sflag:s11] =	ssyncset.done $0x0  }
0x5c: {  	[sflag:s11] =	ssyncadd.s32 $0xFFFFFC00  }
0x5d: {  	s0 =	sadd.s32 $0x0, s9;
	[bflag:$0x0] =	sbarrier.arrive $0xFFFF  }
0x5e: {  	[tilespmem:s3], [sflag:$0x3] =	stream.linear.gather [hbm4b:s0+s3], $0x400, $0x38;
	[tilespmem:$0x18400] =	vst v63  }
0x5f: {  	_ =	swait.ge [sflag:s11], $0x400  }
0x60: {  	[sflag:s11] =	ssyncset.done $0x0  }
0x61: {  	s7 =	sadd.s32 $0x0, s8;
	[sflag:s11] =	ssyncadd.s32 $0xFFFFFC00  }
0x62: {  	[tilespmem:s12], [sflag:$0x3] =	stream.linear.gather [hbm4b:s7+s3], $0x400, $0x38;
	[tilespmem:$0x18400] =	vst v63  }
0x63: {  	_ =	swait.ge [sflag:s11], $0x400  }
0x64: {  	[sflag:s11] =	ssyncset.done $0x0  }
0x65: {  	[sflag:s11] =	ssyncadd.s32 $0xFFFFFC00  }
0x66: {  	v2 =	vld [tilespmem:$0x3B0]  }
0x67: {  	v3 =	vld [tilespmem:$0x330]  }
0x68: {  	v5 =	vld [tilespmem:$0x390]  }
0x69: {  	v6 =	vld [tilespmem:$0x380]  }
0x6a: {  	v7 =	vld [tilespmem:$0x230]  }
0x6b: {  	v8 =	vld [tilespmem:$0x320];
	v2 =	vadd.s32 v0, v2  }
0x6c: {  	v45 =	vld [tilespmem:$0x290];
	v3 =	vadd.s32 v0, v3;
	[tilespmem:$0x3B0] =	vst v2  }
0x6d: {  	v4 =	vld [tilespmem:$0x3A0];
	v5 =	vadd.s32 v0, v5;
	[tilespmem:$0x330] =	vst v3  }
0x6e: {  	v48 =	vld [tilespmem:$0x130];
	v6 =	vadd.s32 v0, v6;
	[tilespmem:$0x390] =	vst v5  }
0x6f: {  	v52 =	vld [tilespmem:$0x190];
	v44 =	vadd.s32 v0, v7;
	[tilespmem:$0x380] =	vst v6  }
0x70: {  	v43 =	vld [tilespmem:$0x300];
	v47 =	vadd.s32 v0, v8;
	[tilespmem:$0x230] =	vst v44  }
0x71: {  	v7 =	vadd.s32 v0, v45;
	v2 =	vld [tilespmem:$0x310];
	[tilespmem:$0x320] =	vst v47  }
0x72: {  	v46 =	vld [tilespmem:$0x280];
	v3 =	vadd.s32 v0, v4;
	[tilespmem:$0x290] =	vst v7  }
0x73: {  	v51 =	vadd.s32 v0, v48;
	[tilespmem:$0x3A0] =	vst v3;
	v3 =	vld [tilespmem:$0x2A0]  }
0x74: {  	v49 =	vld [tilespmem:$0x220];
	v8 =	vadd.s32 v0, v52;
	[tilespmem:$0x130] =	vst v51  }
0x75: {  	v54 =	vld [tilespmem:$0x30];
	v4 =	vadd.s32 v0, v43;
	[tilespmem:$0x190] =	vst v8  }
0x76: {  	v57 =	vld [tilespmem:$0xA0];
	[tilespmem:$0x300] =	vst v4;
	v2 =	vadd.s32 v0, v2  }
0x77: {  	v5 =	vadd.s32 v0, v46;
	[tilespmem:$0x310] =	vst v2;
	v2 =	vld [tilespmem:$0x210]  }
0x78: {  	v50 =	vld [tilespmem:$0x200];
	[tilespmem:$0x280] =	vst v5;
	v3 =	vadd.s32 v0, v3  }
0x79: {  	v6 =	vadd.s32 v0, v49;
	[tilespmem:$0x2A0] =	vst v3;
	v3 =	vld [tilespmem:$0x1A0]  }
0x7a: {  	v53 =	vld [tilespmem:$0x180];
	v7 =	vadd.s32 v0, v54;
	[tilespmem:$0x220] =	vst v6  }
0x7b: {  	v55 =	vld [tilespmem:$0x120];
	v8 =	vadd.s32 v0, v57;
	[tilespmem:$0x30] =	vst v7  }
0x7c: {  	v59 =	vld [tilespmem:$0x80];
	[tilespmem:$0xA0] =	vst v8;
	v2 =	vadd.s32 v0, v2  }
0x7d: {  	v4 =	vadd.s32 v0, v50;
	[tilespmem:$0x210] =	vst v2;
	v2 =	vld [tilespmem:$0x110]  }
0x7e: {  	v56 =	vld [tilespmem:$0x100];
	[tilespmem:$0x200] =	vst v4;
	v3 =	vadd.s32 v0, v3  }
0x7f: {  	v5 =	vadd.s32 v0, v53;
	[tilespmem:$0x1A0] =	vst v3;
	v3 =	vld [tilespmem:$0xB0]  }
0x80: {  	v58 =	vld [tilespmem:$0x90];
	v6 =	vadd.s32 v0, v55;
	[tilespmem:$0x180] =	vst v5  }
0x81: {  	v60 =	vld [tilespmem:$0x20];
	v7 =	vadd.s32 v0, v59;
	[tilespmem:$0x120] =	vst v6  }
0x82: {  	v63 =	vld [tilespmem:$0x0];
	[tilespmem:$0x80] =	vst v7;
	v2 =	vadd.s32 v0, v2  }
0x83: {  	v4 =	vadd.s32 v0, v56;
	[tilespmem:$0x110] =	vst v2;
	v2 =	vld [tilespmem:$0x2B0]  }
0x84: {  	v61 =	vld [tilespmem:$0x10];
	[tilespmem:$0x100] =	vst v4;
	v3 =	vadd.s32 v0, v3  }
0x85: {  	v62 =	vld [tilespmem:$0x1B0];
	[tilespmem:$0xB0] =	vst v3;
	v3 =	vadd.s32 v0, v58  }
0x86: {  	[tilespmem:$0x90] =	vst v3;
	v3 =	vadd.s32 v0, v60  }
0x87: {  	[tilespmem:$0x20] =	vst v3;
	v3 =	vadd.s32 v0, v63  }
0x88: {  	[tilespmem:$0x0] =	vst v3;
	v2 =	vadd.s32 v0, v2  }
0x89: {  	[tilespmem:$0x2B0] =	vst v2;
	v2 =	vadd.s32 v0, v61  }
0x8a: {  	[tilespmem:$0x10] =	vst v2;
	v2 =	vadd.s32 v0, v62  }
0x8b: {  	[tilespmem:$0x1B0] =	vst v2  }
0x8c: {  	[tilespmem:s10], [sflag:$0x1] =	stream.indirect.gather [hbm4b:s4+s13], $0x80, s3, s13, $0xb8;
	[tilespmem:$0x18400] =	vst v63  }
0x8d: {  	_ = 	snop  }
0x8e: {  	[tilespmem:s15], [sflag:$0x2] =	stream.indirect.gather [hbm4b:s4+s13], $0x80, s14, s13, $0xb8;
	[tilespmem:$0x18400] =	vst v63  }
0x8f: {  	_ =	swait.ge [sflag:s16], $0x2000  }
0x90: {  	[sflag:s16] =	ssyncset.done $0x0  }
0x91: {  	[sflag:s16] =	ssyncadd.s32 $0xFFFFE000  }
0x92: {  	[spmem:s2] =	stream.indirect.scatter.add.f32 [tilespmem:s10], [sflag:$0x3], $0x80, s12, s13, $0xb8;
	[tilespmem:$0x18400] =	vst v63  }
0x93: {  	_ =	swait.ge [sflag:s11], $0x2000  }
0x94: {  	[sflag:s11] =	ssyncset.done $0x0  }
0x95: {  	[sflag:s11] =	ssyncadd.s32 $0xFFFFE000  }
0x96: {  	_ =	swait.ge [sflag:s17], $0x2000  }
0x97: {  	[sflag:s17] =	ssyncset.done $0x0  }
0x98: {  	[sflag:s17] =	ssyncadd.s32 $0xFFFFE000  }
0x99: {  	[spmem:s2] =	stream.indirect.scatter.add.f32 [tilespmem:s15], [sflag:$0x3], $0x80, s18, s13, $0xb8;
	[tilespmem:$0x18400] =	vst v63  }
0x9a: {  	_ =	swait.ge [sflag:s11], $0x2000  }
0x9b: {  	[sflag:s11] =	ssyncset.done $0x0  }
0x9c: {  	[sflag:s11] =	ssyncadd.s32 $0xFFFFE000  }
0x9d: {  	[tilespmem:s10], [sflag:$0x1] =	stream.indirect.gather [hbm4b:s4+s13], $0x80, s19, s13, $0xb8;
	[tilespmem:$0x18400] =	vst v63  }
0x9e: {  	_ = 	snop  }
0x9f: {  	[tilespmem:s15], [sflag:$0x2] =	stream.indirect.gather [hbm4b:s4+s13], $0x80, s20, s13, $0xb8;
	[tilespmem:$0x18400] =	vst v63  }
0xa0: {  	_ =	swait.ge [sflag:s16], $0x2000  }
0xa1: {  	[sflag:s16] =	ssyncset.done $0x0  }
0xa2: {  	[sflag:s16] =	ssyncadd.s32 $0xFFFFE000  }
0xa3: {  	[spmem:s2] =	stream.indirect.scatter.add.f32 [tilespmem:s10], [sflag:$0x3], $0x80, s21, s13, $0xb8;
	[tilespmem:$0x18400] =	vst v63  }
0xa4: {  	_ =	swait.ge [sflag:s11], $0x2000  }
0xa5: {  	[sflag:s11] =	ssyncset.done $0x0  }
0xa6: {  	[sflag:s11] =	ssyncadd.s32 $0xFFFFE000  }
0xa7: {  	_ =	swait.ge [sflag:s17], $0x2000  }
0xa8: {  	[sflag:s17] =	ssyncset.done $0x0  }
0xa9: {  	[sflag:s17] =	ssyncadd.s32 $0xFFFFE000  }
0xaa: {  	[spmem:s2] =	stream.indirect.scatter.add.f32 [tilespmem:s15], [sflag:$0x3], $0x80, s22, s13, $0xb8;
	[tilespmem:$0x18400] =	vst v63  }
0xab: {  	_ =	swait.ge [sflag:s11], $0x2000  }
0xac: {  	[sflag:s11] =	ssyncset.done $0x0  }
0xad: {  	s0 =	simm.s32 $0x80;
	[sflag:s11] =	ssyncadd.s32 $0xFFFFE000  }
0xae: {  	[tilespmem:s10], [sflag:$0x1] =	stream.indirect.gather [hbm4b:s4+s13], $0x80, s23, s13, $0xb8;
	[tilespmem:$0x18400] =	vst v63  }
.LBB2_4:
0xaf: {  	[tilespmem:s15], [sflag:$0x2] =	stream.indirect.gather [hbm4b:s4+s13], $0x80, s24, s13, $0xb8;
	[tilespmem:$0x18400] =	vst v63  }
0xb0: {  	s6 =	smov.u32 s0  }
0xb1: {  	p0 =	sne.s32 s0, $0x1380;
	s0 =	sadd.s32 $0x80, s0;
	_ =	swait.ge [sflag:s16], $0x2000  }
0xb2: {  	[sflag:s16] =	ssyncset.done $0x0  }
0xb3: {  	[sflag:s16] =	ssyncadd.s32 $0xFFFFE000  }
0xb4: {  	[spmem:s2] =	stream.indirect.scatter.add.f32 [tilespmem:s10], [sflag:$0x3], $0x80, s25, s13, $0xb8;
	[tilespmem:$0x18400] =	vst v63  }
0xb5: {  	_ =	swait.ge [sflag:s11], $0x2000  }
0xb6: {  	[sflag:s11] =	ssyncset.done $0x0  }
0xb7: {  	[sflag:s11] =	ssyncadd.s32 $0xFFFFE000  }
0xb8: {  	_ =	swait.ge [sflag:s17], $0x2000  }
0xb9: {  	[sflag:s17] =	ssyncset.done $0x0  }
0xba: {  	[sflag:s17] =	ssyncadd.s32 $0xFFFFE000  }
0xbb: {  	[spmem:s2] =	stream.indirect.scatter.add.f32 [tilespmem:s15], [sflag:$0x3], $0x80, s26, s13, $0xb8;
	[tilespmem:$0x18400] =	vst v63  }
0xbc: {  	_ =	swait.ge [sflag:s11], $0x2000  }
0xbd: {  	[sflag:s11] =	ssyncset.done $0x0  }
0xbe: {  	[sflag:s11] =	ssyncadd.s32 $0xFFFFE000  }
0xbf: {  	[tilespmem:s10], [sflag:$0x1] =	stream.indirect.gather [hbm4b:s4+s13], $0x80, s28, s13, $0xb8;
	[tilespmem:$0x18400] =	vst v63  }
0xc0: {  	_ = 	snop  }
0xc1: {  	[tilespmem:s15], [sflag:$0x2] =	stream.indirect.gather [hbm4b:s4+s13], $0x80, s29, s13, $0xb8;
	[tilespmem:$0x18400] =	vst v63  }
0xc2: {  	_ =	swait.ge [sflag:s16], $0x2000  }
0xc3: {  	[sflag:s16] =	ssyncset.done $0x0  }
0xc4: {  	[sflag:s16] =	ssyncadd.s32 $0xFFFFE000  }
0xc5: {  	[spmem:s2] =	stream.indirect.scatter.add.f32 [tilespmem:s10], [sflag:$0x3], $0x80, s30, s13, $0xb8;
	[tilespmem:$0x18400] =	vst v63  }
0xc6: {  	_ =	swait.ge [sflag:s11], $0x2000  }
0xc7: {  	[sflag:s11] =	ssyncset.done $0x0  }
0xc8: {  	[sflag:s11] =	ssyncadd.s32 $0xFFFFE000  }
0xc9: {  	_ =	swait.ge [sflag:s17], $0x2000  }
0xca: {  	[sflag:s17] =	ssyncset.done $0x0  }
0xcb: {  	[sflag:s17] =	ssyncadd.s32 $0xFFFFE000  }
0xcc: {  	[spmem:s2] =	stream.indirect.scatter.add.f32 [tilespmem:s15], [sflag:$0x3], $0x80, s31, s13, $0xb8;
	[tilespmem:$0x18400] =	vst v63  }
0xcd: {  	_ =	swait.ge [sflag:s11], $0x2000  }
0xce: {  	[sflag:s11] =	ssyncset.done $0x0  }
0xcf: {  	s7 =	sadd.s32 s6, s9;
	[sflag:s11] =	ssyncadd.s32 $0xFFFFE000  }
0xd0: {  	[tilespmem:s3], [sflag:$0x3] =	stream.linear.gather [hbm4b:s7+s3], $0x400, $0x38;
	[tilespmem:$0x18400] =	vst v63  }
0xd1: {  	_ =	swait.ge [sflag:s11], $0x400  }
0xd2: {  	[sflag:s11] =	ssyncset.done $0x0  }
0xd3: {  	s6 =	sadd.s32 s6, s8;
	[sflag:s11] =	ssyncadd.s32 $0xFFFFFC00  }
0xd4: {  	[tilespmem:s12], [sflag:$0x3] =	stream.linear.gather [hbm4b:s6+s3], $0x400, $0x38;
	[tilespmem:$0x18400] =	vst v63  }
0xd5: {  	_ =	swait.ge [sflag:s11], $0x400  }
0xd6: {  	[sflag:s11] =	ssyncset.done $0x0  }
0xd7: {  	[sflag:s11] =	ssyncadd.s32 $0xFFFFFC00  }
0xd8: {  	v2 =	vld [tilespmem:$0x3B0]  }
0xd9: {  	v3 =	vld [tilespmem:$0x330]  }
0xda: {  	v4 =	vld [tilespmem:$0x3A0]  }
0xdb: {  	v5 =	vld [tilespmem:$0x390]  }
0xdc: {  	v6 =	vld [tilespmem:$0x380]  }
0xdd: {  	v7 =	vld [tilespmem:$0x230];
	v2 =	vadd.s32 v0, v2  }
0xde: {  	v8 =	vld [tilespmem:$0x320];
	v3 =	vadd.s32 v0, v3;
	[tilespmem:$0x3B0] =	vst v2  }
0xdf: {  	v2 =	vld [tilespmem:$0x310];
	[tilespmem:$0x330] =	vst v3;
	v3 =	vadd.s32 v0, v4  }
0xe0: {  	v4 =	vld [tilespmem:$0x300];
	v5 =	vadd.s32 v0, v5;
	[tilespmem:$0x3A0] =	vst v3  }
0xe1: {  	v3 =	vld [tilespmem:$0x2A0];
	v6 =	vadd.s32 v0, v6;
	[tilespmem:$0x390] =	vst v5  }
0xe2: {  	v5 =	vadd.s32 v0, v7;
	v7 =	vld [tilespmem:$0x290];
	[tilespmem:$0x380] =	vst v6  }
0xe3: {  	[tilespmem:$0x230] =	vst v5;
	v5 =	vld [tilespmem:$0x280];
	v6 =	vadd.s32 v0, v8  }
0xe4: {  	v8 =	vld [tilespmem:$0x130];
	v2 =	vadd.s32 v0, v2;
	[tilespmem:$0x320] =	vst v6  }
0xe5: {  	v6 =	vld [tilespmem:$0x220];
	v4 =	vadd.s32 v0, v4;
	[tilespmem:$0x310] =	vst v2  }
0xe6: {  	v2 =	vld [tilespmem:$0x210];
	v3 =	vadd.s32 v0, v3;
	[tilespmem:$0x300] =	vst v4  }
0xe7: {  	v4 =	vld [tilespmem:$0x200];
	v7 =	vadd.s32 v0, v7;
	[tilespmem:$0x2A0] =	vst v3  }
0xe8: {  	v3 =	vld [tilespmem:$0x1A0];
	v5 =	vadd.s32 v0, v5;
	[tilespmem:$0x290] =	vst v7  }
0xe9: {  	v7 =	vadd.s32 v0, v8;
	v8 =	vld [tilespmem:$0x190];
	[tilespmem:$0x280] =	vst v5  }
0xea: {  	[tilespmem:$0x130] =	vst v7;
	v5 =	vld [tilespmem:$0x180];
	v6 =	vadd.s32 v0, v6  }
0xeb: {  	v7 =	vld [tilespmem:$0x30];
	v2 =	vadd.s32 v0, v2;
	[tilespmem:$0x220] =	vst v6  }
0xec: {  	v6 =	vld [tilespmem:$0x120];
	v4 =	vadd.s32 v0, v4;
	[tilespmem:$0x210] =	vst v2  }
0xed: {  	v2 =	vld [tilespmem:$0x110];
	v3 =	vadd.s32 v0, v3;
	[tilespmem:$0x200] =	vst v4  }
0xee: {  	v4 =	vld [tilespmem:$0x100];
	v8 =	vadd.s32 v0, v8;
	[tilespmem:$0x1A0] =	vst v3  }
0xef: {  	v3 =	vld [tilespmem:$0xB0];
	v5 =	vadd.s32 v0, v5;
	[tilespmem:$0x190] =	vst v8  }
0xf0: {  	v7 =	vadd.s32 v0, v7;
	v8 =	vld [tilespmem:$0xA0];
	[tilespmem:$0x180] =	vst v5  }
0xf1: {  	[tilespmem:$0x30] =	vst v7;
	v5 =	vld [tilespmem:$0x90];
	v6 =	vadd.s32 v0, v6  }
0xf2: {  	v7 =	vld [tilespmem:$0x80];
	v2 =	vadd.s32 v0, v2;
	[tilespmem:$0x120] =	vst v6  }
0xf3: {  	v4 =	vadd.s32 v0, v4;
	[tilespmem:$0x110] =	vst v2;
	v2 =	vld [tilespmem:$0x2B0]  }
0xf4: {  	v6 =	vld [tilespmem:$0x20];
	v3 =	vadd.s32 v0, v3;
	[tilespmem:$0x100] =	vst v4  }
0xf5: {  	v4 =	vld [tilespmem:$0x10];
	v8 =	vadd.s32 v0, v8;
	[tilespmem:$0xB0] =	vst v3  }
0xf6: {  	v3 =	vadd.s32 v0, v5;
	[tilespmem:$0xA0] =	vst v8;
	v5 =	vld [tilespmem:$0x1B0]  }
0xf7: {  	v8 =	vld [tilespmem:$0x0];
	v7 =	vadd.s32 v0, v7;
	[tilespmem:$0x90] =	vst v3  }
0xf8: {  	[tilespmem:$0x80] =	vst v7;
	v2 =	vadd.s32 v0, v2  }
0xf9: {  	v3 =	vadd.s32 v0, v6;
	[tilespmem:$0x2B0] =	vst v2  }
0xfa: {  	v2 =	vadd.s32 v0, v4;
	[tilespmem:$0x20] =	vst v3  }
0xfb: {  	[tilespmem:$0x10] =	vst v2;
	v2 =	vadd.s32 v0, v5  }
0xfc: {  	v3 =	vadd.s32 v0, v8;
	[tilespmem:$0x1B0] =	vst v2  }
0xfd: {  	[tilespmem:$0x0] =	vst v3  }
0xfe: {  	[tilespmem:s10], [sflag:$0x1] =	stream.indirect.gather [hbm4b:s4+s13], $0x80, s3, s13, $0xb8;
	[tilespmem:$0x18400] =	vst v63  }
0xff: {  	_ = 	snop  }
0x100: {  	[tilespmem:s15], [sflag:$0x2] =	stream.indirect.gather [hbm4b:s4+s13], $0x80, s14, s13, $0xb8;
	[tilespmem:$0x18400] =	vst v63  }
0x101: {  	_ =	swait.ge [sflag:s16], $0x2000  }
0x102: {  	[sflag:s16] =	ssyncset.done $0x0  }
0x103: {  	[sflag:s16] =	ssyncadd.s32 $0xFFFFE000  }
0x104: {  	[spmem:s2] =	stream.indirect.scatter.add.f32 [tilespmem:s10], [sflag:$0x3], $0x80, s12, s13, $0xb8;
	[tilespmem:$0x18400] =	vst v63  }
0x105: {  	_ =	swait.ge [sflag:s11], $0x2000  }
0x106: {  	[sflag:s11] =	ssyncset.done $0x0  }
0x107: {  	[sflag:s11] =	ssyncadd.s32 $0xFFFFE000  }
0x108: {  	_ =	swait.ge [sflag:s17], $0x2000  }
0x109: {  	[sflag:s17] =	ssyncset.done $0x0  }
0x10a: {  	[sflag:s17] =	ssyncadd.s32 $0xFFFFE000  }
0x10b: {  	[spmem:s2] =	stream.indirect.scatter.add.f32 [tilespmem:s15], [sflag:$0x3], $0x80, s18, s13, $0xb8;
	[tilespmem:$0x18400] =	vst v63  }
0x10c: {  	_ =	swait.ge [sflag:s11], $0x2000  }
0x10d: {  	[sflag:s11] =	ssyncset.done $0x0  }
0x10e: {  	[sflag:s11] =	ssyncadd.s32 $0xFFFFE000  }
0x10f: {  	[tilespmem:s10], [sflag:$0x1] =	stream.indirect.gather [hbm4b:s4+s13], $0x80, s19, s13, $0xb8;
	[tilespmem:$0x18400] =	vst v63  }
0x110: {  	_ = 	snop  }
0x111: {  	[tilespmem:s15], [sflag:$0x2] =	stream.indirect.gather [hbm4b:s4+s13], $0x80, s20, s13, $0xb8;
	[tilespmem:$0x18400] =	vst v63  }
0x112: {  	_ =	swait.ge [sflag:s16], $0x2000  }
0x113: {  	[sflag:s16] =	ssyncset.done $0x0  }
0x114: {  	[sflag:s16] =	ssyncadd.s32 $0xFFFFE000  }
0x115: {  	[spmem:s2] =	stream.indirect.scatter.add.f32 [tilespmem:s10], [sflag:$0x3], $0x80, s21, s13, $0xb8;
	[tilespmem:$0x18400] =	vst v63  }
0x116: {  	_ =	swait.ge [sflag:s11], $0x2000  }
0x117: {  	[sflag:s11] =	ssyncset.done $0x0  }
0x118: {  	[sflag:s11] =	ssyncadd.s32 $0xFFFFE000  }
0x119: {  	_ =	swait.ge [sflag:s17], $0x2000  }
0x11a: {  	[sflag:s17] =	ssyncset.done $0x0  }
0x11b: {  	[sflag:s17] =	ssyncadd.s32 $0xFFFFE000  }
0x11c: {  	[spmem:s2] =	stream.indirect.scatter.add.f32 [tilespmem:s15], [sflag:$0x3], $0x80, s22, s13, $0xb8;
	[tilespmem:$0x18400] =	vst v63  }
.Ltmp1:
0x11d: {  	_ = 	snop;
	(pc) =	sbr.rel @p0 .LBB2_4-.Ltmp1, $4  }
0x11e: {  	_ =	swait.ge [sflag:s11], $0x2000  }
0x11f: {  	[sflag:s11] =	ssyncset.done $0x0  }
0x120: {  	[sflag:s11] =	ssyncadd.s32 $0xFFFFE000  }
0x121: {  	[tilespmem:s10], [sflag:$0x1] =	stream.indirect.gather [hbm4b:s4+s13], $0x80, s23, s13, $0xb8;
	[tilespmem:$0x18400] =	vst v63  }
0x122: {  	[tilespmem:s15], [sflag:$0x2] =	stream.indirect.gather [hbm4b:s4+s13], $0x80, s24, s13, $0xb8;
	[tilespmem:$0x18400] =	vst v63  }
0x123: {  	_ =	swait.ge [sflag:s16], $0x2000  }
0x124: {  	[sflag:s16] =	ssyncset.done $0x0  }
0x125: {  	[sflag:s16] =	ssyncadd.s32 $0xFFFFE000  }
0x126: {  	[spmem:s2] =	stream.indirect.scatter.add.f32 [tilespmem:s10], [sflag:$0x3], $0x80, s25, s13, $0xb8;
	[tilespmem:$0x18400] =	vst v63  }
0x127: {  	_ =	swait.ge [sflag:s11], $0x2000  }
0x128: {  	[sflag:s11] =	ssyncset.done $0x0  }
0x129: {  	[sflag:s11] =	ssyncadd.s32 $0xFFFFE000  }
0x12a: {  	_ =	swait.ge [sflag:s17], $0x2000  }
0x12b: {  	[sflag:s17] =	ssyncset.done $0x0  }
0x12c: {  	[sflag:s17] =	ssyncadd.s32 $0xFFFFE000  }
0x12d: {  	[spmem:s2] =	stream.indirect.scatter.add.f32 [tilespmem:s15], [sflag:$0x3], $0x80, s26, s13, $0xb8;
	[tilespmem:$0x18400] =	vst v63  }
0x12e: {  	_ =	swait.ge [sflag:s11], $0x2000  }
0x12f: {  	[sflag:s11] =	ssyncset.done $0x0  }
0x130: {  	[sflag:s11] =	ssyncadd.s32 $0xFFFFE000  }
0x131: {  	[tilespmem:s10], [sflag:$0x1] =	stream.indirect.gather [hbm4b:s4+s13], $0x80, s28, s13, $0xb8;
	[tilespmem:$0x18400] =	vst v63  }
0x132: {  	_ = 	snop  }
0x133: {  	[tilespmem:s15], [sflag:$0x2] =	stream.indirect.gather [hbm4b:s4+s13], $0x80, s29, s13, $0xb8;
	[tilespmem:$0x18400] =	vst v63  }
0x134: {  	_ =	swait.ge [sflag:s16], $0x2000  }
0x135: {  	[sflag:s16] =	ssyncset.done $0x0  }
0x136: {  	[sflag:s16] =	ssyncadd.s32 $0xFFFFE000  }
0x137: {  	[spmem:s2] =	stream.indirect.scatter.add.f32 [tilespmem:s10], [sflag:$0x3], $0x80, s30, s13, $0xb8;
	[tilespmem:$0x18400] =	vst v63  }
0x138: {  	_ =	swait.ge [sflag:s11], $0x2000  }
0x139: {  	[sflag:s11] =	ssyncset.done $0x0  }
0x13a: {  	[sflag:s11] =	ssyncadd.s32 $0xFFFFE000  }
0x13b: {  	_ =	swait.ge [sflag:s17], $0x2000  }
0x13c: {  	[sflag:s17] =	ssyncset.done $0x0  }
0x13d: {  	[sflag:s17] =	ssyncadd.s32 $0xFFFFE000  }
0x13e: {  	[spmem:s2] =	stream.indirect.scatter.add.f32 [tilespmem:s15], [sflag:$0x3], $0x80, s31, s13, $0xb8;
	[tilespmem:$0x18400] =	vst v63  }
0x13f: {  	_ =	swait.ge [sflag:s11], $0x2000  }
0x140: {  	[sflag:s11] =	ssyncset.done $0x0  }
0x141: {  	s0 =	stileid.u32;
	[sflag:s11] =	ssyncadd.s32 $0xFFFFE000  }
0x142: {  	s0 =	sshll.u32 s0, $0x6;
	[bflag:$0x0] =	sbarrier.arrive $0xFFFF  }
0x143: {  	s6 =	sshrl.u32 s5, $0x3;
	s0 =	sor.u32 $0x1C03, s0;
	s7 =	rddreg [dreg:$0x4]  }
0x144: {  	[hbm:s7], [sflag:s0] =	dma.local [spmem:s6], $0x2780  }
0x145: {  	_ =	swait.ge [sflag:s11], $0x2780  }
0x146: {  	s1 =	sadd.s32 $0x1, s1;
	s7 =	rddreg [dreg:$0x5]  }
0x147: {  	p0 =	sne.s32 s1, s7  }
.Ltmp2:
0x148: {  	_ = 	snop;
	(pc) =	sbr.rel @p0 .LBB2_1-.Ltmp2, $3  }
0x149: {  	_ =	sdelay $0x1  }
0x14a: {  	[sflag:s11] =	ssyncset.done $0x0  }
0x14b: {  	[sflag:s11] =	ssyncadd.s32 $0xFFFFD880  }
0x14c: {  	_ =	sfence.sel $0x180000  }
0x14d: {  	[bflag:$0x0] =	sbarrier.arrive $0xFFFF  }
0x14e: {  	_ =	strace $0x9000004A  }
0x14f: {  	s0 =	stileid.u32;
	[bflag:$0x2] =	sbarrier.arrive $0xFFFF  }
0x150: {  	p0 =	sne.s32 s0, $0x0;
	s0 =	rddreg [dreg:$0x3]  }
0x151: {  	s0 =	sadd.s32 @!p0 $0x100000, s0  }
0x152: {  	[sflag:s0] =	ssyncadd.tile.s32 @!p0 $0x1;
	_ =	shalt  }
.Lfunc_end2:
_tile_overlayer_lowered:
.L_overlay_start_2:
0x153: {  	(tag) =	ssettag $0x2  }
0x154: {  	s0 =	rddreg [dreg:$0x0];
	s2 =	stileid.u32  }
0x155: {  	s1 =	rddreg [dreg:$0x1];
	p0 =	sne.s32 s2, $0x0  }
0x156: {  	s3 =	rddreg [dreg:$0x2];
	[bflag:$0x3] =	sbarrier.arrive $0xFFFF;
	s2 =	simm.s32 @!p0 $0x1C03  }
0x157: {  	[timem:s3], [sflag:s2] =	dma.local @!p0 [hbm:s0], s1  }
0x158: {  	s0 =	simm.s32 @!p0 $0x3  }
0x159: {  	_ =	swait.ge @!p0 [sflag:s0], s1  }
0x15a: {  	s1 =	ssub.s32 @!p0 $0x0, s1;
	[sflag:s0] =	ssyncset.done @!p0 $0x0  }
0x15b: {  	[sflag:s0] =	ssyncadd.s32 @!p0 s1  }
0x15c: {  	[bflag:$0x3] =	sbarrier.arrive $0xFFFF  }
0x15d: {  	_ =	shalt  }

// kernel: kernel.18.cloned.1.call-start
scs
__scs_entry_jumppad:
0x0: {  	(pc) =	sbr.rel $0x88, $3  }
0x1: {  	(tag) =	ssettag $0x0;
	lr =	simm.s32 $0x1  }
0x2: {  	[smem:$0x3F99] =	sst lr;
	_ =	strace $0xD0000000  }
0x3: {  	_ = 	snop  }
0x4: {  	_ = 	snop  }
0x5: {  	_ = 	snop  }
0x6: {  	_ = 	snop  }
0x7: {  	_ = 	snop  }
__scs_overlays_trampoline_lowered:
0x8: {  	[smem:$0x3FA8] =	sst s0  }
0x9: {  	[smem:$0x3FA9] =	sst s1  }
0xa: {  	[smem:$0x3FAA] =	sst s2  }
0xb: {  	[smem:$0x3FAB] =	sst s3  }
0xc: {  	[smem:$0x3FAC] =	sst s4  }
0xd: {  	[smem:$0x3FAD] =	sst s5  }
0xe: {  	[smem:$0x3FAE] =	sst s6  }
0xf: {  	[smem:$0x3FAF] =	sst s7  }
0x10: {  	[smem:$0x3FB0] =	sst s8  }
0x11: {  	[smem:$0x3FB1] =	sst s9;
	s0 =	simm.s32 @!p0 $0x0  }
0x12: {  	s1 =	sld [smem:$0x3F97];
	s0 =	simm.s32 @p0 $0x1  }
0x13: {  	[smem:$0x3FB2] =	sst s0;
	s0 =	simm.s32 @!p1 $0x0  }
0x14: {  	s2 =	sld [smem:$0x3F96];
	s0 =	simm.s32 @p1 $0x1  }
0x15: {  	[smem:$0x3FB3] =	sst s0;
	s0 =	simm.s32 @!p2 $0x0  }
0x16: {  	s3 =	sld [smem:$0x3FDB];
	s0 =	simm.s32 @p2 $0x1  }
0x17: {  	s4 =	simm.s32 $0x1BF5;
	[smem:$0x3FB5] =	sst s0  }
0x18: {  	s0 =	sld [smem:$0x3F98];
	_ =	swait.ge [sflag:s4], $0x0  }
0x19: {  	s7 =	sld [smem:$0x3F99]  }
0x1a: {  	s8 =	sadd.s32 $0xFFFFE003, lr  }
0x1b: {  	s9 =	sadd.s32 $0xFFFFFEF7, lr;
	s5 =	simm.s32 $0xFFFFFFFF;
	p2 =	slt.u32 s8, $0xFFFFF086  }
0x1c: {  	p1 =	slt.u32 s9, $0xF7A;
	s5 =	simm.s32 @!p2 $0x0  }
0x1d: {  	s5 =	simm.s32 @p1 $0x1;
	p0 =	seq.s32 s7, s2  }
0x1e: {  	s7 =	smul.u32 @!p0 $0xF7A, s2;
	p2 =	seq.s32 @!p0 s5, $0x0  }
0x1f: {  	s9 =	smul.u32 $0xF7A, s1;
	s8 =	simm.s32 @!p0 $0x1BF5;
	p2 =	por !p2, p0  }
0x20: {  	[sflag:s8] =	ssyncset.s32 @!p0 $0xFFFFF086;
	s6 =	sadd.s32 @!p0 s3, s7;
	s7 =	simm.s32 @!p0 $0x108  }
0x21: {  	s3 =	sadd.s32 s3, s9;
	s6 =	sadd.s32 @!p0 $0x88, s6;
	s7 =	simm.s32 @p2 $0x1082  }
0x22: {  	[simem:s7], [sflag:s8] =	dma.local @!p0 [hbm:s6], $0xF7A  }
0x23: {  	s9 =	sor.u32 $0xD0000000, s2;
	s6 =	simm.s32 $0x108;
	_ =	swait.ge @!p0 [sflag:s8], $0x0  }
0x24: {  	s3 =	sadd.s32 $0x88, s3;
	s6 =	simm.s32 @!p1 $0x1082;
	[sflag:s4] =	ssyncset.s32 $0xFFFFF086  }
0x25: {  	[simem:s6], [sflag:s4] =	dma.local [hbm:s3], $0xF7A  }
0x26: {  	[smem:$0x3F99] =	sst s1;
	(tag) =	ssettag s2;
	_ =	strace s9  }
0x27: {  	s1 =	sld [smem:$0x3FA9]  }
0x28: {  	s2 =	sld [smem:$0x3FAA]  }
0x29: {  	s4 =	sld [smem:$0x3FAC]  }
0x2a: {  	p0 =	seq.s32 s5, $0x0;
	s5 =	sld [smem:$0x3FAD]  }
0x2b: {  	s6 =	sld [smem:$0x3FAE]  }
0x2c: {  	s7 =	sld [smem:$0x3FAF]  }
0x2d: {  	s3 =	simm.s32 $0x108;
	s8 =	sld [smem:$0x3FB0]  }
0x2e: {  	s3 =	simm.s32 @!p0 $0x1082;
	s9 =	sld [smem:$0x3FB1]  }
0x2f: {  	lr =	sadd.s32 s0, s3;
	s0 =	sld [smem:$0x3FA8]  }
0x30: {  	s3 =	sld [smem:$0x3FAB]  }
0x31: {  	[smem:$0x3FB4] =	sst s10  }
0x32: {  	s10 =	sld [smem:$0x3FB2];
	_ =	sdelay $0x3  }
0x33: {  	p0 =	seq.s32 s10, $0x1;
	s10 =	sld [smem:$0x3FB4];
	_ =	sdelay $0x3  }
0x34: {  	[smem:$0x3FB4] =	sst s10  }
0x35: {  	s10 =	sld [smem:$0x3FB3];
	_ =	sdelay $0x3  }
0x36: {  	p1 =	seq.s32 s10, $0x1;
	s10 =	sld [smem:$0x3FB4];
	_ =	sdelay $0x3  }
0x37: {  	[smem:$0x3FB4] =	sst s10  }
0x38: {  	s10 =	sld [smem:$0x3FB5]  }
0x39: {  	_ = 	snop;
	(pc) =	sbr.ind lr, $3  }
0x3a: {  	_ = 	snop  }
0x3b: {  	_ = 	snop  }
0x3c: {  	p2 =	seq.s32 s10, $0x1;
	s10 =	sld [smem:$0x3FB4]  }
0x3d: {  	_ =	shalt  }
0x3e: {  	_ =	shalt  }
0x3f: {  	_ =	shalt  }
0x40: {  	_ =	shalt  }
0x41: {  	_ =	shalt  }
0x42: {  	_ =	shalt  }
0x43: {  	_ =	shalt  }
0x44: {  	_ =	shalt  }
0x45: {  	_ =	shalt  }
0x46: {  	_ =	shalt  }
0x47: {  	_ =	shalt  }
0x48: {  	_ =	shalt  }
0x49: {  	_ =	shalt  }
0x4a: {  	_ =	shalt  }
0x4b: {  	_ =	shalt  }
0x4c: {  	_ =	shalt  }
0x4d: {  	_ =	shalt  }
0x4e: {  	_ =	shalt  }
0x4f: {  	_ =	shalt  }
0x50: {  	_ =	shalt  }
0x51: {  	_ =	shalt  }
0x52: {  	_ =	shalt  }
0x53: {  	_ =	shalt  }
0x54: {  	_ =	shalt  }
0x55: {  	_ =	shalt  }
0x56: {  	_ =	shalt  }
0x57: {  	_ =	shalt  }
0x58: {  	_ =	shalt  }
0x59: {  	_ =	shalt  }
0x5a: {  	_ =	shalt  }
0x5b: {  	_ =	shalt  }
0x5c: {  	_ =	shalt  }
0x5d: {  	_ =	shalt  }
0x5e: {  	_ =	shalt  }
0x5f: {  	_ =	shalt  }
0x60: {  	_ =	shalt  }
0x61: {  	_ =	shalt  }
0x62: {  	_ =	shalt  }
0x63: {  	_ =	shalt  }
0x64: {  	_ =	shalt  }
0x65: {  	_ =	shalt  }
0x66: {  	_ =	shalt  }
0x67: {  	_ =	shalt  }
0x68: {  	_ =	shalt  }
0x69: {  	_ =	shalt  }
0x6a: {  	_ =	shalt  }
0x6b: {  	_ =	shalt  }
0x6c: {  	_ =	shalt  }
0x6d: {  	_ =	shalt  }
0x6e: {  	_ =	shalt  }
0x6f: {  	_ =	shalt  }
0x70: {  	_ =	shalt  }
0x71: {  	_ =	shalt  }
0x72: {  	_ =	shalt  }
0x73: {  	_ =	shalt  }
0x74: {  	_ =	shalt  }
0x75: {  	_ =	shalt  }
0x76: {  	_ =	shalt  }
0x77: {  	_ =	shalt  }
0x78: {  	_ =	shalt  }
0x79: {  	_ =	shalt  }
0x7a: {  	_ =	shalt  }
0x7b: {  	_ =	shalt  }
0x7c: {  	_ =	shalt  }
0x7d: {  	_ =	shalt  }
0x7e: {  	_ =	shalt  }
0x7f: {  	_ =	shalt  }
0x80: {  	_ =	shalt  }
0x81: {  	_ =	shalt  }
0x82: {  	_ =	shalt  }
0x83: {  	_ =	shalt  }
0x84: {  	_ =	shalt  }
0x85: {  	_ =	shalt  }
0x86: {  	_ =	shalt  }
0x87: {  	_ =	shalt  }
.Lfunc_end0:
.L_simem_size_0:
called_computation.2_lowered:
.L_overlay_start_0:
0x88: {  	s2 =	sld [smem:$0x3FD9]  }
0x89: {  	s3 =	sld [smem:$0x3FFE];
	_ =	sdelay $0x1  }
0x8a: {  	s1 =	srdreg.scid  }
0x8b: {  	s0 =	sand.u32 $0x1, s1  }
0x8c: {  	s17 =	sshll.u32 s0, $0xA;
	s2 =	sadd.s32 s3, s2  }
0x8d: {  	s2 =	sadd.s32 s2, s17  }
0x8e: {  	[smem:$0x3FC0] =	sst s2  }
0x8f: {  	_ = 	snop  }
0x90: {  	s2 =	sld [smem:$0x3FD0];
	(tm) =	ssettm $0x1  }
0x91: {  	s18 =	sld [smem:$0x3FFB];
	_ =	sdelay $0x3  }
0x92: {  	_ =	strace s18  }
0x93: {  	s3 =	sld [smem:$0x3FFC];
	_ =	sdelay $0x3  }
0x94: {  	_ =	strace s3  }
0x95: {  	s3 =	sld [smem:$0x3FFD];
	_ =	sdelay $0x3  }
0x96: {  	_ =	strace s3  }
0x97: {  	_ =	strace $0x8FFFFFFF  }
0x98: {  	s19 =	sld [smem:$0x3FDB];
	_ =	sdelay $0x1  }
0x99: {  	s4 =	simm.s32 $_scs_section_size  }
0x9a: {  	s5 =	simm.s32 $_size__tile_overlayer_lowered;
	s6 =	simm.s32 $_tile_overlayer_lowered  }
0x9b: {  	s22 =	simm.s32 $0x1BFF;
	s21 =	sshll.u32 s6, $0x1;
	s3 =	sadd.s32 s4, s19  }
0x9c: {  	s7 =	simm.s32 $0x0;
	s20 =	sshll.u32 s5, $0x1;
	s5 =	sadd.s32 s21, s3  }
0x9d: {  	[timem:s7], [sflag:s22] =	dma.local [hbm:s5], s20  }
0x9e: {  	_ =	swait.ge [sflag:s22], s20  }
0x9f: {  	s4 =	ssub.s32 $0x0, s20;
	[sflag:s22] =	ssyncset.done $0x0  }
0xa0: {  	[sflag:s22] =	ssyncadd.s32 s4;
	_ =	sdelay $0x1  }
0xa1: {  	s23 =	simm.s32 $0x1B8B  }
0xa2: {  	_ =	swait.ge [sflag:s23], $0x1  }
0xa3: {  	[sflag:s23] =	ssyncset.done $0x0  }
0xa4: {  	s25 =	simm.s32 $0x1B8E;
	s24 =	sld [smem:$0x3FFE];
	[sflag:s23] =	ssyncadd.s32 $0xFFFFFFFF  }
0xa5: {  	s26 =	simm.s32 $execute0_lowered;
	[smem:$0x3FD2] =	sst s25  }
0xa6: {  	s5 =	sshll.u32 s26, $0x1;
	_ =	strace $0x8000004C;
	[dreg:$0x1] =	wrdreg $0xFFFFFFFF  }
0xa7: {  	s28 =	simm.s32 $_size_execute0_lowered;
	s3 =	sadd.s32 s3, s5;
	[dreg:$0x0] =	wrdreg $0x0  }
0xa8: {  	s5 =	sshll.u32 s28, $0x1;
	[dreg:$0x2] =	wrdreg s3  }
0xa9: {  	[dreg:$0x3] =	wrdreg s5  }
0xaa: {  	[dreg:$0x4] =	wrdreg $0xC0  }
0xab: {  	_ =	task [dreg:s7], $0x5FFFF  }
0xac: {  	[dreg:$0x1] =	wrdreg $0xFFFFFFFF  }
0xad: {  	[dreg:$0x0] =	wrdreg $0x60  }
0xae: {  	[dreg:$0x2] =	wrdreg s24  }
0xaf: {  	[dreg:$0x3] =	wrdreg s2  }
0xb0: {  	[dreg:$0x4] =	wrdreg $0x9  }
0xb1: {  	_ =	task.clear_ibuf [dreg:s7], $0x5FFFF;
	_ =	strace $0x9000004C  }
0xb2: {  	s29 =	simm.s32 $0x9;
	_ =	strace $0x8000004E  }
0xb3: {  	_ =	swait.ge [sflag:s29], $0x1  }
0xb4: {  	[sflag:s29] =	ssyncadd.s32 $0xFFFFFFFF  }
0xb5: {  	_ =	strace $0x9000004E  }
0xb6: {  	_ =	sfence  }
0xb7: {  	s30 =	sld [smem:$0x0];
	_ =	sdelay $0x2  }
0xb8: {  	s31 =	sshll.u32 s1, $0xD;
	s1 =	sshrl.u32 s1, $0x2  }
0xb9: {  	s3 =	sand.u32 $0x4000, s31;
	s1 =	sadd.s32 s1, s30  }
0xba: {  	s0 =	sor.u32 s3, s0;
	s1 =	sshll.u32 s1, $0x11  }
0xbb: {  	s0 =	sor.u32 s1, s0  }
0xbc: {  	s0 =	sadd.s32 $0x8F2B, s0  }
0xbd: {  	[sflag:s0] =	ssyncadd.remote.s32 $0x1  }
0xbe: {  	_ =	sfence.sel $0xFFFF  }
0xbf: {  	[dreg:$0x0] =	wrdreg $0xFFFFFFFF;
	(pc) =	sbr.abs _section_cstart, $3  }
0xc0: {  	[dreg:$0x1] =	wrdreg $0xFFFFFFFF  }
0xc1: {  	_ =	task.clear_ibuf [dreg:s7], $0x2FFFF;
	_ =	strace $0x9FFFFFFF  }
0xc2: {  	(tm) =	ssettm $0x7FFFFFFF  }
0xc3: {  	_ =	shalt  }
tec
execute0_lowered:
.L_overlay_start_1:
0x0: {  	(tag) =	ssettag $0x1  }
0x1: {  	s0 =	rddreg [dreg:$0x0]  }
0x2: {  	s1 =	rddreg [dreg:$0x1];
	s2 =	simm.s32 $0x0  }
0x3: {  	s3 =	srdreg.scid;
	s16 =	simm.s32 $0x1;
	s17 =	simm.s32 $0x3B80  }
0x4: {  	s18 =	simm.s32 $0x6300;
	s19 =	simm.s32 $0x400;
	s20 =	simm.s32 $0x6380  }
0x5: {  	s21 =	simm.s32 $0x8B00;
	s22 =	simm.s32 $0x800;
	s23 =	simm.s32 $0xC00  }
0x6: {  	s24 =	simm.s32 $0x1000;
	s25 =	simm.s32 $0x80;
	s26 =	simm.s32 $0x0  }
0x7: {  	[smem:$0x7FF] =	sst s2;
	s4 =	sadd.s32 $0x3E00, s0;
	s5 =	sadd.s32 $0xDE00, s0  }
0x8: {  	s10 =	sand.u32 $0x1, s3;
	s6 =	sadd.s32 $0x17E00, s0;
	s3 =	stileid.u32  }
0x9: {  	s7 =	sadd.s32 $0x18400, s0;
	s8 =	sshll.u32 s10, $0x4;
	s11 =	smul.u32 $0x500, s10  }
0xa: {  	_ =	strace $0x8000004D;
	s12 =	smul.u32 $0x50, s3;
	s9 =	sor.u32 s3, s8  }
0xb: {  	s14 =	sshll.u32 s3, $0x7;
	s10 =	ssub.s32 $0x2, s10;
	s13 =	sshrl.u32 s9, $0x3  }
0xc: {  	s8 =	sadd.s32 $0x18A00, s0;
	s14 =	sand.u32 $0x380, s14;
	s13 =	smul.u32 $0x13C00, s13  }
0xd: {  	s15 =	sshrl.u32 s10, $0x1;
	s9 =	sadd.s32 $0x2C800, s0;
	s0 =	sadd.s32 $0x18C00, s0  }
0xe: {  	s11 =	sadd.s32 s12, s11;
	s31 =	ssub.s32 s10, s15;
	s30 =	sor.u32 s14, s13  }
0xf: {  	s15 =	simm.s32 $0x1400;
	s10 =	sshrl.u32 s11, $0x3;
	s13 =	sadd.s32 $0x4F000, s30  }
0x10: {  	s11 =	sadd.s32 $0xA000, s1;
	s12 =	sshrl.u32 s30, $0x3;
	s13 =	sshrl.u32 s13, $0x3  }
0x11: {  	v0 =	vimm.f32 $0.0e+00;
	s14 =	smax.u32 s31, $0x1;
	s12 =	sadd.s32 s0, s12;
	s13 =	sadd.s32 s0, s13  }
.LBB2_1:
0x12: {  	[tilespmem:$0x6290] =	vst v0  }
0x13: {  	[tilespmem:$0x62A0] =	vst v0  }
0x14: {  	[tilespmem:$0x62B0] =	vst v0  }
0x15: {  	[tilespmem:$0x62C0] =	vst v0  }
0x16: {  	[tilespmem:$0x62D0] =	vst v0  }
0x17: {  	[tilespmem:$0x62E0] =	vst v0  }
0x18: {  	[tilespmem:$0x62F0] =	vst v0  }
0x19: {  	[tilespmem:s15], [sflag:$0x1] =	stream.linear.gather [hbm4b:s6+s2], $0x2780, $0x38;
	[tilespmem:$0xB280] =	vst v63  }
0x1a: {  	_ =	swait.ge [sflag:s16], $0x2780  }
0x1b: {  	[sflag:s16] =	ssyncset.done $0x0  }
0x1c: {  	[sflag:s16] =	ssyncadd.s32 $0xFFFFD880  }
0x1d: {  	[tilespmem:s17], [sflag:$0x1] =	stream.linear.gather [hbm4b:s7+s2], $0x2710, $0x38;
	[tilespmem:$0xB280] =	vst v63  }
0x1e: {  	_ =	swait.ge [sflag:s16], $0x2710  }
0x1f: {  	[sflag:s16] =	ssyncset.done $0x0  }
0x20: {  	[sflag:s16] =	ssyncadd.s32 $0xFFFFD8F0  }
0x21: {  	[tilespmem:s18], [sflag:$0x1] =	stream.linear.gather [hbm4b:s8+s2], $0x80, $0x38;
	[tilespmem:$0xB280] =	vst v63  }
0x22: {  	_ =	swait.ge [sflag:s16], $0x80  }
0x23: {  	[sflag:s16] =	ssyncset.done $0x0  }
0x24: {  	s0 =	simm.s32 $0x40;
	s28 =	simm.s32 $0x0;
	[sflag:s16] =	ssyncadd.s32 $0xFFFFFF80  }
.LBB2_2:
0x25: {  	p0 =	sne.s32 s0, $0x9DC0;
	[tilespmem:s28+$0x6380] =	vst v0;
	s29 =	smov.u32 s0;
	s0 =	sadd.s32 $0x40, s0  }
.Ltmp0:
0x26: {  	[tilespmem:s28+$0x8B00] =	vst v0;
	(pc) =	sbr.rel @p0 .LBB2_2-.Ltmp0, $2  }
0x27: {  	_ =	sdelay $0x2  }
0x28: {  	s28 =	sshra.s32 s29, $0x2  }
0x29: {  	[tilespmem:s28+$0x6380] =	vst v0  }
0x2a: {  	[tilespmem:s28+$0x8B00] =	vst v0  }
0x2b: {  	s28 =	simm.s32 $0x0;
	s29 =	simm.s32 $0x0;
	v1 =	vld [tilespmem:$0x6300]  }
.LBB2_4:
0x2c: {  	s0 =	sadd.s32 s10, s29  }
0x2d: {  	s30 =	sshll.u32 s0, $0x7  }
0x2e: {  	s0 =	sadd.s32 s4, s30  }
0x2f: {  	[tilespmem:s28], [sflag:$0x1] =	stream.linear.gather [hbm4b:s0+s28], $0x400, $0x38;
	[tilespmem:$0xB280] =	vst v63  }
0x30: {  	_ =	swait.ge [sflag:s16], $0x400  }
0x31: {  	[sflag:s16] =	ssyncset.done $0x0  }
0x32: {  	s0 =	sadd.s32 s5, s30;
	[sflag:s16] =	ssyncadd.s32 $0xFFFFFC00  }
0x33: {  	[tilespmem:s19], [sflag:$0x1] =	stream.linear.gather [hbm4b:s0+s28], $0x400, $0x38;
	[tilespmem:$0xB280] =	vst v63  }
0x34: {  	_ =	swait.ge [sflag:s16], $0x400  }
0x35: {  	[sflag:s16] =	ssyncset.done $0x0  }
0x36: {  	s31 =	simm.s32 $0x0;
	[sflag:s16] =	ssyncadd.s32 $0xFFFFFC00  }
.LBB2_5:
0x37: {  	s0 =	sshra.s32 s31, $0x2  }
0x38: {  	v2 =	vld [tilespmem:s0+$0x0]  }
0x39: {  	v3 =	vld [tilespmem:s0+$0x400];
	_ =	sdelay $0x6  }
0x3a: {  	v4 =	vld.idx.msk [tilespmem:v2+s15+$0x0], $0xffff  }
0x3b: {  	v5 =	vld.idx.msk [tilespmem:v3+s17+$0x0], $0xffff;
	_ =	sdelay $0x4  }
0x3c: {  	v5 =	vadd.f32 v5, v4  }
0x3d: {  	v6 =	vmul.f32 $2.000000030e-01, v4  }
0x3e: {  	vm0 =	vgt.f32 v5, $0.0e+00  }
0x3f: {  	v4 =	vsel vm0, v4, v6  }
0x40: {  	v4 =	vsub.f32 v4, v1;
	_ =	sdelay $0x1  }
0x41: {  	v4 =	vmul.f32 $1.442695020e+00, v4;
	_ =	sdelay $0x1  }
0x42: {  	(erf) = vpow2.f32 v4;
	_ =	sdelay $0x4  }
0x43: {  	v35 =	vadd.s32 $0x2710, v2;
	v34 =	vnsel vm0, $0x2720, v3  }
0x44: {  	v3 =	vsel vm0, $0x2720, v3;
	v2 =	vsel vm0, v2, v35  }
0x45: {  	[tilespmem:s0+$0x800] =	vst v2  }
0x46: {  	[tilespmem:s0+$0xC00] =	vst v34  }
0x47: {  	[tilespmem:s0+$0x1000] =	vst v3;
	v2 =	vpop (erf)  }
0x48: {  	[tilespmem:v34+s20+$0x0] =	vst.idx.add.f32.msk $0xffff, v2  }
0x49: {  	[tilespmem:v3+s21+$0x0] =	vst.idx.add.f32.msk $0xffff, v2  }
0x4a: {  	v2 =	vld [tilespmem:s0+$0x10]  }
0x4b: {  	v3 =	vld [tilespmem:s0+$0x410];
	_ =	sdelay $0x6  }
0x4c: {  	v4 =	vld.idx.msk [tilespmem:v2+s15+$0x0], $0xffff  }
0x4d: {  	v36 =	vld.idx.msk [tilespmem:v3+s17+$0x0], $0xffff;
	_ =	sdelay $0x4  }
0x4e: {  	v5 =	vadd.f32 v36, v4  }
0x4f: {  	v37 =	vmul.f32 $2.000000030e-01, v4  }
0x50: {  	vm9 =	vgt.f32 v5, $0.0e+00  }
0x51: {  	v4 =	vsel vm9, v4, v37  }
0x52: {  	v4 =	vsub.f32 v4, v1;
	_ =	sdelay $0x1  }
0x53: {  	v4 =	vmul.f32 $1.442695020e+00, v4;
	_ =	sdelay $0x1  }
0x54: {  	(erf) = vpow2.f32 v4;
	_ =	sdelay $0x4  }
0x55: {  	v39 =	vadd.s32 $0x2710, v2;
	v38 =	vnsel vm9, $0x2720, v3  }
0x56: {  	v3 =	vsel vm9, $0x2720, v3;
	v2 =	vsel vm9, v2, v39  }
0x57: {  	[tilespmem:s0+$0x810] =	vst v2  }
0x58: {  	[tilespmem:s0+$0xC10] =	vst v38  }
0x59: {  	[tilespmem:s0+$0x1010] =	vst v3;
	v2 =	vpop (erf)  }
0x5a: {  	[tilespmem:v38+s20+$0x0] =	vst.idx.add.f32.msk $0xffff, v2  }
0x5b: {  	[tilespmem:v3+s21+$0x0] =	vst.idx.add.f32.msk $0xffff, v2  }
0x5c: {  	v2 =	vld [tilespmem:s0+$0x20]  }
0x5d: {  	v3 =	vld [tilespmem:s0+$0x420];
	_ =	sdelay $0x6  }
0x5e: {  	v4 =	vld.idx.msk [tilespmem:v2+s15+$0x0], $0xffff  }
0x5f: {  	v40 =	vld.idx.msk [tilespmem:v3+s17+$0x0], $0xffff;
	_ =	sdelay $0x4  }
0x60: {  	v5 =	vadd.f32 v40, v4  }
0x61: {  	v41 =	vmul.f32 $2.000000030e-01, v4  }
0x62: {  	vm10 =	vgt.f32 v5, $0.0e+00  }
0x63: {  	v4 =	vsel vm10, v4, v41  }
0x64: {  	v4 =	vsub.f32 v4, v1;
	_ =	sdelay $0x1  }
0x65: {  	v4 =	vmul.f32 $1.442695020e+00, v4;
	_ =	sdelay $0x1  }
0x66: {  	(erf) = vpow2.f32 v4;
	_ =	sdelay $0x4  }
0x67: {  	v43 =	vadd.s32 $0x2710, v2;
	v42 =	vnsel vm10, $0x2720, v3  }
0x68: {  	v3 =	vsel vm10, $0x2720, v3;
	v2 =	vsel vm10, v2, v43  }
0x69: {  	[tilespmem:s0+$0x820] =	vst v2  }
0x6a: {  	[tilespmem:s0+$0xC20] =	vst v42  }
0x6b: {  	[tilespmem:s0+$0x1020] =	vst v3;
	v2 =	vpop (erf)  }
0x6c: {  	[tilespmem:v42+s20+$0x0] =	vst.idx.add.f32.msk $0xffff, v2  }
0x6d: {  	[tilespmem:v3+s21+$0x0] =	vst.idx.add.f32.msk $0xffff, v2  }
0x6e: {  	v2 =	vld [tilespmem:s0+$0x30]  }
0x6f: {  	v3 =	vld [tilespmem:s0+$0x430];
	_ =	sdelay $0x6  }
0x70: {  	v4 =	vld.idx.msk [tilespmem:v2+s15+$0x0], $0xffff  }
0x71: {  	v44 =	vld.idx.msk [tilespmem:v3+s17+$0x0], $0xffff;
	_ =	sdelay $0x4  }
0x72: {  	v5 =	vadd.f32 v44, v4  }
0x73: {  	v45 =	vmul.f32 $2.000000030e-01, v4  }
0x74: {  	vm11 =	vgt.f32 v5, $0.0e+00  }
0x75: {  	v4 =	vsel vm11, v4, v45  }
0x76: {  	v4 =	vsub.f32 v4, v1;
	_ =	sdelay $0x1  }
0x77: {  	v4 =	vmul.f32 $1.442695020e+00, v4;
	_ =	sdelay $0x1  }
0x78: {  	(erf) = vpow2.f32 v4;
	_ =	sdelay $0x4  }
0x79: {  	v47 =	vadd.s32 $0x2710, v2;
	v46 =	vnsel vm11, $0x2720, v3  }
0x7a: {  	v3 =	vsel vm11, $0x2720, v3;
	v2 =	vsel vm11, v2, v47  }
0x7b: {  	[tilespmem:s0+$0x830] =	vst v2  }
0x7c: {  	[tilespmem:s0+$0xC30] =	vst v46  }
0x7d: {  	[tilespmem:s0+$0x1030] =	vst v3;
	v2 =	vpop (erf)  }
0x7e: {  	[tilespmem:v46+s20+$0x0] =	vst.idx.add.f32.msk $0xffff, v2  }
0x7f: {  	[tilespmem:v3+s21+$0x0] =	vst.idx.add.f32.msk $0xffff, v2  }
0x80: {  	v2 =	vld [tilespmem:s0+$0x40]  }
0x81: {  	v3 =	vld [tilespmem:s0+$0x440];
	_ =	sdelay $0x6  }
0x82: {  	v4 =	vld.idx.msk [tilespmem:v2+s15+$0x0], $0xffff  }
0x83: {  	v48 =	vld.idx.msk [tilespmem:v3+s17+$0x0], $0xffff;
	_ =	sdelay $0x4  }
0x84: {  	v5 =	vadd.f32 v48, v4  }
0x85: {  	v49 =	vmul.f32 $2.000000030e-01, v4  }
0x86: {  	vm12 =	vgt.f32 v5, $0.0e+00  }
0x87: {  	v4 =	vsel vm12, v4, v49  }
0x88: {  	v4 =	vsub.f32 v4, v1;
	_ =	sdelay $0x1  }
0x89: {  	v4 =	vmul.f32 $1.442695020e+00, v4;
	_ =	sdelay $0x1  }
0x8a: {  	(erf) = vpow2.f32 v4;
	_ =	sdelay $0x4  }
0x8b: {  	v51 =	vadd.s32 $0x2710, v2;
	v50 =	vnsel vm12, $0x2720, v3  }
0x8c: {  	v3 =	vsel vm12, $0x2720, v3;
	v2 =	vsel vm12, v2, v51  }
0x8d: {  	[tilespmem:s0+$0x840] =	vst v2  }
0x8e: {  	[tilespmem:s0+$0xC40] =	vst v50  }
0x8f: {  	[tilespmem:s0+$0x1040] =	vst v3;
	v2 =	vpop (erf)  }
0x90: {  	[tilespmem:v50+s20+$0x0] =	vst.idx.add.f32.msk $0xffff, v2  }
0x91: {  	[tilespmem:v3+s21+$0x0] =	vst.idx.add.f32.msk $0xffff, v2  }
0x92: {  	v2 =	vld [tilespmem:s0+$0x50]  }
0x93: {  	v3 =	vld [tilespmem:s0+$0x450];
	_ =	sdelay $0x6  }
0x94: {  	v4 =	vld.idx.msk [tilespmem:v2+s15+$0x0], $0xffff  }
0x95: {  	v52 =	vld.idx.msk [tilespmem:v3+s17+$0x0], $0xffff;
	_ =	sdelay $0x4  }
0x96: {  	v5 =	vadd.f32 v52, v4  }
0x97: {  	v53 =	vmul.f32 $2.000000030e-01, v4  }
0x98: {  	vm13 =	vgt.f32 v5, $0.0e+00  }
0x99: {  	v4 =	vsel vm13, v4, v53  }
0x9a: {  	v4 =	vsub.f32 v4, v1;
	_ =	sdelay $0x1  }
0x9b: {  	v4 =	vmul.f32 $1.442695020e+00, v4;
	_ =	sdelay $0x1  }
0x9c: {  	(erf) = vpow2.f32 v4;
	_ =	sdelay $0x4  }
0x9d: {  	v55 =	vadd.s32 $0x2710, v2;
	v54 =	vnsel vm13, $0x2720, v3  }
0x9e: {  	v3 =	vsel vm13, $0x2720, v3;
	v2 =	vsel vm13, v2, v55  }
0x9f: {  	[tilespmem:s0+$0x850] =	vst v2  }
0xa0: {  	[tilespmem:s0+$0xC50] =	vst v54  }
0xa1: {  	[tilespmem:s0+$0x1050] =	vst v3;
	v2 =	vpop (erf)  }
0xa2: {  	[tilespmem:v54+s20+$0x0] =	vst.idx.add.f32.msk $0xffff, v2  }
0xa3: {  	[tilespmem:v3+s21+$0x0] =	vst.idx.add.f32.msk $0xffff, v2  }
0xa4: {  	v2 =	vld [tilespmem:s0+$0x60]  }
0xa5: {  	v3 =	vld [tilespmem:s0+$0x460];
	_ =	sdelay $0x6  }
0xa6: {  	v4 =	vld.idx.msk [tilespmem:v2+s15+$0x0], $0xffff  }
0xa7: {  	v56 =	vld.idx.msk [tilespmem:v3+s17+$0x0], $0xffff;
	_ =	sdelay $0x4  }
0xa8: {  	v5 =	vadd.f32 v56, v4  }
0xa9: {  	v57 =	vmul.f32 $2.000000030e-01, v4  }
0xaa: {  	vm14 =	vgt.f32 v5, $0.0e+00  }
0xab: {  	v4 =	vsel vm14, v4, v57  }
0xac: {  	v4 =	vsub.f32 v4, v1;
	_ =	sdelay $0x1  }
0xad: {  	v4 =	vmul.f32 $1.442695020e+00, v4;
	_ =	sdelay $0x1  }
0xae: {  	(erf) = vpow2.f32 v4;
	_ =	sdelay $0x4  }
0xaf: {  	v59 =	vadd.s32 $0x2710, v2;
	v58 =	vnsel vm14, $0x2720, v3  }
0xb0: {  	v3 =	vsel vm14, $0x2720, v3;
	v2 =	vsel vm14, v2, v59  }
0xb1: {  	[tilespmem:s0+$0x860] =	vst v2  }
0xb2: {  	[tilespmem:s0+$0xC60] =	vst v58  }
0xb3: {  	[tilespmem:s0+$0x1060] =	vst v3;
	v2 =	vpop (erf)  }
0xb4: {  	[tilespmem:v58+s20+$0x0] =	vst.idx.add.f32.msk $0xffff, v2  }
0xb5: {  	[tilespmem:v3+s21+$0x0] =	vst.idx.add.f32.msk $0xffff, v2  }
0xb6: {  	v2 =	vld [tilespmem:s0+$0x70]  }
0xb7: {  	v3 =	vld [tilespmem:s0+$0x470];
	_ =	sdelay $0x6  }
0xb8: {  	v4 =	vld.idx.msk [tilespmem:v2+s15+$0x0], $0xffff  }
0xb9: {  	v60 =	vld.idx.msk [tilespmem:v3+s17+$0x0], $0xffff;
	_ =	sdelay $0x4  }
0xba: {  	v5 =	vadd.f32 v60, v4  }
0xbb: {  	v61 =	vmul.f32 $2.000000030e-01, v4  }
0xbc: {  	vm15 =	vgt.f32 v5, $0.0e+00  }
0xbd: {  	v4 =	vsel vm15, v4, v61  }
0xbe: {  	v4 =	vsub.f32 v4, v1;
	_ =	sdelay $0x1  }
0xbf: {  	v4 =	vmul.f32 $1.442695020e+00, v4;
	_ =	sdelay $0x1  }
0xc0: {  	(erf) = vpow2.f32 v4;
	_ =	sdelay $0x4  }
0xc1: {  	v63 =	vadd.s32 $0x2710, v2;
	v62 =	vnsel vm15, $0x2720, v3  }
0xc2: {  	p0 =	sne.s32 s31, $0xE00;
	v3 =	vsel vm15, $0x2720, v3;
	v2 =	vsel vm15, v2, v63  }
.Ltmp1:
0xc3: {  	[tilespmem:s0+$0x870] =	vst v2;
	(pc) =	sbr.rel @p0 .LBB2_5-.Ltmp1, $4  }
0xc4: {  	[tilespmem:s0+$0xC70] =	vst v62  }
0xc5: {  	[tilespmem:s0+$0x1070] =	vst v3;
	v2 =	vpop (erf)  }
0xc6: {  	[tilespmem:v62+s20+$0x0] =	vst.idx.add.f32.msk $0xffff, v2  }
0xc7: {  	s31 =	sadd.s32 $0x200, s31;
	[tilespmem:v3+s21+$0x0] =	vst.idx.add.f32.msk $0xffff, v2  }
0xc8: {  	s0 =	sadd.s32 s9, s30  }
0xc9: {  	[hbm4b:s0+s2] =	stream.linear.scatter [tilespmem:s22], [sflag:$0x1], $0x400, $0x38;
	[tilespmem:$0xB280] =	vst v63  }
0xca: {  	_ =	swait.ge [sflag:s16], $0x400  }
0xcb: {  	[sflag:s16] =	ssyncset.done $0x0  }
0xcc: {  	s31 =	sadd.s32 s1, s30;
	[sflag:s16] =	ssyncadd.s32 $0xFFFFFC00  }
0xcd: {  	[hbm4b:s31+s2] =	stream.linear.scatter [tilespmem:s23], [sflag:$0x1], $0x400, $0x38;
	[tilespmem:$0xB280] =	vst v63  }
0xce: {  	s29 =	sadd.s32 $0x1, s29;
	_ =	swait.ge [sflag:s16], $0x400  }
0xcf: {  	p0 =	sne.s32 s29, $0xA;
	[sflag:s16] =	ssyncset.done $0x0  }
.Ltmp2:
0xd0: {  	s31 =	sadd.s32 s30, s11;
	[sflag:s16] =	ssyncadd.s32 $0xFFFFFC00;
	(pc) =	sbr.rel @p0 .LBB2_4-.Ltmp2, $4  }
0xd1: {  	[hbm4b:s31+s2] =	stream.linear.scatter [tilespmem:s24], [sflag:$0x1], $0x400, $0x38;
	[tilespmem:$0xB280] =	vst v63  }
0xd2: {  	_ =	swait.ge [sflag:s16], $0x400  }
0xd3: {  	[sflag:s16] =	ssyncset.done $0x0  }
0xd4: {  	[sflag:s16] =	ssyncadd.s32 $0xFFFFFC00  }
0xd5: {  	[hbm4b:s12+s25] =	stream.strided.scatter [tilespmem:s20], [sflag:$0x1], $0x2780, s19, s25, $0x38;
	[tilespmem:$0xB280] =	vst v63  }
0xd6: {  	s26 =	sadd.s32 $0x1, s26;
	_ =	swait.ge [sflag:s16], $0x2780  }
0xd7: {  	p0 =	sne.s32 s26, s14;
	[sflag:s16] =	ssyncset.done $0x0  }
.Ltmp3:
0xd8: {  	[sflag:s16] =	ssyncadd.s32 $0xFFFFD880;
	(pc) =	sbr.rel @p0 .LBB2_1-.Ltmp3, $4  }
0xd9: {  	[hbm4b:s13+s25] =	stream.strided.scatter [tilespmem:s21], [sflag:$0x1], $0x2780, s19, s25, $0x38;
	[tilespmem:$0xB280] =	vst v63  }
0xda: {  	_ =	swait.ge [sflag:s16], $0x2780  }
0xdb: {  	[sflag:s16] =	ssyncset.done $0x0  }
0xdc: {  	[sflag:s16] =	ssyncadd.s32 $0xFFFFD880  }
0xdd: {  	_ =	sfence.sel $0x180000  }
0xde: {  	[bflag:$0x0] =	sbarrier.arrive $0xFFFF  }
0xdf: {  	_ =	strace $0x9000004D  }
0xe0: {  	[bflag:$0x2] =	sbarrier.arrive $0xFFFF  }
0xe1: {  	p0 =	sne.s32 s3, $0x0;
	s0 =	rddreg [dreg:$0x2]  }
0xe2: {  	s0 =	sadd.s32 @!p0 $0x100000, s0  }
0xe3: {  	[sflag:s0] =	ssyncadd.tile.s32 @!p0 $0x1;
	_ =	shalt  }
.Lfunc_end2:
_tile_overlayer_lowered:
.L_overlay_start_2:
0xe4: {  	(tag) =	ssettag $0x2  }
0xe5: {  	s0 =	rddreg [dreg:$0x0];
	s2 =	stileid.u32  }
0xe6: {  	s1 =	rddreg [dreg:$0x1];
	p0 =	sne.s32 s2, $0x0  }
0xe7: {  	s3 =	rddreg [dreg:$0x2];
	[bflag:$0x3] =	sbarrier.arrive $0xFFFF;
	s2 =	simm.s32 @!p0 $0x1C01  }
0xe8: {  	[timem:s3], [sflag:s2] =	dma.local @!p0 [hbm:s0], s1  }
0xe9: {  	s0 =	simm.s32 @!p0 $0x1  }
0xea: {  	_ =	swait.ge @!p0 [sflag:s0], s1  }
0xeb: {  	s1 =	ssub.s32 @!p0 $0x0, s1;
	[sflag:s0] =	ssyncset.done @!p0 $0x0  }
0xec: {  	[sflag:s0] =	ssyncadd.s32 @!p0 s1  }
0xed: {  	[bflag:$0x3] =	sbarrier.arrive $0xFFFF  }
0xee: {  	_ =	shalt  }

// kernel: kernel.21.cloned.1.call-start
scs
__scs_entry_jumppad:
0x0: {  	(pc) =	sbr.rel $0x88, $3  }
0x1: {  	(tag) =	ssettag $0x0;
	lr =	simm.s32 $0x1  }
0x2: {  	[smem:$0x3F99] =	sst lr;
	_ =	strace $0xD0000000  }
0x3: {  	_ = 	snop  }
0x4: {  	_ = 	snop  }
0x5: {  	_ = 	snop  }
0x6: {  	_ = 	snop  }
0x7: {  	_ = 	snop  }
__scs_overlays_trampoline_lowered:
0x8: {  	[smem:$0x3FA8] =	sst s0  }
0x9: {  	[smem:$0x3FA9] =	sst s1  }
0xa: {  	[smem:$0x3FAA] =	sst s2  }
0xb: {  	[smem:$0x3FAB] =	sst s3  }
0xc: {  	[smem:$0x3FAC] =	sst s4  }
0xd: {  	[smem:$0x3FAD] =	sst s5  }
0xe: {  	[smem:$0x3FAE] =	sst s6  }
0xf: {  	[smem:$0x3FAF] =	sst s7  }
0x10: {  	[smem:$0x3FB0] =	sst s8  }
0x11: {  	[smem:$0x3FB1] =	sst s9;
	s0 =	simm.s32 @!p0 $0x0  }
0x12: {  	s1 =	sld [smem:$0x3F97];
	s0 =	simm.s32 @p0 $0x1  }
0x13: {  	[smem:$0x3FB2] =	sst s0;
	s0 =	simm.s32 @!p1 $0x0  }
0x14: {  	s2 =	sld [smem:$0x3F96];
	s0 =	simm.s32 @p1 $0x1  }
0x15: {  	[smem:$0x3FB3] =	sst s0;
	s0 =	simm.s32 @!p2 $0x0  }
0x16: {  	s3 =	sld [smem:$0x3FDB];
	s0 =	simm.s32 @p2 $0x1  }
0x17: {  	s4 =	simm.s32 $0x1BF5;
	[smem:$0x3FB5] =	sst s0  }
0x18: {  	s0 =	sld [smem:$0x3F98];
	_ =	swait.ge [sflag:s4], $0x0  }
0x19: {  	s7 =	sld [smem:$0x3F99]  }
0x1a: {  	s8 =	sadd.s32 $0xFFFFE003, lr  }
0x1b: {  	s9 =	sadd.s32 $0xFFFFFEF7, lr;
	s5 =	simm.s32 $0xFFFFFFFF;
	p2 =	slt.u32 s8, $0xFFFFF086  }
0x1c: {  	p1 =	slt.u32 s9, $0xF7A;
	s5 =	simm.s32 @!p2 $0x0  }
0x1d: {  	s5 =	simm.s32 @p1 $0x1;
	p0 =	seq.s32 s7, s2  }
0x1e: {  	s7 =	smul.u32 @!p0 $0xF7A, s2;
	p2 =	seq.s32 @!p0 s5, $0x0  }
0x1f: {  	s9 =	smul.u32 $0xF7A, s1;
	s8 =	simm.s32 @!p0 $0x1BF5;
	p2 =	por !p2, p0  }
0x20: {  	[sflag:s8] =	ssyncset.s32 @!p0 $0xFFFFF086;
	s6 =	sadd.s32 @!p0 s3, s7;
	s7 =	simm.s32 @!p0 $0x108  }
0x21: {  	s3 =	sadd.s32 s3, s9;
	s6 =	sadd.s32 @!p0 $0x88, s6;
	s7 =	simm.s32 @p2 $0x1082  }
0x22: {  	[simem:s7], [sflag:s8] =	dma.local @!p0 [hbm:s6], $0xF7A  }
0x23: {  	s9 =	sor.u32 $0xD0000000, s2;
	s6 =	simm.s32 $0x108;
	_ =	swait.ge @!p0 [sflag:s8], $0x0  }
0x24: {  	s3 =	sadd.s32 $0x88, s3;
	s6 =	simm.s32 @!p1 $0x1082;
	[sflag:s4] =	ssyncset.s32 $0xFFFFF086  }
0x25: {  	[simem:s6], [sflag:s4] =	dma.local [hbm:s3], $0xF7A  }
0x26: {  	[smem:$0x3F99] =	sst s1;
	(tag) =	ssettag s2;
	_ =	strace s9  }
0x27: {  	s1 =	sld [smem:$0x3FA9]  }
0x28: {  	s2 =	sld [smem:$0x3FAA]  }
0x29: {  	s4 =	sld [smem:$0x3FAC]  }
0x2a: {  	p0 =	seq.s32 s5, $0x0;
	s5 =	sld [smem:$0x3FAD]  }
0x2b: {  	s6 =	sld [smem:$0x3FAE]  }
0x2c: {  	s7 =	sld [smem:$0x3FAF]  }
0x2d: {  	s3 =	simm.s32 $0x108;
	s8 =	sld [smem:$0x3FB0]  }
0x2e: {  	s3 =	simm.s32 @!p0 $0x1082;
	s9 =	sld [smem:$0x3FB1]  }
0x2f: {  	lr =	sadd.s32 s0, s3;
	s0 =	sld [smem:$0x3FA8]  }
0x30: {  	s3 =	sld [smem:$0x3FAB]  }
0x31: {  	[smem:$0x3FB4] =	sst s10  }
0x32: {  	s10 =	sld [smem:$0x3FB2];
	_ =	sdelay $0x3  }
0x33: {  	p0 =	seq.s32 s10, $0x1;
	s10 =	sld [smem:$0x3FB4];
	_ =	sdelay $0x3  }
0x34: {  	[smem:$0x3FB4] =	sst s10  }
0x35: {  	s10 =	sld [smem:$0x3FB3];
	_ =	sdelay $0x3  }
0x36: {  	p1 =	seq.s32 s10, $0x1;
	s10 =	sld [smem:$0x3FB4];
	_ =	sdelay $0x3  }
0x37: {  	[smem:$0x3FB4] =	sst s10  }
0x38: {  	s10 =	sld [smem:$0x3FB5]  }
0x39: {  	_ = 	snop;
	(pc) =	sbr.ind lr, $3  }
0x3a: {  	_ = 	snop  }
0x3b: {  	_ = 	snop  }
0x3c: {  	p2 =	seq.s32 s10, $0x1;
	s10 =	sld [smem:$0x3FB4]  }
0x3d: {  	_ =	shalt  }
0x3e: {  	_ =	shalt  }
0x3f: {  	_ =	shalt  }
0x40: {  	_ =	shalt  }
0x41: {  	_ =	shalt  }
0x42: {  	_ =	shalt  }
0x43: {  	_ =	shalt  }
0x44: {  	_ =	shalt  }
0x45: {  	_ =	shalt  }
0x46: {  	_ =	shalt  }
0x47: {  	_ =	shalt  }
0x48: {  	_ =	shalt  }
0x49: {  	_ =	shalt  }
0x4a: {  	_ =	shalt  }
0x4b: {  	_ =	shalt  }
0x4c: {  	_ =	shalt  }
0x4d: {  	_ =	shalt  }
0x4e: {  	_ =	shalt  }
0x4f: {  	_ =	shalt  }
0x50: {  	_ =	shalt  }
0x51: {  	_ =	shalt  }
0x52: {  	_ =	shalt  }
0x53: {  	_ =	shalt  }
0x54: {  	_ =	shalt  }
0x55: {  	_ =	shalt  }
0x56: {  	_ =	shalt  }
0x57: {  	_ =	shalt  }
0x58: {  	_ =	shalt  }
0x59: {  	_ =	shalt  }
0x5a: {  	_ =	shalt  }
0x5b: {  	_ =	shalt  }
0x5c: {  	_ =	shalt  }
0x5d: {  	_ =	shalt  }
0x5e: {  	_ =	shalt  }
0x5f: {  	_ =	shalt  }
0x60: {  	_ =	shalt  }
0x61: {  	_ =	shalt  }
0x62: {  	_ =	shalt  }
0x63: {  	_ =	shalt  }
0x64: {  	_ =	shalt  }
0x65: {  	_ =	shalt  }
0x66: {  	_ =	shalt  }
0x67: {  	_ =	shalt  }
0x68: {  	_ =	shalt  }
0x69: {  	_ =	shalt  }
0x6a: {  	_ =	shalt  }
0x6b: {  	_ =	shalt  }
0x6c: {  	_ =	shalt  }
0x6d: {  	_ =	shalt  }
0x6e: {  	_ =	shalt  }
0x6f: {  	_ =	shalt  }
0x70: {  	_ =	shalt  }
0x71: {  	_ =	shalt  }
0x72: {  	_ =	shalt  }
0x73: {  	_ =	shalt  }
0x74: {  	_ =	shalt  }
0x75: {  	_ =	shalt  }
0x76: {  	_ =	shalt  }
0x77: {  	_ =	shalt  }
0x78: {  	_ =	shalt  }
0x79: {  	_ =	shalt  }
0x7a: {  	_ =	shalt  }
0x7b: {  	_ =	shalt  }
0x7c: {  	_ =	shalt  }
0x7d: {  	_ =	shalt  }
0x7e: {  	_ =	shalt  }
0x7f: {  	_ =	shalt  }
0x80: {  	_ =	shalt  }
0x81: {  	_ =	shalt  }
0x82: {  	_ =	shalt  }
0x83: {  	_ =	shalt  }
0x84: {  	_ =	shalt  }
0x85: {  	_ =	shalt  }
0x86: {  	_ =	shalt  }
0x87: {  	_ =	shalt  }
.Lfunc_end0:
.L_simem_size_0:
called_computation.3_lowered:
.L_overlay_start_0:
0x88: {  	s2 =	sld [smem:$0x3FD9]  }
0x89: {  	s3 =	sld [smem:$0x3FFE];
	_ =	sdelay $0x1  }
0x8a: {  	s1 =	srdreg.scid  }
0x8b: {  	s0 =	sand.u32 $0x1, s1  }
0x8c: {  	s17 =	sshll.u32 s0, $0xA;
	s2 =	sadd.s32 s3, s2  }
0x8d: {  	s2 =	sadd.s32 s2, s17  }
0x8e: {  	[smem:$0x3FC0] =	sst s2  }
0x8f: {  	_ = 	snop  }
0x90: {  	s2 =	sld [smem:$0x3FD0];
	(tm) =	ssettm $0x1  }
0x91: {  	s18 =	sld [smem:$0x3FFB];
	_ =	sdelay $0x3  }
0x92: {  	_ =	strace s18  }
0x93: {  	s3 =	sld [smem:$0x3FFC];
	_ =	sdelay $0x3  }
0x94: {  	_ =	strace s3  }
0x95: {  	s3 =	sld [smem:$0x3FFD];
	_ =	sdelay $0x3  }
0x96: {  	_ =	strace s3  }
0x97: {  	_ =	strace $0x8FFFFFFF  }
0x98: {  	s19 =	sld [smem:$0x3FDB];
	_ =	sdelay $0x1  }
0x99: {  	s4 =	simm.s32 $_scs_section_size  }
0x9a: {  	s5 =	simm.s32 $_size__tile_overlayer_lowered;
	s6 =	simm.s32 $_tile_overlayer_lowered  }
0x9b: {  	s22 =	simm.s32 $0x1BFF;
	s21 =	sshll.u32 s6, $0x1;
	s3 =	sadd.s32 s4, s19  }
0x9c: {  	s7 =	simm.s32 $0x0;
	s20 =	sshll.u32 s5, $0x1;
	s5 =	sadd.s32 s21, s3  }
0x9d: {  	[timem:s7], [sflag:s22] =	dma.local [hbm:s5], s20  }
0x9e: {  	_ =	swait.ge [sflag:s22], s20  }
0x9f: {  	s4 =	ssub.s32 $0x0, s20;
	[sflag:s22] =	ssyncset.done $0x0  }
0xa0: {  	[sflag:s22] =	ssyncadd.s32 s4;
	_ =	sdelay $0x1  }
0xa1: {  	s23 =	simm.s32 $0x1B8B  }
0xa2: {  	_ =	swait.ge [sflag:s23], $0x1  }
0xa3: {  	[sflag:s23] =	ssyncset.done $0x0  }
0xa4: {  	s25 =	simm.s32 $0x1B8E;
	s24 =	sld [smem:$0x3FFE];
	[sflag:s23] =	ssyncadd.s32 $0xFFFFFFFF  }
0xa5: {  	s26 =	simm.s32 $execute0_lowered;
	[smem:$0x3FD2] =	sst s25  }
0xa6: {  	s5 =	sshll.u32 s26, $0x1;
	_ =	strace $0x8000004F;
	[dreg:$0x1] =	wrdreg $0xFFFFFFFF  }
0xa7: {  	s28 =	simm.s32 $_size_execute0_lowered;
	s3 =	sadd.s32 s3, s5;
	[dreg:$0x0] =	wrdreg $0x0  }
0xa8: {  	s5 =	sshll.u32 s28, $0x1;
	[dreg:$0x2] =	wrdreg s3  }
0xa9: {  	[dreg:$0x3] =	wrdreg s5  }
0xaa: {  	[dreg:$0x4] =	wrdreg $0xC0  }
0xab: {  	_ =	task [dreg:s7], $0x5FFFF  }
0xac: {  	[dreg:$0x1] =	wrdreg $0xFFFFFFFF  }
0xad: {  	[dreg:$0x0] =	wrdreg $0x60  }
0xae: {  	[dreg:$0x2] =	wrdreg s24  }
0xaf: {  	[dreg:$0x3] =	wrdreg s2  }
0xb0: {  	[dreg:$0x4] =	wrdreg $0x88000  }
0xb1: {  	[dreg:$0x5] =	wrdreg $0x9  }
0xb2: {  	_ =	task.clear_ibuf [dreg:s7], $0x6FFFF;
	_ =	strace $0x9000004F  }
0xb3: {  	s29 =	simm.s32 $0x9;
	_ =	strace $0x80000051  }
0xb4: {  	_ =	swait.ge [sflag:s29], $0x1  }
0xb5: {  	[sflag:s29] =	ssyncadd.s32 $0xFFFFFFFF  }
0xb6: {  	_ =	strace $0x90000051  }
0xb7: {  	_ =	sfence  }
0xb8: {  	s30 =	sld [smem:$0x0];
	_ =	sdelay $0x2  }
0xb9: {  	s31 =	sshll.u32 s1, $0xD;
	s1 =	sshrl.u32 s1, $0x2  }
0xba: {  	s3 =	sand.u32 $0x4000, s31;
	s1 =	sadd.s32 s1, s30  }
0xbb: {  	s0 =	sor.u32 s3, s0;
	s1 =	sshll.u32 s1, $0x11  }
0xbc: {  	s0 =	sor.u32 s1, s0  }
0xbd: {  	s0 =	sadd.s32 $0x8F2B, s0  }
0xbe: {  	[sflag:s0] =	ssyncadd.remote.s32 $0x1  }
0xbf: {  	_ =	sfence.sel $0xFFFF  }
0xc0: {  	[dreg:$0x0] =	wrdreg $0xFFFFFFFF;
	(pc) =	sbr.abs _section_cstart, $3  }
0xc1: {  	[dreg:$0x1] =	wrdreg $0xFFFFFFFF  }
0xc2: {  	_ =	task.clear_ibuf [dreg:s7], $0x2FFFF;
	_ =	strace $0x9FFFFFFF  }
0xc3: {  	(tm) =	ssettm $0x7FFFFFFF  }
tec
execute0_lowered:
.L_overlay_start_1:
0x0: {  	(tag) =	ssettag $0x1  }
0x1: {  	s0 =	rddreg [dreg:$0x0]  }
0x2: {  	s1 =	rddreg [dreg:$0x1];
	s10 =	stileid.u32  }
0x3: {  	s3 =	srdreg.scid;
	s2 =	rddreg [dreg:$0x2];
	s12 =	simm.s32 $0x400  }
0x4: {  	s13 =	simm.s32 $0x80;
	s14 =	simm.s32 $0x4800;
	s15 =	simm.s32 $0x1  }
0x5: {  	s16 =	simm.s32 $0x2;
	s17 =	simm.s32 $0x480;
	s18 =	simm.s32 $0x100  }
0x6: {  	s19 =	simm.s32 $0x180;
	s20 =	simm.s32 $0x500;
	s5 =	smul.u32 $0xA00, s10  }
0x7: {  	s21 =	simm.s32 $0x580;
	s22 =	simm.s32 $0x200;
	s8 =	smul.u32 $0x13C00, s10  }
0x8: {  	s28 =	simm.s32 $0x380;
	s29 =	simm.s32 $0x700;
	s9 =	smul.u32 $0x4F000, s10  }
0x9: {  	s30 =	simm.s32 $0x780;
	s6 =	sand.u32 $0x1, s3;
	s10 =	smul.u32 $0x5000, s10  }
0xa: {  	s3 =	simm.s32 $0x0;
	s4 =	sadd.s32 $0x36800, s0;
	s7 =	smul.u32 $0x13C000, s6  }
0xb: {  	[smem:$0x7FF] =	sst s3;
	s23 =	smul.u32 $0x50000, s6;
	s6 =	ssub.s32 $0x2, s6  }
0xc: {  	_ =	strace $0x80000050;
	s11 =	sadd.s32 s5, s0;
	s24 =	sshrl.u32 s6, $0x1  }
0xd: {  	s25 =	sshrl.u32 s9, $0x2;
	s7 =	sadd.s32 s8, s7;
	s6 =	ssub.s32 s6, s24  }
0xe: {  	s26 =	sadd.s32 s10, s23;
	s5 =	sadd.s32 s25, s2;
	s9 =	sadd.s32 $0x2C800, s11  }
0xf: {  	s10 =	simm.s32 $0x800;
	s11 =	simm.s32 $0x3;
	s23 =	simm.s32 $0x280  }
0x10: {  	s24 =	simm.s32 $0x600;
	s25 =	simm.s32 $0x680;
	s7 =	sshrl.u32 s7, $0x3  }
0x11: {  	s31 =	sshrl.u32 s26, $0x3;
	s6 =	smax.u32 s6, $0x1;
	s0 =	sadd.s32 s7, s0  }
0x12: {  	s26 =	simm.s32 $0x300;
	[dreg:$0x5] =	wrdreg s6;
	s0 =	sadd.s32 $0x84A00, s0  }
0x13: {  	v0 =	vimm.f32 $0.0e+00;
	s8 =	sadd.s32 s31, s1;
	s1 =	simm.s32 $0x0;
	[dreg:$0x4] =	wrdreg s0  }
.LBB2_1:
0x14: {  	[tilespmem:$0x800] =	vst v0  }
0x15: {  	[tilespmem:$0x810] =	vst v0  }
0x16: {  	[tilespmem:$0x820] =	vst v0  }
0x17: {  	[tilespmem:$0x830] =	vst v0  }
0x18: {  	[tilespmem:$0x840] =	vst v0  }
0x19: {  	[tilespmem:$0x850] =	vst v0  }
0x1a: {  	[tilespmem:$0x860] =	vst v0  }
0x1b: {  	[tilespmem:$0x870] =	vst v0  }
0x1c: {  	[tilespmem:$0x880] =	vst v0  }
0x1d: {  	[tilespmem:$0x890] =	vst v0  }
0x1e: {  	[tilespmem:$0x8A0] =	vst v0  }
0x1f: {  	[tilespmem:$0x8B0] =	vst v0  }
0x20: {  	[tilespmem:$0x8C0] =	vst v0  }
0x21: {  	[tilespmem:$0x8D0] =	vst v0  }
0x22: {  	[tilespmem:$0x8E0] =	vst v0  }
0x23: {  	[tilespmem:$0x8F0] =	vst v0  }
0x24: {  	[tilespmem:$0x900] =	vst v0  }
0x25: {  	[tilespmem:$0x910] =	vst v0  }
0x26: {  	[tilespmem:$0x920] =	vst v0  }
0x27: {  	[tilespmem:$0x930] =	vst v0  }
0x28: {  	[tilespmem:$0x940] =	vst v0  }
0x29: {  	[tilespmem:$0x950] =	vst v0  }
0x2a: {  	[tilespmem:$0x960] =	vst v0  }
0x2b: {  	[tilespmem:$0x970] =	vst v0  }
0x2c: {  	[tilespmem:$0x980] =	vst v0  }
0x2d: {  	[tilespmem:$0x990] =	vst v0  }
0x2e: {  	[tilespmem:$0x9A0] =	vst v0  }
0x2f: {  	[tilespmem:$0x9B0] =	vst v0  }
0x30: {  	[tilespmem:$0x9C0] =	vst v0  }
0x31: {  	[tilespmem:$0x9D0] =	vst v0  }
0x32: {  	[tilespmem:$0x9E0] =	vst v0  }
0x33: {  	[tilespmem:$0x9F0] =	vst v0  }
0x34: {  	[tilespmem:$0xA00] =	vst v0  }
0x35: {  	[tilespmem:$0xA10] =	vst v0  }
0x36: {  	[tilespmem:$0xA20] =	vst v0  }
0x37: {  	[tilespmem:$0xA30] =	vst v0  }
0x38: {  	[tilespmem:$0xA40] =	vst v0  }
0x39: {  	[tilespmem:$0xA50] =	vst v0  }
0x3a: {  	[tilespmem:$0xA60] =	vst v0  }
0x3b: {  	[tilespmem:$0xA70] =	vst v0  }
0x3c: {  	[tilespmem:$0xA80] =	vst v0  }
0x3d: {  	[tilespmem:$0xA90] =	vst v0  }
0x3e: {  	[tilespmem:$0xAA0] =	vst v0  }
0x3f: {  	[tilespmem:$0xAB0] =	vst v0  }
0x40: {  	[tilespmem:$0xAC0] =	vst v0  }
0x41: {  	[tilespmem:$0xAD0] =	vst v0  }
0x42: {  	[tilespmem:$0xAE0] =	vst v0  }
0x43: {  	[tilespmem:$0xAF0] =	vst v0  }
0x44: {  	[tilespmem:$0xB00] =	vst v0  }
0x45: {  	[tilespmem:$0xB10] =	vst v0  }
0x46: {  	[tilespmem:$0xB20] =	vst v0  }
0x47: {  	[tilespmem:$0xB30] =	vst v0  }
0x48: {  	[tilespmem:$0xB40] =	vst v0  }
0x49: {  	[tilespmem:$0xB50] =	vst v0  }
0x4a: {  	[tilespmem:$0xB60] =	vst v0  }
0x4b: {  	[tilespmem:$0xB70] =	vst v0  }
0x4c: {  	[tilespmem:$0xB80] =	vst v0  }
0x4d: {  	[tilespmem:$0xB90] =	vst v0  }
0x4e: {  	[tilespmem:$0xBA0] =	vst v0  }
0x4f: {  	[tilespmem:$0xBB0] =	vst v0  }
0x50: {  	[tilespmem:$0xBC0] =	vst v0  }
0x51: {  	[tilespmem:$0xBD0] =	vst v0  }
0x52: {  	[tilespmem:$0xBE0] =	vst v0  }
0x53: {  	[dreg:$0x6] =	wrdreg s1;
	[tilespmem:$0xBF0] =	vst v0;
	s0 =	sadd.s32 $0x0, s5  }
0x54: {  	[spmem:s0] =	stream.linear.scatter [tilespmem:s10], [sflag:$0x3], $0x400, $0x38;
	[tilespmem:$0x1C400] =	vst v63  }
0x55: {  	s0 =	simm.s32 $0x1000;
	_ =	swait.ge [sflag:s11], $0x400  }
.LBB2_2:
0x56: {  	s1 =	sshra.s32 s0, $0x2;
	[sflag:s11] =	ssyncset.done $0x0;
	p0 =	sne.s32 s0, $0x4E000  }
.Ltmp0:
0x57: {  	s1 =	sadd.s32 s1, s5;
	[sflag:s11] =	ssyncadd.s32 $0xFFFFFC00;
	(pc) =	sbr.rel @p0 .LBB2_2-.Ltmp0, $3  }
0x58: {  	[spmem:s1] =	stream.linear.scatter [tilespmem:s10], [sflag:$0x3], $0x400, $0x38;
	[tilespmem:$0x1C400] =	vst v63  }
0x59: {  	s0 =	sadd.s32 $0x1000, s0;
	_ =	sdelay $0x1  }
0x5a: {  	_ =	swait.ge [sflag:s11], $0x400  }
0x5b: {  	[sflag:s11] =	ssyncset.done $0x0  }
0x5c: {  	[sflag:s11] =	ssyncadd.s32 $0xFFFFFC00  }
0x5d: {  	s0 =	sadd.s32 $0x0, s9;
	[bflag:$0x0] =	sbarrier.arrive $0xFFFF  }
0x5e: {  	[tilespmem:s3], [sflag:$0x3] =	stream.linear.gather [hbm4b:s0+s3], $0x400, $0x38;
	[tilespmem:$0x1C400] =	vst v63  }
0x5f: {  	_ =	swait.ge [sflag:s11], $0x400  }
0x60: {  	[sflag:s11] =	ssyncset.done $0x0  }
0x61: {  	s31 =	sadd.s32 $0x0, s8;
	[sflag:s11] =	ssyncadd.s32 $0xFFFFFC00  }
0x62: {  	[tilespmem:s12], [sflag:$0x3] =	stream.linear.gather [hbm4b:s31+s3], $0x400, $0x38;
	[tilespmem:$0x1C400] =	vst v63  }
0x63: {  	_ =	swait.ge [sflag:s11], $0x400  }
0x64: {  	[sflag:s11] =	ssyncset.done $0x0  }
0x65: {  	[sflag:s11] =	ssyncadd.s32 $0xFFFFFC00  }
0x66: {  	[tilespmem:s10], [sflag:$0x1] =	stream.indirect.gather [hbm4b:s4+s13], $0x80, s3, s13, $0xb8;
	[tilespmem:$0x1C400] =	vst v63  }
0x67: {  	_ = 	snop  }
0x68: {  	[tilespmem:s14], [sflag:$0x2] =	stream.indirect.gather [hbm4b:s4+s13], $0x80, s13, s13, $0xb8;
	[tilespmem:$0x1C400] =	vst v63  }
0x69: {  	_ =	swait.ge [sflag:s15], $0x4000  }
0x6a: {  	[sflag:s15] =	ssyncset.done $0x0  }
0x6b: {  	[sflag:s15] =	ssyncadd.s32 $0xFFFFC000  }
0x6c: {  	[spmem:s2] =	stream.indirect.scatter.add.f32 [tilespmem:s10], [sflag:$0x3], $0x80, s12, s13, $0xb8;
	[tilespmem:$0x1C400] =	vst v63  }
0x6d: {  	_ =	swait.ge [sflag:s11], $0x4000  }
0x6e: {  	[sflag:s11] =	ssyncset.done $0x0  }
0x6f: {  	[sflag:s11] =	ssyncadd.s32 $0xFFFFC000  }
0x70: {  	_ =	swait.ge [sflag:s16], $0x4000  }
0x71: {  	[sflag:s16] =	ssyncset.done $0x0  }
0x72: {  	[sflag:s16] =	ssyncadd.s32 $0xFFFFC000  }
0x73: {  	[spmem:s2] =	stream.indirect.scatter.add.f32 [tilespmem:s14], [sflag:$0x3], $0x80, s17, s13, $0xb8;
	[tilespmem:$0x1C400] =	vst v63  }
0x74: {  	_ =	swait.ge [sflag:s11], $0x4000  }
0x75: {  	[sflag:s11] =	ssyncset.done $0x0  }
0x76: {  	[sflag:s11] =	ssyncadd.s32 $0xFFFFC000  }
0x77: {  	[tilespmem:s10], [sflag:$0x1] =	stream.indirect.gather [hbm4b:s4+s13], $0x80, s18, s13, $0xb8;
	[tilespmem:$0x1C400] =	vst v63  }
0x78: {  	_ = 	snop  }
0x79: {  	[tilespmem:s14], [sflag:$0x2] =	stream.indirect.gather [hbm4b:s4+s13], $0x80, s19, s13, $0xb8;
	[tilespmem:$0x1C400] =	vst v63  }
0x7a: {  	_ =	swait.ge [sflag:s15], $0x4000  }
0x7b: {  	[sflag:s15] =	ssyncset.done $0x0  }
0x7c: {  	[sflag:s15] =	ssyncadd.s32 $0xFFFFC000  }
0x7d: {  	[spmem:s2] =	stream.indirect.scatter.add.f32 [tilespmem:s10], [sflag:$0x3], $0x80, s20, s13, $0xb8;
	[tilespmem:$0x1C400] =	vst v63  }
0x7e: {  	_ =	swait.ge [sflag:s11], $0x4000  }
0x7f: {  	[sflag:s11] =	ssyncset.done $0x0  }
0x80: {  	[sflag:s11] =	ssyncadd.s32 $0xFFFFC000  }
0x81: {  	_ =	swait.ge [sflag:s16], $0x4000  }
0x82: {  	[sflag:s16] =	ssyncset.done $0x0  }
0x83: {  	[sflag:s16] =	ssyncadd.s32 $0xFFFFC000  }
0x84: {  	[spmem:s2] =	stream.indirect.scatter.add.f32 [tilespmem:s14], [sflag:$0x3], $0x80, s21, s13, $0xb8;
	[tilespmem:$0x1C400] =	vst v63  }
0x85: {  	_ =	swait.ge [sflag:s11], $0x4000  }
0x86: {  	[sflag:s11] =	ssyncset.done $0x0  }
0x87: {  	[sflag:s11] =	ssyncadd.s32 $0xFFFFC000  }
0x88: {  	[tilespmem:s10], [sflag:$0x1] =	stream.indirect.gather [hbm4b:s4+s13], $0x80, s22, s13, $0xb8;
	[tilespmem:$0x1C400] =	vst v63  }
0x89: {  	_ = 	snop  }
0x8a: {  	[tilespmem:s14], [sflag:$0x2] =	stream.indirect.gather [hbm4b:s4+s13], $0x80, s23, s13, $0xb8;
	[tilespmem:$0x1C400] =	vst v63  }
0x8b: {  	_ =	swait.ge [sflag:s15], $0x4000  }
0x8c: {  	[sflag:s15] =	ssyncset.done $0x0  }
0x8d: {  	[sflag:s15] =	ssyncadd.s32 $0xFFFFC000  }
0x8e: {  	[spmem:s2] =	stream.indirect.scatter.add.f32 [tilespmem:s10], [sflag:$0x3], $0x80, s24, s13, $0xb8;
	[tilespmem:$0x1C400] =	vst v63  }
0x8f: {  	_ =	swait.ge [sflag:s11], $0x4000  }
0x90: {  	[sflag:s11] =	ssyncset.done $0x0  }
0x91: {  	[sflag:s11] =	ssyncadd.s32 $0xFFFFC000  }
0x92: {  	_ =	swait.ge [sflag:s16], $0x4000  }
0x93: {  	[sflag:s16] =	ssyncset.done $0x0  }
0x94: {  	[sflag:s16] =	ssyncadd.s32 $0xFFFFC000  }
0x95: {  	[spmem:s2] =	stream.indirect.scatter.add.f32 [tilespmem:s14], [sflag:$0x3], $0x80, s25, s13, $0xb8;
	[tilespmem:$0x1C400] =	vst v63  }
0x96: {  	_ =	swait.ge [sflag:s11], $0x4000  }
0x97: {  	[sflag:s11] =	ssyncset.done $0x0  }
0x98: {  	[sflag:s11] =	ssyncadd.s32 $0xFFFFC000  }
0x99: {  	[tilespmem:s10], [sflag:$0x1] =	stream.indirect.gather [hbm4b:s4+s13], $0x80, s26, s13, $0xb8;
	[tilespmem:$0x1C400] =	vst v63  }
0x9a: {  	_ = 	snop  }
0x9b: {  	[tilespmem:s14], [sflag:$0x2] =	stream.indirect.gather [hbm4b:s4+s13], $0x80, s28, s13, $0xb8;
	[tilespmem:$0x1C400] =	vst v63  }
0x9c: {  	_ =	swait.ge [sflag:s15], $0x4000  }
0x9d: {  	[sflag:s15] =	ssyncset.done $0x0  }
0x9e: {  	[sflag:s15] =	ssyncadd.s32 $0xFFFFC000  }
0x9f: {  	[spmem:s2] =	stream.indirect.scatter.add.f32 [tilespmem:s10], [sflag:$0x3], $0x80, s29, s13, $0xb8;
	[tilespmem:$0x1C400] =	vst v63  }
0xa0: {  	_ =	swait.ge [sflag:s11], $0x4000  }
0xa1: {  	[sflag:s11] =	ssyncset.done $0x0  }
0xa2: {  	[sflag:s11] =	ssyncadd.s32 $0xFFFFC000  }
0xa3: {  	_ =	swait.ge [sflag:s16], $0x4000  }
0xa4: {  	[sflag:s16] =	ssyncset.done $0x0  }
0xa5: {  	[sflag:s16] =	ssyncadd.s32 $0xFFFFC000  }
0xa6: {  	[spmem:s2] =	stream.indirect.scatter.add.f32 [tilespmem:s14], [sflag:$0x3], $0x80, s30, s13, $0xb8;
	[tilespmem:$0x1C400] =	vst v63  }
0xa7: {  	_ =	swait.ge [sflag:s11], $0x4000  }
0xa8: {  	s1 =	simm.s32 $0x80;
	s0 =	simm.s32 $0x100;
	[sflag:s11] =	ssyncset.done $0x0  }
.LBB2_4:
0xa9: {  	s7 =	sadd.s32 s1, s9  }
0xaa: {  	[sflag:s11] =	ssyncadd.s32 $0xFFFFC000;
	s31 =	smov.u32 s0;
	s6 =	sadd.s32 $0x80, s0  }
0xab: {  	[tilespmem:s3], [sflag:$0x3] =	stream.linear.gather [hbm4b:s7+s3], $0x400, $0x38;
	[tilespmem:$0x1C400] =	vst v63  }
0xac: {  	p0 =	sne.s32 s0, $0x980;
	_ =	swait.ge [sflag:s11], $0x400  }
0xad: {  	[sflag:s11] =	ssyncset.done $0x0  }
0xae: {  	s0 =	sadd.s32 s1, s8;
	s1 =	smov.u32 s31;
	[sflag:s11] =	ssyncadd.s32 $0xFFFFFC00  }
0xaf: {  	[tilespmem:s12], [sflag:$0x3] =	stream.linear.gather [hbm4b:s0+s3], $0x400, $0x38;
	[tilespmem:$0x1C400] =	vst v63  }
0xb0: {  	_ =	swait.ge [sflag:s11], $0x400  }
0xb1: {  	[sflag:s11] =	ssyncset.done $0x0  }
0xb2: {  	[sflag:s11] =	ssyncadd.s32 $0xFFFFFC00  }
0xb3: {  	[tilespmem:s10], [sflag:$0x1] =	stream.indirect.gather [hbm4b:s4+s13], $0x80, s3, s13, $0xb8;
	[tilespmem:$0x1C400] =	vst v63  }
0xb4: {  	_ = 	snop  }
0xb5: {  	[tilespmem:s14], [sflag:$0x2] =	stream.indirect.gather [hbm4b:s4+s13], $0x80, s13, s13, $0xb8;
	[tilespmem:$0x1C400] =	vst v63  }
0xb6: {  	_ =	swait.ge [sflag:s15], $0x4000  }
0xb7: {  	[sflag:s15] =	ssyncset.done $0x0  }
0xb8: {  	[sflag:s15] =	ssyncadd.s32 $0xFFFFC000  }
0xb9: {  	[spmem:s2] =	stream.indirect.scatter.add.f32 [tilespmem:s10], [sflag:$0x3], $0x80, s12, s13, $0xb8;
	[tilespmem:$0x1C400] =	vst v63  }
0xba: {  	_ =	swait.ge [sflag:s11], $0x4000  }
0xbb: {  	[sflag:s11] =	ssyncset.done $0x0  }
0xbc: {  	[sflag:s11] =	ssyncadd.s32 $0xFFFFC000  }
0xbd: {  	_ =	swait.ge [sflag:s16], $0x4000  }
0xbe: {  	[sflag:s16] =	ssyncset.done $0x0  }
0xbf: {  	[sflag:s16] =	ssyncadd.s32 $0xFFFFC000  }
0xc0: {  	[spmem:s2] =	stream.indirect.scatter.add.f32 [tilespmem:s14], [sflag:$0x3], $0x80, s17, s13, $0xb8;
	[tilespmem:$0x1C400] =	vst v63  }
0xc1: {  	_ =	swait.ge [sflag:s11], $0x4000  }
0xc2: {  	[sflag:s11] =	ssyncset.done $0x0  }
0xc3: {  	[sflag:s11] =	ssyncadd.s32 $0xFFFFC000  }
0xc4: {  	[tilespmem:s10], [sflag:$0x1] =	stream.indirect.gather [hbm4b:s4+s13], $0x80, s18, s13, $0xb8;
	[tilespmem:$0x1C400] =	vst v63  }
0xc5: {  	_ = 	snop  }
0xc6: {  	[tilespmem:s14], [sflag:$0x2] =	stream.indirect.gather [hbm4b:s4+s13], $0x80, s19, s13, $0xb8;
	[tilespmem:$0x1C400] =	vst v63  }
0xc7: {  	_ =	swait.ge [sflag:s15], $0x4000  }
0xc8: {  	[sflag:s15] =	ssyncset.done $0x0  }
0xc9: {  	[sflag:s15] =	ssyncadd.s32 $0xFFFFC000  }
0xca: {  	[spmem:s2] =	stream.indirect.scatter.add.f32 [tilespmem:s10], [sflag:$0x3], $0x80, s20, s13, $0xb8;
	[tilespmem:$0x1C400] =	vst v63  }
0xcb: {  	_ =	swait.ge [sflag:s11], $0x4000  }
0xcc: {  	[sflag:s11] =	ssyncset.done $0x0  }
0xcd: {  	[sflag:s11] =	ssyncadd.s32 $0xFFFFC000  }
0xce: {  	_ =	swait.ge [sflag:s16], $0x4000  }
0xcf: {  	[sflag:s16] =	ssyncset.done $0x0  }
0xd0: {  	[sflag:s16] =	ssyncadd.s32 $0xFFFFC000  }
0xd1: {  	[spmem:s2] =	stream.indirect.scatter.add.f32 [tilespmem:s14], [sflag:$0x3], $0x80, s21, s13, $0xb8;
	[tilespmem:$0x1C400] =	vst v63  }
0xd2: {  	_ =	swait.ge [sflag:s11], $0x4000  }
0xd3: {  	[sflag:s11] =	ssyncset.done $0x0  }
0xd4: {  	[sflag:s11] =	ssyncadd.s32 $0xFFFFC000  }
0xd5: {  	[tilespmem:s10], [sflag:$0x1] =	stream.indirect.gather [hbm4b:s4+s13], $0x80, s22, s13, $0xb8;
	[tilespmem:$0x1C400] =	vst v63  }
0xd6: {  	_ = 	snop  }
0xd7: {  	[tilespmem:s14], [sflag:$0x2] =	stream.indirect.gather [hbm4b:s4+s13], $0x80, s23, s13, $0xb8;
	[tilespmem:$0x1C400] =	vst v63  }
0xd8: {  	_ =	swait.ge [sflag:s15], $0x4000  }
0xd9: {  	[sflag:s15] =	ssyncset.done $0x0  }
0xda: {  	[sflag:s15] =	ssyncadd.s32 $0xFFFFC000  }
0xdb: {  	[spmem:s2] =	stream.indirect.scatter.add.f32 [tilespmem:s10], [sflag:$0x3], $0x80, s24, s13, $0xb8;
	[tilespmem:$0x1C400] =	vst v63  }
0xdc: {  	_ =	swait.ge [sflag:s11], $0x4000  }
0xdd: {  	[sflag:s11] =	ssyncset.done $0x0  }
0xde: {  	[sflag:s11] =	ssyncadd.s32 $0xFFFFC000  }
0xdf: {  	_ =	swait.ge [sflag:s16], $0x4000  }
0xe0: {  	[sflag:s16] =	ssyncset.done $0x0  }
0xe1: {  	[sflag:s16] =	ssyncadd.s32 $0xFFFFC000  }
0xe2: {  	[spmem:s2] =	stream.indirect.scatter.add.f32 [tilespmem:s14], [sflag:$0x3], $0x80, s25, s13, $0xb8;
	[tilespmem:$0x1C400] =	vst v63  }
0xe3: {  	_ =	swait.ge [sflag:s11], $0x4000  }
0xe4: {  	[sflag:s11] =	ssyncset.done $0x0  }
0xe5: {  	[sflag:s11] =	ssyncadd.s32 $0xFFFFC000  }
0xe6: {  	[tilespmem:s10], [sflag:$0x1] =	stream.indirect.gather [hbm4b:s4+s13], $0x80, s26, s13, $0xb8;
	[tilespmem:$0x1C400] =	vst v63  }
0xe7: {  	_ = 	snop  }
0xe8: {  	[tilespmem:s14], [sflag:$0x2] =	stream.indirect.gather [hbm4b:s4+s13], $0x80, s28, s13, $0xb8;
	[tilespmem:$0x1C400] =	vst v63  }
0xe9: {  	_ =	swait.ge [sflag:s15], $0x4000  }
0xea: {  	[sflag:s15] =	ssyncset.done $0x0  }
0xeb: {  	[sflag:s15] =	ssyncadd.s32 $0xFFFFC000  }
0xec: {  	[spmem:s2] =	stream.indirect.scatter.add.f32 [tilespmem:s10], [sflag:$0x3], $0x80, s29, s13, $0xb8;
	[tilespmem:$0x1C400] =	vst v63  }
0xed: {  	_ =	swait.ge [sflag:s11], $0x4000  }
0xee: {  	[sflag:s11] =	ssyncset.done $0x0  }
0xef: {  	[sflag:s11] =	ssyncadd.s32 $0xFFFFC000  }
0xf0: {  	_ =	swait.ge [sflag:s16], $0x4000  }
.Ltmp1:
0xf1: {  	[sflag:s16] =	ssyncset.done $0x0;
	(pc) =	sbr.rel @p0 .LBB2_4-.Ltmp1, $4  }
0xf2: {  	[sflag:s16] =	ssyncadd.s32 $0xFFFFC000  }
0xf3: {  	[spmem:s2] =	stream.indirect.scatter.add.f32 [tilespmem:s14], [sflag:$0x3], $0x80, s30, s13, $0xb8;
	[tilespmem:$0x1C400] =	vst v63  }
0xf4: {  	_ =	swait.ge [sflag:s11], $0x4000  }
0xf5: {  	s0 =	smov.u32 s6;
	[sflag:s11] =	ssyncset.done $0x0  }
0xf6: {  	s0 =	sadd.s32 s1, s9;
	[sflag:s11] =	ssyncadd.s32 $0xFFFFC000  }
0xf7: {  	[tilespmem:s3], [sflag:$0x3] =	stream.linear.gather [hbm4b:s0+s3], $0x400, $0x38;
	[tilespmem:$0x1C400] =	vst v63  }
0xf8: {  	_ =	swait.ge [sflag:s11], $0x400  }
0xf9: {  	[sflag:s11] =	ssyncset.done $0x0  }
0xfa: {  	s6 =	sadd.s32 s1, s8;
	[sflag:s11] =	ssyncadd.s32 $0xFFFFFC00  }
0xfb: {  	[tilespmem:s12], [sflag:$0x3] =	stream.linear.gather [hbm4b:s6+s3], $0x400, $0x38;
	[tilespmem:$0x1C400] =	vst v63  }
0xfc: {  	_ =	swait.ge [sflag:s11], $0x400  }
0xfd: {  	[sflag:s11] =	ssyncset.done $0x0  }
0xfe: {  	[sflag:s11] =	ssyncadd.s32 $0xFFFFFC00  }
0xff: {  	[tilespmem:s10], [sflag:$0x1] =	stream.indirect.gather [hbm4b:s4+s13], $0x80, s3, s13, $0xb8;
	[tilespmem:$0x1C400] =	vst v63  }
0x100: {  	_ = 	snop  }
0x101: {  	[tilespmem:s14], [sflag:$0x2] =	stream.indirect.gather [hbm4b:s4+s13], $0x80, s13, s13, $0xb8;
	[tilespmem:$0x1C400] =	vst v63  }
0x102: {  	_ =	swait.ge [sflag:s15], $0x4000  }
0x103: {  	[sflag:s15] =	ssyncset.done $0x0  }
0x104: {  	[sflag:s15] =	ssyncadd.s32 $0xFFFFC000  }
0x105: {  	[spmem:s2] =	stream.indirect.scatter.add.f32 [tilespmem:s10], [sflag:$0x3], $0x80, s12, s13, $0xb8;
	[tilespmem:$0x1C400] =	vst v63  }
0x106: {  	_ =	swait.ge [sflag:s11], $0x4000  }
0x107: {  	[sflag:s11] =	ssyncset.done $0x0  }
0x108: {  	[sflag:s11] =	ssyncadd.s32 $0xFFFFC000  }
0x109: {  	_ =	swait.ge [sflag:s16], $0x4000  }
0x10a: {  	[sflag:s16] =	ssyncset.done $0x0  }
0x10b: {  	[sflag:s16] =	ssyncadd.s32 $0xFFFFC000  }
0x10c: {  	[spmem:s2] =	stream.indirect.scatter.add.f32 [tilespmem:s14], [sflag:$0x3], $0x80, s17, s13, $0xb8;
	[tilespmem:$0x1C400] =	vst v63  }
0x10d: {  	_ =	swait.ge [sflag:s11], $0x4000  }
0x10e: {  	[sflag:s11] =	ssyncset.done $0x0  }
0x10f: {  	[sflag:s11] =	ssyncadd.s32 $0xFFFFC000  }
0x110: {  	[tilespmem:s10], [sflag:$0x1] =	stream.indirect.gather [hbm4b:s4+s13], $0x80, s18, s13, $0xb8;
	[tilespmem:$0x1C400] =	vst v63  }
0x111: {  	_ = 	snop  }
0x112: {  	[tilespmem:s14], [sflag:$0x2] =	stream.indirect.gather [hbm4b:s4+s13], $0x80, s19, s13, $0xb8;
	[tilespmem:$0x1C400] =	vst v63  }
0x113: {  	_ =	swait.ge [sflag:s15], $0x4000  }
0x114: {  	[sflag:s15] =	ssyncset.done $0x0  }
0x115: {  	[sflag:s15] =	ssyncadd.s32 $0xFFFFC000  }
0x116: {  	[spmem:s2] =	stream.indirect.scatter.add.f32 [tilespmem:s10], [sflag:$0x3], $0x80, s20, s13, $0xb8;
	[tilespmem:$0x1C400] =	vst v63  }
0x117: {  	_ =	swait.ge [sflag:s11], $0x4000  }
0x118: {  	[sflag:s11] =	ssyncset.done $0x0  }
0x119: {  	[sflag:s11] =	ssyncadd.s32 $0xFFFFC000  }
0x11a: {  	_ =	swait.ge [sflag:s16], $0x4000  }
0x11b: {  	[sflag:s16] =	ssyncset.done $0x0  }
0x11c: {  	[sflag:s16] =	ssyncadd.s32 $0xFFFFC000  }
0x11d: {  	[spmem:s2] =	stream.indirect.scatter.add.f32 [tilespmem:s14], [sflag:$0x3], $0x80, s21, s13, $0xb8;
	[tilespmem:$0x1C400] =	vst v63  }
0x11e: {  	_ =	swait.ge [sflag:s11], $0x4000  }
0x11f: {  	[sflag:s11] =	ssyncset.done $0x0  }
0x120: {  	[sflag:s11] =	ssyncadd.s32 $0xFFFFC000  }
0x121: {  	[tilespmem:s10], [sflag:$0x1] =	stream.indirect.gather [hbm4b:s4+s13], $0x80, s22, s13, $0xb8;
	[tilespmem:$0x1C400] =	vst v63  }
0x122: {  	_ = 	snop  }
0x123: {  	[tilespmem:s14], [sflag:$0x2] =	stream.indirect.gather [hbm4b:s4+s13], $0x80, s23, s13, $0xb8;
	[tilespmem:$0x1C400] =	vst v63  }
0x124: {  	_ =	swait.ge [sflag:s15], $0x4000  }
0x125: {  	[sflag:s15] =	ssyncset.done $0x0  }
0x126: {  	[sflag:s15] =	ssyncadd.s32 $0xFFFFC000  }
0x127: {  	[spmem:s2] =	stream.indirect.scatter.add.f32 [tilespmem:s10], [sflag:$0x3], $0x80, s24, s13, $0xb8;
	[tilespmem:$0x1C400] =	vst v63  }
0x128: {  	_ =	swait.ge [sflag:s11], $0x4000  }
0x129: {  	[sflag:s11] =	ssyncset.done $0x0  }
0x12a: {  	[sflag:s11] =	ssyncadd.s32 $0xFFFFC000  }
0x12b: {  	_ =	swait.ge [sflag:s16], $0x4000  }
0x12c: {  	[sflag:s16] =	ssyncset.done $0x0  }
0x12d: {  	[sflag:s16] =	ssyncadd.s32 $0xFFFFC000  }
0x12e: {  	[spmem:s2] =	stream.indirect.scatter.add.f32 [tilespmem:s14], [sflag:$0x3], $0x80, s25, s13, $0xb8;
	[tilespmem:$0x1C400] =	vst v63  }
0x12f: {  	_ =	swait.ge [sflag:s11], $0x4000  }
0x130: {  	[sflag:s11] =	ssyncset.done $0x0  }
0x131: {  	[sflag:s11] =	ssyncadd.s32 $0xFFFFC000  }
0x132: {  	[tilespmem:s10], [sflag:$0x1] =	stream.indirect.gather [hbm4b:s4+s13], $0x80, s26, s13, $0xb8;
	[tilespmem:$0x1C400] =	vst v63  }
0x133: {  	_ = 	snop  }
0x134: {  	[tilespmem:s14], [sflag:$0x2] =	stream.indirect.gather [hbm4b:s4+s13], $0x80, s28, s13, $0xb8;
	[tilespmem:$0x1C400] =	vst v63  }
0x135: {  	_ =	swait.ge [sflag:s15], $0x4000  }
0x136: {  	[sflag:s15] =	ssyncset.done $0x0  }
0x137: {  	[sflag:s15] =	ssyncadd.s32 $0xFFFFC000  }
0x138: {  	[spmem:s2] =	stream.indirect.scatter.add.f32 [tilespmem:s10], [sflag:$0x3], $0x80, s29, s13, $0xb8;
	[tilespmem:$0x1C400] =	vst v63  }
0x139: {  	_ =	swait.ge [sflag:s11], $0x4000  }
0x13a: {  	[sflag:s11] =	ssyncset.done $0x0  }
0x13b: {  	[sflag:s11] =	ssyncadd.s32 $0xFFFFC000  }
0x13c: {  	_ =	swait.ge [sflag:s16], $0x4000  }
0x13d: {  	[sflag:s16] =	ssyncset.done $0x0  }
0x13e: {  	[sflag:s16] =	ssyncadd.s32 $0xFFFFC000  }
0x13f: {  	[spmem:s2] =	stream.indirect.scatter.add.f32 [tilespmem:s14], [sflag:$0x3], $0x80, s30, s13, $0xb8;
	[tilespmem:$0x1C400] =	vst v63  }
0x140: {  	_ =	swait.ge [sflag:s11], $0x4000  }
0x141: {  	[sflag:s11] =	ssyncset.done $0x0  }
0x142: {  	s7 =	stileid.u32;
	[sflag:s11] =	ssyncadd.s32 $0xFFFFC000  }
0x143: {  	s0 =	sshll.u32 s7, $0x6;
	[bflag:$0x0] =	sbarrier.arrive $0xFFFF  }
0x144: {  	s31 =	sshrl.u32 s5, $0x3;
	s0 =	sor.u32 $0x1C03, s0;
	s6 =	rddreg [dreg:$0x4]  }
0x145: {  	[hbm:s6], [sflag:s0] =	dma.local [spmem:s31], $0x2780  }
0x146: {  	_ =	swait.ge [sflag:s11], $0x2780  }
0x147: {  	s7 =	rddreg [dreg:$0x6]  }
0x148: {  	s31 =	rddreg [dreg:$0x5];
	s1 =	sadd.s32 $0x1, s7  }
0x149: {  	p0 =	sne.s32 s1, s31  }
.Ltmp2:
0x14a: {  	_ = 	snop;
	(pc) =	sbr.rel @p0 .LBB2_1-.Ltmp2, $3  }
0x14b: {  	_ =	sdelay $0x1  }
0x14c: {  	[sflag:s11] =	ssyncset.done $0x0  }
0x14d: {  	[sflag:s11] =	ssyncadd.s32 $0xFFFFD880  }
0x14e: {  	_ =	sfence.sel $0x180000  }
0x14f: {  	[bflag:$0x0] =	sbarrier.arrive $0xFFFF  }
0x150: {  	_ =	strace $0x90000050  }
0x151: {  	s0 =	stileid.u32;
	[bflag:$0x2] =	sbarrier.arrive $0xFFFF  }
0x152: {  	p0 =	sne.s32 s0, $0x0;
	s0 =	rddreg [dreg:$0x3]  }
0x153: {  	s0 =	sadd.s32 @!p0 $0x100000, s0  }
0x154: {  	[sflag:s0] =	ssyncadd.tile.s32 @!p0 $0x1;
	_ =	shalt  }
.Lfunc_end2:
_tile_overlayer_lowered:
.L_overlay_start_2:
0x155: {  	(tag) =	ssettag $0x2  }
0x156: {  	s0 =	rddreg [dreg:$0x0];
	s2 =	stileid.u32  }
0x157: {  	s1 =	rddreg [dreg:$0x1];
	p0 =	sne.s32 s2, $0x0  }
0x158: {  	s3 =	rddreg [dreg:$0x2];
	[bflag:$0x3] =	sbarrier.arrive $0xFFFF;
	s2 =	simm.s32 @!p0 $0x1C03  }
0x159: {  	[timem:s3], [sflag:s2] =	dma.local @!p0 [hbm:s0], s1  }
0x15a: {  	s0 =	simm.s32 @!p0 $0x3  }
0x15b: {  	_ =	swait.ge @!p0 [sflag:s0], s1  }
0x15c: {  	s1 =	ssub.s32 @!p0 $0x0, s1;
	[sflag:s0] =	ssyncset.done @!p0 $0x0  }
0x15d: {  	[sflag:s0] =	ssyncadd.s32 @!p0 s1  }
0x15e: {  	[bflag:$0x3] =	sbarrier.arrive $0xFFFF  }
0x15f: {  	_ =	shalt  }

</sc_bundles>
